<compile_context>
chip_gen: v7x
topology: tpu7x:2x2x1
jax: 0.10.2.dev20260603
libtpu: 0.0.44.dev20260713+nightly
codegen_flags: <defaults>
</compile_context>

<pallas_src>
import functools

import jax
import jax.numpy as jnp
from jax import lax
from jax.experimental import pallas as pl
from jax.experimental.pallas import tpu as pltpu
from jax.experimental.pallas import tpu_sc as plsc

DIM = 64
BATCH = 16384
HALF = BATCH // 2
MARGIN = 1.0

NW = 32
BPW = BATCH // NW
CHUNK = 64
NCHUNK = BPW // CHUNK
NBUF = 2
L = 16

_N_ENT = 1_000_000
_NROW = _N_ENT // 2


def _sc_scores(h_idx, t_idx, r_idx, ent_re2, ent_im2, rel_re2, rel_im2):
    mesh = plsc.VectorSubcoreMesh(core_axis_name="c", subcore_axis_name="s")
    row_buf = lambda: pltpu.VMEM((CHUNK, 2 * DIM), jnp.float32)

    @functools.partial(
        pl.kernel,
        mesh=mesh,
        compiler_params=pltpu.CompilerParams(
            needs_layout_passes=False, use_tc_tiling_on_sc=True
        ),
        out_type=jax.ShapeDtypeStruct((BATCH,), jnp.float32),
        scratch_types=(
            [pltpu.VMEM((BPW,), jnp.int32) for _ in range(3)]
            + [pltpu.VMEM((BPW,), jnp.int32) for _ in range(3)]
            + [pltpu.VMEM((BPW,), jnp.int32) for _ in range(3)]
            + [row_buf() for _ in range(6 * NBUF)]
            + [pltpu.VMEM((BPW,), jnp.float32)]
            + [pltpu.SemaphoreType.DMA for _ in range(NBUF)]
        ),
    )
    def k(h_hbm, t_hbm, r_hbm, ere_hbm, eim_hbm, rre_hbm, rim_hbm, out_hbm,
          ih, it, ir, ih2, it2, ir2, hp, tp, rp, *rest):
        bufs = [rest[6 * s:6 * (s + 1)] for s in range(NBUF)]
        score = rest[6 * NBUF]
        sems = rest[6 * NBUF + 1:]
        wid = lax.axis_index("s") * 2 + lax.axis_index("c")
        base = wid * BPW
        pltpu.sync_copy(h_hbm.at[pl.ds(base, BPW)], ih)
        pltpu.sync_copy(t_hbm.at[pl.ds(base, BPW)], it)
        pltpu.sync_copy(r_hbm.at[pl.ds(base, BPW)], ir)

        def split(j, _):
            sl = pl.ds(j * L, L)
            for src, half, par in ((ih, ih2, hp), (it, it2, tp), (ir, ir2, rp)):
                v = src[sl]
                half[sl] = lax.shift_right_logical(v, 1)
                par[sl] = lax.shift_left((v & 1), 6)
            return 0

        lax.fori_loop(0, BPW // L, split, 0)

        def start(c):
            s = c % NBUF
            hre, him, tre, tim, rre, rim = bufs[s]
            hh = ih2.at[pl.ds(c * CHUNK, CHUNK)]
            tt = it2.at[pl.ds(c * CHUNK, CHUNK)]
            rr = ir2.at[pl.ds(c * CHUNK, CHUNK)]
            return [
                pltpu.async_copy(ere_hbm.at[hh], hre, sems[s]),
                pltpu.async_copy(eim_hbm.at[hh], him, sems[s]),
                pltpu.async_copy(ere_hbm.at[tt], tre, sems[s]),
                pltpu.async_copy(eim_hbm.at[tt], tim, sems[s]),
                pltpu.async_copy(rre_hbm.at[rr], rre, sems[s]),
                pltpu.async_copy(rim_hbm.at[rr], rim, sems[s]),
            ]

        iota = lax.iota(jnp.int32, L)

        def compute(c):
            hre, him, tre, tim, rre, rim = bufs[c % NBUF]
            for g in range(CHUNK // L):
                rows = iota + (g * L)
                sl = pl.ds(c * CHUNK + g * L, L)
                hp16 = hp[sl]
                tp16 = tp[sl]
                rp16 = rp[sl]

                def body(d, acc):
                    ch = hp16 + d
                    ct = tp16 + d
                    cr = rp16 + d
                    xhre = plsc.load_gather(hre, [rows, ch])
                    xhim = plsc.load_gather(him, [rows, ch])
                    xtre = plsc.load_gather(tre, [rows, ct])
                    xtim = plsc.load_gather(tim, [rows, ct])
                    xrre = plsc.load_gather(rre, [rows, cr])
                    xrim = plsc.load_gather(rim, [rows, cr])
                    re_part = xhre * xtre + xhim * xtim
                    im_part = xhre * xtim - xhim * xtre
                    return acc + (xrre * re_part + xrim * im_part)

                acc = lax.fori_loop(0, DIM, body, jnp.zeros((L,), jnp.float32))
                score[sl] = -acc

        handles = start(0)
        for c in range(NCHUNK):
            nxt = start(c + 1) if c + 1 < NCHUNK else None
            for hnd in handles:
                hnd.wait()
            compute(c)
            handles = nxt
        pltpu.sync_copy(score, out_hbm.at[pl.ds(base, BPW)])

    return k(h_idx, t_idx, r_idx, ent_re2, ent_im2, rel_re2, rel_im2)


def _loss_body(s_ref, out_ref):
    s = s_ref[...]
    pos = s[:HALF // 128, :]
    neg = s[HALF // 128:, :]
    out_ref[0, 0] = jnp.sum(jnp.maximum(pos - neg + MARGIN, 0.0))


_tc_loss = pl.pallas_call(
    _loss_body,
    out_shape=jax.ShapeDtypeStruct((1, 1), jnp.float32),
    out_specs=pl.BlockSpec(memory_space=pltpu.SMEM),
)


def kernel(batch_h, batch_t, batch_r, batch_y, ent_re, ent_im, rel_re, rel_im):
    del batch_y
    h = batch_h.astype(jnp.int32)
    t = batch_t.astype(jnp.int32)
    r = batch_r.astype(jnp.int32)
    e_re2, e_im2, r_re2, r_im2 = lax.optimization_barrier((
        ent_re.reshape(_NROW, 2 * DIM),
        ent_im.reshape(_NROW, 2 * DIM),
        rel_re.reshape(_NROW, 2 * DIM),
        rel_im.reshape(_NROW, 2 * DIM),
    ))
    score = _sc_scores(h, t, r, e_re2, e_im2, r_re2, r_im2)
    loss = _tc_loss(score.reshape(BATCH // 128, 128))[0, 0]
    return (loss, score[:HALF], score[HALF:])

# --- scband reference (transcript-rebuilt; emitter-appended) ---
"""Pipeline reference for scband-compl-ex-28235115004598 (READ-ONLY COPY).

The authoritative reference and input builder live on the scoring server;
editing this copy changes nothing except your own understanding.
"""

import jax, jax.numpy as jnp
import numpy as np

TOTAL_ENT = 1000000
DIM = 64
BATCH = 16384
MARGIN = 1.0


def setup_inputs(seed: int = 0) -> dict:
    key = jax.random.key(seed)
    ks = jax.random.split(key, 8)
    # xavier_uniform bound for [TOTAL_ENT, DIM] matrices
    bound = float(np.sqrt(6.0 / (TOTAL_ENT + DIM)))
    ent_re = jax.random.uniform(ks[0], (TOTAL_ENT, DIM), minval=-bound, maxval=bound, dtype=jnp.float32)
    ent_im = jax.random.uniform(ks[1], (TOTAL_ENT, DIM), minval=-bound, maxval=bound, dtype=jnp.float32)
    rel_re = jax.random.uniform(ks[2], (TOTAL_ENT, DIM), minval=-bound, maxval=bound, dtype=jnp.float32)
    rel_im = jax.random.uniform(ks[3], (TOTAL_ENT, DIM), minval=-bound, maxval=bound, dtype=jnp.float32)
    batch_h = jax.random.randint(ks[4], (BATCH,), 0, TOTAL_ENT)
    batch_t = jax.random.randint(ks[5], (BATCH,), 0, TOTAL_ENT)
    batch_r = jax.random.randint(ks[6], (BATCH,), 0, TOTAL_ENT)
    batch_y = jax.random.normal(ks[7], (BATCH,), dtype=jnp.float32)
    return {
        'batch_h': batch_h,
        'batch_t': batch_t,
        'batch_r': batch_r,
        'batch_y': batch_y,
        'ent_re': ent_re,
        'ent_im': ent_im,
        'rel_re': rel_re,
        'rel_im': rel_im,
    }


def _get_score(h_re, h_im, t_re, t_im, r_re, r_im):
    return -jnp.sum(h_re * t_re * r_re + h_im * t_im * r_re + h_re * t_im * r_im - h_im * t_re * r_im, -1)


def reference(batch_h, batch_t, batch_r, batch_y, ent_re, ent_im, rel_re, rel_im):
    h_re = jnp.take(ent_re, batch_h, axis=0)
    h_im = jnp.take(ent_im, batch_h, axis=0)
    t_re = jnp.take(ent_re, batch_t, axis=0)
    t_im = jnp.take(ent_im, batch_t, axis=0)
    r_re = jnp.take(rel_re, batch_r, axis=0)
    r_im = jnp.take(rel_im, batch_r, axis=0)
    y = batch_y.astype(jnp.float32)  # converted but unused in loss, faithful to original
    score = _get_score(h_re, h_im, t_re, t_im, r_re, r_im)
    half = BATCH // 2
    pos_score = score[:half]
    neg_score = score[half:]
    # regul computed (as in original forward) though not returned
    regul = (jnp.mean(h_re ** 2) + jnp.mean(h_im ** 2) + jnp.mean(t_re ** 2)
             + jnp.mean(t_im ** 2) + jnp.mean(r_re ** 2) + jnp.mean(r_im ** 2))
    _ = regul
    # MarginRankingLoss(margin, reduction='sum') with target = -1:
    # sum(max(0, -(-1) * (pos - neg) + margin)) = sum(max(0, pos - neg + margin))
    loss = jnp.sum(jnp.maximum(0.0, pos_score - neg_score + MARGIN))
    return (loss, pos_score, neg_score)

if __name__ == "__main__":
    import jax
    _d = setup_inputs()
    print(jax.jit(kernel)(*tuple(_d.values())))

</pallas_src>

<mosaic_0001>
#map = affine_map<(d0, d1) -> (0)>
#map1 = affine_map<(d0, d1) -> (0, 0)>
module attributes {stable_mosaic.version = 14 : i64} {
  func.func @k(%arg0: i32, %arg1: i32, %arg2: memref<16384xi32, #tpu.memory_space<hbm>>, %arg3: memref<16384xi32, #tpu.memory_space<hbm>>, %arg4: memref<16384xi32, #tpu.memory_space<hbm>>, %arg5: memref<500000x128xf32, #tpu.memory_space<hbm>>, %arg6: memref<500000x128xf32, #tpu.memory_space<hbm>>, %arg7: memref<500000x128xf32, #tpu.memory_space<hbm>>, %arg8: memref<500000x128xf32, #tpu.memory_space<hbm>>, %arg9: memref<16384xf32, #tpu.memory_space<hbm>>, %arg10: memref<512xi32, #tpu.memory_space<vmem>>, %arg11: memref<512xi32, #tpu.memory_space<vmem>>, %arg12: memref<512xi32, #tpu.memory_space<vmem>>, %arg13: memref<512xi32, #tpu.memory_space<vmem>>, %arg14: memref<512xi32, #tpu.memory_space<vmem>>, %arg15: memref<512xi32, #tpu.memory_space<vmem>>, %arg16: memref<512xi32, #tpu.memory_space<vmem>>, %arg17: memref<512xi32, #tpu.memory_space<vmem>>, %arg18: memref<512xi32, #tpu.memory_space<vmem>>, %arg19: memref<64x128xf32, #tpu.memory_space<vmem>>, %arg20: memref<64x128xf32, #tpu.memory_space<vmem>>, %arg21: memref<64x128xf32, #tpu.memory_space<vmem>>, %arg22: memref<64x128xf32, #tpu.memory_space<vmem>>, %arg23: memref<64x128xf32, #tpu.memory_space<vmem>>, %arg24: memref<64x128xf32, #tpu.memory_space<vmem>>, %arg25: memref<64x128xf32, #tpu.memory_space<vmem>>, %arg26: memref<64x128xf32, #tpu.memory_space<vmem>>, %arg27: memref<64x128xf32, #tpu.memory_space<vmem>>, %arg28: memref<64x128xf32, #tpu.memory_space<vmem>>, %arg29: memref<64x128xf32, #tpu.memory_space<vmem>>, %arg30: memref<64x128xf32, #tpu.memory_space<vmem>>, %arg31: memref<512xf32, #tpu.memory_space<vmem>>, %arg32: memref<!tpu.dma_semaphore, #tpu.memory_space<semaphore_mem>>, %arg33: memref<!tpu.dma_semaphore, #tpu.memory_space<semaphore_mem>>) attributes {dimension_semantics = [#tpu.dimension_semantics<core_parallel>, #tpu.dimension_semantics<subcore_parallel>], iteration_bounds = array<i64: 2, 16>, scalar_prefetch = 0 : i64, scratch_operands = 24 : i64, tpu.core_type = #tpu.core_type<sc_vector_subcore>, window_params = [{transform_indices = #map}, {transform_indices = #map}, {transform_indices = #map}, {transform_indices = #map1}, {transform_indices = #map1}, {transform_indices = #map1}, {transform_indices = #map1}, {transform_indices = #map}]} {
    %mul3A = arith.constant 2 : i32
    %mul3A_0 = arith.muli %arg1, %mul3A : i32
    %add3A = arith.addi %mul3A_0, %arg0 : i32
    %mul3A_1 = arith.constant 512 : i32
    %mul3A_2 = arith.muli %add3A, %mul3A_1 : i32
    "tpu.region"() ({
      %run_scoped3A = tpu.sem_alloc : memref<!tpu.dma_semaphore, #tpu.memory_space<semaphore_mem>>
      %dma_start3A_1187 = tpu.memref_slice %arg2[%mul3A_2] : memref<16384xi32, #tpu.memory_space<hbm>> -> memref<512xi32, #tpu.memory_space<hbm>>
      %dma_start3A_1188 = tpu.memref_slice %arg2[%mul3A_2] : memref<16384xi32, #tpu.memory_space<hbm>> -> memref<512xi32, #tpu.memory_space<hbm>>
      tpu.enqueue_dma source(%dma_start3A_1188 : memref<512xi32, #tpu.memory_space<hbm>>) target(%arg10 : memref<512xi32, #tpu.memory_space<vmem>>) target_semaphore(%run_scoped3A : memref<!tpu.dma_semaphore, #tpu.memory_space<semaphore_mem>>)
      %dma_wait3A_1189 = tpu.memref_slice %arg2[%mul3A_2] : memref<16384xi32, #tpu.memory_space<hbm>> -> memref<512xi32, #tpu.memory_space<hbm>>
      %dma_wait3A_1190 = tpu.memref_slice %arg2[%mul3A_2] : memref<16384xi32, #tpu.memory_space<hbm>> -> memref<512xi32, #tpu.memory_space<hbm>>
      tpu.wait_dma2 semaphore(%run_scoped3A : memref<!tpu.dma_semaphore, #tpu.memory_space<semaphore_mem>>) src(%dma_wait3A_1190 : memref<512xi32, #tpu.memory_space<hbm>>) dst(%arg10 : memref<512xi32, #tpu.memory_space<vmem>>)
      tpu.yield
    }) : () -> ()
    "tpu.region"() ({
      %run_scoped3A = tpu.sem_alloc : memref<!tpu.dma_semaphore, #tpu.memory_space<semaphore_mem>>
      %dma_start3A_1187 = tpu.memref_slice %arg3[%mul3A_2] : memref<16384xi32, #tpu.memory_space<hbm>> -> memref<512xi32, #tpu.memory_space<hbm>>
      %dma_start3A_1188 = tpu.memref_slice %arg3[%mul3A_2] : memref<16384xi32, #tpu.memory_space<hbm>> -> memref<512xi32, #tpu.memory_space<hbm>>
      tpu.enqueue_dma source(%dma_start3A_1188 : memref<512xi32, #tpu.memory_space<hbm>>) target(%arg11 : memref<512xi32, #tpu.memory_space<vmem>>) target_semaphore(%run_scoped3A : memref<!tpu.dma_semaphore, #tpu.memory_space<semaphore_mem>>)
      %dma_wait3A_1189 = tpu.memref_slice %arg3[%mul3A_2] : memref<16384xi32, #tpu.memory_space<hbm>> -> memref<512xi32, #tpu.memory_space<hbm>>
      %dma_wait3A_1190 = tpu.memref_slice %arg3[%mul3A_2] : memref<16384xi32, #tpu.memory_space<hbm>> -> memref<512xi32, #tpu.memory_space<hbm>>
      tpu.wait_dma2 semaphore(%run_scoped3A : memref<!tpu.dma_semaphore, #tpu.memory_space<semaphore_mem>>) src(%dma_wait3A_1190 : memref<512xi32, #tpu.memory_space<hbm>>) dst(%arg11 : memref<512xi32, #tpu.memory_space<vmem>>)
      tpu.yield
    }) : () -> ()
    "tpu.region"() ({
      %run_scoped3A = tpu.sem_alloc : memref<!tpu.dma_semaphore, #tpu.memory_space<semaphore_mem>>
      %dma_start3A_1187 = tpu.memref_slice %arg4[%mul3A_2] : memref<16384xi32, #tpu.memory_space<hbm>> -> memref<512xi32, #tpu.memory_space<hbm>>
      %dma_start3A_1188 = tpu.memref_slice %arg4[%mul3A_2] : memref<16384xi32, #tpu.memory_space<hbm>> -> memref<512xi32, #tpu.memory_space<hbm>>
      tpu.enqueue_dma source(%dma_start3A_1188 : memref<512xi32, #tpu.memory_space<hbm>>) target(%arg12 : memref<512xi32, #tpu.memory_space<vmem>>) target_semaphore(%run_scoped3A : memref<!tpu.dma_semaphore, #tpu.memory_space<semaphore_mem>>)
      %dma_wait3A_1189 = tpu.memref_slice %arg4[%mul3A_2] : memref<16384xi32, #tpu.memory_space<hbm>> -> memref<512xi32, #tpu.memory_space<hbm>>
      %dma_wait3A_1190 = tpu.memref_slice %arg4[%mul3A_2] : memref<16384xi32, #tpu.memory_space<hbm>> -> memref<512xi32, #tpu.memory_space<hbm>>
      tpu.wait_dma2 semaphore(%run_scoped3A : memref<!tpu.dma_semaphore, #tpu.memory_space<semaphore_mem>>) src(%dma_wait3A_1190 : memref<512xi32, #tpu.memory_space<hbm>>) dst(%arg12 : memref<512xi32, #tpu.memory_space<vmem>>)
      tpu.yield
    }) : () -> ()
    %scan3A = arith.constant 0 : i32
    %scan3A_3 = arith.constant 0 : i32
    %scan3A_4 = arith.constant 32 : i32
    %scan3A_5 = arith.addi %scan3A_3, %scan3A_4 : i32
    %scan3A_6 = arith.constant 1 : i32
    %scan3A_7 = scf.for %scan3A_1187 = %scan3A_3 to %scan3A_5 step %scan3A_6 iter_args(%scan3A_1188 = %scan3A) -> (i32)  : i32 {
      %mul3A_1189 = arith.constant 16 : i32
      %mul3A_1190 = arith.muli %scan3A_1187, %mul3A_1189 : i32
      %get3A_1191 = arith.index_cast %mul3A_1190 : i32 to index
      %get3A_1192 = tpu.vector_load %arg10[%get3A_1191] {strides = array<i32>} : memref<512xi32, #tpu.memory_space<vmem>>, vector<16xi32>,
      %shift_right_logical3A = arith.constant 1 : i32
      %shift_right_logical3A_1193 = vector.broadcast %shift_right_logical3A : i32 to vector<16xi32>
      %shift_right_logical3A_1194 = arith.shrui %get3A_1192, %shift_right_logical3A_1193 : vector<16xi32>
      %swap3A_1195 = arith.index_cast %mul3A_1190 : i32 to index
      %swap3A_1196 = tpu.vector_load %arg13[%swap3A_1195] {strides = array<i32>} : memref<512xi32, #tpu.memory_space<vmem>>, vector<16xi32>,
      tpu.vector_store %arg13[%swap3A_1195], %shift_right_logical3A_1194 {strides = array<i32>} : memref<512xi32, #tpu.memory_space<vmem>>, vector<16xi32>,
      %and3A = arith.constant 1 : i32
      %and3A_1197 = vector.broadcast %and3A : i32 to vector<16xi32>
      %and3A_1198 = arith.andi %get3A_1192, %and3A_1197 : vector<16xi32>
      %shift_left3A = arith.constant 6 : i32
      %shift_left3A_1199 = vector.broadcast %shift_left3A : i32 to vector<16xi32>
      %shift_left3A_1200 = arith.shli %and3A_1198, %shift_left3A_1199 : vector<16xi32>
      %swap3A_1201 = arith.index_cast %mul3A_1190 : i32 to index
      %swap3A_1202 = tpu.vector_load %arg16[%swap3A_1201] {strides = array<i32>} : memref<512xi32, #tpu.memory_space<vmem>>, vector<16xi32>,
      tpu.vector_store %arg16[%swap3A_1201], %shift_left3A_1200 {strides = array<i32>} : memref<512xi32, #tpu.memory_space<vmem>>, vector<16xi32>,
      %get3A_1203 = arith.index_cast %mul3A_1190 : i32 to index
      %get3A_1204 = tpu.vector_load %arg11[%get3A_1203] {strides = array<i32>} : memref<512xi32, #tpu.memory_space<vmem>>, vector<16xi32>,
      %shift_right_logical3A_1205 = arith.constant 1 : i32
      %shift_right_logical3A_1206 = vector.broadcast %shift_right_logical3A_1205 : i32 to vector<16xi32>
      %shift_right_logical3A_1207 = arith.shrui %get3A_1204, %shift_right_logical3A_1206 : vector<16xi32>
      %swap3A_1208 = arith.index_cast %mul3A_1190 : i32 to index
      %swap3A_1209 = tpu.vector_load %arg14[%swap3A_1208] {strides = array<i32>} : memref<512xi32, #tpu.memory_space<vmem>>, vector<16xi32>,
      tpu.vector_store %arg14[%swap3A_1208], %shift_right_logical3A_1207 {strides = array<i32>} : memref<512xi32, #tpu.memory_space<vmem>>, vector<16xi32>,
      %and3A_1210 = arith.constant 1 : i32
      %and3A_1211 = vector.broadcast %and3A_1210 : i32 to vector<16xi32>
      %and3A_1212 = arith.andi %get3A_1204, %and3A_1211 : vector<16xi32>
      %shift_left3A_1213 = arith.constant 6 : i32
      %shift_left3A_1214 = vector.broadcast %shift_left3A_1213 : i32 to vector<16xi32>
      %shift_left3A_1215 = arith.shli %and3A_1212, %shift_left3A_1214 : vector<16xi32>
      %swap3A_1216 = arith.index_cast %mul3A_1190 : i32 to index
      %swap3A_1217 = tpu.vector_load %arg17[%swap3A_1216] {strides = array<i32>} : memref<512xi32, #tpu.memory_space<vmem>>, vector<16xi32>,
      tpu.vector_store %arg17[%swap3A_1216], %shift_left3A_1215 {strides = array<i32>} : memref<512xi32, #tpu.memory_space<vmem>>, vector<16xi32>,
      %get3A_1218 = arith.index_cast %mul3A_1190 : i32 to index
      %get3A_1219 = tpu.vector_load %arg12[%get3A_1218] {strides = array<i32>} : memref<512xi32, #tpu.memory_space<vmem>>, vector<16xi32>,
      %shift_right_logical3A_1220 = arith.constant 1 : i32
      %shift_right_logical3A_1221 = vector.broadcast %shift_right_logical3A_1220 : i32 to vector<16xi32>
      %shift_right_logical3A_1222 = arith.shrui %get3A_1219, %shift_right_logical3A_1221 : vector<16xi32>
      %swap3A_1223 = arith.index_cast %mul3A_1190 : i32 to index
      %swap3A_1224 = tpu.vector_load %arg15[%swap3A_1223] {strides = array<i32>} : memref<512xi32, #tpu.memory_space<vmem>>, vector<16xi32>,
      tpu.vector_store %arg15[%swap3A_1223], %shift_right_logical3A_1222 {strides = array<i32>} : memref<512xi32, #tpu.memory_space<vmem>>, vector<16xi32>,
      %and3A_1225 = arith.constant 1 : i32
      %and3A_1226 = vector.broadcast %and3A_1225 : i32 to vector<16xi32>
      %and3A_1227 = arith.andi %get3A_1219, %and3A_1226 : vector<16xi32>
      %shift_left3A_1228 = arith.constant 6 : i32
      %shift_left3A_1229 = vector.broadcast %shift_left3A_1228 : i32 to vector<16xi32>
      %shift_left3A_1230 = arith.shli %and3A_1227, %shift_left3A_1229 : vector<16xi32>
      %swap3A_1231 = arith.index_cast %mul3A_1190 : i32 to index
      %swap3A_1232 = tpu.vector_load %arg18[%swap3A_1231] {strides = array<i32>} : memref<512xi32, #tpu.memory_space<vmem>>, vector<16xi32>,
      tpu.vector_store %arg18[%swap3A_1231], %shift_left3A_1230 {strides = array<i32>} : memref<512xi32, #tpu.memory_space<vmem>>, vector<16xi32>,
      %scan3A_1233 = arith.constant 0 : i32
      scf.yield %scan3A_1233 : i32
    }
    %scan3A_8 = arith.constant 32 : i32
    %iota3A = tpu.iota {dimensions = array<i32: 0>} : vector<16xi32>
    %dma_start3A = arith.constant 0 : i32
    %dma_start3A_9 = tpu.memref_slice %arg13[%dma_start3A] : memref<512xi32, #tpu.memory_space<vmem>> -> memref<64xi32, #tpu.memory_space<vmem>>
    %dma_start3A_10 = arith.constant 0 : i32
    %dma_start3A_11 = arith.constant 0 : i32
    %dma_start3A_12 = tpu.memref_slice %arg5[%dma_start3A_10, %dma_start3A_11] : memref<500000x128xf32, #tpu.memory_space<hbm>> -> memref<500000x128xf32, #tpu.memory_space<hbm>>
    tpu.enqueue_indirect_dma source(%dma_start3A_12 : memref<500000x128xf32, #tpu.memory_space<hbm>>) target(%arg19 : memref<64x128xf32, #tpu.memory_space<vmem>>) offsets(%dma_start3A_9 : memref<64xi32, #tpu.memory_space<vmem>>) semaphore(%arg32 : memref<!tpu.dma_semaphore, #tpu.memory_space<semaphore_mem>>)
    %dma_start3A_13 = arith.constant 0 : i32
    %dma_start3A_14 = tpu.memref_slice %arg13[%dma_start3A_13] : memref<512xi32, #tpu.memory_space<vmem>> -> memref<64xi32, #tpu.memory_space<vmem>>
    %dma_start3A_15 = arith.constant 0 : i32
    %dma_start3A_16 = arith.constant 0 : i32
    %dma_start3A_17 = tpu.memref_slice %arg6[%dma_start3A_15, %dma_start3A_16] : memref<500000x128xf32, #tpu.memory_space<hbm>> -> memref<500000x128xf32, #tpu.memory_space<hbm>>
    tpu.enqueue_indirect_dma source(%dma_start3A_17 : memref<500000x128xf32, #tpu.memory_space<hbm>>) target(%arg20 : memref<64x128xf32, #tpu.memory_space<vmem>>) offsets(%dma_start3A_14 : memref<64xi32, #tpu.memory_space<vmem>>) semaphore(%arg32 : memref<!tpu.dma_semaphore, #tpu.memory_space<semaphore_mem>>)
    %dma_start3A_18 = arith.constant 0 : i32
    %dma_start3A_19 = tpu.memref_slice %arg14[%dma_start3A_18] : memref<512xi32, #tpu.memory_space<vmem>> -> memref<64xi32, #tpu.memory_space<vmem>>
    %dma_start3A_20 = arith.constant 0 : i32
    %dma_start3A_21 = arith.constant 0 : i32
    %dma_start3A_22 = tpu.memref_slice %arg5[%dma_start3A_20, %dma_start3A_21] : memref<500000x128xf32, #tpu.memory_space<hbm>> -> memref<500000x128xf32, #tpu.memory_space<hbm>>
    tpu.enqueue_indirect_dma source(%dma_start3A_22 : memref<500000x128xf32, #tpu.memory_space<hbm>>) target(%arg21 : memref<64x128xf32, #tpu.memory_space<vmem>>) offsets(%dma_start3A_19 : memref<64xi32, #tpu.memory_space<vmem>>) semaphore(%arg32 : memref<!tpu.dma_semaphore, #tpu.memory_space<semaphore_mem>>)
    %dma_start3A_23 = arith.constant 0 : i32
    %dma_start3A_24 = tpu.memref_slice %arg14[%dma_start3A_23] : memref<512xi32, #tpu.memory_space<vmem>> -> memref<64xi32, #tpu.memory_space<vmem>>
    %dma_start3A_25 = arith.constant 0 : i32
    %dma_start3A_26 = arith.constant 0 : i32
    %dma_start3A_27 = tpu.memref_slice %arg6[%dma_start3A_25, %dma_start3A_26] : memref<500000x128xf32, #tpu.memory_space<hbm>> -> memref<500000x128xf32, #tpu.memory_space<hbm>>
    tpu.enqueue_indirect_dma source(%dma_start3A_27 : memref<500000x128xf32, #tpu.memory_space<hbm>>) target(%arg22 : memref<64x128xf32, #tpu.memory_space<vmem>>) offsets(%dma_start3A_24 : memref<64xi32, #tpu.memory_space<vmem>>) semaphore(%arg32 : memref<!tpu.dma_semaphore, #tpu.memory_space<semaphore_mem>>)
    %dma_start3A_28 = arith.constant 0 : i32
    %dma_start3A_29 = tpu.memref_slice %arg15[%dma_start3A_28] : memref<512xi32, #tpu.memory_space<vmem>> -> memref<64xi32, #tpu.memory_space<vmem>>
    %dma_start3A_30 = arith.constant 0 : i32
    %dma_start3A_31 = arith.constant 0 : i32
    %dma_start3A_32 = tpu.memref_slice %arg7[%dma_start3A_30, %dma_start3A_31] : memref<500000x128xf32, #tpu.memory_space<hbm>> -> memref<500000x128xf32, #tpu.memory_space<hbm>>
    tpu.enqueue_indirect_dma source(%dma_start3A_32 : memref<500000x128xf32, #tpu.memory_space<hbm>>) target(%arg23 : memref<64x128xf32, #tpu.memory_space<vmem>>) offsets(%dma_start3A_29 : memref<64xi32, #tpu.memory_space<vmem>>) semaphore(%arg32 : memref<!tpu.dma_semaphore, #tpu.memory_space<semaphore_mem>>)
    %dma_start3A_33 = arith.constant 0 : i32
    %dma_start3A_34 = tpu.memref_slice %arg15[%dma_start3A_33] : memref<512xi32, #tpu.memory_space<vmem>> -> memref<64xi32, #tpu.memory_space<vmem>>
    %dma_start3A_35 = arith.constant 0 : i32
    %dma_start3A_36 = arith.constant 0 : i32
    %dma_start3A_37 = tpu.memref_slice %arg8[%dma_start3A_35, %dma_start3A_36] : memref<500000x128xf32, #tpu.memory_space<hbm>> -> memref<500000x128xf32, #tpu.memory_space<hbm>>
    tpu.enqueue_indirect_dma source(%dma_start3A_37 : memref<500000x128xf32, #tpu.memory_space<hbm>>) target(%arg24 : memref<64x128xf32, #tpu.memory_space<vmem>>) offsets(%dma_start3A_34 : memref<64xi32, #tpu.memory_space<vmem>>) semaphore(%arg32 : memref<!tpu.dma_semaphore, #tpu.memory_space<semaphore_mem>>)
    %dma_start3A_38 = arith.constant 64 : i32
    %dma_start3A_39 = tpu.memref_slice %arg13[%dma_start3A_38] : memref<512xi32, #tpu.memory_space<vmem>> -> memref<64xi32, #tpu.memory_space<vmem>>
    %dma_start3A_40 = arith.constant 0 : i32
    %dma_start3A_41 = arith.constant 0 : i32
    %dma_start3A_42 = tpu.memref_slice %arg5[%dma_start3A_40, %dma_start3A_41] : memref<500000x128xf32, #tpu.memory_space<hbm>> -> memref<500000x128xf32, #tpu.memory_space<hbm>>
    tpu.enqueue_indirect_dma source(%dma_start3A_42 : memref<500000x128xf32, #tpu.memory_space<hbm>>) target(%arg25 : memref<64x128xf32, #tpu.memory_space<vmem>>) offsets(%dma_start3A_39 : memref<64xi32, #tpu.memory_space<vmem>>) semaphore(%arg33 : memref<!tpu.dma_semaphore, #tpu.memory_space<semaphore_mem>>)
    %dma_start3A_43 = arith.constant 64 : i32
    %dma_start3A_44 = tpu.memref_slice %arg13[%dma_start3A_43] : memref<512xi32, #tpu.memory_space<vmem>> -> memref<64xi32, #tpu.memory_space<vmem>>
    %dma_start3A_45 = arith.constant 0 : i32
    %dma_start3A_46 = arith.constant 0 : i32
    %dma_start3A_47 = tpu.memref_slice %arg6[%dma_start3A_45, %dma_start3A_46] : memref<500000x128xf32, #tpu.memory_space<hbm>> -> memref<500000x128xf32, #tpu.memory_space<hbm>>
    tpu.enqueue_indirect_dma source(%dma_start3A_47 : memref<500000x128xf32, #tpu.memory_space<hbm>>) target(%arg26 : memref<64x128xf32, #tpu.memory_space<vmem>>) offsets(%dma_start3A_44 : memref<64xi32, #tpu.memory_space<vmem>>) semaphore(%arg33 : memref<!tpu.dma_semaphore, #tpu.memory_space<semaphore_mem>>)
    %dma_start3A_48 = arith.constant 64 : i32
    %dma_start3A_49 = tpu.memref_slice %arg14[%dma_start3A_48] : memref<512xi32, #tpu.memory_space<vmem>> -> memref<64xi32, #tpu.memory_space<vmem>>
    %dma_start3A_50 = arith.constant 0 : i32
    %dma_start3A_51 = arith.constant 0 : i32
    %dma_start3A_52 = tpu.memref_slice %arg5[%dma_start3A_50, %dma_start3A_51] : memref<500000x128xf32, #tpu.memory_space<hbm>> -> memref<500000x128xf32, #tpu.memory_space<hbm>>
    tpu.enqueue_indirect_dma source(%dma_start3A_52 : memref<500000x128xf32, #tpu.memory_space<hbm>>) target(%arg27 : memref<64x128xf32, #tpu.memory_space<vmem>>) offsets(%dma_start3A_49 : memref<64xi32, #tpu.memory_space<vmem>>) semaphore(%arg33 : memref<!tpu.dma_semaphore, #tpu.memory_space<semaphore_mem>>)
    %dma_start3A_53 = arith.constant 64 : i32
    %dma_start3A_54 = tpu.memref_slice %arg14[%dma_start3A_53] : memref<512xi32, #tpu.memory_space<vmem>> -> memref<64xi32, #tpu.memory_space<vmem>>
    %dma_start3A_55 = arith.constant 0 : i32
    %dma_start3A_56 = arith.constant 0 : i32
    %dma_start3A_57 = tpu.memref_slice %arg6[%dma_start3A_55, %dma_start3A_56] : memref<500000x128xf32, #tpu.memory_space<hbm>> -> memref<500000x128xf32, #tpu.memory_space<hbm>>
    tpu.enqueue_indirect_dma source(%dma_start3A_57 : memref<500000x128xf32, #tpu.memory_space<hbm>>) target(%arg28 : memref<64x128xf32, #tpu.memory_space<vmem>>) offsets(%dma_start3A_54 : memref<64xi32, #tpu.memory_space<vmem>>) semaphore(%arg33 : memref<!tpu.dma_semaphore, #tpu.memory_space<semaphore_mem>>)
    %dma_start3A_58 = arith.constant 64 : i32
    %dma_start3A_59 = tpu.memref_slice %arg15[%dma_start3A_58] : memref<512xi32, #tpu.memory_space<vmem>> -> memref<64xi32, #tpu.memory_space<vmem>>
    %dma_start3A_60 = arith.constant 0 : i32
    %dma_start3A_61 = arith.constant 0 : i32
    %dma_start3A_62 = tpu.memref_slice %arg7[%dma_start3A_60, %dma_start3A_61] : memref<500000x128xf32, #tpu.memory_space<hbm>> -> memref<500000x128xf32, #tpu.memory_space<hbm>>
    tpu.enqueue_indirect_dma source(%dma_start3A_62 : memref<500000x128xf32, #tpu.memory_space<hbm>>) target(%arg29 : memref<64x128xf32, #tpu.memory_space<vmem>>) offsets(%dma_start3A_59 : memref<64xi32, #tpu.memory_space<vmem>>) semaphore(%arg33 : memref<!tpu.dma_semaphore, #tpu.memory_space<semaphore_mem>>)
    %dma_start3A_63 = arith.constant 64 : i32
    %dma_start3A_64 = tpu.memref_slice %arg15[%dma_start3A_63] : memref<512xi32, #tpu.memory_space<vmem>> -> memref<64xi32, #tpu.memory_space<vmem>>
    %dma_start3A_65 = arith.constant 0 : i32
    %dma_start3A_66 = arith.constant 0 : i32
    %dma_start3A_67 = tpu.memref_slice %arg8[%dma_start3A_65, %dma_start3A_66] : memref<500000x128xf32, #tpu.memory_space<hbm>> -> memref<500000x128xf32, #tpu.memory_space<hbm>>
    tpu.enqueue_indirect_dma source(%dma_start3A_67 : memref<500000x128xf32, #tpu.memory_space<hbm>>) target(%arg30 : memref<64x128xf32, #tpu.memory_space<vmem>>) offsets(%dma_start3A_64 : memref<64xi32, #tpu.memory_space<vmem>>) semaphore(%arg33 : memref<!tpu.dma_semaphore, #tpu.memory_space<semaphore_mem>>)
    %dma_wait3A = arith.constant 0 : i32
    %dma_wait3A_68 = tpu.memref_slice %arg13[%dma_wait3A] : memref<512xi32, #tpu.memory_space<vmem>> -> memref<64xi32, #tpu.memory_space<vmem>>
    %dma_wait3A_69 = arith.constant 0 : i32
    %dma_wait3A_70 = arith.constant 0 : i32
    %dma_wait3A_71 = tpu.memref_slice %arg5[%dma_wait3A_69, %dma_wait3A_70] : memref<500000x128xf32, #tpu.memory_space<hbm>> -> memref<500000x128xf32, #tpu.memory_space<hbm>>
    tpu.wait_indirect_dma semaphore(%arg32 : memref<!tpu.dma_semaphore, #tpu.memory_space<semaphore_mem>>) src(%dma_wait3A_71 : memref<500000x128xf32, #tpu.memory_space<hbm>>) dst(%arg19 : memref<64x128xf32, #tpu.memory_space<vmem>>)
    %dma_wait3A_72 = arith.constant 0 : i32
    %dma_wait3A_73 = tpu.memref_slice %arg13[%dma_wait3A_72] : memref<512xi32, #tpu.memory_space<vmem>> -> memref<64xi32, #tpu.memory_space<vmem>>
    %dma_wait3A_74 = arith.constant 0 : i32
    %dma_wait3A_75 = arith.constant 0 : i32
    %dma_wait3A_76 = tpu.memref_slice %arg6[%dma_wait3A_74, %dma_wait3A_75] : memref<500000x128xf32, #tpu.memory_space<hbm>> -> memref<500000x128xf32, #tpu.memory_space<hbm>>
    tpu.wait_indirect_dma semaphore(%arg32 : memref<!tpu.dma_semaphore, #tpu.memory_space<semaphore_mem>>) src(%dma_wait3A_76 : memref<500000x128xf32, #tpu.memory_space<hbm>>) dst(%arg20 : memref<64x128xf32, #tpu.memory_space<vmem>>)
    %dma_wait3A_77 = arith.constant 0 : i32
    %dma_wait3A_78 = tpu.memref_slice %arg14[%dma_wait3A_77] : memref<512xi32, #tpu.memory_space<vmem>> -> memref<64xi32, #tpu.memory_space<vmem>>
    %dma_wait3A_79 = arith.constant 0 : i32
    %dma_wait3A_80 = arith.constant 0 : i32
    %dma_wait3A_81 = tpu.memref_slice %arg5[%dma_wait3A_79, %dma_wait3A_80] : memref<500000x128xf32, #tpu.memory_space<hbm>> -> memref<500000x128xf32, #tpu.memory_space<hbm>>
    tpu.wait_indirect_dma semaphore(%arg32 : memref<!tpu.dma_semaphore, #tpu.memory_space<semaphore_mem>>) src(%dma_wait3A_81 : memref<500000x128xf32, #tpu.memory_space<hbm>>) dst(%arg21 : memref<64x128xf32, #tpu.memory_space<vmem>>)
    %dma_wait3A_82 = arith.constant 0 : i32
    %dma_wait3A_83 = tpu.memref_slice %arg14[%dma_wait3A_82] : memref<512xi32, #tpu.memory_space<vmem>> -> memref<64xi32, #tpu.memory_space<vmem>>
    %dma_wait3A_84 = arith.constant 0 : i32
    %dma_wait3A_85 = arith.constant 0 : i32
    %dma_wait3A_86 = tpu.memref_slice %arg6[%dma_wait3A_84, %dma_wait3A_85] : memref<500000x128xf32, #tpu.memory_space<hbm>> -> memref<500000x128xf32, #tpu.memory_space<hbm>>
    tpu.wait_indirect_dma semaphore(%arg32 : memref<!tpu.dma_semaphore, #tpu.memory_space<semaphore_mem>>) src(%dma_wait3A_86 : memref<500000x128xf32, #tpu.memory_space<hbm>>) dst(%arg22 : memref<64x128xf32, #tpu.memory_space<vmem>>)
    %dma_wait3A_87 = arith.constant 0 : i32
    %dma_wait3A_88 = tpu.memref_slice %arg15[%dma_wait3A_87] : memref<512xi32, #tpu.memory_space<vmem>> -> memref<64xi32, #tpu.memory_space<vmem>>
    %dma_wait3A_89 = arith.constant 0 : i32
    %dma_wait3A_90 = arith.constant 0 : i32
    %dma_wait3A_91 = tpu.memref_slice %arg7[%dma_wait3A_89, %dma_wait3A_90] : memref<500000x128xf32, #tpu.memory_space<hbm>> -> memref<500000x128xf32, #tpu.memory_space<hbm>>
    tpu.wait_indirect_dma semaphore(%arg32 : memref<!tpu.dma_semaphore, #tpu.memory_space<semaphore_mem>>) src(%dma_wait3A_91 : memref<500000x128xf32, #tpu.memory_space<hbm>>) dst(%arg23 : memref<64x128xf32, #tpu.memory_space<vmem>>)
    %dma_wait3A_92 = arith.constant 0 : i32
    %dma_wait3A_93 = tpu.memref_slice %arg15[%dma_wait3A_92] : memref<512xi32, #tpu.memory_space<vmem>> -> memref<64xi32, #tpu.memory_space<vmem>>
    %dma_wait3A_94 = arith.constant 0 : i32
    %dma_wait3A_95 = arith.constant 0 : i32
    %dma_wait3A_96 = tpu.memref_slice %arg8[%dma_wait3A_94, %dma_wait3A_95] : memref<500000x128xf32, #tpu.memory_space<hbm>> -> memref<500000x128xf32, #tpu.memory_space<hbm>>
    tpu.wait_indirect_dma semaphore(%arg32 : memref<!tpu.dma_semaphore, #tpu.memory_space<semaphore_mem>>) src(%dma_wait3A_96 : memref<500000x128xf32, #tpu.memory_space<hbm>>) dst(%arg24 : memref<64x128xf32, #tpu.memory_space<vmem>>)
    %add3A_97 = arith.constant 0 : i32
    %add3A_98 = vector.broadcast %add3A_97 : i32 to vector<16xi32>
    %add3A_99 = arith.addi %iota3A, %add3A_98 : vector<16xi32>
    %get3A = arith.constant 0 : index
    %get3A_100 = tpu.vector_load %arg16[%get3A] {strides = array<i32>} : memref<512xi32, #tpu.memory_space<vmem>>, vector<16xi32>,
    %get3A_101 = arith.constant 0 : index
    %get3A_102 = tpu.vector_load %arg17[%get3A_101] {strides = array<i32>} : memref<512xi32, #tpu.memory_space<vmem>>, vector<16xi32>,
    %get3A_103 = arith.constant 0 : index
    %get3A_104 = tpu.vector_load %arg18[%get3A_103] {strides = array<i32>} : memref<512xi32, #tpu.memory_space<vmem>>, vector<16xi32>,
    %broadcast_in_dim3A = arith.constant 0.000000e+00 : f32
    %broadcast_in_dim3A_105 = vector.broadcast %broadcast_in_dim3A : f32 to vector<16xf32>
    %scan3A_106 = arith.constant 0 : i32
    %scan3A_107 = arith.constant 64 : i32
    %scan3A_108 = arith.addi %scan3A_106, %scan3A_107 : i32
    %scan3A_109 = arith.constant 1 : i32
    %scan3A_110 = scf.for %scan3A_1187 = %scan3A_106 to %scan3A_108 step %scan3A_109 iter_args(%scan3A_1188 = %broadcast_in_dim3A_105) -> (vector<16xf32>)  : i32 {
      %add3A_1189 = vector.broadcast %scan3A_1187 : i32 to vector<16xi32>
      %add3A_1190 = arith.addi %get3A_100, %add3A_1189 : vector<16xi32>
      %add3A_1191 = vector.broadcast %scan3A_1187 : i32 to vector<16xi32>
      %add3A_1192 = arith.addi %get3A_102, %add3A_1191 : vector<16xi32>
      %add3A_1193 = vector.broadcast %scan3A_1187 : i32 to vector<16xi32>
      %add3A_1194 = arith.addi %get3A_104, %add3A_1193 : vector<16xi32>
      %gather3A = tpu.vector_load_idx %arg19[%add3A_99, %add3A_1190] : memref<64x128xf32, #tpu.memory_space<vmem>>[vector<16xi32>, vector<16xi32>], vector<16xf32>,
      %gather3A_1195 = tpu.vector_load_idx %arg20[%add3A_99, %add3A_1190] : memref<64x128xf32, #tpu.memory_space<vmem>>[vector<16xi32>, vector<16xi32>], vector<16xf32>,
      %gather3A_1196 = tpu.vector_load_idx %arg21[%add3A_99, %add3A_1192] : memref<64x128xf32, #tpu.memory_space<vmem>>[vector<16xi32>, vector<16xi32>], vector<16xf32>,
      %gather3A_1197 = tpu.vector_load_idx %arg22[%add3A_99, %add3A_1192] : memref<64x128xf32, #tpu.memory_space<vmem>>[vector<16xi32>, vector<16xi32>], vector<16xf32>,
      %gather3A_1198 = tpu.vector_load_idx %arg23[%add3A_99, %add3A_1194] : memref<64x128xf32, #tpu.memory_space<vmem>>[vector<16xi32>, vector<16xi32>], vector<16xf32>,
      %gather3A_1199 = tpu.vector_load_idx %arg24[%add3A_99, %add3A_1194] : memref<64x128xf32, #tpu.memory_space<vmem>>[vector<16xi32>, vector<16xi32>], vector<16xf32>,
      %mul3A_1200 = arith.mulf %gather3A, %gather3A_1196 : vector<16xf32>
      %mul3A_1201 = arith.mulf %gather3A_1195, %gather3A_1197 : vector<16xf32>
      %add3A_1202 = arith.addf %mul3A_1200, %mul3A_1201 : vector<16xf32>
      %mul3A_1203 = arith.mulf %gather3A, %gather3A_1197 : vector<16xf32>
      %mul3A_1204 = arith.mulf %gather3A_1195, %gather3A_1196 : vector<16xf32>
      %sub3A = arith.subf %mul3A_1203, %mul3A_1204 : vector<16xf32>
      %mul3A_1205 = arith.mulf %gather3A_1198, %add3A_1202 : vector<16xf32>
      %mul3A_1206 = arith.mulf %gather3A_1199, %sub3A : vector<16xf32>
      %add3A_1207 = arith.addf %mul3A_1205, %mul3A_1206 : vector<16xf32>
      %add3A_1208 = arith.addf %scan3A_1188, %add3A_1207 : vector<16xf32>
      scf.yield %add3A_1208 : vector<16xf32>
    }
    %scan3A_111 = arith.constant 64 : i32
    %neg3A = arith.constant 0.000000e+00 : f32
    %neg3A_112 = vector.broadcast %neg3A : f32 to vector<16xf32>
    %neg3A_113 = arith.subf %neg3A_112, %scan3A_110 : vector<16xf32>
    %swap3A = arith.constant 0 : index
    %swap3A_114 = tpu.vector_load %arg31[%swap3A] {strides = array<i32>} : memref<512xf32, #tpu.memory_space<vmem>>, vector<16xf32>,
    tpu.vector_store %arg31[%swap3A], %neg3A_113 {strides = array<i32>} : memref<512xf32, #tpu.memory_space<vmem>>, vector<16xf32>,
    %add3A_115 = arith.constant 16 : i32
    %add3A_116 = vector.broadcast %add3A_115 : i32 to vector<16xi32>
    %add3A_117 = arith.addi %iota3A, %add3A_116 : vector<16xi32>
    %get3A_118 = arith.constant 16 : index
    %get3A_119 = tpu.vector_load %arg16[%get3A_118] {strides = array<i32>} : memref<512xi32, #tpu.memory_space<vmem>>, vector<16xi32>,
    %get3A_120 = arith.constant 16 : index
    %get3A_121 = tpu.vector_load %arg17[%get3A_120] {strides = array<i32>} : memref<512xi32, #tpu.memory_space<vmem>>, vector<16xi32>,
    %get3A_122 = arith.constant 16 : index
    %get3A_123 = tpu.vector_load %arg18[%get3A_122] {strides = array<i32>} : memref<512xi32, #tpu.memory_space<vmem>>, vector<16xi32>,
    %broadcast_in_dim3A_124 = arith.constant 0.000000e+00 : f32
    %broadcast_in_dim3A_125 = vector.broadcast %broadcast_in_dim3A_124 : f32 to vector<16xf32>
    %scan3A_126 = arith.constant 0 : i32
    %scan3A_127 = arith.constant 64 : i32
    %scan3A_128 = arith.addi %scan3A_126, %scan3A_127 : i32
    %scan3A_129 = arith.constant 1 : i32
    %scan3A_130 = scf.for %scan3A_1187 = %scan3A_126 to %scan3A_128 step %scan3A_129 iter_args(%scan3A_1188 = %broadcast_in_dim3A_125) -> (vector<16xf32>)  : i32 {
      %add3A_1189 = vector.broadcast %scan3A_1187 : i32 to vector<16xi32>
      %add3A_1190 = arith.addi %get3A_119, %add3A_1189 : vector<16xi32>
      %add3A_1191 = vector.broadcast %scan3A_1187 : i32 to vector<16xi32>
      %add3A_1192 = arith.addi %get3A_121, %add3A_1191 : vector<16xi32>
      %add3A_1193 = vector.broadcast %scan3A_1187 : i32 to vector<16xi32>
      %add3A_1194 = arith.addi %get3A_123, %add3A_1193 : vector<16xi32>
      %gather3A = tpu.vector_load_idx %arg19[%add3A_117, %add3A_1190] : memref<64x128xf32, #tpu.memory_space<vmem>>[vector<16xi32>, vector<16xi32>], vector<16xf32>,
      %gather3A_1195 = tpu.vector_load_idx %arg20[%add3A_117, %add3A_1190] : memref<64x128xf32, #tpu.memory_space<vmem>>[vector<16xi32>, vector<16xi32>], vector<16xf32>,
      %gather3A_1196 = tpu.vector_load_idx %arg21[%add3A_117, %add3A_1192] : memref<64x128xf32, #tpu.memory_space<vmem>>[vector<16xi32>, vector<16xi32>], vector<16xf32>,
      %gather3A_1197 = tpu.vector_load_idx %arg22[%add3A_117, %add3A_1192] : memref<64x128xf32, #tpu.memory_space<vmem>>[vector<16xi32>, vector<16xi32>], vector<16xf32>,
      %gather3A_1198 = tpu.vector_load_idx %arg23[%add3A_117, %add3A_1194] : memref<64x128xf32, #tpu.memory_space<vmem>>[vector<16xi32>, vector<16xi32>], vector<16xf32>,
      %gather3A_1199 = tpu.vector_load_idx %arg24[%add3A_117, %add3A_1194] : memref<64x128xf32, #tpu.memory_space<vmem>>[vector<16xi32>, vector<16xi32>], vector<16xf32>,
      %mul3A_1200 = arith.mulf %gather3A, %gather3A_1196 : vector<16xf32>
      %mul3A_1201 = arith.mulf %gather3A_1195, %gather3A_1197 : vector<16xf32>
      %add3A_1202 = arith.addf %mul3A_1200, %mul3A_1201 : vector<16xf32>
      %mul3A_1203 = arith.mulf %gather3A, %gather3A_1197 : vector<16xf32>
      %mul3A_1204 = arith.mulf %gather3A_1195, %gather3A_1196 : vector<16xf32>
      %sub3A = arith.subf %mul3A_1203, %mul3A_1204 : vector<16xf32>
      %mul3A_1205 = arith.mulf %gather3A_1198, %add3A_1202 : vector<16xf32>
      %mul3A_1206 = arith.mulf %gather3A_1199, %sub3A : vector<16xf32>
      %add3A_1207 = arith.addf %mul3A_1205, %mul3A_1206 : vector<16xf32>
      %add3A_1208 = arith.addf %scan3A_1188, %add3A_1207 : vector<16xf32>
      scf.yield %add3A_1208 : vector<16xf32>
    }
    %scan3A_131 = arith.constant 64 : i32
    %neg3A_132 = arith.constant 0.000000e+00 : f32
    %neg3A_133 = vector.broadcast %neg3A_132 : f32 to vector<16xf32>
    %neg3A_134 = arith.subf %neg3A_133, %scan3A_130 : vector<16xf32>
    %swap3A_135 = arith.constant 16 : index
    %swap3A_136 = tpu.vector_load %arg31[%swap3A_135] {strides = array<i32>} : memref<512xf32, #tpu.memory_space<vmem>>, vector<16xf32>,
    tpu.vector_store %arg31[%swap3A_135], %neg3A_134 {strides = array<i32>} : memref<512xf32, #tpu.memory_space<vmem>>, vector<16xf32>,
    %add3A_137 = arith.constant 32 : i32
    %add3A_138 = vector.broadcast %add3A_137 : i32 to vector<16xi32>
    %add3A_139 = arith.addi %iota3A, %add3A_138 : vector<16xi32>
    %get3A_140 = arith.constant 32 : index
    %get3A_141 = tpu.vector_load %arg16[%get3A_140] {strides = array<i32>} : memref<512xi32, #tpu.memory_space<vmem>>, vector<16xi32>,
    %get3A_142 = arith.constant 32 : index
    %get3A_143 = tpu.vector_load %arg17[%get3A_142] {strides = array<i32>} : memref<512xi32, #tpu.memory_space<vmem>>, vector<16xi32>,
    %get3A_144 = arith.constant 32 : index
    %get3A_145 = tpu.vector_load %arg18[%get3A_144] {strides = array<i32>} : memref<512xi32, #tpu.memory_space<vmem>>, vector<16xi32>,
    %broadcast_in_dim3A_146 = arith.constant 0.000000e+00 : f32
    %broadcast_in_dim3A_147 = vector.broadcast %broadcast_in_dim3A_146 : f32 to vector<16xf32>
    %scan3A_148 = arith.constant 0 : i32
    %scan3A_149 = arith.constant 64 : i32
    %scan3A_150 = arith.addi %scan3A_148, %scan3A_149 : i32
    %scan3A_151 = arith.constant 1 : i32
    %scan3A_152 = scf.for %scan3A_1187 = %scan3A_148 to %scan3A_150 step %scan3A_151 iter_args(%scan3A_1188 = %broadcast_in_dim3A_147) -> (vector<16xf32>)  : i32 {
      %add3A_1189 = vector.broadcast %scan3A_1187 : i32 to vector<16xi32>
      %add3A_1190 = arith.addi %get3A_141, %add3A_1189 : vector<16xi32>
      %add3A_1191 = vector.broadcast %scan3A_1187 : i32 to vector<16xi32>
      %add3A_1192 = arith.addi %get3A_143, %add3A_1191 : vector<16xi32>
      %add3A_1193 = vector.broadcast %scan3A_1187 : i32 to vector<16xi32>
      %add3A_1194 = arith.addi %get3A_145, %add3A_1193 : vector<16xi32>
      %gather3A = tpu.vector_load_idx %arg19[%add3A_139, %add3A_1190] : memref<64x128xf32, #tpu.memory_space<vmem>>[vector<16xi32>, vector<16xi32>], vector<16xf32>,
      %gather3A_1195 = tpu.vector_load_idx %arg20[%add3A_139, %add3A_1190] : memref<64x128xf32, #tpu.memory_space<vmem>>[vector<16xi32>, vector<16xi32>], vector<16xf32>,
      %gather3A_1196 = tpu.vector_load_idx %arg21[%add3A_139, %add3A_1192] : memref<64x128xf32, #tpu.memory_space<vmem>>[vector<16xi32>, vector<16xi32>], vector<16xf32>,
      %gather3A_1197 = tpu.vector_load_idx %arg22[%add3A_139, %add3A_1192] : memref<64x128xf32, #tpu.memory_space<vmem>>[vector<16xi32>, vector<16xi32>], vector<16xf32>,
      %gather3A_1198 = tpu.vector_load_idx %arg23[%add3A_139, %add3A_1194] : memref<64x128xf32, #tpu.memory_space<vmem>>[vector<16xi32>, vector<16xi32>], vector<16xf32>,
      %gather3A_1199 = tpu.vector_load_idx %arg24[%add3A_139, %add3A_1194] : memref<64x128xf32, #tpu.memory_space<vmem>>[vector<16xi32>, vector<16xi32>], vector<16xf32>,
      %mul3A_1200 = arith.mulf %gather3A, %gather3A_1196 : vector<16xf32>
      %mul3A_1201 = arith.mulf %gather3A_1195, %gather3A_1197 : vector<16xf32>
      %add3A_1202 = arith.addf %mul3A_1200, %mul3A_1201 : vector<16xf32>
      %mul3A_1203 = arith.mulf %gather3A, %gather3A_1197 : vector<16xf32>
      %mul3A_1204 = arith.mulf %gather3A_1195, %gather3A_1196 : vector<16xf32>
      %sub3A = arith.subf %mul3A_1203, %mul3A_1204 : vector<16xf32>
      %mul3A_1205 = arith.mulf %gather3A_1198, %add3A_1202 : vector<16xf32>
      %mul3A_1206 = arith.mulf %gather3A_1199, %sub3A : vector<16xf32>
      %add3A_1207 = arith.addf %mul3A_1205, %mul3A_1206 : vector<16xf32>
      %add3A_1208 = arith.addf %scan3A_1188, %add3A_1207 : vector<16xf32>
      scf.yield %add3A_1208 : vector<16xf32>
    }
    %scan3A_153 = arith.constant 64 : i32
    %neg3A_154 = arith.constant 0.000000e+00 : f32
    %neg3A_155 = vector.broadcast %neg3A_154 : f32 to vector<16xf32>
    %neg3A_156 = arith.subf %neg3A_155, %scan3A_152 : vector<16xf32>
    %swap3A_157 = arith.constant 32 : index
    %swap3A_158 = tpu.vector_load %arg31[%swap3A_157] {strides = array<i32>} : memref<512xf32, #tpu.memory_space<vmem>>, vector<16xf32>,
    tpu.vector_store %arg31[%swap3A_157], %neg3A_156 {strides = array<i32>} : memref<512xf32, #tpu.memory_space<vmem>>, vector<16xf32>,
    %add3A_159 = arith.constant 48 : i32
    %add3A_160 = vector.broadcast %add3A_159 : i32 to vector<16xi32>
    %add3A_161 = arith.addi %iota3A, %add3A_160 : vector<16xi32>
    %get3A_162 = arith.constant 48 : index
    %get3A_163 = tpu.vector_load %arg16[%get3A_162] {strides = array<i32>} : memref<512xi32, #tpu.memory_space<vmem>>, vector<16xi32>,
    %get3A_164 = arith.constant 48 : index
    %get3A_165 = tpu.vector_load %arg17[%get3A_164] {strides = array<i32>} : memref<512xi32, #tpu.memory_space<vmem>>, vector<16xi32>,
    %get3A_166 = arith.constant 48 : index
    %get3A_167 = tpu.vector_load %arg18[%get3A_166] {strides = array<i32>} : memref<512xi32, #tpu.memory_space<vmem>>, vector<16xi32>,
    %broadcast_in_dim3A_168 = arith.constant 0.000000e+00 : f32
    %broadcast_in_dim3A_169 = vector.broadcast %broadcast_in_dim3A_168 : f32 to vector<16xf32>
    %scan3A_170 = arith.constant 0 : i32
    %scan3A_171 = arith.constant 64 : i32
    %scan3A_172 = arith.addi %scan3A_170, %scan3A_171 : i32
    %scan3A_173 = arith.constant 1 : i32
    %scan3A_174 = scf.for %scan3A_1187 = %scan3A_170 to %scan3A_172 step %scan3A_173 iter_args(%scan3A_1188 = %broadcast_in_dim3A_169) -> (vector<16xf32>)  : i32 {
      %add3A_1189 = vector.broadcast %scan3A_1187 : i32 to vector<16xi32>
      %add3A_1190 = arith.addi %get3A_163, %add3A_1189 : vector<16xi32>
      %add3A_1191 = vector.broadcast %scan3A_1187 : i32 to vector<16xi32>
      %add3A_1192 = arith.addi %get3A_165, %add3A_1191 : vector<16xi32>
      %add3A_1193 = vector.broadcast %scan3A_1187 : i32 to vector<16xi32>
      %add3A_1194 = arith.addi %get3A_167, %add3A_1193 : vector<16xi32>
      %gather3A = tpu.vector_load_idx %arg19[%add3A_161, %add3A_1190] : memref<64x128xf32, #tpu.memory_space<vmem>>[vector<16xi32>, vector<16xi32>], vector<16xf32>,
      %gather3A_1195 = tpu.vector_load_idx %arg20[%add3A_161, %add3A_1190] : memref<64x128xf32, #tpu.memory_space<vmem>>[vector<16xi32>, vector<16xi32>], vector<16xf32>,
      %gather3A_1196 = tpu.vector_load_idx %arg21[%add3A_161, %add3A_1192] : memref<64x128xf32, #tpu.memory_space<vmem>>[vector<16xi32>, vector<16xi32>], vector<16xf32>,
      %gather3A_1197 = tpu.vector_load_idx %arg22[%add3A_161, %add3A_1192] : memref<64x128xf32, #tpu.memory_space<vmem>>[vector<16xi32>, vector<16xi32>], vector<16xf32>,
      %gather3A_1198 = tpu.vector_load_idx %arg23[%add3A_161, %add3A_1194] : memref<64x128xf32, #tpu.memory_space<vmem>>[vector<16xi32>, vector<16xi32>], vector<16xf32>,
      %gather3A_1199 = tpu.vector_load_idx %arg24[%add3A_161, %add3A_1194] : memref<64x128xf32, #tpu.memory_space<vmem>>[vector<16xi32>, vector<16xi32>], vector<16xf32>,
      %mul3A_1200 = arith.mulf %gather3A, %gather3A_1196 : vector<16xf32>
      %mul3A_1201 = arith.mulf %gather3A_1195, %gather3A_1197 : vector<16xf32>
      %add3A_1202 = arith.addf %mul3A_1200, %mul3A_1201 : vector<16xf32>
      %mul3A_1203 = arith.mulf %gather3A, %gather3A_1197 : vector<16xf32>
      %mul3A_1204 = arith.mulf %gather3A_1195, %gather3A_1196 : vector<16xf32>
      %sub3A = arith.subf %mul3A_1203, %mul3A_1204 : vector<16xf32>
      %mul3A_1205 = arith.mulf %gather3A_1198, %add3A_1202 : vector<16xf32>
      %mul3A_1206 = arith.mulf %gather3A_1199, %sub3A : vector<16xf32>
      %add3A_1207 = arith.addf %mul3A_1205, %mul3A_1206 : vector<16xf32>
      %add3A_1208 = arith.addf %scan3A_1188, %add3A_1207 : vector<16xf32>
      scf.yield %add3A_1208 : vector<16xf32>
    }
    %scan3A_175 = arith.constant 64 : i32
    %neg3A_176 = arith.constant 0.000000e+00 : f32
    %neg3A_177 = vector.broadcast %neg3A_176 : f32 to vector<16xf32>
    %neg3A_178 = arith.subf %neg3A_177, %scan3A_174 : vector<16xf32>
    %swap3A_179 = arith.constant 48 : index
    %swap3A_180 = tpu.vector_load %arg31[%swap3A_179] {strides = array<i32>} : memref<512xf32, #tpu.memory_space<vmem>>, vector<16xf32>,
    tpu.vector_store %arg31[%swap3A_179], %neg3A_178 {strides = array<i32>} : memref<512xf32, #tpu.memory_space<vmem>>, vector<16xf32>,
    %dma_start3A_181 = arith.constant 128 : i32
    %dma_start3A_182 = tpu.memref_slice %arg13[%dma_start3A_181] : memref<512xi32, #tpu.memory_space<vmem>> -> memref<64xi32, #tpu.memory_space<vmem>>
    %dma_start3A_183 = arith.constant 0 : i32
    %dma_start3A_184 = arith.constant 0 : i32
    %dma_start3A_185 = tpu.memref_slice %arg5[%dma_start3A_183, %dma_start3A_184] : memref<500000x128xf32, #tpu.memory_space<hbm>> -> memref<500000x128xf32, #tpu.memory_space<hbm>>
    tpu.enqueue_indirect_dma source(%dma_start3A_185 : memref<500000x128xf32, #tpu.memory_space<hbm>>) target(%arg19 : memref<64x128xf32, #tpu.memory_space<vmem>>) offsets(%dma_start3A_182 : memref<64xi32, #tpu.memory_space<vmem>>) semaphore(%arg32 : memref<!tpu.dma_semaphore, #tpu.memory_space<semaphore_mem>>)
    %dma_start3A_186 = arith.constant 128 : i32
    %dma_start3A_187 = tpu.memref_slice %arg13[%dma_start3A_186] : memref<512xi32, #tpu.memory_space<vmem>> -> memref<64xi32, #tpu.memory_space<vmem>>
    %dma_start3A_188 = arith.constant 0 : i32
    %dma_start3A_189 = arith.constant 0 : i32
    %dma_start3A_190 = tpu.memref_slice %arg6[%dma_start3A_188, %dma_start3A_189] : memref<500000x128xf32, #tpu.memory_space<hbm>> -> memref<500000x128xf32, #tpu.memory_space<hbm>>
    tpu.enqueue_indirect_dma source(%dma_start3A_190 : memref<500000x128xf32, #tpu.memory_space<hbm>>) target(%arg20 : memref<64x128xf32, #tpu.memory_space<vmem>>) offsets(%dma_start3A_187 : memref<64xi32, #tpu.memory_space<vmem>>) semaphore(%arg32 : memref<!tpu.dma_semaphore, #tpu.memory_space<semaphore_mem>>)
    %dma_start3A_191 = arith.constant 128 : i32
    %dma_start3A_192 = tpu.memref_slice %arg14[%dma_start3A_191] : memref<512xi32, #tpu.memory_space<vmem>> -> memref<64xi32, #tpu.memory_space<vmem>>
    %dma_start3A_193 = arith.constant 0 : i32
    %dma_start3A_194 = arith.constant 0 : i32
    %dma_start3A_195 = tpu.memref_slice %arg5[%dma_start3A_193, %dma_start3A_194] : memref<500000x128xf32, #tpu.memory_space<hbm>> -> memref<500000x128xf32, #tpu.memory_space<hbm>>
    tpu.enqueue_indirect_dma source(%dma_start3A_195 : memref<500000x128xf32, #tpu.memory_space<hbm>>) target(%arg21 : memref<64x128xf32, #tpu.memory_space<vmem>>) offsets(%dma_start3A_192 : memref<64xi32, #tpu.memory_space<vmem>>) semaphore(%arg32 : memref<!tpu.dma_semaphore, #tpu.memory_space<semaphore_mem>>)
    %dma_start3A_196 = arith.constant 128 : i32
    %dma_start3A_197 = tpu.memref_slice %arg14[%dma_start3A_196] : memref<512xi32, #tpu.memory_space<vmem>> -> memref<64xi32, #tpu.memory_space<vmem>>
    %dma_start3A_198 = arith.constant 0 : i32
    %dma_start3A_199 = arith.constant 0 : i32
    %dma_start3A_200 = tpu.memref_slice %arg6[%dma_start3A_198, %dma_start3A_199] : memref<500000x128xf32, #tpu.memory_space<hbm>> -> memref<500000x128xf32, #tpu.memory_space<hbm>>
    tpu.enqueue_indirect_dma source(%dma_start3A_200 : memref<500000x128xf32, #tpu.memory_space<hbm>>) target(%arg22 : memref<64x128xf32, #tpu.memory_space<vmem>>) offsets(%dma_start3A_197 : memref<64xi32, #tpu.memory_space<vmem>>) semaphore(%arg32 : memref<!tpu.dma_semaphore, #tpu.memory_space<semaphore_mem>>)
    %dma_start3A_201 = arith.constant 128 : i32
    %dma_start3A_202 = tpu.memref_slice %arg15[%dma_start3A_201] : memref<512xi32, #tpu.memory_space<vmem>> -> memref<64xi32, #tpu.memory_space<vmem>>
    %dma_start3A_203 = arith.constant 0 : i32
    %dma_start3A_204 = arith.constant 0 : i32
    %dma_start3A_205 = tpu.memref_slice %arg7[%dma_start3A_203, %dma_start3A_204] : memref<500000x128xf32, #tpu.memory_space<hbm>> -> memref<500000x128xf32, #tpu.memory_space<hbm>>
    tpu.enqueue_indirect_dma source(%dma_start3A_205 : memref<500000x128xf32, #tpu.memory_space<hbm>>) target(%arg23 : memref<64x128xf32, #tpu.memory_space<vmem>>) offsets(%dma_start3A_202 : memref<64xi32, #tpu.memory_space<vmem>>) semaphore(%arg32 : memref<!tpu.dma_semaphore, #tpu.memory_space<semaphore_mem>>)
    %dma_start3A_206 = arith.constant 128 : i32
    %dma_start3A_207 = tpu.memref_slice %arg15[%dma_start3A_206] : memref<512xi32, #tpu.memory_space<vmem>> -> memref<64xi32, #tpu.memory_space<vmem>>
    %dma_start3A_208 = arith.constant 0 : i32
    %dma_start3A_209 = arith.constant 0 : i32
    %dma_start3A_210 = tpu.memref_slice %arg8[%dma_start3A_208, %dma_start3A_209] : memref<500000x128xf32, #tpu.memory_space<hbm>> -> memref<500000x128xf32, #tpu.memory_space<hbm>>
    tpu.enqueue_indirect_dma source(%dma_start3A_210 : memref<500000x128xf32, #tpu.memory_space<hbm>>) target(%arg24 : memref<64x128xf32, #tpu.memory_space<vmem>>) offsets(%dma_start3A_207 : memref<64xi32, #tpu.memory_space<vmem>>) semaphore(%arg32 : memref<!tpu.dma_semaphore, #tpu.memory_space<semaphore_mem>>)
    %dma_wait3A_211 = arith.constant 64 : i32
    %dma_wait3A_212 = tpu.memref_slice %arg13[%dma_wait3A_211] : memref<512xi32, #tpu.memory_space<vmem>> -> memref<64xi32, #tpu.memory_space<vmem>>
    %dma_wait3A_213 = arith.constant 0 : i32
    %dma_wait3A_214 = arith.constant 0 : i32
    %dma_wait3A_215 = tpu.memref_slice %arg5[%dma_wait3A_213, %dma_wait3A_214] : memref<500000x128xf32, #tpu.memory_space<hbm>> -> memref<500000x128xf32, #tpu.memory_space<hbm>>
    tpu.wait_indirect_dma semaphore(%arg33 : memref<!tpu.dma_semaphore, #tpu.memory_space<semaphore_mem>>) src(%dma_wait3A_215 : memref<500000x128xf32, #tpu.memory_space<hbm>>) dst(%arg25 : memref<64x128xf32, #tpu.memory_space<vmem>>)
    %dma_wait3A_216 = arith.constant 64 : i32
    %dma_wait3A_217 = tpu.memref_slice %arg13[%dma_wait3A_216] : memref<512xi32, #tpu.memory_space<vmem>> -> memref<64xi32, #tpu.memory_space<vmem>>
    %dma_wait3A_218 = arith.constant 0 : i32
    %dma_wait3A_219 = arith.constant 0 : i32
    %dma_wait3A_220 = tpu.memref_slice %arg6[%dma_wait3A_218, %dma_wait3A_219] : memref<500000x128xf32, #tpu.memory_space<hbm>> -> memref<500000x128xf32, #tpu.memory_space<hbm>>
    tpu.wait_indirect_dma semaphore(%arg33 : memref<!tpu.dma_semaphore, #tpu.memory_space<semaphore_mem>>) src(%dma_wait3A_220 : memref<500000x128xf32, #tpu.memory_space<hbm>>) dst(%arg26 : memref<64x128xf32, #tpu.memory_space<vmem>>)
    %dma_wait3A_221 = arith.constant 64 : i32
    %dma_wait3A_222 = tpu.memref_slice %arg14[%dma_wait3A_221] : memref<512xi32, #tpu.memory_space<vmem>> -> memref<64xi32, #tpu.memory_space<vmem>>
    %dma_wait3A_223 = arith.constant 0 : i32
    %dma_wait3A_224 = arith.constant 0 : i32
    %dma_wait3A_225 = tpu.memref_slice %arg5[%dma_wait3A_223, %dma_wait3A_224] : memref<500000x128xf32, #tpu.memory_space<hbm>> -> memref<500000x128xf32, #tpu.memory_space<hbm>>
    tpu.wait_indirect_dma semaphore(%arg33 : memref<!tpu.dma_semaphore, #tpu.memory_space<semaphore_mem>>) src(%dma_wait3A_225 : memref<500000x128xf32, #tpu.memory_space<hbm>>) dst(%arg27 : memref<64x128xf32, #tpu.memory_space<vmem>>)
    %dma_wait3A_226 = arith.constant 64 : i32
    %dma_wait3A_227 = tpu.memref_slice %arg14[%dma_wait3A_226] : memref<512xi32, #tpu.memory_space<vmem>> -> memref<64xi32, #tpu.memory_space<vmem>>
    %dma_wait3A_228 = arith.constant 0 : i32
    %dma_wait3A_229 = arith.constant 0 : i32
    %dma_wait3A_230 = tpu.memref_slice %arg6[%dma_wait3A_228, %dma_wait3A_229] : memref<500000x128xf32, #tpu.memory_space<hbm>> -> memref<500000x128xf32, #tpu.memory_space<hbm>>
    tpu.wait_indirect_dma semaphore(%arg33 : memref<!tpu.dma_semaphore, #tpu.memory_space<semaphore_mem>>) src(%dma_wait3A_230 : memref<500000x128xf32, #tpu.memory_space<hbm>>) dst(%arg28 : memref<64x128xf32, #tpu.memory_space<vmem>>)
    %dma_wait3A_231 = arith.constant 64 : i32
    %dma_wait3A_232 = tpu.memref_slice %arg15[%dma_wait3A_231] : memref<512xi32, #tpu.memory_space<vmem>> -> memref<64xi32, #tpu.memory_space<vmem>>
    %dma_wait3A_233 = arith.constant 0 : i32
    %dma_wait3A_234 = arith.constant 0 : i32
    %dma_wait3A_235 = tpu.memref_slice %arg7[%dma_wait3A_233, %dma_wait3A_234] : memref<500000x128xf32, #tpu.memory_space<hbm>> -> memref<500000x128xf32, #tpu.memory_space<hbm>>
    tpu.wait_indirect_dma semaphore(%arg33 : memref<!tpu.dma_semaphore, #tpu.memory_space<semaphore_mem>>) src(%dma_wait3A_235 : memref<500000x128xf32, #tpu.memory_space<hbm>>) dst(%arg29 : memref<64x128xf32, #tpu.memory_space<vmem>>)
    %dma_wait3A_236 = arith.constant 64 : i32
    %dma_wait3A_237 = tpu.memref_slice %arg15[%dma_wait3A_236] : memref<512xi32, #tpu.memory_space<vmem>> -> memref<64xi32, #tpu.memory_space<vmem>>
    %dma_wait3A_238 = arith.constant 0 : i32
    %dma_wait3A_239 = arith.constant 0 : i32
    %dma_wait3A_240 = tpu.memref_slice %arg8[%dma_wait3A_238, %dma_wait3A_239] : memref<500000x128xf32, #tpu.memory_space<hbm>> -> memref<500000x128xf32, #tpu.memory_space<hbm>>
    tpu.wait_indirect_dma semaphore(%arg33 : memref<!tpu.dma_semaphore, #tpu.memory_space<semaphore_mem>>) src(%dma_wait3A_240 : memref<500000x128xf32, #tpu.memory_space<hbm>>) dst(%arg30 : memref<64x128xf32, #tpu.memory_space<vmem>>)
    %add3A_241 = arith.constant 0 : i32
    %add3A_242 = vector.broadcast %add3A_241 : i32 to vector<16xi32>
    %add3A_243 = arith.addi %iota3A, %add3A_242 : vector<16xi32>
    %get3A_244 = arith.constant 64 : index
    %get3A_245 = tpu.vector_load %arg16[%get3A_244] {strides = array<i32>} : memref<512xi32, #tpu.memory_space<vmem>>, vector<16xi32>,
    %get3A_246 = arith.constant 64 : index
    %get3A_247 = tpu.vector_load %arg17[%get3A_246] {strides = array<i32>} : memref<512xi32, #tpu.memory_space<vmem>>, vector<16xi32>,
    %get3A_248 = arith.constant 64 : index
    %get3A_249 = tpu.vector_load %arg18[%get3A_248] {strides = array<i32>} : memref<512xi32, #tpu.memory_space<vmem>>, vector<16xi32>,
    %broadcast_in_dim3A_250 = arith.constant 0.000000e+00 : f32
    %broadcast_in_dim3A_251 = vector.broadcast %broadcast_in_dim3A_250 : f32 to vector<16xf32>
    %scan3A_252 = arith.constant 0 : i32
    %scan3A_253 = arith.constant 64 : i32
    %scan3A_254 = arith.addi %scan3A_252, %scan3A_253 : i32
    %scan3A_255 = arith.constant 1 : i32
    %scan3A_256 = scf.for %scan3A_1187 = %scan3A_252 to %scan3A_254 step %scan3A_255 iter_args(%scan3A_1188 = %broadcast_in_dim3A_251) -> (vector<16xf32>)  : i32 {
      %add3A_1189 = vector.broadcast %scan3A_1187 : i32 to vector<16xi32>
      %add3A_1190 = arith.addi %get3A_245, %add3A_1189 : vector<16xi32>
      %add3A_1191 = vector.broadcast %scan3A_1187 : i32 to vector<16xi32>
      %add3A_1192 = arith.addi %get3A_247, %add3A_1191 : vector<16xi32>
      %add3A_1193 = vector.broadcast %scan3A_1187 : i32 to vector<16xi32>
      %add3A_1194 = arith.addi %get3A_249, %add3A_1193 : vector<16xi32>
      %gather3A = tpu.vector_load_idx %arg25[%add3A_243, %add3A_1190] : memref<64x128xf32, #tpu.memory_space<vmem>>[vector<16xi32>, vector<16xi32>], vector<16xf32>,
      %gather3A_1195 = tpu.vector_load_idx %arg26[%add3A_243, %add3A_1190] : memref<64x128xf32, #tpu.memory_space<vmem>>[vector<16xi32>, vector<16xi32>], vector<16xf32>,
      %gather3A_1196 = tpu.vector_load_idx %arg27[%add3A_243, %add3A_1192] : memref<64x128xf32, #tpu.memory_space<vmem>>[vector<16xi32>, vector<16xi32>], vector<16xf32>,
      %gather3A_1197 = tpu.vector_load_idx %arg28[%add3A_243, %add3A_1192] : memref<64x128xf32, #tpu.memory_space<vmem>>[vector<16xi32>, vector<16xi32>], vector<16xf32>,
      %gather3A_1198 = tpu.vector_load_idx %arg29[%add3A_243, %add3A_1194] : memref<64x128xf32, #tpu.memory_space<vmem>>[vector<16xi32>, vector<16xi32>], vector<16xf32>,
      %gather3A_1199 = tpu.vector_load_idx %arg30[%add3A_243, %add3A_1194] : memref<64x128xf32, #tpu.memory_space<vmem>>[vector<16xi32>, vector<16xi32>], vector<16xf32>,
      %mul3A_1200 = arith.mulf %gather3A, %gather3A_1196 : vector<16xf32>
      %mul3A_1201 = arith.mulf %gather3A_1195, %gather3A_1197 : vector<16xf32>
      %add3A_1202 = arith.addf %mul3A_1200, %mul3A_1201 : vector<16xf32>
      %mul3A_1203 = arith.mulf %gather3A, %gather3A_1197 : vector<16xf32>
      %mul3A_1204 = arith.mulf %gather3A_1195, %gather3A_1196 : vector<16xf32>
      %sub3A = arith.subf %mul3A_1203, %mul3A_1204 : vector<16xf32>
      %mul3A_1205 = arith.mulf %gather3A_1198, %add3A_1202 : vector<16xf32>
      %mul3A_1206 = arith.mulf %gather3A_1199, %sub3A : vector<16xf32>
      %add3A_1207 = arith.addf %mul3A_1205, %mul3A_1206 : vector<16xf32>
      %add3A_1208 = arith.addf %scan3A_1188, %add3A_1207 : vector<16xf32>
      scf.yield %add3A_1208 : vector<16xf32>
    }
    %scan3A_257 = arith.constant 64 : i32
    %neg3A_258 = arith.constant 0.000000e+00 : f32
    %neg3A_259 = vector.broadcast %neg3A_258 : f32 to vector<16xf32>
    %neg3A_260 = arith.subf %neg3A_259, %scan3A_256 : vector<16xf32>
    %swap3A_261 = arith.constant 64 : index
    %swap3A_262 = tpu.vector_load %arg31[%swap3A_261] {strides = array<i32>} : memref<512xf32, #tpu.memory_space<vmem>>, vector<16xf32>,
    tpu.vector_store %arg31[%swap3A_261], %neg3A_260 {strides = array<i32>} : memref<512xf32, #tpu.memory_space<vmem>>, vector<16xf32>,
    %add3A_263 = arith.constant 16 : i32
    %add3A_264 = vector.broadcast %add3A_263 : i32 to vector<16xi32>
    %add3A_265 = arith.addi %iota3A, %add3A_264 : vector<16xi32>
    %get3A_266 = arith.constant 80 : index
    %get3A_267 = tpu.vector_load %arg16[%get3A_266] {strides = array<i32>} : memref<512xi32, #tpu.memory_space<vmem>>, vector<16xi32>,
    %get3A_268 = arith.constant 80 : index
    %get3A_269 = tpu.vector_load %arg17[%get3A_268] {strides = array<i32>} : memref<512xi32, #tpu.memory_space<vmem>>, vector<16xi32>,
    %get3A_270 = arith.constant 80 : index
    %get3A_271 = tpu.vector_load %arg18[%get3A_270] {strides = array<i32>} : memref<512xi32, #tpu.memory_space<vmem>>, vector<16xi32>,
    %broadcast_in_dim3A_272 = arith.constant 0.000000e+00 : f32
    %broadcast_in_dim3A_273 = vector.broadcast %broadcast_in_dim3A_272 : f32 to vector<16xf32>
    %scan3A_274 = arith.constant 0 : i32
    %scan3A_275 = arith.constant 64 : i32
    %scan3A_276 = arith.addi %scan3A_274, %scan3A_275 : i32
    %scan3A_277 = arith.constant 1 : i32
    %scan3A_278 = scf.for %scan3A_1187 = %scan3A_274 to %scan3A_276 step %scan3A_277 iter_args(%scan3A_1188 = %broadcast_in_dim3A_273) -> (vector<16xf32>)  : i32 {
      %add3A_1189 = vector.broadcast %scan3A_1187 : i32 to vector<16xi32>
      %add3A_1190 = arith.addi %get3A_267, %add3A_1189 : vector<16xi32>
      %add3A_1191 = vector.broadcast %scan3A_1187 : i32 to vector<16xi32>
      %add3A_1192 = arith.addi %get3A_269, %add3A_1191 : vector<16xi32>
      %add3A_1193 = vector.broadcast %scan3A_1187 : i32 to vector<16xi32>
      %add3A_1194 = arith.addi %get3A_271, %add3A_1193 : vector<16xi32>
      %gather3A = tpu.vector_load_idx %arg25[%add3A_265, %add3A_1190] : memref<64x128xf32, #tpu.memory_space<vmem>>[vector<16xi32>, vector<16xi32>], vector<16xf32>,
      %gather3A_1195 = tpu.vector_load_idx %arg26[%add3A_265, %add3A_1190] : memref<64x128xf32, #tpu.memory_space<vmem>>[vector<16xi32>, vector<16xi32>], vector<16xf32>,
      %gather3A_1196 = tpu.vector_load_idx %arg27[%add3A_265, %add3A_1192] : memref<64x128xf32, #tpu.memory_space<vmem>>[vector<16xi32>, vector<16xi32>], vector<16xf32>,
      %gather3A_1197 = tpu.vector_load_idx %arg28[%add3A_265, %add3A_1192] : memref<64x128xf32, #tpu.memory_space<vmem>>[vector<16xi32>, vector<16xi32>], vector<16xf32>,
      %gather3A_1198 = tpu.vector_load_idx %arg29[%add3A_265, %add3A_1194] : memref<64x128xf32, #tpu.memory_space<vmem>>[vector<16xi32>, vector<16xi32>], vector<16xf32>,
      %gather3A_1199 = tpu.vector_load_idx %arg30[%add3A_265, %add3A_1194] : memref<64x128xf32, #tpu.memory_space<vmem>>[vector<16xi32>, vector<16xi32>], vector<16xf32>,
      %mul3A_1200 = arith.mulf %gather3A, %gather3A_1196 : vector<16xf32>
      %mul3A_1201 = arith.mulf %gather3A_1195, %gather3A_1197 : vector<16xf32>
      %add3A_1202 = arith.addf %mul3A_1200, %mul3A_1201 : vector<16xf32>
      %mul3A_1203 = arith.mulf %gather3A, %gather3A_1197 : vector<16xf32>
      %mul3A_1204 = arith.mulf %gather3A_1195, %gather3A_1196 : vector<16xf32>
      %sub3A = arith.subf %mul3A_1203, %mul3A_1204 : vector<16xf32>
      %mul3A_1205 = arith.mulf %gather3A_1198, %add3A_1202 : vector<16xf32>
      %mul3A_1206 = arith.mulf %gather3A_1199, %sub3A : vector<16xf32>
      %add3A_1207 = arith.addf %mul3A_1205, %mul3A_1206 : vector<16xf32>
      %add3A_1208 = arith.addf %scan3A_1188, %add3A_1207 : vector<16xf32>
      scf.yield %add3A_1208 : vector<16xf32>
    }
    %scan3A_279 = arith.constant 64 : i32
    %neg3A_280 = arith.constant 0.000000e+00 : f32
    %neg3A_281 = vector.broadcast %neg3A_280 : f32 to vector<16xf32>
    %neg3A_282 = arith.subf %neg3A_281, %scan3A_278 : vector<16xf32>
    %swap3A_283 = arith.constant 80 : index
    %swap3A_284 = tpu.vector_load %arg31[%swap3A_283] {strides = array<i32>} : memref<512xf32, #tpu.memory_space<vmem>>, vector<16xf32>,
    tpu.vector_store %arg31[%swap3A_283], %neg3A_282 {strides = array<i32>} : memref<512xf32, #tpu.memory_space<vmem>>, vector<16xf32>,
    %add3A_285 = arith.constant 32 : i32
    %add3A_286 = vector.broadcast %add3A_285 : i32 to vector<16xi32>
    %add3A_287 = arith.addi %iota3A, %add3A_286 : vector<16xi32>
    %get3A_288 = arith.constant 96 : index
    %get3A_289 = tpu.vector_load %arg16[%get3A_288] {strides = array<i32>} : memref<512xi32, #tpu.memory_space<vmem>>, vector<16xi32>,
    %get3A_290 = arith.constant 96 : index
    %get3A_291 = tpu.vector_load %arg17[%get3A_290] {strides = array<i32>} : memref<512xi32, #tpu.memory_space<vmem>>, vector<16xi32>,
    %get3A_292 = arith.constant 96 : index
    %get3A_293 = tpu.vector_load %arg18[%get3A_292] {strides = array<i32>} : memref<512xi32, #tpu.memory_space<vmem>>, vector<16xi32>,
    %broadcast_in_dim3A_294 = arith.constant 0.000000e+00 : f32
    %broadcast_in_dim3A_295 = vector.broadcast %broadcast_in_dim3A_294 : f32 to vector<16xf32>
    %scan3A_296 = arith.constant 0 : i32
    %scan3A_297 = arith.constant 64 : i32
    %scan3A_298 = arith.addi %scan3A_296, %scan3A_297 : i32
    %scan3A_299 = arith.constant 1 : i32
    %scan3A_300 = scf.for %scan3A_1187 = %scan3A_296 to %scan3A_298 step %scan3A_299 iter_args(%scan3A_1188 = %broadcast_in_dim3A_295) -> (vector<16xf32>)  : i32 {
      %add3A_1189 = vector.broadcast %scan3A_1187 : i32 to vector<16xi32>
      %add3A_1190 = arith.addi %get3A_289, %add3A_1189 : vector<16xi32>
      %add3A_1191 = vector.broadcast %scan3A_1187 : i32 to vector<16xi32>
      %add3A_1192 = arith.addi %get3A_291, %add3A_1191 : vector<16xi32>
      %add3A_1193 = vector.broadcast %scan3A_1187 : i32 to vector<16xi32>
      %add3A_1194 = arith.addi %get3A_293, %add3A_1193 : vector<16xi32>
      %gather3A = tpu.vector_load_idx %arg25[%add3A_287, %add3A_1190] : memref<64x128xf32, #tpu.memory_space<vmem>>[vector<16xi32>, vector<16xi32>], vector<16xf32>,
      %gather3A_1195 = tpu.vector_load_idx %arg26[%add3A_287, %add3A_1190] : memref<64x128xf32, #tpu.memory_space<vmem>>[vector<16xi32>, vector<16xi32>], vector<16xf32>,
      %gather3A_1196 = tpu.vector_load_idx %arg27[%add3A_287, %add3A_1192] : memref<64x128xf32, #tpu.memory_space<vmem>>[vector<16xi32>, vector<16xi32>], vector<16xf32>,
      %gather3A_1197 = tpu.vector_load_idx %arg28[%add3A_287, %add3A_1192] : memref<64x128xf32, #tpu.memory_space<vmem>>[vector<16xi32>, vector<16xi32>], vector<16xf32>,
      %gather3A_1198 = tpu.vector_load_idx %arg29[%add3A_287, %add3A_1194] : memref<64x128xf32, #tpu.memory_space<vmem>>[vector<16xi32>, vector<16xi32>], vector<16xf32>,
      %gather3A_1199 = tpu.vector_load_idx %arg30[%add3A_287, %add3A_1194] : memref<64x128xf32, #tpu.memory_space<vmem>>[vector<16xi32>, vector<16xi32>], vector<16xf32>,
      %mul3A_1200 = arith.mulf %gather3A, %gather3A_1196 : vector<16xf32>
      %mul3A_1201 = arith.mulf %gather3A_1195, %gather3A_1197 : vector<16xf32>
      %add3A_1202 = arith.addf %mul3A_1200, %mul3A_1201 : vector<16xf32>
      %mul3A_1203 = arith.mulf %gather3A, %gather3A_1197 : vector<16xf32>
      %mul3A_1204 = arith.mulf %gather3A_1195, %gather3A_1196 : vector<16xf32>
      %sub3A = arith.subf %mul3A_1203, %mul3A_1204 : vector<16xf32>
      %mul3A_1205 = arith.mulf %gather3A_1198, %add3A_1202 : vector<16xf32>
      %mul3A_1206 = arith.mulf %gather3A_1199, %sub3A : vector<16xf32>
      %add3A_1207 = arith.addf %mul3A_1205, %mul3A_1206 : vector<16xf32>
      %add3A_1208 = arith.addf %scan3A_1188, %add3A_1207 : vector<16xf32>
      scf.yield %add3A_1208 : vector<16xf32>
    }
    %scan3A_301 = arith.constant 64 : i32
    %neg3A_302 = arith.constant 0.000000e+00 : f32
    %neg3A_303 = vector.broadcast %neg3A_302 : f32 to vector<16xf32>
    %neg3A_304 = arith.subf %neg3A_303, %scan3A_300 : vector<16xf32>
    %swap3A_305 = arith.constant 96 : index
    %swap3A_306 = tpu.vector_load %arg31[%swap3A_305] {strides = array<i32>} : memref<512xf32, #tpu.memory_space<vmem>>, vector<16xf32>,
    tpu.vector_store %arg31[%swap3A_305], %neg3A_304 {strides = array<i32>} : memref<512xf32, #tpu.memory_space<vmem>>, vector<16xf32>,
    %add3A_307 = arith.constant 48 : i32
    %add3A_308 = vector.broadcast %add3A_307 : i32 to vector<16xi32>
    %add3A_309 = arith.addi %iota3A, %add3A_308 : vector<16xi32>
    %get3A_310 = arith.constant 112 : index
    %get3A_311 = tpu.vector_load %arg16[%get3A_310] {strides = array<i32>} : memref<512xi32, #tpu.memory_space<vmem>>, vector<16xi32>,
    %get3A_312 = arith.constant 112 : index
    %get3A_313 = tpu.vector_load %arg17[%get3A_312] {strides = array<i32>} : memref<512xi32, #tpu.memory_space<vmem>>, vector<16xi32>,
    %get3A_314 = arith.constant 112 : index
    %get3A_315 = tpu.vector_load %arg18[%get3A_314] {strides = array<i32>} : memref<512xi32, #tpu.memory_space<vmem>>, vector<16xi32>,
    %broadcast_in_dim3A_316 = arith.constant 0.000000e+00 : f32
    %broadcast_in_dim3A_317 = vector.broadcast %broadcast_in_dim3A_316 : f32 to vector<16xf32>
    %scan3A_318 = arith.constant 0 : i32
    %scan3A_319 = arith.constant 64 : i32
    %scan3A_320 = arith.addi %scan3A_318, %scan3A_319 : i32
    %scan3A_321 = arith.constant 1 : i32
    %scan3A_322 = scf.for %scan3A_1187 = %scan3A_318 to %scan3A_320 step %scan3A_321 iter_args(%scan3A_1188 = %broadcast_in_dim3A_317) -> (vector<16xf32>)  : i32 {
      %add3A_1189 = vector.broadcast %scan3A_1187 : i32 to vector<16xi32>
      %add3A_1190 = arith.addi %get3A_311, %add3A_1189 : vector<16xi32>
      %add3A_1191 = vector.broadcast %scan3A_1187 : i32 to vector<16xi32>
      %add3A_1192 = arith.addi %get3A_313, %add3A_1191 : vector<16xi32>
      %add3A_1193 = vector.broadcast %scan3A_1187 : i32 to vector<16xi32>
      %add3A_1194 = arith.addi %get3A_315, %add3A_1193 : vector<16xi32>
      %gather3A = tpu.vector_load_idx %arg25[%add3A_309, %add3A_1190] : memref<64x128xf32, #tpu.memory_space<vmem>>[vector<16xi32>, vector<16xi32>], vector<16xf32>,
      %gather3A_1195 = tpu.vector_load_idx %arg26[%add3A_309, %add3A_1190] : memref<64x128xf32, #tpu.memory_space<vmem>>[vector<16xi32>, vector<16xi32>], vector<16xf32>,
      %gather3A_1196 = tpu.vector_load_idx %arg27[%add3A_309, %add3A_1192] : memref<64x128xf32, #tpu.memory_space<vmem>>[vector<16xi32>, vector<16xi32>], vector<16xf32>,
      %gather3A_1197 = tpu.vector_load_idx %arg28[%add3A_309, %add3A_1192] : memref<64x128xf32, #tpu.memory_space<vmem>>[vector<16xi32>, vector<16xi32>], vector<16xf32>,
      %gather3A_1198 = tpu.vector_load_idx %arg29[%add3A_309, %add3A_1194] : memref<64x128xf32, #tpu.memory_space<vmem>>[vector<16xi32>, vector<16xi32>], vector<16xf32>,
      %gather3A_1199 = tpu.vector_load_idx %arg30[%add3A_309, %add3A_1194] : memref<64x128xf32, #tpu.memory_space<vmem>>[vector<16xi32>, vector<16xi32>], vector<16xf32>,
      %mul3A_1200 = arith.mulf %gather3A, %gather3A_1196 : vector<16xf32>
      %mul3A_1201 = arith.mulf %gather3A_1195, %gather3A_1197 : vector<16xf32>
      %add3A_1202 = arith.addf %mul3A_1200, %mul3A_1201 : vector<16xf32>
      %mul3A_1203 = arith.mulf %gather3A, %gather3A_1197 : vector<16xf32>
      %mul3A_1204 = arith.mulf %gather3A_1195, %gather3A_1196 : vector<16xf32>
      %sub3A = arith.subf %mul3A_1203, %mul3A_1204 : vector<16xf32>
      %mul3A_1205 = arith.mulf %gather3A_1198, %add3A_1202 : vector<16xf32>
      %mul3A_1206 = arith.mulf %gather3A_1199, %sub3A : vector<16xf32>
      %add3A_1207 = arith.addf %mul3A_1205, %mul3A_1206 : vector<16xf32>
      %add3A_1208 = arith.addf %scan3A_1188, %add3A_1207 : vector<16xf32>
      scf.yield %add3A_1208 : vector<16xf32>
    }
    %scan3A_323 = arith.constant 64 : i32
    %neg3A_324 = arith.constant 0.000000e+00 : f32
    %neg3A_325 = vector.broadcast %neg3A_324 : f32 to vector<16xf32>
    %neg3A_326 = arith.subf %neg3A_325, %scan3A_322 : vector<16xf32>
    %swap3A_327 = arith.constant 112 : index
    %swap3A_328 = tpu.vector_load %arg31[%swap3A_327] {strides = array<i32>} : memref<512xf32, #tpu.memory_space<vmem>>, vector<16xf32>,
    tpu.vector_store %arg31[%swap3A_327], %neg3A_326 {strides = array<i32>} : memref<512xf32, #tpu.memory_space<vmem>>, vector<16xf32>,
    %dma_start3A_329 = arith.constant 192 : i32
    %dma_start3A_330 = tpu.memref_slice %arg13[%dma_start3A_329] : memref<512xi32, #tpu.memory_space<vmem>> -> memref<64xi32, #tpu.memory_space<vmem>>
    %dma_start3A_331 = arith.constant 0 : i32
    %dma_start3A_332 = arith.constant 0 : i32
    %dma_start3A_333 = tpu.memref_slice %arg5[%dma_start3A_331, %dma_start3A_332] : memref<500000x128xf32, #tpu.memory_space<hbm>> -> memref<500000x128xf32, #tpu.memory_space<hbm>>
    tpu.enqueue_indirect_dma source(%dma_start3A_333 : memref<500000x128xf32, #tpu.memory_space<hbm>>) target(%arg25 : memref<64x128xf32, #tpu.memory_space<vmem>>) offsets(%dma_start3A_330 : memref<64xi32, #tpu.memory_space<vmem>>) semaphore(%arg33 : memref<!tpu.dma_semaphore, #tpu.memory_space<semaphore_mem>>)
    %dma_start3A_334 = arith.constant 192 : i32
    %dma_start3A_335 = tpu.memref_slice %arg13[%dma_start3A_334] : memref<512xi32, #tpu.memory_space<vmem>> -> memref<64xi32, #tpu.memory_space<vmem>>
    %dma_start3A_336 = arith.constant 0 : i32
    %dma_start3A_337 = arith.constant 0 : i32
    %dma_start3A_338 = tpu.memref_slice %arg6[%dma_start3A_336, %dma_start3A_337] : memref<500000x128xf32, #tpu.memory_space<hbm>> -> memref<500000x128xf32, #tpu.memory_space<hbm>>
    tpu.enqueue_indirect_dma source(%dma_start3A_338 : memref<500000x128xf32, #tpu.memory_space<hbm>>) target(%arg26 : memref<64x128xf32, #tpu.memory_space<vmem>>) offsets(%dma_start3A_335 : memref<64xi32, #tpu.memory_space<vmem>>) semaphore(%arg33 : memref<!tpu.dma_semaphore, #tpu.memory_space<semaphore_mem>>)
    %dma_start3A_339 = arith.constant 192 : i32
    %dma_start3A_340 = tpu.memref_slice %arg14[%dma_start3A_339] : memref<512xi32, #tpu.memory_space<vmem>> -> memref<64xi32, #tpu.memory_space<vmem>>
    %dma_start3A_341 = arith.constant 0 : i32
    %dma_start3A_342 = arith.constant 0 : i32
    %dma_start3A_343 = tpu.memref_slice %arg5[%dma_start3A_341, %dma_start3A_342] : memref<500000x128xf32, #tpu.memory_space<hbm>> -> memref<500000x128xf32, #tpu.memory_space<hbm>>
    tpu.enqueue_indirect_dma source(%dma_start3A_343 : memref<500000x128xf32, #tpu.memory_space<hbm>>) target(%arg27 : memref<64x128xf32, #tpu.memory_space<vmem>>) offsets(%dma_start3A_340 : memref<64xi32, #tpu.memory_space<vmem>>) semaphore(%arg33 : memref<!tpu.dma_semaphore, #tpu.memory_space<semaphore_mem>>)
    %dma_start3A_344 = arith.constant 192 : i32
    %dma_start3A_345 = tpu.memref_slice %arg14[%dma_start3A_344] : memref<512xi32, #tpu.memory_space<vmem>> -> memref<64xi32, #tpu.memory_space<vmem>>
    %dma_start3A_346 = arith.constant 0 : i32
    %dma_start3A_347 = arith.constant 0 : i32
    %dma_start3A_348 = tpu.memref_slice %arg6[%dma_start3A_346, %dma_start3A_347] : memref<500000x128xf32, #tpu.memory_space<hbm>> -> memref<500000x128xf32, #tpu.memory_space<hbm>>
    tpu.enqueue_indirect_dma source(%dma_start3A_348 : memref<500000x128xf32, #tpu.memory_space<hbm>>) target(%arg28 : memref<64x128xf32, #tpu.memory_space<vmem>>) offsets(%dma_start3A_345 : memref<64xi32, #tpu.memory_space<vmem>>) semaphore(%arg33 : memref<!tpu.dma_semaphore, #tpu.memory_space<semaphore_mem>>)
    %dma_start3A_349 = arith.constant 192 : i32
    %dma_start3A_350 = tpu.memref_slice %arg15[%dma_start3A_349] : memref<512xi32, #tpu.memory_space<vmem>> -> memref<64xi32, #tpu.memory_space<vmem>>
    %dma_start3A_351 = arith.constant 0 : i32
    %dma_start3A_352 = arith.constant 0 : i32
    %dma_start3A_353 = tpu.memref_slice %arg7[%dma_start3A_351, %dma_start3A_352] : memref<500000x128xf32, #tpu.memory_space<hbm>> -> memref<500000x128xf32, #tpu.memory_space<hbm>>
    tpu.enqueue_indirect_dma source(%dma_start3A_353 : memref<500000x128xf32, #tpu.memory_space<hbm>>) target(%arg29 : memref<64x128xf32, #tpu.memory_space<vmem>>) offsets(%dma_start3A_350 : memref<64xi32, #tpu.memory_space<vmem>>) semaphore(%arg33 : memref<!tpu.dma_semaphore, #tpu.memory_space<semaphore_mem>>)
    %dma_start3A_354 = arith.constant 192 : i32
    %dma_start3A_355 = tpu.memref_slice %arg15[%dma_start3A_354] : memref<512xi32, #tpu.memory_space<vmem>> -> memref<64xi32, #tpu.memory_space<vmem>>
    %dma_start3A_356 = arith.constant 0 : i32
    %dma_start3A_357 = arith.constant 0 : i32
    %dma_start3A_358 = tpu.memref_slice %arg8[%dma_start3A_356, %dma_start3A_357] : memref<500000x128xf32, #tpu.memory_space<hbm>> -> memref<500000x128xf32, #tpu.memory_space<hbm>>
    tpu.enqueue_indirect_dma source(%dma_start3A_358 : memref<500000x128xf32, #tpu.memory_space<hbm>>) target(%arg30 : memref<64x128xf32, #tpu.memory_space<vmem>>) offsets(%dma_start3A_355 : memref<64xi32, #tpu.memory_space<vmem>>) semaphore(%arg33 : memref<!tpu.dma_semaphore, #tpu.memory_space<semaphore_mem>>)
    %dma_wait3A_359 = arith.constant 128 : i32
    %dma_wait3A_360 = tpu.memref_slice %arg13[%dma_wait3A_359] : memref<512xi32, #tpu.memory_space<vmem>> -> memref<64xi32, #tpu.memory_space<vmem>>
    %dma_wait3A_361 = arith.constant 0 : i32
    %dma_wait3A_362 = arith.constant 0 : i32
    %dma_wait3A_363 = tpu.memref_slice %arg5[%dma_wait3A_361, %dma_wait3A_362] : memref<500000x128xf32, #tpu.memory_space<hbm>> -> memref<500000x128xf32, #tpu.memory_space<hbm>>
    tpu.wait_indirect_dma semaphore(%arg32 : memref<!tpu.dma_semaphore, #tpu.memory_space<semaphore_mem>>) src(%dma_wait3A_363 : memref<500000x128xf32, #tpu.memory_space<hbm>>) dst(%arg19 : memref<64x128xf32, #tpu.memory_space<vmem>>)
    %dma_wait3A_364 = arith.constant 128 : i32
    %dma_wait3A_365 = tpu.memref_slice %arg13[%dma_wait3A_364] : memref<512xi32, #tpu.memory_space<vmem>> -> memref<64xi32, #tpu.memory_space<vmem>>
    %dma_wait3A_366 = arith.constant 0 : i32
    %dma_wait3A_367 = arith.constant 0 : i32
    %dma_wait3A_368 = tpu.memref_slice %arg6[%dma_wait3A_366, %dma_wait3A_367] : memref<500000x128xf32, #tpu.memory_space<hbm>> -> memref<500000x128xf32, #tpu.memory_space<hbm>>
    tpu.wait_indirect_dma semaphore(%arg32 : memref<!tpu.dma_semaphore, #tpu.memory_space<semaphore_mem>>) src(%dma_wait3A_368 : memref<500000x128xf32, #tpu.memory_space<hbm>>) dst(%arg20 : memref<64x128xf32, #tpu.memory_space<vmem>>)
    %dma_wait3A_369 = arith.constant 128 : i32
    %dma_wait3A_370 = tpu.memref_slice %arg14[%dma_wait3A_369] : memref<512xi32, #tpu.memory_space<vmem>> -> memref<64xi32, #tpu.memory_space<vmem>>
    %dma_wait3A_371 = arith.constant 0 : i32
    %dma_wait3A_372 = arith.constant 0 : i32
    %dma_wait3A_373 = tpu.memref_slice %arg5[%dma_wait3A_371, %dma_wait3A_372] : memref<500000x128xf32, #tpu.memory_space<hbm>> -> memref<500000x128xf32, #tpu.memory_space<hbm>>
    tpu.wait_indirect_dma semaphore(%arg32 : memref<!tpu.dma_semaphore, #tpu.memory_space<semaphore_mem>>) src(%dma_wait3A_373 : memref<500000x128xf32, #tpu.memory_space<hbm>>) dst(%arg21 : memref<64x128xf32, #tpu.memory_space<vmem>>)
    %dma_wait3A_374 = arith.constant 128 : i32
    %dma_wait3A_375 = tpu.memref_slice %arg14[%dma_wait3A_374] : memref<512xi32, #tpu.memory_space<vmem>> -> memref<64xi32, #tpu.memory_space<vmem>>
    %dma_wait3A_376 = arith.constant 0 : i32
    %dma_wait3A_377 = arith.constant 0 : i32
    %dma_wait3A_378 = tpu.memref_slice %arg6[%dma_wait3A_376, %dma_wait3A_377] : memref<500000x128xf32, #tpu.memory_space<hbm>> -> memref<500000x128xf32, #tpu.memory_space<hbm>>
    tpu.wait_indirect_dma semaphore(%arg32 : memref<!tpu.dma_semaphore, #tpu.memory_space<semaphore_mem>>) src(%dma_wait3A_378 : memref<500000x128xf32, #tpu.memory_space<hbm>>) dst(%arg22 : memref<64x128xf32, #tpu.memory_space<vmem>>)
    %dma_wait3A_379 = arith.constant 128 : i32
    %dma_wait3A_380 = tpu.memref_slice %arg15[%dma_wait3A_379] : memref<512xi32, #tpu.memory_space<vmem>> -> memref<64xi32, #tpu.memory_space<vmem>>
    %dma_wait3A_381 = arith.constant 0 : i32
    %dma_wait3A_382 = arith.constant 0 : i32
    %dma_wait3A_383 = tpu.memref_slice %arg7[%dma_wait3A_381, %dma_wait3A_382] : memref<500000x128xf32, #tpu.memory_space<hbm>> -> memref<500000x128xf32, #tpu.memory_space<hbm>>
    tpu.wait_indirect_dma semaphore(%arg32 : memref<!tpu.dma_semaphore, #tpu.memory_space<semaphore_mem>>) src(%dma_wait3A_383 : memref<500000x128xf32, #tpu.memory_space<hbm>>) dst(%arg23 : memref<64x128xf32, #tpu.memory_space<vmem>>)
    %dma_wait3A_384 = arith.constant 128 : i32
    %dma_wait3A_385 = tpu.memref_slice %arg15[%dma_wait3A_384] : memref<512xi32, #tpu.memory_space<vmem>> -> memref<64xi32, #tpu.memory_space<vmem>>
    %dma_wait3A_386 = arith.constant 0 : i32
    %dma_wait3A_387 = arith.constant 0 : i32
    %dma_wait3A_388 = tpu.memref_slice %arg8[%dma_wait3A_386, %dma_wait3A_387] : memref<500000x128xf32, #tpu.memory_space<hbm>> -> memref<500000x128xf32, #tpu.memory_space<hbm>>
    tpu.wait_indirect_dma semaphore(%arg32 : memref<!tpu.dma_semaphore, #tpu.memory_space<semaphore_mem>>) src(%dma_wait3A_388 : memref<500000x128xf32, #tpu.memory_space<hbm>>) dst(%arg24 : memref<64x128xf32, #tpu.memory_space<vmem>>)
    %add3A_389 = arith.constant 0 : i32
    %add3A_390 = vector.broadcast %add3A_389 : i32 to vector<16xi32>
    %add3A_391 = arith.addi %iota3A, %add3A_390 : vector<16xi32>
    %get3A_392 = arith.constant 128 : index
    %get3A_393 = tpu.vector_load %arg16[%get3A_392] {strides = array<i32>} : memref<512xi32, #tpu.memory_space<vmem>>, vector<16xi32>,
    %get3A_394 = arith.constant 128 : index
    %get3A_395 = tpu.vector_load %arg17[%get3A_394] {strides = array<i32>} : memref<512xi32, #tpu.memory_space<vmem>>, vector<16xi32>,
    %get3A_396 = arith.constant 128 : index
    %get3A_397 = tpu.vector_load %arg18[%get3A_396] {strides = array<i32>} : memref<512xi32, #tpu.memory_space<vmem>>, vector<16xi32>,
    %broadcast_in_dim3A_398 = arith.constant 0.000000e+00 : f32
    %broadcast_in_dim3A_399 = vector.broadcast %broadcast_in_dim3A_398 : f32 to vector<16xf32>
    %scan3A_400 = arith.constant 0 : i32
    %scan3A_401 = arith.constant 64 : i32
    %scan3A_402 = arith.addi %scan3A_400, %scan3A_401 : i32
    %scan3A_403 = arith.constant 1 : i32
    %scan3A_404 = scf.for %scan3A_1187 = %scan3A_400 to %scan3A_402 step %scan3A_403 iter_args(%scan3A_1188 = %broadcast_in_dim3A_399) -> (vector<16xf32>)  : i32 {
      %add3A_1189 = vector.broadcast %scan3A_1187 : i32 to vector<16xi32>
      %add3A_1190 = arith.addi %get3A_393, %add3A_1189 : vector<16xi32>
      %add3A_1191 = vector.broadcast %scan3A_1187 : i32 to vector<16xi32>
      %add3A_1192 = arith.addi %get3A_395, %add3A_1191 : vector<16xi32>
      %add3A_1193 = vector.broadcast %scan3A_1187 : i32 to vector<16xi32>
      %add3A_1194 = arith.addi %get3A_397, %add3A_1193 : vector<16xi32>
      %gather3A = tpu.vector_load_idx %arg19[%add3A_391, %add3A_1190] : memref<64x128xf32, #tpu.memory_space<vmem>>[vector<16xi32>, vector<16xi32>], vector<16xf32>,
      %gather3A_1195 = tpu.vector_load_idx %arg20[%add3A_391, %add3A_1190] : memref<64x128xf32, #tpu.memory_space<vmem>>[vector<16xi32>, vector<16xi32>], vector<16xf32>,
      %gather3A_1196 = tpu.vector_load_idx %arg21[%add3A_391, %add3A_1192] : memref<64x128xf32, #tpu.memory_space<vmem>>[vector<16xi32>, vector<16xi32>], vector<16xf32>,
      %gather3A_1197 = tpu.vector_load_idx %arg22[%add3A_391, %add3A_1192] : memref<64x128xf32, #tpu.memory_space<vmem>>[vector<16xi32>, vector<16xi32>], vector<16xf32>,
      %gather3A_1198 = tpu.vector_load_idx %arg23[%add3A_391, %add3A_1194] : memref<64x128xf32, #tpu.memory_space<vmem>>[vector<16xi32>, vector<16xi32>], vector<16xf32>,
      %gather3A_1199 = tpu.vector_load_idx %arg24[%add3A_391, %add3A_1194] : memref<64x128xf32, #tpu.memory_space<vmem>>[vector<16xi32>, vector<16xi32>], vector<16xf32>,
      %mul3A_1200 = arith.mulf %gather3A, %gather3A_1196 : vector<16xf32>
      %mul3A_1201 = arith.mulf %gather3A_1195, %gather3A_1197 : vector<16xf32>
      %add3A_1202 = arith.addf %mul3A_1200, %mul3A_1201 : vector<16xf32>
      %mul3A_1203 = arith.mulf %gather3A, %gather3A_1197 : vector<16xf32>
      %mul3A_1204 = arith.mulf %gather3A_1195, %gather3A_1196 : vector<16xf32>
      %sub3A = arith.subf %mul3A_1203, %mul3A_1204 : vector<16xf32>
      %mul3A_1205 = arith.mulf %gather3A_1198, %add3A_1202 : vector<16xf32>
      %mul3A_1206 = arith.mulf %gather3A_1199, %sub3A : vector<16xf32>
      %add3A_1207 = arith.addf %mul3A_1205, %mul3A_1206 : vector<16xf32>
      %add3A_1208 = arith.addf %scan3A_1188, %add3A_1207 : vector<16xf32>
      scf.yield %add3A_1208 : vector<16xf32>
    }
    %scan3A_405 = arith.constant 64 : i32
    %neg3A_406 = arith.constant 0.000000e+00 : f32
    %neg3A_407 = vector.broadcast %neg3A_406 : f32 to vector<16xf32>
    %neg3A_408 = arith.subf %neg3A_407, %scan3A_404 : vector<16xf32>
    %swap3A_409 = arith.constant 128 : index
    %swap3A_410 = tpu.vector_load %arg31[%swap3A_409] {strides = array<i32>} : memref<512xf32, #tpu.memory_space<vmem>>, vector<16xf32>,
    tpu.vector_store %arg31[%swap3A_409], %neg3A_408 {strides = array<i32>} : memref<512xf32, #tpu.memory_space<vmem>>, vector<16xf32>,
    %add3A_411 = arith.constant 16 : i32
    %add3A_412 = vector.broadcast %add3A_411 : i32 to vector<16xi32>
    %add3A_413 = arith.addi %iota3A, %add3A_412 : vector<16xi32>
    %get3A_414 = arith.constant 144 : index
    %get3A_415 = tpu.vector_load %arg16[%get3A_414] {strides = array<i32>} : memref<512xi32, #tpu.memory_space<vmem>>, vector<16xi32>,
    %get3A_416 = arith.constant 144 : index
    %get3A_417 = tpu.vector_load %arg17[%get3A_416] {strides = array<i32>} : memref<512xi32, #tpu.memory_space<vmem>>, vector<16xi32>,
    %get3A_418 = arith.constant 144 : index
    %get3A_419 = tpu.vector_load %arg18[%get3A_418] {strides = array<i32>} : memref<512xi32, #tpu.memory_space<vmem>>, vector<16xi32>,
    %broadcast_in_dim3A_420 = arith.constant 0.000000e+00 : f32
    %broadcast_in_dim3A_421 = vector.broadcast %broadcast_in_dim3A_420 : f32 to vector<16xf32>
    %scan3A_422 = arith.constant 0 : i32
    %scan3A_423 = arith.constant 64 : i32
    %scan3A_424 = arith.addi %scan3A_422, %scan3A_423 : i32
    %scan3A_425 = arith.constant 1 : i32
    %scan3A_426 = scf.for %scan3A_1187 = %scan3A_422 to %scan3A_424 step %scan3A_425 iter_args(%scan3A_1188 = %broadcast_in_dim3A_421) -> (vector<16xf32>)  : i32 {
      %add3A_1189 = vector.broadcast %scan3A_1187 : i32 to vector<16xi32>
      %add3A_1190 = arith.addi %get3A_415, %add3A_1189 : vector<16xi32>
      %add3A_1191 = vector.broadcast %scan3A_1187 : i32 to vector<16xi32>
      %add3A_1192 = arith.addi %get3A_417, %add3A_1191 : vector<16xi32>
      %add3A_1193 = vector.broadcast %scan3A_1187 : i32 to vector<16xi32>
      %add3A_1194 = arith.addi %get3A_419, %add3A_1193 : vector<16xi32>
      %gather3A = tpu.vector_load_idx %arg19[%add3A_413, %add3A_1190] : memref<64x128xf32, #tpu.memory_space<vmem>>[vector<16xi32>, vector<16xi32>], vector<16xf32>,
      %gather3A_1195 = tpu.vector_load_idx %arg20[%add3A_413, %add3A_1190] : memref<64x128xf32, #tpu.memory_space<vmem>>[vector<16xi32>, vector<16xi32>], vector<16xf32>,
      %gather3A_1196 = tpu.vector_load_idx %arg21[%add3A_413, %add3A_1192] : memref<64x128xf32, #tpu.memory_space<vmem>>[vector<16xi32>, vector<16xi32>], vector<16xf32>,
      %gather3A_1197 = tpu.vector_load_idx %arg22[%add3A_413, %add3A_1192] : memref<64x128xf32, #tpu.memory_space<vmem>>[vector<16xi32>, vector<16xi32>], vector<16xf32>,
      %gather3A_1198 = tpu.vector_load_idx %arg23[%add3A_413, %add3A_1194] : memref<64x128xf32, #tpu.memory_space<vmem>>[vector<16xi32>, vector<16xi32>], vector<16xf32>,
      %gather3A_1199 = tpu.vector_load_idx %arg24[%add3A_413, %add3A_1194] : memref<64x128xf32, #tpu.memory_space<vmem>>[vector<16xi32>, vector<16xi32>], vector<16xf32>,
      %mul3A_1200 = arith.mulf %gather3A, %gather3A_1196 : vector<16xf32>
      %mul3A_1201 = arith.mulf %gather3A_1195, %gather3A_1197 : vector<16xf32>
      %add3A_1202 = arith.addf %mul3A_1200, %mul3A_1201 : vector<16xf32>
      %mul3A_1203 = arith.mulf %gather3A, %gather3A_1197 : vector<16xf32>
      %mul3A_1204 = arith.mulf %gather3A_1195, %gather3A_1196 : vector<16xf32>
      %sub3A = arith.subf %mul3A_1203, %mul3A_1204 : vector<16xf32>
      %mul3A_1205 = arith.mulf %gather3A_1198, %add3A_1202 : vector<16xf32>
      %mul3A_1206 = arith.mulf %gather3A_1199, %sub3A : vector<16xf32>
      %add3A_1207 = arith.addf %mul3A_1205, %mul3A_1206 : vector<16xf32>
      %add3A_1208 = arith.addf %scan3A_1188, %add3A_1207 : vector<16xf32>
      scf.yield %add3A_1208 : vector<16xf32>
    }
    %scan3A_427 = arith.constant 64 : i32
    %neg3A_428 = arith.constant 0.000000e+00 : f32
    %neg3A_429 = vector.broadcast %neg3A_428 : f32 to vector<16xf32>
    %neg3A_430 = arith.subf %neg3A_429, %scan3A_426 : vector<16xf32>
    %swap3A_431 = arith.constant 144 : index
    %swap3A_432 = tpu.vector_load %arg31[%swap3A_431] {strides = array<i32>} : memref<512xf32, #tpu.memory_space<vmem>>, vector<16xf32>,
    tpu.vector_store %arg31[%swap3A_431], %neg3A_430 {strides = array<i32>} : memref<512xf32, #tpu.memory_space<vmem>>, vector<16xf32>,
    %add3A_433 = arith.constant 32 : i32
    %add3A_434 = vector.broadcast %add3A_433 : i32 to vector<16xi32>
    %add3A_435 = arith.addi %iota3A, %add3A_434 : vector<16xi32>
    %get3A_436 = arith.constant 160 : index
    %get3A_437 = tpu.vector_load %arg16[%get3A_436] {strides = array<i32>} : memref<512xi32, #tpu.memory_space<vmem>>, vector<16xi32>,
    %get3A_438 = arith.constant 160 : index
    %get3A_439 = tpu.vector_load %arg17[%get3A_438] {strides = array<i32>} : memref<512xi32, #tpu.memory_space<vmem>>, vector<16xi32>,
    %get3A_440 = arith.constant 160 : index
    %get3A_441 = tpu.vector_load %arg18[%get3A_440] {strides = array<i32>} : memref<512xi32, #tpu.memory_space<vmem>>, vector<16xi32>,
    %broadcast_in_dim3A_442 = arith.constant 0.000000e+00 : f32
    %broadcast_in_dim3A_443 = vector.broadcast %broadcast_in_dim3A_442 : f32 to vector<16xf32>
    %scan3A_444 = arith.constant 0 : i32
    %scan3A_445 = arith.constant 64 : i32
    %scan3A_446 = arith.addi %scan3A_444, %scan3A_445 : i32
    %scan3A_447 = arith.constant 1 : i32
    %scan3A_448 = scf.for %scan3A_1187 = %scan3A_444 to %scan3A_446 step %scan3A_447 iter_args(%scan3A_1188 = %broadcast_in_dim3A_443) -> (vector<16xf32>)  : i32 {
      %add3A_1189 = vector.broadcast %scan3A_1187 : i32 to vector<16xi32>
      %add3A_1190 = arith.addi %get3A_437, %add3A_1189 : vector<16xi32>
      %add3A_1191 = vector.broadcast %scan3A_1187 : i32 to vector<16xi32>
      %add3A_1192 = arith.addi %get3A_439, %add3A_1191 : vector<16xi32>
      %add3A_1193 = vector.broadcast %scan3A_1187 : i32 to vector<16xi32>
      %add3A_1194 = arith.addi %get3A_441, %add3A_1193 : vector<16xi32>
      %gather3A = tpu.vector_load_idx %arg19[%add3A_435, %add3A_1190] : memref<64x128xf32, #tpu.memory_space<vmem>>[vector<16xi32>, vector<16xi32>], vector<16xf32>,
      %gather3A_1195 = tpu.vector_load_idx %arg20[%add3A_435, %add3A_1190] : memref<64x128xf32, #tpu.memory_space<vmem>>[vector<16xi32>, vector<16xi32>], vector<16xf32>,
      %gather3A_1196 = tpu.vector_load_idx %arg21[%add3A_435, %add3A_1192] : memref<64x128xf32, #tpu.memory_space<vmem>>[vector<16xi32>, vector<16xi32>], vector<16xf32>,
      %gather3A_1197 = tpu.vector_load_idx %arg22[%add3A_435, %add3A_1192] : memref<64x128xf32, #tpu.memory_space<vmem>>[vector<16xi32>, vector<16xi32>], vector<16xf32>,
      %gather3A_1198 = tpu.vector_load_idx %arg23[%add3A_435, %add3A_1194] : memref<64x128xf32, #tpu.memory_space<vmem>>[vector<16xi32>, vector<16xi32>], vector<16xf32>,
      %gather3A_1199 = tpu.vector_load_idx %arg24[%add3A_435, %add3A_1194] : memref<64x128xf32, #tpu.memory_space<vmem>>[vector<16xi32>, vector<16xi32>], vector<16xf32>,
      %mul3A_1200 = arith.mulf %gather3A, %gather3A_1196 : vector<16xf32>
      %mul3A_1201 = arith.mulf %gather3A_1195, %gather3A_1197 : vector<16xf32>
      %add3A_1202 = arith.addf %mul3A_1200, %mul3A_1201 : vector<16xf32>
      %mul3A_1203 = arith.mulf %gather3A, %gather3A_1197 : vector<16xf32>
      %mul3A_1204 = arith.mulf %gather3A_1195, %gather3A_1196 : vector<16xf32>
      %sub3A = arith.subf %mul3A_1203, %mul3A_1204 : vector<16xf32>
      %mul3A_1205 = arith.mulf %gather3A_1198, %add3A_1202 : vector<16xf32>
      %mul3A_1206 = arith.mulf %gather3A_1199, %sub3A : vector<16xf32>
      %add3A_1207 = arith.addf %mul3A_1205, %mul3A_1206 : vector<16xf32>
      %add3A_1208 = arith.addf %scan3A_1188, %add3A_1207 : vector<16xf32>
      scf.yield %add3A_1208 : vector<16xf32>
    }
    %scan3A_449 = arith.constant 64 : i32
    %neg3A_450 = arith.constant 0.000000e+00 : f32
    %neg3A_451 = vector.broadcast %neg3A_450 : f32 to vector<16xf32>
    %neg3A_452 = arith.subf %neg3A_451, %scan3A_448 : vector<16xf32>
    %swap3A_453 = arith.constant 160 : index
    %swap3A_454 = tpu.vector_load %arg31[%swap3A_453] {strides = array<i32>} : memref<512xf32, #tpu.memory_space<vmem>>, vector<16xf32>,
    tpu.vector_store %arg31[%swap3A_453], %neg3A_452 {strides = array<i32>} : memref<512xf32, #tpu.memory_space<vmem>>, vector<16xf32>,
    %add3A_455 = arith.constant 48 : i32
    %add3A_456 = vector.broadcast %add3A_455 : i32 to vector<16xi32>
    %add3A_457 = arith.addi %iota3A, %add3A_456 : vector<16xi32>
    %get3A_458 = arith.constant 176 : index
    %get3A_459 = tpu.vector_load %arg16[%get3A_458] {strides = array<i32>} : memref<512xi32, #tpu.memory_space<vmem>>, vector<16xi32>,
    %get3A_460 = arith.constant 176 : index
    %get3A_461 = tpu.vector_load %arg17[%get3A_460] {strides = array<i32>} : memref<512xi32, #tpu.memory_space<vmem>>, vector<16xi32>,
    %get3A_462 = arith.constant 176 : index
    %get3A_463 = tpu.vector_load %arg18[%get3A_462] {strides = array<i32>} : memref<512xi32, #tpu.memory_space<vmem>>, vector<16xi32>,
    %broadcast_in_dim3A_464 = arith.constant 0.000000e+00 : f32
    %broadcast_in_dim3A_465 = vector.broadcast %broadcast_in_dim3A_464 : f32 to vector<16xf32>
    %scan3A_466 = arith.constant 0 : i32
    %scan3A_467 = arith.constant 64 : i32
    %scan3A_468 = arith.addi %scan3A_466, %scan3A_467 : i32
    %scan3A_469 = arith.constant 1 : i32
    %scan3A_470 = scf.for %scan3A_1187 = %scan3A_466 to %scan3A_468 step %scan3A_469 iter_args(%scan3A_1188 = %broadcast_in_dim3A_465) -> (vector<16xf32>)  : i32 {
      %add3A_1189 = vector.broadcast %scan3A_1187 : i32 to vector<16xi32>
      %add3A_1190 = arith.addi %get3A_459, %add3A_1189 : vector<16xi32>
      %add3A_1191 = vector.broadcast %scan3A_1187 : i32 to vector<16xi32>
      %add3A_1192 = arith.addi %get3A_461, %add3A_1191 : vector<16xi32>
      %add3A_1193 = vector.broadcast %scan3A_1187 : i32 to vector<16xi32>
      %add3A_1194 = arith.addi %get3A_463, %add3A_1193 : vector<16xi32>
      %gather3A = tpu.vector_load_idx %arg19[%add3A_457, %add3A_1190] : memref<64x128xf32, #tpu.memory_space<vmem>>[vector<16xi32>, vector<16xi32>], vector<16xf32>,
      %gather3A_1195 = tpu.vector_load_idx %arg20[%add3A_457, %add3A_1190] : memref<64x128xf32, #tpu.memory_space<vmem>>[vector<16xi32>, vector<16xi32>], vector<16xf32>,
      %gather3A_1196 = tpu.vector_load_idx %arg21[%add3A_457, %add3A_1192] : memref<64x128xf32, #tpu.memory_space<vmem>>[vector<16xi32>, vector<16xi32>], vector<16xf32>,
      %gather3A_1197 = tpu.vector_load_idx %arg22[%add3A_457, %add3A_1192] : memref<64x128xf32, #tpu.memory_space<vmem>>[vector<16xi32>, vector<16xi32>], vector<16xf32>,
      %gather3A_1198 = tpu.vector_load_idx %arg23[%add3A_457, %add3A_1194] : memref<64x128xf32, #tpu.memory_space<vmem>>[vector<16xi32>, vector<16xi32>], vector<16xf32>,
      %gather3A_1199 = tpu.vector_load_idx %arg24[%add3A_457, %add3A_1194] : memref<64x128xf32, #tpu.memory_space<vmem>>[vector<16xi32>, vector<16xi32>], vector<16xf32>,
      %mul3A_1200 = arith.mulf %gather3A, %gather3A_1196 : vector<16xf32>
      %mul3A_1201 = arith.mulf %gather3A_1195, %gather3A_1197 : vector<16xf32>
      %add3A_1202 = arith.addf %mul3A_1200, %mul3A_1201 : vector<16xf32>
      %mul3A_1203 = arith.mulf %gather3A, %gather3A_1197 : vector<16xf32>
      %mul3A_1204 = arith.mulf %gather3A_1195, %gather3A_1196 : vector<16xf32>
      %sub3A = arith.subf %mul3A_1203, %mul3A_1204 : vector<16xf32>
      %mul3A_1205 = arith.mulf %gather3A_1198, %add3A_1202 : vector<16xf32>
      %mul3A_1206 = arith.mulf %gather3A_1199, %sub3A : vector<16xf32>
      %add3A_1207 = arith.addf %mul3A_1205, %mul3A_1206 : vector<16xf32>
      %add3A_1208 = arith.addf %scan3A_1188, %add3A_1207 : vector<16xf32>
      scf.yield %add3A_1208 : vector<16xf32>
    }
    %scan3A_471 = arith.constant 64 : i32
    %neg3A_472 = arith.constant 0.000000e+00 : f32
    %neg3A_473 = vector.broadcast %neg3A_472 : f32 to vector<16xf32>
    %neg3A_474 = arith.subf %neg3A_473, %scan3A_470 : vector<16xf32>
    %swap3A_475 = arith.constant 176 : index
    %swap3A_476 = tpu.vector_load %arg31[%swap3A_475] {strides = array<i32>} : memref<512xf32, #tpu.memory_space<vmem>>, vector<16xf32>,
    tpu.vector_store %arg31[%swap3A_475], %neg3A_474 {strides = array<i32>} : memref<512xf32, #tpu.memory_space<vmem>>, vector<16xf32>,
    %dma_start3A_477 = arith.constant 256 : i32
    %dma_start3A_478 = tpu.memref_slice %arg13[%dma_start3A_477] : memref<512xi32, #tpu.memory_space<vmem>> -> memref<64xi32, #tpu.memory_space<vmem>>
    %dma_start3A_479 = arith.constant 0 : i32
    %dma_start3A_480 = arith.constant 0 : i32
    %dma_start3A_481 = tpu.memref_slice %arg5[%dma_start3A_479, %dma_start3A_480] : memref<500000x128xf32, #tpu.memory_space<hbm>> -> memref<500000x128xf32, #tpu.memory_space<hbm>>
    tpu.enqueue_indirect_dma source(%dma_start3A_481 : memref<500000x128xf32, #tpu.memory_space<hbm>>) target(%arg19 : memref<64x128xf32, #tpu.memory_space<vmem>>) offsets(%dma_start3A_478 : memref<64xi32, #tpu.memory_space<vmem>>) semaphore(%arg32 : memref<!tpu.dma_semaphore, #tpu.memory_space<semaphore_mem>>)
    %dma_start3A_482 = arith.constant 256 : i32
    %dma_start3A_483 = tpu.memref_slice %arg13[%dma_start3A_482] : memref<512xi32, #tpu.memory_space<vmem>> -> memref<64xi32, #tpu.memory_space<vmem>>
    %dma_start3A_484 = arith.constant 0 : i32
    %dma_start3A_485 = arith.constant 0 : i32
    %dma_start3A_486 = tpu.memref_slice %arg6[%dma_start3A_484, %dma_start3A_485] : memref<500000x128xf32, #tpu.memory_space<hbm>> -> memref<500000x128xf32, #tpu.memory_space<hbm>>
    tpu.enqueue_indirect_dma source(%dma_start3A_486 : memref<500000x128xf32, #tpu.memory_space<hbm>>) target(%arg20 : memref<64x128xf32, #tpu.memory_space<vmem>>) offsets(%dma_start3A_483 : memref<64xi32, #tpu.memory_space<vmem>>) semaphore(%arg32 : memref<!tpu.dma_semaphore, #tpu.memory_space<semaphore_mem>>)
    %dma_start3A_487 = arith.constant 256 : i32
    %dma_start3A_488 = tpu.memref_slice %arg14[%dma_start3A_487] : memref<512xi32, #tpu.memory_space<vmem>> -> memref<64xi32, #tpu.memory_space<vmem>>
    %dma_start3A_489 = arith.constant 0 : i32
    %dma_start3A_490 = arith.constant 0 : i32
    %dma_start3A_491 = tpu.memref_slice %arg5[%dma_start3A_489, %dma_start3A_490] : memref<500000x128xf32, #tpu.memory_space<hbm>> -> memref<500000x128xf32, #tpu.memory_space<hbm>>
    tpu.enqueue_indirect_dma source(%dma_start3A_491 : memref<500000x128xf32, #tpu.memory_space<hbm>>) target(%arg21 : memref<64x128xf32, #tpu.memory_space<vmem>>) offsets(%dma_start3A_488 : memref<64xi32, #tpu.memory_space<vmem>>) semaphore(%arg32 : memref<!tpu.dma_semaphore, #tpu.memory_space<semaphore_mem>>)
    %dma_start3A_492 = arith.constant 256 : i32
    %dma_start3A_493 = tpu.memref_slice %arg14[%dma_start3A_492] : memref<512xi32, #tpu.memory_space<vmem>> -> memref<64xi32, #tpu.memory_space<vmem>>
    %dma_start3A_494 = arith.constant 0 : i32
    %dma_start3A_495 = arith.constant 0 : i32
    %dma_start3A_496 = tpu.memref_slice %arg6[%dma_start3A_494, %dma_start3A_495] : memref<500000x128xf32, #tpu.memory_space<hbm>> -> memref<500000x128xf32, #tpu.memory_space<hbm>>
    tpu.enqueue_indirect_dma source(%dma_start3A_496 : memref<500000x128xf32, #tpu.memory_space<hbm>>) target(%arg22 : memref<64x128xf32, #tpu.memory_space<vmem>>) offsets(%dma_start3A_493 : memref<64xi32, #tpu.memory_space<vmem>>) semaphore(%arg32 : memref<!tpu.dma_semaphore, #tpu.memory_space<semaphore_mem>>)
    %dma_start3A_497 = arith.constant 256 : i32
    %dma_start3A_498 = tpu.memref_slice %arg15[%dma_start3A_497] : memref<512xi32, #tpu.memory_space<vmem>> -> memref<64xi32, #tpu.memory_space<vmem>>
    %dma_start3A_499 = arith.constant 0 : i32
    %dma_start3A_500 = arith.constant 0 : i32
    %dma_start3A_501 = tpu.memref_slice %arg7[%dma_start3A_499, %dma_start3A_500] : memref<500000x128xf32, #tpu.memory_space<hbm>> -> memref<500000x128xf32, #tpu.memory_space<hbm>>
    tpu.enqueue_indirect_dma source(%dma_start3A_501 : memref<500000x128xf32, #tpu.memory_space<hbm>>) target(%arg23 : memref<64x128xf32, #tpu.memory_space<vmem>>) offsets(%dma_start3A_498 : memref<64xi32, #tpu.memory_space<vmem>>) semaphore(%arg32 : memref<!tpu.dma_semaphore, #tpu.memory_space<semaphore_mem>>)
    %dma_start3A_502 = arith.constant 256 : i32
    %dma_start3A_503 = tpu.memref_slice %arg15[%dma_start3A_502] : memref<512xi32, #tpu.memory_space<vmem>> -> memref<64xi32, #tpu.memory_space<vmem>>
    %dma_start3A_504 = arith.constant 0 : i32
    %dma_start3A_505 = arith.constant 0 : i32
    %dma_start3A_506 = tpu.memref_slice %arg8[%dma_start3A_504, %dma_start3A_505] : memref<500000x128xf32, #tpu.memory_space<hbm>> -> memref<500000x128xf32, #tpu.memory_space<hbm>>
    tpu.enqueue_indirect_dma source(%dma_start3A_506 : memref<500000x128xf32, #tpu.memory_space<hbm>>) target(%arg24 : memref<64x128xf32, #tpu.memory_space<vmem>>) offsets(%dma_start3A_503 : memref<64xi32, #tpu.memory_space<vmem>>) semaphore(%arg32 : memref<!tpu.dma_semaphore, #tpu.memory_space<semaphore_mem>>)
    %dma_wait3A_507 = arith.constant 192 : i32
    %dma_wait3A_508 = tpu.memref_slice %arg13[%dma_wait3A_507] : memref<512xi32, #tpu.memory_space<vmem>> -> memref<64xi32, #tpu.memory_space<vmem>>
    %dma_wait3A_509 = arith.constant 0 : i32
    %dma_wait3A_510 = arith.constant 0 : i32
    %dma_wait3A_511 = tpu.memref_slice %arg5[%dma_wait3A_509, %dma_wait3A_510] : memref<500000x128xf32, #tpu.memory_space<hbm>> -> memref<500000x128xf32, #tpu.memory_space<hbm>>
    tpu.wait_indirect_dma semaphore(%arg33 : memref<!tpu.dma_semaphore, #tpu.memory_space<semaphore_mem>>) src(%dma_wait3A_511 : memref<500000x128xf32, #tpu.memory_space<hbm>>) dst(%arg25 : memref<64x128xf32, #tpu.memory_space<vmem>>)
    %dma_wait3A_512 = arith.constant 192 : i32
    %dma_wait3A_513 = tpu.memref_slice %arg13[%dma_wait3A_512] : memref<512xi32, #tpu.memory_space<vmem>> -> memref<64xi32, #tpu.memory_space<vmem>>
    %dma_wait3A_514 = arith.constant 0 : i32
    %dma_wait3A_515 = arith.constant 0 : i32
    %dma_wait3A_516 = tpu.memref_slice %arg6[%dma_wait3A_514, %dma_wait3A_515] : memref<500000x128xf32, #tpu.memory_space<hbm>> -> memref<500000x128xf32, #tpu.memory_space<hbm>>
    tpu.wait_indirect_dma semaphore(%arg33 : memref<!tpu.dma_semaphore, #tpu.memory_space<semaphore_mem>>) src(%dma_wait3A_516 : memref<500000x128xf32, #tpu.memory_space<hbm>>) dst(%arg26 : memref<64x128xf32, #tpu.memory_space<vmem>>)
    %dma_wait3A_517 = arith.constant 192 : i32
    %dma_wait3A_518 = tpu.memref_slice %arg14[%dma_wait3A_517] : memref<512xi32, #tpu.memory_space<vmem>> -> memref<64xi32, #tpu.memory_space<vmem>>
    %dma_wait3A_519 = arith.constant 0 : i32
    %dma_wait3A_520 = arith.constant 0 : i32
    %dma_wait3A_521 = tpu.memref_slice %arg5[%dma_wait3A_519, %dma_wait3A_520] : memref<500000x128xf32, #tpu.memory_space<hbm>> -> memref<500000x128xf32, #tpu.memory_space<hbm>>
    tpu.wait_indirect_dma semaphore(%arg33 : memref<!tpu.dma_semaphore, #tpu.memory_space<semaphore_mem>>) src(%dma_wait3A_521 : memref<500000x128xf32, #tpu.memory_space<hbm>>) dst(%arg27 : memref<64x128xf32, #tpu.memory_space<vmem>>)
    %dma_wait3A_522 = arith.constant 192 : i32
    %dma_wait3A_523 = tpu.memref_slice %arg14[%dma_wait3A_522] : memref<512xi32, #tpu.memory_space<vmem>> -> memref<64xi32, #tpu.memory_space<vmem>>
    %dma_wait3A_524 = arith.constant 0 : i32
    %dma_wait3A_525 = arith.constant 0 : i32
    %dma_wait3A_526 = tpu.memref_slice %arg6[%dma_wait3A_524, %dma_wait3A_525] : memref<500000x128xf32, #tpu.memory_space<hbm>> -> memref<500000x128xf32, #tpu.memory_space<hbm>>
    tpu.wait_indirect_dma semaphore(%arg33 : memref<!tpu.dma_semaphore, #tpu.memory_space<semaphore_mem>>) src(%dma_wait3A_526 : memref<500000x128xf32, #tpu.memory_space<hbm>>) dst(%arg28 : memref<64x128xf32, #tpu.memory_space<vmem>>)
    %dma_wait3A_527 = arith.constant 192 : i32
    %dma_wait3A_528 = tpu.memref_slice %arg15[%dma_wait3A_527] : memref<512xi32, #tpu.memory_space<vmem>> -> memref<64xi32, #tpu.memory_space<vmem>>
    %dma_wait3A_529 = arith.constant 0 : i32
    %dma_wait3A_530 = arith.constant 0 : i32
    %dma_wait3A_531 = tpu.memref_slice %arg7[%dma_wait3A_529, %dma_wait3A_530] : memref<500000x128xf32, #tpu.memory_space<hbm>> -> memref<500000x128xf32, #tpu.memory_space<hbm>>
    tpu.wait_indirect_dma semaphore(%arg33 : memref<!tpu.dma_semaphore, #tpu.memory_space<semaphore_mem>>) src(%dma_wait3A_531 : memref<500000x128xf32, #tpu.memory_space<hbm>>) dst(%arg29 : memref<64x128xf32, #tpu.memory_space<vmem>>)
    %dma_wait3A_532 = arith.constant 192 : i32
    %dma_wait3A_533 = tpu.memref_slice %arg15[%dma_wait3A_532] : memref<512xi32, #tpu.memory_space<vmem>> -> memref<64xi32, #tpu.memory_space<vmem>>
    %dma_wait3A_534 = arith.constant 0 : i32
    %dma_wait3A_535 = arith.constant 0 : i32
    %dma_wait3A_536 = tpu.memref_slice %arg8[%dma_wait3A_534, %dma_wait3A_535] : memref<500000x128xf32, #tpu.memory_space<hbm>> -> memref<500000x128xf32, #tpu.memory_space<hbm>>
    tpu.wait_indirect_dma semaphore(%arg33 : memref<!tpu.dma_semaphore, #tpu.memory_space<semaphore_mem>>) src(%dma_wait3A_536 : memref<500000x128xf32, #tpu.memory_space<hbm>>) dst(%arg30 : memref<64x128xf32, #tpu.memory_space<vmem>>)
    %add3A_537 = arith.constant 0 : i32
    %add3A_538 = vector.broadcast %add3A_537 : i32 to vector<16xi32>
    %add3A_539 = arith.addi %iota3A, %add3A_538 : vector<16xi32>
    %get3A_540 = arith.constant 192 : index
    %get3A_541 = tpu.vector_load %arg16[%get3A_540] {strides = array<i32>} : memref<512xi32, #tpu.memory_space<vmem>>, vector<16xi32>,
    %get3A_542 = arith.constant 192 : index
    %get3A_543 = tpu.vector_load %arg17[%get3A_542] {strides = array<i32>} : memref<512xi32, #tpu.memory_space<vmem>>, vector<16xi32>,
    %get3A_544 = arith.constant 192 : index
    %get3A_545 = tpu.vector_load %arg18[%get3A_544] {strides = array<i32>} : memref<512xi32, #tpu.memory_space<vmem>>, vector<16xi32>,
    %broadcast_in_dim3A_546 = arith.constant 0.000000e+00 : f32
    %broadcast_in_dim3A_547 = vector.broadcast %broadcast_in_dim3A_546 : f32 to vector<16xf32>
    %scan3A_548 = arith.constant 0 : i32
    %scan3A_549 = arith.constant 64 : i32
    %scan3A_550 = arith.addi %scan3A_548, %scan3A_549 : i32
    %scan3A_551 = arith.constant 1 : i32
    %scan3A_552 = scf.for %scan3A_1187 = %scan3A_548 to %scan3A_550 step %scan3A_551 iter_args(%scan3A_1188 = %broadcast_in_dim3A_547) -> (vector<16xf32>)  : i32 {
      %add3A_1189 = vector.broadcast %scan3A_1187 : i32 to vector<16xi32>
      %add3A_1190 = arith.addi %get3A_541, %add3A_1189 : vector<16xi32>
      %add3A_1191 = vector.broadcast %scan3A_1187 : i32 to vector<16xi32>
      %add3A_1192 = arith.addi %get3A_543, %add3A_1191 : vector<16xi32>
      %add3A_1193 = vector.broadcast %scan3A_1187 : i32 to vector<16xi32>
      %add3A_1194 = arith.addi %get3A_545, %add3A_1193 : vector<16xi32>
      %gather3A = tpu.vector_load_idx %arg25[%add3A_539, %add3A_1190] : memref<64x128xf32, #tpu.memory_space<vmem>>[vector<16xi32>, vector<16xi32>], vector<16xf32>,
      %gather3A_1195 = tpu.vector_load_idx %arg26[%add3A_539, %add3A_1190] : memref<64x128xf32, #tpu.memory_space<vmem>>[vector<16xi32>, vector<16xi32>], vector<16xf32>,
      %gather3A_1196 = tpu.vector_load_idx %arg27[%add3A_539, %add3A_1192] : memref<64x128xf32, #tpu.memory_space<vmem>>[vector<16xi32>, vector<16xi32>], vector<16xf32>,
      %gather3A_1197 = tpu.vector_load_idx %arg28[%add3A_539, %add3A_1192] : memref<64x128xf32, #tpu.memory_space<vmem>>[vector<16xi32>, vector<16xi32>], vector<16xf32>,
      %gather3A_1198 = tpu.vector_load_idx %arg29[%add3A_539, %add3A_1194] : memref<64x128xf32, #tpu.memory_space<vmem>>[vector<16xi32>, vector<16xi32>], vector<16xf32>,
      %gather3A_1199 = tpu.vector_load_idx %arg30[%add3A_539, %add3A_1194] : memref<64x128xf32, #tpu.memory_space<vmem>>[vector<16xi32>, vector<16xi32>], vector<16xf32>,
      %mul3A_1200 = arith.mulf %gather3A, %gather3A_1196 : vector<16xf32>
      %mul3A_1201 = arith.mulf %gather3A_1195, %gather3A_1197 : vector<16xf32>
      %add3A_1202 = arith.addf %mul3A_1200, %mul3A_1201 : vector<16xf32>
      %mul3A_1203 = arith.mulf %gather3A, %gather3A_1197 : vector<16xf32>
      %mul3A_1204 = arith.mulf %gather3A_1195, %gather3A_1196 : vector<16xf32>
      %sub3A = arith.subf %mul3A_1203, %mul3A_1204 : vector<16xf32>
      %mul3A_1205 = arith.mulf %gather3A_1198, %add3A_1202 : vector<16xf32>
      %mul3A_1206 = arith.mulf %gather3A_1199, %sub3A : vector<16xf32>
      %add3A_1207 = arith.addf %mul3A_1205, %mul3A_1206 : vector<16xf32>
      %add3A_1208 = arith.addf %scan3A_1188, %add3A_1207 : vector<16xf32>
      scf.yield %add3A_1208 : vector<16xf32>
    }
    %scan3A_553 = arith.constant 64 : i32
    %neg3A_554 = arith.constant 0.000000e+00 : f32
    %neg3A_555 = vector.broadcast %neg3A_554 : f32 to vector<16xf32>
    %neg3A_556 = arith.subf %neg3A_555, %scan3A_552 : vector<16xf32>
    %swap3A_557 = arith.constant 192 : index
    %swap3A_558 = tpu.vector_load %arg31[%swap3A_557] {strides = array<i32>} : memref<512xf32, #tpu.memory_space<vmem>>, vector<16xf32>,
    tpu.vector_store %arg31[%swap3A_557], %neg3A_556 {strides = array<i32>} : memref<512xf32, #tpu.memory_space<vmem>>, vector<16xf32>,
    %add3A_559 = arith.constant 16 : i32
    %add3A_560 = vector.broadcast %add3A_559 : i32 to vector<16xi32>
    %add3A_561 = arith.addi %iota3A, %add3A_560 : vector<16xi32>
    %get3A_562 = arith.constant 208 : index
    %get3A_563 = tpu.vector_load %arg16[%get3A_562] {strides = array<i32>} : memref<512xi32, #tpu.memory_space<vmem>>, vector<16xi32>,
    %get3A_564 = arith.constant 208 : index
    %get3A_565 = tpu.vector_load %arg17[%get3A_564] {strides = array<i32>} : memref<512xi32, #tpu.memory_space<vmem>>, vector<16xi32>,
    %get3A_566 = arith.constant 208 : index
    %get3A_567 = tpu.vector_load %arg18[%get3A_566] {strides = array<i32>} : memref<512xi32, #tpu.memory_space<vmem>>, vector<16xi32>,
    %broadcast_in_dim3A_568 = arith.constant 0.000000e+00 : f32
    %broadcast_in_dim3A_569 = vector.broadcast %broadcast_in_dim3A_568 : f32 to vector<16xf32>
    %scan3A_570 = arith.constant 0 : i32
    %scan3A_571 = arith.constant 64 : i32
    %scan3A_572 = arith.addi %scan3A_570, %scan3A_571 : i32
    %scan3A_573 = arith.constant 1 : i32
    %scan3A_574 = scf.for %scan3A_1187 = %scan3A_570 to %scan3A_572 step %scan3A_573 iter_args(%scan3A_1188 = %broadcast_in_dim3A_569) -> (vector<16xf32>)  : i32 {
      %add3A_1189 = vector.broadcast %scan3A_1187 : i32 to vector<16xi32>
      %add3A_1190 = arith.addi %get3A_563, %add3A_1189 : vector<16xi32>
      %add3A_1191 = vector.broadcast %scan3A_1187 : i32 to vector<16xi32>
      %add3A_1192 = arith.addi %get3A_565, %add3A_1191 : vector<16xi32>
      %add3A_1193 = vector.broadcast %scan3A_1187 : i32 to vector<16xi32>
      %add3A_1194 = arith.addi %get3A_567, %add3A_1193 : vector<16xi32>
      %gather3A = tpu.vector_load_idx %arg25[%add3A_561, %add3A_1190] : memref<64x128xf32, #tpu.memory_space<vmem>>[vector<16xi32>, vector<16xi32>], vector<16xf32>,
      %gather3A_1195 = tpu.vector_load_idx %arg26[%add3A_561, %add3A_1190] : memref<64x128xf32, #tpu.memory_space<vmem>>[vector<16xi32>, vector<16xi32>], vector<16xf32>,
      %gather3A_1196 = tpu.vector_load_idx %arg27[%add3A_561, %add3A_1192] : memref<64x128xf32, #tpu.memory_space<vmem>>[vector<16xi32>, vector<16xi32>], vector<16xf32>,
      %gather3A_1197 = tpu.vector_load_idx %arg28[%add3A_561, %add3A_1192] : memref<64x128xf32, #tpu.memory_space<vmem>>[vector<16xi32>, vector<16xi32>], vector<16xf32>,
      %gather3A_1198 = tpu.vector_load_idx %arg29[%add3A_561, %add3A_1194] : memref<64x128xf32, #tpu.memory_space<vmem>>[vector<16xi32>, vector<16xi32>], vector<16xf32>,
      %gather3A_1199 = tpu.vector_load_idx %arg30[%add3A_561, %add3A_1194] : memref<64x128xf32, #tpu.memory_space<vmem>>[vector<16xi32>, vector<16xi32>], vector<16xf32>,
      %mul3A_1200 = arith.mulf %gather3A, %gather3A_1196 : vector<16xf32>
      %mul3A_1201 = arith.mulf %gather3A_1195, %gather3A_1197 : vector<16xf32>
      %add3A_1202 = arith.addf %mul3A_1200, %mul3A_1201 : vector<16xf32>
      %mul3A_1203 = arith.mulf %gather3A, %gather3A_1197 : vector<16xf32>
      %mul3A_1204 = arith.mulf %gather3A_1195, %gather3A_1196 : vector<16xf32>
      %sub3A = arith.subf %mul3A_1203, %mul3A_1204 : vector<16xf32>
      %mul3A_1205 = arith.mulf %gather3A_1198, %add3A_1202 : vector<16xf32>
      %mul3A_1206 = arith.mulf %gather3A_1199, %sub3A : vector<16xf32>
      %add3A_1207 = arith.addf %mul3A_1205, %mul3A_1206 : vector<16xf32>
      %add3A_1208 = arith.addf %scan3A_1188, %add3A_1207 : vector<16xf32>
      scf.yield %add3A_1208 : vector<16xf32>
    }
    %scan3A_575 = arith.constant 64 : i32
    %neg3A_576 = arith.constant 0.000000e+00 : f32
    %neg3A_577 = vector.broadcast %neg3A_576 : f32 to vector<16xf32>
    %neg3A_578 = arith.subf %neg3A_577, %scan3A_574 : vector<16xf32>
    %swap3A_579 = arith.constant 208 : index
    %swap3A_580 = tpu.vector_load %arg31[%swap3A_579] {strides = array<i32>} : memref<512xf32, #tpu.memory_space<vmem>>, vector<16xf32>,
    tpu.vector_store %arg31[%swap3A_579], %neg3A_578 {strides = array<i32>} : memref<512xf32, #tpu.memory_space<vmem>>, vector<16xf32>,
    %add3A_581 = arith.constant 32 : i32
    %add3A_582 = vector.broadcast %add3A_581 : i32 to vector<16xi32>
    %add3A_583 = arith.addi %iota3A, %add3A_582 : vector<16xi32>
    %get3A_584 = arith.constant 224 : index
    %get3A_585 = tpu.vector_load %arg16[%get3A_584] {strides = array<i32>} : memref<512xi32, #tpu.memory_space<vmem>>, vector<16xi32>,
    %get3A_586 = arith.constant 224 : index
    %get3A_587 = tpu.vector_load %arg17[%get3A_586] {strides = array<i32>} : memref<512xi32, #tpu.memory_space<vmem>>, vector<16xi32>,
    %get3A_588 = arith.constant 224 : index
    %get3A_589 = tpu.vector_load %arg18[%get3A_588] {strides = array<i32>} : memref<512xi32, #tpu.memory_space<vmem>>, vector<16xi32>,
    %broadcast_in_dim3A_590 = arith.constant 0.000000e+00 : f32
    %broadcast_in_dim3A_591 = vector.broadcast %broadcast_in_dim3A_590 : f32 to vector<16xf32>
    %scan3A_592 = arith.constant 0 : i32
    %scan3A_593 = arith.constant 64 : i32
    %scan3A_594 = arith.addi %scan3A_592, %scan3A_593 : i32
    %scan3A_595 = arith.constant 1 : i32
    %scan3A_596 = scf.for %scan3A_1187 = %scan3A_592 to %scan3A_594 step %scan3A_595 iter_args(%scan3A_1188 = %broadcast_in_dim3A_591) -> (vector<16xf32>)  : i32 {
      %add3A_1189 = vector.broadcast %scan3A_1187 : i32 to vector<16xi32>
      %add3A_1190 = arith.addi %get3A_585, %add3A_1189 : vector<16xi32>
      %add3A_1191 = vector.broadcast %scan3A_1187 : i32 to vector<16xi32>
      %add3A_1192 = arith.addi %get3A_587, %add3A_1191 : vector<16xi32>
      %add3A_1193 = vector.broadcast %scan3A_1187 : i32 to vector<16xi32>
      %add3A_1194 = arith.addi %get3A_589, %add3A_1193 : vector<16xi32>
      %gather3A = tpu.vector_load_idx %arg25[%add3A_583, %add3A_1190] : memref<64x128xf32, #tpu.memory_space<vmem>>[vector<16xi32>, vector<16xi32>], vector<16xf32>,
      %gather3A_1195 = tpu.vector_load_idx %arg26[%add3A_583, %add3A_1190] : memref<64x128xf32, #tpu.memory_space<vmem>>[vector<16xi32>, vector<16xi32>], vector<16xf32>,
      %gather3A_1196 = tpu.vector_load_idx %arg27[%add3A_583, %add3A_1192] : memref<64x128xf32, #tpu.memory_space<vmem>>[vector<16xi32>, vector<16xi32>], vector<16xf32>,
      %gather3A_1197 = tpu.vector_load_idx %arg28[%add3A_583, %add3A_1192] : memref<64x128xf32, #tpu.memory_space<vmem>>[vector<16xi32>, vector<16xi32>], vector<16xf32>,
      %gather3A_1198 = tpu.vector_load_idx %arg29[%add3A_583, %add3A_1194] : memref<64x128xf32, #tpu.memory_space<vmem>>[vector<16xi32>, vector<16xi32>], vector<16xf32>,
      %gather3A_1199 = tpu.vector_load_idx %arg30[%add3A_583, %add3A_1194] : memref<64x128xf32, #tpu.memory_space<vmem>>[vector<16xi32>, vector<16xi32>], vector<16xf32>,
      %mul3A_1200 = arith.mulf %gather3A, %gather3A_1196 : vector<16xf32>
      %mul3A_1201 = arith.mulf %gather3A_1195, %gather3A_1197 : vector<16xf32>
      %add3A_1202 = arith.addf %mul3A_1200, %mul3A_1201 : vector<16xf32>
      %mul3A_1203 = arith.mulf %gather3A, %gather3A_1197 : vector<16xf32>
      %mul3A_1204 = arith.mulf %gather3A_1195, %gather3A_1196 : vector<16xf32>
      %sub3A = arith.subf %mul3A_1203, %mul3A_1204 : vector<16xf32>
      %mul3A_1205 = arith.mulf %gather3A_1198, %add3A_1202 : vector<16xf32>
      %mul3A_1206 = arith.mulf %gather3A_1199, %sub3A : vector<16xf32>
      %add3A_1207 = arith.addf %mul3A_1205, %mul3A_1206 : vector<16xf32>
      %add3A_1208 = arith.addf %scan3A_1188, %add3A_1207 : vector<16xf32>
      scf.yield %add3A_1208 : vector<16xf32>
    }
    %scan3A_597 = arith.constant 64 : i32
    %neg3A_598 = arith.constant 0.000000e+00 : f32
    %neg3A_599 = vector.broadcast %neg3A_598 : f32 to vector<16xf32>
    %neg3A_600 = arith.subf %neg3A_599, %scan3A_596 : vector<16xf32>
    %swap3A_601 = arith.constant 224 : index
    %swap3A_602 = tpu.vector_load %arg31[%swap3A_601] {strides = array<i32>} : memref<512xf32, #tpu.memory_space<vmem>>, vector<16xf32>,
    tpu.vector_store %arg31[%swap3A_601], %neg3A_600 {strides = array<i32>} : memref<512xf32, #tpu.memory_space<vmem>>, vector<16xf32>,
    %add3A_603 = arith.constant 48 : i32
    %add3A_604 = vector.broadcast %add3A_603 : i32 to vector<16xi32>
    %add3A_605 = arith.addi %iota3A, %add3A_604 : vector<16xi32>
    %get3A_606 = arith.constant 240 : index
    %get3A_607 = tpu.vector_load %arg16[%get3A_606] {strides = array<i32>} : memref<512xi32, #tpu.memory_space<vmem>>, vector<16xi32>,
    %get3A_608 = arith.constant 240 : index
    %get3A_609 = tpu.vector_load %arg17[%get3A_608] {strides = array<i32>} : memref<512xi32, #tpu.memory_space<vmem>>, vector<16xi32>,
    %get3A_610 = arith.constant 240 : index
    %get3A_611 = tpu.vector_load %arg18[%get3A_610] {strides = array<i32>} : memref<512xi32, #tpu.memory_space<vmem>>, vector<16xi32>,
    %broadcast_in_dim3A_612 = arith.constant 0.000000e+00 : f32
    %broadcast_in_dim3A_613 = vector.broadcast %broadcast_in_dim3A_612 : f32 to vector<16xf32>
    %scan3A_614 = arith.constant 0 : i32
    %scan3A_615 = arith.constant 64 : i32
    %scan3A_616 = arith.addi %scan3A_614, %scan3A_615 : i32
    %scan3A_617 = arith.constant 1 : i32
    %scan3A_618 = scf.for %scan3A_1187 = %scan3A_614 to %scan3A_616 step %scan3A_617 iter_args(%scan3A_1188 = %broadcast_in_dim3A_613) -> (vector<16xf32>)  : i32 {
      %add3A_1189 = vector.broadcast %scan3A_1187 : i32 to vector<16xi32>
      %add3A_1190 = arith.addi %get3A_607, %add3A_1189 : vector<16xi32>
      %add3A_1191 = vector.broadcast %scan3A_1187 : i32 to vector<16xi32>
      %add3A_1192 = arith.addi %get3A_609, %add3A_1191 : vector<16xi32>
      %add3A_1193 = vector.broadcast %scan3A_1187 : i32 to vector<16xi32>
      %add3A_1194 = arith.addi %get3A_611, %add3A_1193 : vector<16xi32>
      %gather3A = tpu.vector_load_idx %arg25[%add3A_605, %add3A_1190] : memref<64x128xf32, #tpu.memory_space<vmem>>[vector<16xi32>, vector<16xi32>], vector<16xf32>,
      %gather3A_1195 = tpu.vector_load_idx %arg26[%add3A_605, %add3A_1190] : memref<64x128xf32, #tpu.memory_space<vmem>>[vector<16xi32>, vector<16xi32>], vector<16xf32>,
      %gather3A_1196 = tpu.vector_load_idx %arg27[%add3A_605, %add3A_1192] : memref<64x128xf32, #tpu.memory_space<vmem>>[vector<16xi32>, vector<16xi32>], vector<16xf32>,
      %gather3A_1197 = tpu.vector_load_idx %arg28[%add3A_605, %add3A_1192] : memref<64x128xf32, #tpu.memory_space<vmem>>[vector<16xi32>, vector<16xi32>], vector<16xf32>,
      %gather3A_1198 = tpu.vector_load_idx %arg29[%add3A_605, %add3A_1194] : memref<64x128xf32, #tpu.memory_space<vmem>>[vector<16xi32>, vector<16xi32>], vector<16xf32>,
      %gather3A_1199 = tpu.vector_load_idx %arg30[%add3A_605, %add3A_1194] : memref<64x128xf32, #tpu.memory_space<vmem>>[vector<16xi32>, vector<16xi32>], vector<16xf32>,
      %mul3A_1200 = arith.mulf %gather3A, %gather3A_1196 : vector<16xf32>
      %mul3A_1201 = arith.mulf %gather3A_1195, %gather3A_1197 : vector<16xf32>
      %add3A_1202 = arith.addf %mul3A_1200, %mul3A_1201 : vector<16xf32>
      %mul3A_1203 = arith.mulf %gather3A, %gather3A_1197 : vector<16xf32>
      %mul3A_1204 = arith.mulf %gather3A_1195, %gather3A_1196 : vector<16xf32>
      %sub3A = arith.subf %mul3A_1203, %mul3A_1204 : vector<16xf32>
      %mul3A_1205 = arith.mulf %gather3A_1198, %add3A_1202 : vector<16xf32>
      %mul3A_1206 = arith.mulf %gather3A_1199, %sub3A : vector<16xf32>
      %add3A_1207 = arith.addf %mul3A_1205, %mul3A_1206 : vector<16xf32>
      %add3A_1208 = arith.addf %scan3A_1188, %add3A_1207 : vector<16xf32>
      scf.yield %add3A_1208 : vector<16xf32>
    }
    %scan3A_619 = arith.constant 64 : i32
    %neg3A_620 = arith.constant 0.000000e+00 : f32
    %neg3A_621 = vector.broadcast %neg3A_620 : f32 to vector<16xf32>
    %neg3A_622 = arith.subf %neg3A_621, %scan3A_618 : vector<16xf32>
    %swap3A_623 = arith.constant 240 : index
    %swap3A_624 = tpu.vector_load %arg31[%swap3A_623] {strides = array<i32>} : memref<512xf32, #tpu.memory_space<vmem>>, vector<16xf32>,
    tpu.vector_store %arg31[%swap3A_623], %neg3A_622 {strides = array<i32>} : memref<512xf32, #tpu.memory_space<vmem>>, vector<16xf32>,
    %dma_start3A_625 = arith.constant 320 : i32
    %dma_start3A_626 = tpu.memref_slice %arg13[%dma_start3A_625] : memref<512xi32, #tpu.memory_space<vmem>> -> memref<64xi32, #tpu.memory_space<vmem>>
    %dma_start3A_627 = arith.constant 0 : i32
    %dma_start3A_628 = arith.constant 0 : i32
    %dma_start3A_629 = tpu.memref_slice %arg5[%dma_start3A_627, %dma_start3A_628] : memref<500000x128xf32, #tpu.memory_space<hbm>> -> memref<500000x128xf32, #tpu.memory_space<hbm>>
    tpu.enqueue_indirect_dma source(%dma_start3A_629 : memref<500000x128xf32, #tpu.memory_space<hbm>>) target(%arg25 : memref<64x128xf32, #tpu.memory_space<vmem>>) offsets(%dma_start3A_626 : memref<64xi32, #tpu.memory_space<vmem>>) semaphore(%arg33 : memref<!tpu.dma_semaphore, #tpu.memory_space<semaphore_mem>>)
    %dma_start3A_630 = arith.constant 320 : i32
    %dma_start3A_631 = tpu.memref_slice %arg13[%dma_start3A_630] : memref<512xi32, #tpu.memory_space<vmem>> -> memref<64xi32, #tpu.memory_space<vmem>>
    %dma_start3A_632 = arith.constant 0 : i32
    %dma_start3A_633 = arith.constant 0 : i32
    %dma_start3A_634 = tpu.memref_slice %arg6[%dma_start3A_632, %dma_start3A_633] : memref<500000x128xf32, #tpu.memory_space<hbm>> -> memref<500000x128xf32, #tpu.memory_space<hbm>>
    tpu.enqueue_indirect_dma source(%dma_start3A_634 : memref<500000x128xf32, #tpu.memory_space<hbm>>) target(%arg26 : memref<64x128xf32, #tpu.memory_space<vmem>>) offsets(%dma_start3A_631 : memref<64xi32, #tpu.memory_space<vmem>>) semaphore(%arg33 : memref<!tpu.dma_semaphore, #tpu.memory_space<semaphore_mem>>)
    %dma_start3A_635 = arith.constant 320 : i32
    %dma_start3A_636 = tpu.memref_slice %arg14[%dma_start3A_635] : memref<512xi32, #tpu.memory_space<vmem>> -> memref<64xi32, #tpu.memory_space<vmem>>
    %dma_start3A_637 = arith.constant 0 : i32
    %dma_start3A_638 = arith.constant 0 : i32
    %dma_start3A_639 = tpu.memref_slice %arg5[%dma_start3A_637, %dma_start3A_638] : memref<500000x128xf32, #tpu.memory_space<hbm>> -> memref<500000x128xf32, #tpu.memory_space<hbm>>
    tpu.enqueue_indirect_dma source(%dma_start3A_639 : memref<500000x128xf32, #tpu.memory_space<hbm>>) target(%arg27 : memref<64x128xf32, #tpu.memory_space<vmem>>) offsets(%dma_start3A_636 : memref<64xi32, #tpu.memory_space<vmem>>) semaphore(%arg33 : memref<!tpu.dma_semaphore, #tpu.memory_space<semaphore_mem>>)
    %dma_start3A_640 = arith.constant 320 : i32
    %dma_start3A_641 = tpu.memref_slice %arg14[%dma_start3A_640] : memref<512xi32, #tpu.memory_space<vmem>> -> memref<64xi32, #tpu.memory_space<vmem>>
    %dma_start3A_642 = arith.constant 0 : i32
    %dma_start3A_643 = arith.constant 0 : i32
    %dma_start3A_644 = tpu.memref_slice %arg6[%dma_start3A_642, %dma_start3A_643] : memref<500000x128xf32, #tpu.memory_space<hbm>> -> memref<500000x128xf32, #tpu.memory_space<hbm>>
    tpu.enqueue_indirect_dma source(%dma_start3A_644 : memref<500000x128xf32, #tpu.memory_space<hbm>>) target(%arg28 : memref<64x128xf32, #tpu.memory_space<vmem>>) offsets(%dma_start3A_641 : memref<64xi32, #tpu.memory_space<vmem>>) semaphore(%arg33 : memref<!tpu.dma_semaphore, #tpu.memory_space<semaphore_mem>>)
    %dma_start3A_645 = arith.constant 320 : i32
    %dma_start3A_646 = tpu.memref_slice %arg15[%dma_start3A_645] : memref<512xi32, #tpu.memory_space<vmem>> -> memref<64xi32, #tpu.memory_space<vmem>>
    %dma_start3A_647 = arith.constant 0 : i32
    %dma_start3A_648 = arith.constant 0 : i32
    %dma_start3A_649 = tpu.memref_slice %arg7[%dma_start3A_647, %dma_start3A_648] : memref<500000x128xf32, #tpu.memory_space<hbm>> -> memref<500000x128xf32, #tpu.memory_space<hbm>>
    tpu.enqueue_indirect_dma source(%dma_start3A_649 : memref<500000x128xf32, #tpu.memory_space<hbm>>) target(%arg29 : memref<64x128xf32, #tpu.memory_space<vmem>>) offsets(%dma_start3A_646 : memref<64xi32, #tpu.memory_space<vmem>>) semaphore(%arg33 : memref<!tpu.dma_semaphore, #tpu.memory_space<semaphore_mem>>)
    %dma_start3A_650 = arith.constant 320 : i32
    %dma_start3A_651 = tpu.memref_slice %arg15[%dma_start3A_650] : memref<512xi32, #tpu.memory_space<vmem>> -> memref<64xi32, #tpu.memory_space<vmem>>
    %dma_start3A_652 = arith.constant 0 : i32
    %dma_start3A_653 = arith.constant 0 : i32
    %dma_start3A_654 = tpu.memref_slice %arg8[%dma_start3A_652, %dma_start3A_653] : memref<500000x128xf32, #tpu.memory_space<hbm>> -> memref<500000x128xf32, #tpu.memory_space<hbm>>
    tpu.enqueue_indirect_dma source(%dma_start3A_654 : memref<500000x128xf32, #tpu.memory_space<hbm>>) target(%arg30 : memref<64x128xf32, #tpu.memory_space<vmem>>) offsets(%dma_start3A_651 : memref<64xi32, #tpu.memory_space<vmem>>) semaphore(%arg33 : memref<!tpu.dma_semaphore, #tpu.memory_space<semaphore_mem>>)
    %dma_wait3A_655 = arith.constant 256 : i32
    %dma_wait3A_656 = tpu.memref_slice %arg13[%dma_wait3A_655] : memref<512xi32, #tpu.memory_space<vmem>> -> memref<64xi32, #tpu.memory_space<vmem>>
    %dma_wait3A_657 = arith.constant 0 : i32
    %dma_wait3A_658 = arith.constant 0 : i32
    %dma_wait3A_659 = tpu.memref_slice %arg5[%dma_wait3A_657, %dma_wait3A_658] : memref<500000x128xf32, #tpu.memory_space<hbm>> -> memref<500000x128xf32, #tpu.memory_space<hbm>>
    tpu.wait_indirect_dma semaphore(%arg32 : memref<!tpu.dma_semaphore, #tpu.memory_space<semaphore_mem>>) src(%dma_wait3A_659 : memref<500000x128xf32, #tpu.memory_space<hbm>>) dst(%arg19 : memref<64x128xf32, #tpu.memory_space<vmem>>)
    %dma_wait3A_660 = arith.constant 256 : i32
    %dma_wait3A_661 = tpu.memref_slice %arg13[%dma_wait3A_660] : memref<512xi32, #tpu.memory_space<vmem>> -> memref<64xi32, #tpu.memory_space<vmem>>
    %dma_wait3A_662 = arith.constant 0 : i32
    %dma_wait3A_663 = arith.constant 0 : i32
    %dma_wait3A_664 = tpu.memref_slice %arg6[%dma_wait3A_662, %dma_wait3A_663] : memref<500000x128xf32, #tpu.memory_space<hbm>> -> memref<500000x128xf32, #tpu.memory_space<hbm>>
    tpu.wait_indirect_dma semaphore(%arg32 : memref<!tpu.dma_semaphore, #tpu.memory_space<semaphore_mem>>) src(%dma_wait3A_664 : memref<500000x128xf32, #tpu.memory_space<hbm>>) dst(%arg20 : memref<64x128xf32, #tpu.memory_space<vmem>>)
    %dma_wait3A_665 = arith.constant 256 : i32
    %dma_wait3A_666 = tpu.memref_slice %arg14[%dma_wait3A_665] : memref<512xi32, #tpu.memory_space<vmem>> -> memref<64xi32, #tpu.memory_space<vmem>>
    %dma_wait3A_667 = arith.constant 0 : i32
    %dma_wait3A_668 = arith.constant 0 : i32
    %dma_wait3A_669 = tpu.memref_slice %arg5[%dma_wait3A_667, %dma_wait3A_668] : memref<500000x128xf32, #tpu.memory_space<hbm>> -> memref<500000x128xf32, #tpu.memory_space<hbm>>
    tpu.wait_indirect_dma semaphore(%arg32 : memref<!tpu.dma_semaphore, #tpu.memory_space<semaphore_mem>>) src(%dma_wait3A_669 : memref<500000x128xf32, #tpu.memory_space<hbm>>) dst(%arg21 : memref<64x128xf32, #tpu.memory_space<vmem>>)
    %dma_wait3A_670 = arith.constant 256 : i32
    %dma_wait3A_671 = tpu.memref_slice %arg14[%dma_wait3A_670] : memref<512xi32, #tpu.memory_space<vmem>> -> memref<64xi32, #tpu.memory_space<vmem>>
    %dma_wait3A_672 = arith.constant 0 : i32
    %dma_wait3A_673 = arith.constant 0 : i32
    %dma_wait3A_674 = tpu.memref_slice %arg6[%dma_wait3A_672, %dma_wait3A_673] : memref<500000x128xf32, #tpu.memory_space<hbm>> -> memref<500000x128xf32, #tpu.memory_space<hbm>>
    tpu.wait_indirect_dma semaphore(%arg32 : memref<!tpu.dma_semaphore, #tpu.memory_space<semaphore_mem>>) src(%dma_wait3A_674 : memref<500000x128xf32, #tpu.memory_space<hbm>>) dst(%arg22 : memref<64x128xf32, #tpu.memory_space<vmem>>)
    %dma_wait3A_675 = arith.constant 256 : i32
    %dma_wait3A_676 = tpu.memref_slice %arg15[%dma_wait3A_675] : memref<512xi32, #tpu.memory_space<vmem>> -> memref<64xi32, #tpu.memory_space<vmem>>
    %dma_wait3A_677 = arith.constant 0 : i32
    %dma_wait3A_678 = arith.constant 0 : i32
    %dma_wait3A_679 = tpu.memref_slice %arg7[%dma_wait3A_677, %dma_wait3A_678] : memref<500000x128xf32, #tpu.memory_space<hbm>> -> memref<500000x128xf32, #tpu.memory_space<hbm>>
    tpu.wait_indirect_dma semaphore(%arg32 : memref<!tpu.dma_semaphore, #tpu.memory_space<semaphore_mem>>) src(%dma_wait3A_679 : memref<500000x128xf32, #tpu.memory_space<hbm>>) dst(%arg23 : memref<64x128xf32, #tpu.memory_space<vmem>>)
    %dma_wait3A_680 = arith.constant 256 : i32
    %dma_wait3A_681 = tpu.memref_slice %arg15[%dma_wait3A_680] : memref<512xi32, #tpu.memory_space<vmem>> -> memref<64xi32, #tpu.memory_space<vmem>>
    %dma_wait3A_682 = arith.constant 0 : i32
    %dma_wait3A_683 = arith.constant 0 : i32
    %dma_wait3A_684 = tpu.memref_slice %arg8[%dma_wait3A_682, %dma_wait3A_683] : memref<500000x128xf32, #tpu.memory_space<hbm>> -> memref<500000x128xf32, #tpu.memory_space<hbm>>
    tpu.wait_indirect_dma semaphore(%arg32 : memref<!tpu.dma_semaphore, #tpu.memory_space<semaphore_mem>>) src(%dma_wait3A_684 : memref<500000x128xf32, #tpu.memory_space<hbm>>) dst(%arg24 : memref<64x128xf32, #tpu.memory_space<vmem>>)
    %add3A_685 = arith.constant 0 : i32
    %add3A_686 = vector.broadcast %add3A_685 : i32 to vector<16xi32>
    %add3A_687 = arith.addi %iota3A, %add3A_686 : vector<16xi32>
    %get3A_688 = arith.constant 256 : index
    %get3A_689 = tpu.vector_load %arg16[%get3A_688] {strides = array<i32>} : memref<512xi32, #tpu.memory_space<vmem>>, vector<16xi32>,
    %get3A_690 = arith.constant 256 : index
    %get3A_691 = tpu.vector_load %arg17[%get3A_690] {strides = array<i32>} : memref<512xi32, #tpu.memory_space<vmem>>, vector<16xi32>,
    %get3A_692 = arith.constant 256 : index
    %get3A_693 = tpu.vector_load %arg18[%get3A_692] {strides = array<i32>} : memref<512xi32, #tpu.memory_space<vmem>>, vector<16xi32>,
    %broadcast_in_dim3A_694 = arith.constant 0.000000e+00 : f32
    %broadcast_in_dim3A_695 = vector.broadcast %broadcast_in_dim3A_694 : f32 to vector<16xf32>
    %scan3A_696 = arith.constant 0 : i32
    %scan3A_697 = arith.constant 64 : i32
    %scan3A_698 = arith.addi %scan3A_696, %scan3A_697 : i32
    %scan3A_699 = arith.constant 1 : i32
    %scan3A_700 = scf.for %scan3A_1187 = %scan3A_696 to %scan3A_698 step %scan3A_699 iter_args(%scan3A_1188 = %broadcast_in_dim3A_695) -> (vector<16xf32>)  : i32 {
      %add3A_1189 = vector.broadcast %scan3A_1187 : i32 to vector<16xi32>
      %add3A_1190 = arith.addi %get3A_689, %add3A_1189 : vector<16xi32>
      %add3A_1191 = vector.broadcast %scan3A_1187 : i32 to vector<16xi32>
      %add3A_1192 = arith.addi %get3A_691, %add3A_1191 : vector<16xi32>
      %add3A_1193 = vector.broadcast %scan3A_1187 : i32 to vector<16xi32>
      %add3A_1194 = arith.addi %get3A_693, %add3A_1193 : vector<16xi32>
      %gather3A = tpu.vector_load_idx %arg19[%add3A_687, %add3A_1190] : memref<64x128xf32, #tpu.memory_space<vmem>>[vector<16xi32>, vector<16xi32>], vector<16xf32>,
      %gather3A_1195 = tpu.vector_load_idx %arg20[%add3A_687, %add3A_1190] : memref<64x128xf32, #tpu.memory_space<vmem>>[vector<16xi32>, vector<16xi32>], vector<16xf32>,
      %gather3A_1196 = tpu.vector_load_idx %arg21[%add3A_687, %add3A_1192] : memref<64x128xf32, #tpu.memory_space<vmem>>[vector<16xi32>, vector<16xi32>], vector<16xf32>,
      %gather3A_1197 = tpu.vector_load_idx %arg22[%add3A_687, %add3A_1192] : memref<64x128xf32, #tpu.memory_space<vmem>>[vector<16xi32>, vector<16xi32>], vector<16xf32>,
      %gather3A_1198 = tpu.vector_load_idx %arg23[%add3A_687, %add3A_1194] : memref<64x128xf32, #tpu.memory_space<vmem>>[vector<16xi32>, vector<16xi32>], vector<16xf32>,
      %gather3A_1199 = tpu.vector_load_idx %arg24[%add3A_687, %add3A_1194] : memref<64x128xf32, #tpu.memory_space<vmem>>[vector<16xi32>, vector<16xi32>], vector<16xf32>,
      %mul3A_1200 = arith.mulf %gather3A, %gather3A_1196 : vector<16xf32>
      %mul3A_1201 = arith.mulf %gather3A_1195, %gather3A_1197 : vector<16xf32>
      %add3A_1202 = arith.addf %mul3A_1200, %mul3A_1201 : vector<16xf32>
      %mul3A_1203 = arith.mulf %gather3A, %gather3A_1197 : vector<16xf32>
      %mul3A_1204 = arith.mulf %gather3A_1195, %gather3A_1196 : vector<16xf32>
      %sub3A = arith.subf %mul3A_1203, %mul3A_1204 : vector<16xf32>
      %mul3A_1205 = arith.mulf %gather3A_1198, %add3A_1202 : vector<16xf32>
      %mul3A_1206 = arith.mulf %gather3A_1199, %sub3A : vector<16xf32>
      %add3A_1207 = arith.addf %mul3A_1205, %mul3A_1206 : vector<16xf32>
      %add3A_1208 = arith.addf %scan3A_1188, %add3A_1207 : vector<16xf32>
      scf.yield %add3A_1208 : vector<16xf32>
    }
    %scan3A_701 = arith.constant 64 : i32
    %neg3A_702 = arith.constant 0.000000e+00 : f32
    %neg3A_703 = vector.broadcast %neg3A_702 : f32 to vector<16xf32>
    %neg3A_704 = arith.subf %neg3A_703, %scan3A_700 : vector<16xf32>
    %swap3A_705 = arith.constant 256 : index
    %swap3A_706 = tpu.vector_load %arg31[%swap3A_705] {strides = array<i32>} : memref<512xf32, #tpu.memory_space<vmem>>, vector<16xf32>,
    tpu.vector_store %arg31[%swap3A_705], %neg3A_704 {strides = array<i32>} : memref<512xf32, #tpu.memory_space<vmem>>, vector<16xf32>,
    %add3A_707 = arith.constant 16 : i32
    %add3A_708 = vector.broadcast %add3A_707 : i32 to vector<16xi32>
    %add3A_709 = arith.addi %iota3A, %add3A_708 : vector<16xi32>
    %get3A_710 = arith.constant 272 : index
    %get3A_711 = tpu.vector_load %arg16[%get3A_710] {strides = array<i32>} : memref<512xi32, #tpu.memory_space<vmem>>, vector<16xi32>,
    %get3A_712 = arith.constant 272 : index
    %get3A_713 = tpu.vector_load %arg17[%get3A_712] {strides = array<i32>} : memref<512xi32, #tpu.memory_space<vmem>>, vector<16xi32>,
    %get3A_714 = arith.constant 272 : index
    %get3A_715 = tpu.vector_load %arg18[%get3A_714] {strides = array<i32>} : memref<512xi32, #tpu.memory_space<vmem>>, vector<16xi32>,
    %broadcast_in_dim3A_716 = arith.constant 0.000000e+00 : f32
    %broadcast_in_dim3A_717 = vector.broadcast %broadcast_in_dim3A_716 : f32 to vector<16xf32>
    %scan3A_718 = arith.constant 0 : i32
    %scan3A_719 = arith.constant 64 : i32
    %scan3A_720 = arith.addi %scan3A_718, %scan3A_719 : i32
    %scan3A_721 = arith.constant 1 : i32
    %scan3A_722 = scf.for %scan3A_1187 = %scan3A_718 to %scan3A_720 step %scan3A_721 iter_args(%scan3A_1188 = %broadcast_in_dim3A_717) -> (vector<16xf32>)  : i32 {
      %add3A_1189 = vector.broadcast %scan3A_1187 : i32 to vector<16xi32>
      %add3A_1190 = arith.addi %get3A_711, %add3A_1189 : vector<16xi32>
      %add3A_1191 = vector.broadcast %scan3A_1187 : i32 to vector<16xi32>
      %add3A_1192 = arith.addi %get3A_713, %add3A_1191 : vector<16xi32>
      %add3A_1193 = vector.broadcast %scan3A_1187 : i32 to vector<16xi32>
      %add3A_1194 = arith.addi %get3A_715, %add3A_1193 : vector<16xi32>
      %gather3A = tpu.vector_load_idx %arg19[%add3A_709, %add3A_1190] : memref<64x128xf32, #tpu.memory_space<vmem>>[vector<16xi32>, vector<16xi32>], vector<16xf32>,
      %gather3A_1195 = tpu.vector_load_idx %arg20[%add3A_709, %add3A_1190] : memref<64x128xf32, #tpu.memory_space<vmem>>[vector<16xi32>, vector<16xi32>], vector<16xf32>,
      %gather3A_1196 = tpu.vector_load_idx %arg21[%add3A_709, %add3A_1192] : memref<64x128xf32, #tpu.memory_space<vmem>>[vector<16xi32>, vector<16xi32>], vector<16xf32>,
      %gather3A_1197 = tpu.vector_load_idx %arg22[%add3A_709, %add3A_1192] : memref<64x128xf32, #tpu.memory_space<vmem>>[vector<16xi32>, vector<16xi32>], vector<16xf32>,
      %gather3A_1198 = tpu.vector_load_idx %arg23[%add3A_709, %add3A_1194] : memref<64x128xf32, #tpu.memory_space<vmem>>[vector<16xi32>, vector<16xi32>], vector<16xf32>,
      %gather3A_1199 = tpu.vector_load_idx %arg24[%add3A_709, %add3A_1194] : memref<64x128xf32, #tpu.memory_space<vmem>>[vector<16xi32>, vector<16xi32>], vector<16xf32>,
      %mul3A_1200 = arith.mulf %gather3A, %gather3A_1196 : vector<16xf32>
      %mul3A_1201 = arith.mulf %gather3A_1195, %gather3A_1197 : vector<16xf32>
      %add3A_1202 = arith.addf %mul3A_1200, %mul3A_1201 : vector<16xf32>
      %mul3A_1203 = arith.mulf %gather3A, %gather3A_1197 : vector<16xf32>
      %mul3A_1204 = arith.mulf %gather3A_1195, %gather3A_1196 : vector<16xf32>
      %sub3A = arith.subf %mul3A_1203, %mul3A_1204 : vector<16xf32>
      %mul3A_1205 = arith.mulf %gather3A_1198, %add3A_1202 : vector<16xf32>
      %mul3A_1206 = arith.mulf %gather3A_1199, %sub3A : vector<16xf32>
      %add3A_1207 = arith.addf %mul3A_1205, %mul3A_1206 : vector<16xf32>
      %add3A_1208 = arith.addf %scan3A_1188, %add3A_1207 : vector<16xf32>
      scf.yield %add3A_1208 : vector<16xf32>
    }
    %scan3A_723 = arith.constant 64 : i32
    %neg3A_724 = arith.constant 0.000000e+00 : f32
    %neg3A_725 = vector.broadcast %neg3A_724 : f32 to vector<16xf32>
    %neg3A_726 = arith.subf %neg3A_725, %scan3A_722 : vector<16xf32>
    %swap3A_727 = arith.constant 272 : index
    %swap3A_728 = tpu.vector_load %arg31[%swap3A_727] {strides = array<i32>} : memref<512xf32, #tpu.memory_space<vmem>>, vector<16xf32>,
    tpu.vector_store %arg31[%swap3A_727], %neg3A_726 {strides = array<i32>} : memref<512xf32, #tpu.memory_space<vmem>>, vector<16xf32>,
    %add3A_729 = arith.constant 32 : i32
    %add3A_730 = vector.broadcast %add3A_729 : i32 to vector<16xi32>
    %add3A_731 = arith.addi %iota3A, %add3A_730 : vector<16xi32>
    %get3A_732 = arith.constant 288 : index
    %get3A_733 = tpu.vector_load %arg16[%get3A_732] {strides = array<i32>} : memref<512xi32, #tpu.memory_space<vmem>>, vector<16xi32>,
    %get3A_734 = arith.constant 288 : index
    %get3A_735 = tpu.vector_load %arg17[%get3A_734] {strides = array<i32>} : memref<512xi32, #tpu.memory_space<vmem>>, vector<16xi32>,
    %get3A_736 = arith.constant 288 : index
    %get3A_737 = tpu.vector_load %arg18[%get3A_736] {strides = array<i32>} : memref<512xi32, #tpu.memory_space<vmem>>, vector<16xi32>,
    %broadcast_in_dim3A_738 = arith.constant 0.000000e+00 : f32
    %broadcast_in_dim3A_739 = vector.broadcast %broadcast_in_dim3A_738 : f32 to vector<16xf32>
    %scan3A_740 = arith.constant 0 : i32
    %scan3A_741 = arith.constant 64 : i32
    %scan3A_742 = arith.addi %scan3A_740, %scan3A_741 : i32
    %scan3A_743 = arith.constant 1 : i32
    %scan3A_744 = scf.for %scan3A_1187 = %scan3A_740 to %scan3A_742 step %scan3A_743 iter_args(%scan3A_1188 = %broadcast_in_dim3A_739) -> (vector<16xf32>)  : i32 {
      %add3A_1189 = vector.broadcast %scan3A_1187 : i32 to vector<16xi32>
      %add3A_1190 = arith.addi %get3A_733, %add3A_1189 : vector<16xi32>
      %add3A_1191 = vector.broadcast %scan3A_1187 : i32 to vector<16xi32>
      %add3A_1192 = arith.addi %get3A_735, %add3A_1191 : vector<16xi32>
      %add3A_1193 = vector.broadcast %scan3A_1187 : i32 to vector<16xi32>
      %add3A_1194 = arith.addi %get3A_737, %add3A_1193 : vector<16xi32>
      %gather3A = tpu.vector_load_idx %arg19[%add3A_731, %add3A_1190] : memref<64x128xf32, #tpu.memory_space<vmem>>[vector<16xi32>, vector<16xi32>], vector<16xf32>,
      %gather3A_1195 = tpu.vector_load_idx %arg20[%add3A_731, %add3A_1190] : memref<64x128xf32, #tpu.memory_space<vmem>>[vector<16xi32>, vector<16xi32>], vector<16xf32>,
      %gather3A_1196 = tpu.vector_load_idx %arg21[%add3A_731, %add3A_1192] : memref<64x128xf32, #tpu.memory_space<vmem>>[vector<16xi32>, vector<16xi32>], vector<16xf32>,
      %gather3A_1197 = tpu.vector_load_idx %arg22[%add3A_731, %add3A_1192] : memref<64x128xf32, #tpu.memory_space<vmem>>[vector<16xi32>, vector<16xi32>], vector<16xf32>,
      %gather3A_1198 = tpu.vector_load_idx %arg23[%add3A_731, %add3A_1194] : memref<64x128xf32, #tpu.memory_space<vmem>>[vector<16xi32>, vector<16xi32>], vector<16xf32>,
      %gather3A_1199 = tpu.vector_load_idx %arg24[%add3A_731, %add3A_1194] : memref<64x128xf32, #tpu.memory_space<vmem>>[vector<16xi32>, vector<16xi32>], vector<16xf32>,
      %mul3A_1200 = arith.mulf %gather3A, %gather3A_1196 : vector<16xf32>
      %mul3A_1201 = arith.mulf %gather3A_1195, %gather3A_1197 : vector<16xf32>
      %add3A_1202 = arith.addf %mul3A_1200, %mul3A_1201 : vector<16xf32>
      %mul3A_1203 = arith.mulf %gather3A, %gather3A_1197 : vector<16xf32>
      %mul3A_1204 = arith.mulf %gather3A_1195, %gather3A_1196 : vector<16xf32>
      %sub3A = arith.subf %mul3A_1203, %mul3A_1204 : vector<16xf32>
      %mul3A_1205 = arith.mulf %gather3A_1198, %add3A_1202 : vector<16xf32>
      %mul3A_1206 = arith.mulf %gather3A_1199, %sub3A : vector<16xf32>
      %add3A_1207 = arith.addf %mul3A_1205, %mul3A_1206 : vector<16xf32>
      %add3A_1208 = arith.addf %scan3A_1188, %add3A_1207 : vector<16xf32>
      scf.yield %add3A_1208 : vector<16xf32>
    }
    %scan3A_745 = arith.constant 64 : i32
    %neg3A_746 = arith.constant 0.000000e+00 : f32
    %neg3A_747 = vector.broadcast %neg3A_746 : f32 to vector<16xf32>
    %neg3A_748 = arith.subf %neg3A_747, %scan3A_744 : vector<16xf32>
    %swap3A_749 = arith.constant 288 : index
    %swap3A_750 = tpu.vector_load %arg31[%swap3A_749] {strides = array<i32>} : memref<512xf32, #tpu.memory_space<vmem>>, vector<16xf32>,
    tpu.vector_store %arg31[%swap3A_749], %neg3A_748 {strides = array<i32>} : memref<512xf32, #tpu.memory_space<vmem>>, vector<16xf32>,
    %add3A_751 = arith.constant 48 : i32
    %add3A_752 = vector.broadcast %add3A_751 : i32 to vector<16xi32>
    %add3A_753 = arith.addi %iota3A, %add3A_752 : vector<16xi32>
    %get3A_754 = arith.constant 304 : index
    %get3A_755 = tpu.vector_load %arg16[%get3A_754] {strides = array<i32>} : memref<512xi32, #tpu.memory_space<vmem>>, vector<16xi32>,
    %get3A_756 = arith.constant 304 : index
    %get3A_757 = tpu.vector_load %arg17[%get3A_756] {strides = array<i32>} : memref<512xi32, #tpu.memory_space<vmem>>, vector<16xi32>,
    %get3A_758 = arith.constant 304 : index
    %get3A_759 = tpu.vector_load %arg18[%get3A_758] {strides = array<i32>} : memref<512xi32, #tpu.memory_space<vmem>>, vector<16xi32>,
    %broadcast_in_dim3A_760 = arith.constant 0.000000e+00 : f32
    %broadcast_in_dim3A_761 = vector.broadcast %broadcast_in_dim3A_760 : f32 to vector<16xf32>
    %scan3A_762 = arith.constant 0 : i32
    %scan3A_763 = arith.constant 64 : i32
    %scan3A_764 = arith.addi %scan3A_762, %scan3A_763 : i32
    %scan3A_765 = arith.constant 1 : i32
    %scan3A_766 = scf.for %scan3A_1187 = %scan3A_762 to %scan3A_764 step %scan3A_765 iter_args(%scan3A_1188 = %broadcast_in_dim3A_761) -> (vector<16xf32>)  : i32 {
      %add3A_1189 = vector.broadcast %scan3A_1187 : i32 to vector<16xi32>
      %add3A_1190 = arith.addi %get3A_755, %add3A_1189 : vector<16xi32>
      %add3A_1191 = vector.broadcast %scan3A_1187 : i32 to vector<16xi32>
      %add3A_1192 = arith.addi %get3A_757, %add3A_1191 : vector<16xi32>
      %add3A_1193 = vector.broadcast %scan3A_1187 : i32 to vector<16xi32>
      %add3A_1194 = arith.addi %get3A_759, %add3A_1193 : vector<16xi32>
      %gather3A = tpu.vector_load_idx %arg19[%add3A_753, %add3A_1190] : memref<64x128xf32, #tpu.memory_space<vmem>>[vector<16xi32>, vector<16xi32>], vector<16xf32>,
      %gather3A_1195 = tpu.vector_load_idx %arg20[%add3A_753, %add3A_1190] : memref<64x128xf32, #tpu.memory_space<vmem>>[vector<16xi32>, vector<16xi32>], vector<16xf32>,
      %gather3A_1196 = tpu.vector_load_idx %arg21[%add3A_753, %add3A_1192] : memref<64x128xf32, #tpu.memory_space<vmem>>[vector<16xi32>, vector<16xi32>], vector<16xf32>,
      %gather3A_1197 = tpu.vector_load_idx %arg22[%add3A_753, %add3A_1192] : memref<64x128xf32, #tpu.memory_space<vmem>>[vector<16xi32>, vector<16xi32>], vector<16xf32>,
      %gather3A_1198 = tpu.vector_load_idx %arg23[%add3A_753, %add3A_1194] : memref<64x128xf32, #tpu.memory_space<vmem>>[vector<16xi32>, vector<16xi32>], vector<16xf32>,
      %gather3A_1199 = tpu.vector_load_idx %arg24[%add3A_753, %add3A_1194] : memref<64x128xf32, #tpu.memory_space<vmem>>[vector<16xi32>, vector<16xi32>], vector<16xf32>,
      %mul3A_1200 = arith.mulf %gather3A, %gather3A_1196 : vector<16xf32>
      %mul3A_1201 = arith.mulf %gather3A_1195, %gather3A_1197 : vector<16xf32>
      %add3A_1202 = arith.addf %mul3A_1200, %mul3A_1201 : vector<16xf32>
      %mul3A_1203 = arith.mulf %gather3A, %gather3A_1197 : vector<16xf32>
      %mul3A_1204 = arith.mulf %gather3A_1195, %gather3A_1196 : vector<16xf32>
      %sub3A = arith.subf %mul3A_1203, %mul3A_1204 : vector<16xf32>
      %mul3A_1205 = arith.mulf %gather3A_1198, %add3A_1202 : vector<16xf32>
      %mul3A_1206 = arith.mulf %gather3A_1199, %sub3A : vector<16xf32>
      %add3A_1207 = arith.addf %mul3A_1205, %mul3A_1206 : vector<16xf32>
      %add3A_1208 = arith.addf %scan3A_1188, %add3A_1207 : vector<16xf32>
      scf.yield %add3A_1208 : vector<16xf32>
    }
    %scan3A_767 = arith.constant 64 : i32
    %neg3A_768 = arith.constant 0.000000e+00 : f32
    %neg3A_769 = vector.broadcast %neg3A_768 : f32 to vector<16xf32>
    %neg3A_770 = arith.subf %neg3A_769, %scan3A_766 : vector<16xf32>
    %swap3A_771 = arith.constant 304 : index
    %swap3A_772 = tpu.vector_load %arg31[%swap3A_771] {strides = array<i32>} : memref<512xf32, #tpu.memory_space<vmem>>, vector<16xf32>,
    tpu.vector_store %arg31[%swap3A_771], %neg3A_770 {strides = array<i32>} : memref<512xf32, #tpu.memory_space<vmem>>, vector<16xf32>,
    %dma_start3A_773 = arith.constant 384 : i32
    %dma_start3A_774 = tpu.memref_slice %arg13[%dma_start3A_773] : memref<512xi32, #tpu.memory_space<vmem>> -> memref<64xi32, #tpu.memory_space<vmem>>
    %dma_start3A_775 = arith.constant 0 : i32
    %dma_start3A_776 = arith.constant 0 : i32
    %dma_start3A_777 = tpu.memref_slice %arg5[%dma_start3A_775, %dma_start3A_776] : memref<500000x128xf32, #tpu.memory_space<hbm>> -> memref<500000x128xf32, #tpu.memory_space<hbm>>
    tpu.enqueue_indirect_dma source(%dma_start3A_777 : memref<500000x128xf32, #tpu.memory_space<hbm>>) target(%arg19 : memref<64x128xf32, #tpu.memory_space<vmem>>) offsets(%dma_start3A_774 : memref<64xi32, #tpu.memory_space<vmem>>) semaphore(%arg32 : memref<!tpu.dma_semaphore, #tpu.memory_space<semaphore_mem>>)
    %dma_start3A_778 = arith.constant 384 : i32
    %dma_start3A_779 = tpu.memref_slice %arg13[%dma_start3A_778] : memref<512xi32, #tpu.memory_space<vmem>> -> memref<64xi32, #tpu.memory_space<vmem>>
    %dma_start3A_780 = arith.constant 0 : i32
    %dma_start3A_781 = arith.constant 0 : i32
    %dma_start3A_782 = tpu.memref_slice %arg6[%dma_start3A_780, %dma_start3A_781] : memref<500000x128xf32, #tpu.memory_space<hbm>> -> memref<500000x128xf32, #tpu.memory_space<hbm>>
    tpu.enqueue_indirect_dma source(%dma_start3A_782 : memref<500000x128xf32, #tpu.memory_space<hbm>>) target(%arg20 : memref<64x128xf32, #tpu.memory_space<vmem>>) offsets(%dma_start3A_779 : memref<64xi32, #tpu.memory_space<vmem>>) semaphore(%arg32 : memref<!tpu.dma_semaphore, #tpu.memory_space<semaphore_mem>>)
    %dma_start3A_783 = arith.constant 384 : i32
    %dma_start3A_784 = tpu.memref_slice %arg14[%dma_start3A_783] : memref<512xi32, #tpu.memory_space<vmem>> -> memref<64xi32, #tpu.memory_space<vmem>>
    %dma_start3A_785 = arith.constant 0 : i32
    %dma_start3A_786 = arith.constant 0 : i32
    %dma_start3A_787 = tpu.memref_slice %arg5[%dma_start3A_785, %dma_start3A_786] : memref<500000x128xf32, #tpu.memory_space<hbm>> -> memref<500000x128xf32, #tpu.memory_space<hbm>>
    tpu.enqueue_indirect_dma source(%dma_start3A_787 : memref<500000x128xf32, #tpu.memory_space<hbm>>) target(%arg21 : memref<64x128xf32, #tpu.memory_space<vmem>>) offsets(%dma_start3A_784 : memref<64xi32, #tpu.memory_space<vmem>>) semaphore(%arg32 : memref<!tpu.dma_semaphore, #tpu.memory_space<semaphore_mem>>)
    %dma_start3A_788 = arith.constant 384 : i32
    %dma_start3A_789 = tpu.memref_slice %arg14[%dma_start3A_788] : memref<512xi32, #tpu.memory_space<vmem>> -> memref<64xi32, #tpu.memory_space<vmem>>
    %dma_start3A_790 = arith.constant 0 : i32
    %dma_start3A_791 = arith.constant 0 : i32
    %dma_start3A_792 = tpu.memref_slice %arg6[%dma_start3A_790, %dma_start3A_791] : memref<500000x128xf32, #tpu.memory_space<hbm>> -> memref<500000x128xf32, #tpu.memory_space<hbm>>
    tpu.enqueue_indirect_dma source(%dma_start3A_792 : memref<500000x128xf32, #tpu.memory_space<hbm>>) target(%arg22 : memref<64x128xf32, #tpu.memory_space<vmem>>) offsets(%dma_start3A_789 : memref<64xi32, #tpu.memory_space<vmem>>) semaphore(%arg32 : memref<!tpu.dma_semaphore, #tpu.memory_space<semaphore_mem>>)
    %dma_start3A_793 = arith.constant 384 : i32
    %dma_start3A_794 = tpu.memref_slice %arg15[%dma_start3A_793] : memref<512xi32, #tpu.memory_space<vmem>> -> memref<64xi32, #tpu.memory_space<vmem>>
    %dma_start3A_795 = arith.constant 0 : i32
    %dma_start3A_796 = arith.constant 0 : i32
    %dma_start3A_797 = tpu.memref_slice %arg7[%dma_start3A_795, %dma_start3A_796] : memref<500000x128xf32, #tpu.memory_space<hbm>> -> memref<500000x128xf32, #tpu.memory_space<hbm>>
    tpu.enqueue_indirect_dma source(%dma_start3A_797 : memref<500000x128xf32, #tpu.memory_space<hbm>>) target(%arg23 : memref<64x128xf32, #tpu.memory_space<vmem>>) offsets(%dma_start3A_794 : memref<64xi32, #tpu.memory_space<vmem>>) semaphore(%arg32 : memref<!tpu.dma_semaphore, #tpu.memory_space<semaphore_mem>>)
    %dma_start3A_798 = arith.constant 384 : i32
    %dma_start3A_799 = tpu.memref_slice %arg15[%dma_start3A_798] : memref<512xi32, #tpu.memory_space<vmem>> -> memref<64xi32, #tpu.memory_space<vmem>>
    %dma_start3A_800 = arith.constant 0 : i32
    %dma_start3A_801 = arith.constant 0 : i32
    %dma_start3A_802 = tpu.memref_slice %arg8[%dma_start3A_800, %dma_start3A_801] : memref<500000x128xf32, #tpu.memory_space<hbm>> -> memref<500000x128xf32, #tpu.memory_space<hbm>>
    tpu.enqueue_indirect_dma source(%dma_start3A_802 : memref<500000x128xf32, #tpu.memory_space<hbm>>) target(%arg24 : memref<64x128xf32, #tpu.memory_space<vmem>>) offsets(%dma_start3A_799 : memref<64xi32, #tpu.memory_space<vmem>>) semaphore(%arg32 : memref<!tpu.dma_semaphore, #tpu.memory_space<semaphore_mem>>)
    %dma_wait3A_803 = arith.constant 320 : i32
    %dma_wait3A_804 = tpu.memref_slice %arg13[%dma_wait3A_803] : memref<512xi32, #tpu.memory_space<vmem>> -> memref<64xi32, #tpu.memory_space<vmem>>
    %dma_wait3A_805 = arith.constant 0 : i32
    %dma_wait3A_806 = arith.constant 0 : i32
    %dma_wait3A_807 = tpu.memref_slice %arg5[%dma_wait3A_805, %dma_wait3A_806] : memref<500000x128xf32, #tpu.memory_space<hbm>> -> memref<500000x128xf32, #tpu.memory_space<hbm>>
    tpu.wait_indirect_dma semaphore(%arg33 : memref<!tpu.dma_semaphore, #tpu.memory_space<semaphore_mem>>) src(%dma_wait3A_807 : memref<500000x128xf32, #tpu.memory_space<hbm>>) dst(%arg25 : memref<64x128xf32, #tpu.memory_space<vmem>>)
    %dma_wait3A_808 = arith.constant 320 : i32
    %dma_wait3A_809 = tpu.memref_slice %arg13[%dma_wait3A_808] : memref<512xi32, #tpu.memory_space<vmem>> -> memref<64xi32, #tpu.memory_space<vmem>>
    %dma_wait3A_810 = arith.constant 0 : i32
    %dma_wait3A_811 = arith.constant 0 : i32
    %dma_wait3A_812 = tpu.memref_slice %arg6[%dma_wait3A_810, %dma_wait3A_811] : memref<500000x128xf32, #tpu.memory_space<hbm>> -> memref<500000x128xf32, #tpu.memory_space<hbm>>
    tpu.wait_indirect_dma semaphore(%arg33 : memref<!tpu.dma_semaphore, #tpu.memory_space<semaphore_mem>>) src(%dma_wait3A_812 : memref<500000x128xf32, #tpu.memory_space<hbm>>) dst(%arg26 : memref<64x128xf32, #tpu.memory_space<vmem>>)
    %dma_wait3A_813 = arith.constant 320 : i32
    %dma_wait3A_814 = tpu.memref_slice %arg14[%dma_wait3A_813] : memref<512xi32, #tpu.memory_space<vmem>> -> memref<64xi32, #tpu.memory_space<vmem>>
    %dma_wait3A_815 = arith.constant 0 : i32
    %dma_wait3A_816 = arith.constant 0 : i32
    %dma_wait3A_817 = tpu.memref_slice %arg5[%dma_wait3A_815, %dma_wait3A_816] : memref<500000x128xf32, #tpu.memory_space<hbm>> -> memref<500000x128xf32, #tpu.memory_space<hbm>>
    tpu.wait_indirect_dma semaphore(%arg33 : memref<!tpu.dma_semaphore, #tpu.memory_space<semaphore_mem>>) src(%dma_wait3A_817 : memref<500000x128xf32, #tpu.memory_space<hbm>>) dst(%arg27 : memref<64x128xf32, #tpu.memory_space<vmem>>)
    %dma_wait3A_818 = arith.constant 320 : i32
    %dma_wait3A_819 = tpu.memref_slice %arg14[%dma_wait3A_818] : memref<512xi32, #tpu.memory_space<vmem>> -> memref<64xi32, #tpu.memory_space<vmem>>
    %dma_wait3A_820 = arith.constant 0 : i32
    %dma_wait3A_821 = arith.constant 0 : i32
    %dma_wait3A_822 = tpu.memref_slice %arg6[%dma_wait3A_820, %dma_wait3A_821] : memref<500000x128xf32, #tpu.memory_space<hbm>> -> memref<500000x128xf32, #tpu.memory_space<hbm>>
    tpu.wait_indirect_dma semaphore(%arg33 : memref<!tpu.dma_semaphore, #tpu.memory_space<semaphore_mem>>) src(%dma_wait3A_822 : memref<500000x128xf32, #tpu.memory_space<hbm>>) dst(%arg28 : memref<64x128xf32, #tpu.memory_space<vmem>>)
    %dma_wait3A_823 = arith.constant 320 : i32
    %dma_wait3A_824 = tpu.memref_slice %arg15[%dma_wait3A_823] : memref<512xi32, #tpu.memory_space<vmem>> -> memref<64xi32, #tpu.memory_space<vmem>>
    %dma_wait3A_825 = arith.constant 0 : i32
    %dma_wait3A_826 = arith.constant 0 : i32
    %dma_wait3A_827 = tpu.memref_slice %arg7[%dma_wait3A_825, %dma_wait3A_826] : memref<500000x128xf32, #tpu.memory_space<hbm>> -> memref<500000x128xf32, #tpu.memory_space<hbm>>
    tpu.wait_indirect_dma semaphore(%arg33 : memref<!tpu.dma_semaphore, #tpu.memory_space<semaphore_mem>>) src(%dma_wait3A_827 : memref<500000x128xf32, #tpu.memory_space<hbm>>) dst(%arg29 : memref<64x128xf32, #tpu.memory_space<vmem>>)
    %dma_wait3A_828 = arith.constant 320 : i32
    %dma_wait3A_829 = tpu.memref_slice %arg15[%dma_wait3A_828] : memref<512xi32, #tpu.memory_space<vmem>> -> memref<64xi32, #tpu.memory_space<vmem>>
    %dma_wait3A_830 = arith.constant 0 : i32
    %dma_wait3A_831 = arith.constant 0 : i32
    %dma_wait3A_832 = tpu.memref_slice %arg8[%dma_wait3A_830, %dma_wait3A_831] : memref<500000x128xf32, #tpu.memory_space<hbm>> -> memref<500000x128xf32, #tpu.memory_space<hbm>>
    tpu.wait_indirect_dma semaphore(%arg33 : memref<!tpu.dma_semaphore, #tpu.memory_space<semaphore_mem>>) src(%dma_wait3A_832 : memref<500000x128xf32, #tpu.memory_space<hbm>>) dst(%arg30 : memref<64x128xf32, #tpu.memory_space<vmem>>)
    %add3A_833 = arith.constant 0 : i32
    %add3A_834 = vector.broadcast %add3A_833 : i32 to vector<16xi32>
    %add3A_835 = arith.addi %iota3A, %add3A_834 : vector<16xi32>
    %get3A_836 = arith.constant 320 : index
    %get3A_837 = tpu.vector_load %arg16[%get3A_836] {strides = array<i32>} : memref<512xi32, #tpu.memory_space<vmem>>, vector<16xi32>,
    %get3A_838 = arith.constant 320 : index
    %get3A_839 = tpu.vector_load %arg17[%get3A_838] {strides = array<i32>} : memref<512xi32, #tpu.memory_space<vmem>>, vector<16xi32>,
    %get3A_840 = arith.constant 320 : index
    %get3A_841 = tpu.vector_load %arg18[%get3A_840] {strides = array<i32>} : memref<512xi32, #tpu.memory_space<vmem>>, vector<16xi32>,
    %broadcast_in_dim3A_842 = arith.constant 0.000000e+00 : f32
    %broadcast_in_dim3A_843 = vector.broadcast %broadcast_in_dim3A_842 : f32 to vector<16xf32>
    %scan3A_844 = arith.constant 0 : i32
    %scan3A_845 = arith.constant 64 : i32
    %scan3A_846 = arith.addi %scan3A_844, %scan3A_845 : i32
    %scan3A_847 = arith.constant 1 : i32
    %scan3A_848 = scf.for %scan3A_1187 = %scan3A_844 to %scan3A_846 step %scan3A_847 iter_args(%scan3A_1188 = %broadcast_in_dim3A_843) -> (vector<16xf32>)  : i32 {
      %add3A_1189 = vector.broadcast %scan3A_1187 : i32 to vector<16xi32>
      %add3A_1190 = arith.addi %get3A_837, %add3A_1189 : vector<16xi32>
      %add3A_1191 = vector.broadcast %scan3A_1187 : i32 to vector<16xi32>
      %add3A_1192 = arith.addi %get3A_839, %add3A_1191 : vector<16xi32>
      %add3A_1193 = vector.broadcast %scan3A_1187 : i32 to vector<16xi32>
      %add3A_1194 = arith.addi %get3A_841, %add3A_1193 : vector<16xi32>
      %gather3A = tpu.vector_load_idx %arg25[%add3A_835, %add3A_1190] : memref<64x128xf32, #tpu.memory_space<vmem>>[vector<16xi32>, vector<16xi32>], vector<16xf32>,
      %gather3A_1195 = tpu.vector_load_idx %arg26[%add3A_835, %add3A_1190] : memref<64x128xf32, #tpu.memory_space<vmem>>[vector<16xi32>, vector<16xi32>], vector<16xf32>,
      %gather3A_1196 = tpu.vector_load_idx %arg27[%add3A_835, %add3A_1192] : memref<64x128xf32, #tpu.memory_space<vmem>>[vector<16xi32>, vector<16xi32>], vector<16xf32>,
      %gather3A_1197 = tpu.vector_load_idx %arg28[%add3A_835, %add3A_1192] : memref<64x128xf32, #tpu.memory_space<vmem>>[vector<16xi32>, vector<16xi32>], vector<16xf32>,
      %gather3A_1198 = tpu.vector_load_idx %arg29[%add3A_835, %add3A_1194] : memref<64x128xf32, #tpu.memory_space<vmem>>[vector<16xi32>, vector<16xi32>], vector<16xf32>,
      %gather3A_1199 = tpu.vector_load_idx %arg30[%add3A_835, %add3A_1194] : memref<64x128xf32, #tpu.memory_space<vmem>>[vector<16xi32>, vector<16xi32>], vector<16xf32>,
      %mul3A_1200 = arith.mulf %gather3A, %gather3A_1196 : vector<16xf32>
      %mul3A_1201 = arith.mulf %gather3A_1195, %gather3A_1197 : vector<16xf32>
      %add3A_1202 = arith.addf %mul3A_1200, %mul3A_1201 : vector<16xf32>
      %mul3A_1203 = arith.mulf %gather3A, %gather3A_1197 : vector<16xf32>
      %mul3A_1204 = arith.mulf %gather3A_1195, %gather3A_1196 : vector<16xf32>
      %sub3A = arith.subf %mul3A_1203, %mul3A_1204 : vector<16xf32>
      %mul3A_1205 = arith.mulf %gather3A_1198, %add3A_1202 : vector<16xf32>
      %mul3A_1206 = arith.mulf %gather3A_1199, %sub3A : vector<16xf32>
      %add3A_1207 = arith.addf %mul3A_1205, %mul3A_1206 : vector<16xf32>
      %add3A_1208 = arith.addf %scan3A_1188, %add3A_1207 : vector<16xf32>
      scf.yield %add3A_1208 : vector<16xf32>
    }
    %scan3A_849 = arith.constant 64 : i32
    %neg3A_850 = arith.constant 0.000000e+00 : f32
    %neg3A_851 = vector.broadcast %neg3A_850 : f32 to vector<16xf32>
    %neg3A_852 = arith.subf %neg3A_851, %scan3A_848 : vector<16xf32>
    %swap3A_853 = arith.constant 320 : index
    %swap3A_854 = tpu.vector_load %arg31[%swap3A_853] {strides = array<i32>} : memref<512xf32, #tpu.memory_space<vmem>>, vector<16xf32>,
    tpu.vector_store %arg31[%swap3A_853], %neg3A_852 {strides = array<i32>} : memref<512xf32, #tpu.memory_space<vmem>>, vector<16xf32>,
    %add3A_855 = arith.constant 16 : i32
    %add3A_856 = vector.broadcast %add3A_855 : i32 to vector<16xi32>
    %add3A_857 = arith.addi %iota3A, %add3A_856 : vector<16xi32>
    %get3A_858 = arith.constant 336 : index
    %get3A_859 = tpu.vector_load %arg16[%get3A_858] {strides = array<i32>} : memref<512xi32, #tpu.memory_space<vmem>>, vector<16xi32>,
    %get3A_860 = arith.constant 336 : index
    %get3A_861 = tpu.vector_load %arg17[%get3A_860] {strides = array<i32>} : memref<512xi32, #tpu.memory_space<vmem>>, vector<16xi32>,
    %get3A_862 = arith.constant 336 : index
    %get3A_863 = tpu.vector_load %arg18[%get3A_862] {strides = array<i32>} : memref<512xi32, #tpu.memory_space<vmem>>, vector<16xi32>,
    %broadcast_in_dim3A_864 = arith.constant 0.000000e+00 : f32
    %broadcast_in_dim3A_865 = vector.broadcast %broadcast_in_dim3A_864 : f32 to vector<16xf32>
    %scan3A_866 = arith.constant 0 : i32
    %scan3A_867 = arith.constant 64 : i32
    %scan3A_868 = arith.addi %scan3A_866, %scan3A_867 : i32
    %scan3A_869 = arith.constant 1 : i32
    %scan3A_870 = scf.for %scan3A_1187 = %scan3A_866 to %scan3A_868 step %scan3A_869 iter_args(%scan3A_1188 = %broadcast_in_dim3A_865) -> (vector<16xf32>)  : i32 {
      %add3A_1189 = vector.broadcast %scan3A_1187 : i32 to vector<16xi32>
      %add3A_1190 = arith.addi %get3A_859, %add3A_1189 : vector<16xi32>
      %add3A_1191 = vector.broadcast %scan3A_1187 : i32 to vector<16xi32>
      %add3A_1192 = arith.addi %get3A_861, %add3A_1191 : vector<16xi32>
      %add3A_1193 = vector.broadcast %scan3A_1187 : i32 to vector<16xi32>
      %add3A_1194 = arith.addi %get3A_863, %add3A_1193 : vector<16xi32>
      %gather3A = tpu.vector_load_idx %arg25[%add3A_857, %add3A_1190] : memref<64x128xf32, #tpu.memory_space<vmem>>[vector<16xi32>, vector<16xi32>], vector<16xf32>,
      %gather3A_1195 = tpu.vector_load_idx %arg26[%add3A_857, %add3A_1190] : memref<64x128xf32, #tpu.memory_space<vmem>>[vector<16xi32>, vector<16xi32>], vector<16xf32>,
      %gather3A_1196 = tpu.vector_load_idx %arg27[%add3A_857, %add3A_1192] : memref<64x128xf32, #tpu.memory_space<vmem>>[vector<16xi32>, vector<16xi32>], vector<16xf32>,
      %gather3A_1197 = tpu.vector_load_idx %arg28[%add3A_857, %add3A_1192] : memref<64x128xf32, #tpu.memory_space<vmem>>[vector<16xi32>, vector<16xi32>], vector<16xf32>,
      %gather3A_1198 = tpu.vector_load_idx %arg29[%add3A_857, %add3A_1194] : memref<64x128xf32, #tpu.memory_space<vmem>>[vector<16xi32>, vector<16xi32>], vector<16xf32>,
      %gather3A_1199 = tpu.vector_load_idx %arg30[%add3A_857, %add3A_1194] : memref<64x128xf32, #tpu.memory_space<vmem>>[vector<16xi32>, vector<16xi32>], vector<16xf32>,
      %mul3A_1200 = arith.mulf %gather3A, %gather3A_1196 : vector<16xf32>
      %mul3A_1201 = arith.mulf %gather3A_1195, %gather3A_1197 : vector<16xf32>
      %add3A_1202 = arith.addf %mul3A_1200, %mul3A_1201 : vector<16xf32>
      %mul3A_1203 = arith.mulf %gather3A, %gather3A_1197 : vector<16xf32>
      %mul3A_1204 = arith.mulf %gather3A_1195, %gather3A_1196 : vector<16xf32>
      %sub3A = arith.subf %mul3A_1203, %mul3A_1204 : vector<16xf32>
      %mul3A_1205 = arith.mulf %gather3A_1198, %add3A_1202 : vector<16xf32>
      %mul3A_1206 = arith.mulf %gather3A_1199, %sub3A : vector<16xf32>
      %add3A_1207 = arith.addf %mul3A_1205, %mul3A_1206 : vector<16xf32>
      %add3A_1208 = arith.addf %scan3A_1188, %add3A_1207 : vector<16xf32>
      scf.yield %add3A_1208 : vector<16xf32>
    }
    %scan3A_871 = arith.constant 64 : i32
    %neg3A_872 = arith.constant 0.000000e+00 : f32
    %neg3A_873 = vector.broadcast %neg3A_872 : f32 to vector<16xf32>
    %neg3A_874 = arith.subf %neg3A_873, %scan3A_870 : vector<16xf32>
    %swap3A_875 = arith.constant 336 : index
    %swap3A_876 = tpu.vector_load %arg31[%swap3A_875] {strides = array<i32>} : memref<512xf32, #tpu.memory_space<vmem>>, vector<16xf32>,
    tpu.vector_store %arg31[%swap3A_875], %neg3A_874 {strides = array<i32>} : memref<512xf32, #tpu.memory_space<vmem>>, vector<16xf32>,
    %add3A_877 = arith.constant 32 : i32
    %add3A_878 = vector.broadcast %add3A_877 : i32 to vector<16xi32>
    %add3A_879 = arith.addi %iota3A, %add3A_878 : vector<16xi32>
    %get3A_880 = arith.constant 352 : index
    %get3A_881 = tpu.vector_load %arg16[%get3A_880] {strides = array<i32>} : memref<512xi32, #tpu.memory_space<vmem>>, vector<16xi32>,
    %get3A_882 = arith.constant 352 : index
    %get3A_883 = tpu.vector_load %arg17[%get3A_882] {strides = array<i32>} : memref<512xi32, #tpu.memory_space<vmem>>, vector<16xi32>,
    %get3A_884 = arith.constant 352 : index
    %get3A_885 = tpu.vector_load %arg18[%get3A_884] {strides = array<i32>} : memref<512xi32, #tpu.memory_space<vmem>>, vector<16xi32>,
    %broadcast_in_dim3A_886 = arith.constant 0.000000e+00 : f32
    %broadcast_in_dim3A_887 = vector.broadcast %broadcast_in_dim3A_886 : f32 to vector<16xf32>
    %scan3A_888 = arith.constant 0 : i32
    %scan3A_889 = arith.constant 64 : i32
    %scan3A_890 = arith.addi %scan3A_888, %scan3A_889 : i32
    %scan3A_891 = arith.constant 1 : i32
    %scan3A_892 = scf.for %scan3A_1187 = %scan3A_888 to %scan3A_890 step %scan3A_891 iter_args(%scan3A_1188 = %broadcast_in_dim3A_887) -> (vector<16xf32>)  : i32 {
      %add3A_1189 = vector.broadcast %scan3A_1187 : i32 to vector<16xi32>
      %add3A_1190 = arith.addi %get3A_881, %add3A_1189 : vector<16xi32>
      %add3A_1191 = vector.broadcast %scan3A_1187 : i32 to vector<16xi32>
      %add3A_1192 = arith.addi %get3A_883, %add3A_1191 : vector<16xi32>
      %add3A_1193 = vector.broadcast %scan3A_1187 : i32 to vector<16xi32>
      %add3A_1194 = arith.addi %get3A_885, %add3A_1193 : vector<16xi32>
      %gather3A = tpu.vector_load_idx %arg25[%add3A_879, %add3A_1190] : memref<64x128xf32, #tpu.memory_space<vmem>>[vector<16xi32>, vector<16xi32>], vector<16xf32>,
      %gather3A_1195 = tpu.vector_load_idx %arg26[%add3A_879, %add3A_1190] : memref<64x128xf32, #tpu.memory_space<vmem>>[vector<16xi32>, vector<16xi32>], vector<16xf32>,
      %gather3A_1196 = tpu.vector_load_idx %arg27[%add3A_879, %add3A_1192] : memref<64x128xf32, #tpu.memory_space<vmem>>[vector<16xi32>, vector<16xi32>], vector<16xf32>,
      %gather3A_1197 = tpu.vector_load_idx %arg28[%add3A_879, %add3A_1192] : memref<64x128xf32, #tpu.memory_space<vmem>>[vector<16xi32>, vector<16xi32>], vector<16xf32>,
      %gather3A_1198 = tpu.vector_load_idx %arg29[%add3A_879, %add3A_1194] : memref<64x128xf32, #tpu.memory_space<vmem>>[vector<16xi32>, vector<16xi32>], vector<16xf32>,
      %gather3A_1199 = tpu.vector_load_idx %arg30[%add3A_879, %add3A_1194] : memref<64x128xf32, #tpu.memory_space<vmem>>[vector<16xi32>, vector<16xi32>], vector<16xf32>,
      %mul3A_1200 = arith.mulf %gather3A, %gather3A_1196 : vector<16xf32>
      %mul3A_1201 = arith.mulf %gather3A_1195, %gather3A_1197 : vector<16xf32>
      %add3A_1202 = arith.addf %mul3A_1200, %mul3A_1201 : vector<16xf32>
      %mul3A_1203 = arith.mulf %gather3A, %gather3A_1197 : vector<16xf32>
      %mul3A_1204 = arith.mulf %gather3A_1195, %gather3A_1196 : vector<16xf32>
      %sub3A = arith.subf %mul3A_1203, %mul3A_1204 : vector<16xf32>
      %mul3A_1205 = arith.mulf %gather3A_1198, %add3A_1202 : vector<16xf32>
      %mul3A_1206 = arith.mulf %gather3A_1199, %sub3A : vector<16xf32>
      %add3A_1207 = arith.addf %mul3A_1205, %mul3A_1206 : vector<16xf32>
      %add3A_1208 = arith.addf %scan3A_1188, %add3A_1207 : vector<16xf32>
      scf.yield %add3A_1208 : vector<16xf32>
    }
    %scan3A_893 = arith.constant 64 : i32
    %neg3A_894 = arith.constant 0.000000e+00 : f32
    %neg3A_895 = vector.broadcast %neg3A_894 : f32 to vector<16xf32>
    %neg3A_896 = arith.subf %neg3A_895, %scan3A_892 : vector<16xf32>
    %swap3A_897 = arith.constant 352 : index
    %swap3A_898 = tpu.vector_load %arg31[%swap3A_897] {strides = array<i32>} : memref<512xf32, #tpu.memory_space<vmem>>, vector<16xf32>,
    tpu.vector_store %arg31[%swap3A_897], %neg3A_896 {strides = array<i32>} : memref<512xf32, #tpu.memory_space<vmem>>, vector<16xf32>,
    %add3A_899 = arith.constant 48 : i32
    %add3A_900 = vector.broadcast %add3A_899 : i32 to vector<16xi32>
    %add3A_901 = arith.addi %iota3A, %add3A_900 : vector<16xi32>
    %get3A_902 = arith.constant 368 : index
    %get3A_903 = tpu.vector_load %arg16[%get3A_902] {strides = array<i32>} : memref<512xi32, #tpu.memory_space<vmem>>, vector<16xi32>,
    %get3A_904 = arith.constant 368 : index
    %get3A_905 = tpu.vector_load %arg17[%get3A_904] {strides = array<i32>} : memref<512xi32, #tpu.memory_space<vmem>>, vector<16xi32>,
    %get3A_906 = arith.constant 368 : index
    %get3A_907 = tpu.vector_load %arg18[%get3A_906] {strides = array<i32>} : memref<512xi32, #tpu.memory_space<vmem>>, vector<16xi32>,
    %broadcast_in_dim3A_908 = arith.constant 0.000000e+00 : f32
    %broadcast_in_dim3A_909 = vector.broadcast %broadcast_in_dim3A_908 : f32 to vector<16xf32>
    %scan3A_910 = arith.constant 0 : i32
    %scan3A_911 = arith.constant 64 : i32
    %scan3A_912 = arith.addi %scan3A_910, %scan3A_911 : i32
    %scan3A_913 = arith.constant 1 : i32
    %scan3A_914 = scf.for %scan3A_1187 = %scan3A_910 to %scan3A_912 step %scan3A_913 iter_args(%scan3A_1188 = %broadcast_in_dim3A_909) -> (vector<16xf32>)  : i32 {
      %add3A_1189 = vector.broadcast %scan3A_1187 : i32 to vector<16xi32>
      %add3A_1190 = arith.addi %get3A_903, %add3A_1189 : vector<16xi32>
      %add3A_1191 = vector.broadcast %scan3A_1187 : i32 to vector<16xi32>
      %add3A_1192 = arith.addi %get3A_905, %add3A_1191 : vector<16xi32>
      %add3A_1193 = vector.broadcast %scan3A_1187 : i32 to vector<16xi32>
      %add3A_1194 = arith.addi %get3A_907, %add3A_1193 : vector<16xi32>
      %gather3A = tpu.vector_load_idx %arg25[%add3A_901, %add3A_1190] : memref<64x128xf32, #tpu.memory_space<vmem>>[vector<16xi32>, vector<16xi32>], vector<16xf32>,
      %gather3A_1195 = tpu.vector_load_idx %arg26[%add3A_901, %add3A_1190] : memref<64x128xf32, #tpu.memory_space<vmem>>[vector<16xi32>, vector<16xi32>], vector<16xf32>,
      %gather3A_1196 = tpu.vector_load_idx %arg27[%add3A_901, %add3A_1192] : memref<64x128xf32, #tpu.memory_space<vmem>>[vector<16xi32>, vector<16xi32>], vector<16xf32>,
      %gather3A_1197 = tpu.vector_load_idx %arg28[%add3A_901, %add3A_1192] : memref<64x128xf32, #tpu.memory_space<vmem>>[vector<16xi32>, vector<16xi32>], vector<16xf32>,
      %gather3A_1198 = tpu.vector_load_idx %arg29[%add3A_901, %add3A_1194] : memref<64x128xf32, #tpu.memory_space<vmem>>[vector<16xi32>, vector<16xi32>], vector<16xf32>,
      %gather3A_1199 = tpu.vector_load_idx %arg30[%add3A_901, %add3A_1194] : memref<64x128xf32, #tpu.memory_space<vmem>>[vector<16xi32>, vector<16xi32>], vector<16xf32>,
      %mul3A_1200 = arith.mulf %gather3A, %gather3A_1196 : vector<16xf32>
      %mul3A_1201 = arith.mulf %gather3A_1195, %gather3A_1197 : vector<16xf32>
      %add3A_1202 = arith.addf %mul3A_1200, %mul3A_1201 : vector<16xf32>
      %mul3A_1203 = arith.mulf %gather3A, %gather3A_1197 : vector<16xf32>
      %mul3A_1204 = arith.mulf %gather3A_1195, %gather3A_1196 : vector<16xf32>
      %sub3A = arith.subf %mul3A_1203, %mul3A_1204 : vector<16xf32>
      %mul3A_1205 = arith.mulf %gather3A_1198, %add3A_1202 : vector<16xf32>
      %mul3A_1206 = arith.mulf %gather3A_1199, %sub3A : vector<16xf32>
      %add3A_1207 = arith.addf %mul3A_1205, %mul3A_1206 : vector<16xf32>
      %add3A_1208 = arith.addf %scan3A_1188, %add3A_1207 : vector<16xf32>
      scf.yield %add3A_1208 : vector<16xf32>
    }
    %scan3A_915 = arith.constant 64 : i32
    %neg3A_916 = arith.constant 0.000000e+00 : f32
    %neg3A_917 = vector.broadcast %neg3A_916 : f32 to vector<16xf32>
    %neg3A_918 = arith.subf %neg3A_917, %scan3A_914 : vector<16xf32>
    %swap3A_919 = arith.constant 368 : index
    %swap3A_920 = tpu.vector_load %arg31[%swap3A_919] {strides = array<i32>} : memref<512xf32, #tpu.memory_space<vmem>>, vector<16xf32>,
    tpu.vector_store %arg31[%swap3A_919], %neg3A_918 {strides = array<i32>} : memref<512xf32, #tpu.memory_space<vmem>>, vector<16xf32>,
    %dma_start3A_921 = arith.constant 448 : i32
    %dma_start3A_922 = tpu.memref_slice %arg13[%dma_start3A_921] : memref<512xi32, #tpu.memory_space<vmem>> -> memref<64xi32, #tpu.memory_space<vmem>>
    %dma_start3A_923 = arith.constant 0 : i32
    %dma_start3A_924 = arith.constant 0 : i32
    %dma_start3A_925 = tpu.memref_slice %arg5[%dma_start3A_923, %dma_start3A_924] : memref<500000x128xf32, #tpu.memory_space<hbm>> -> memref<500000x128xf32, #tpu.memory_space<hbm>>
    tpu.enqueue_indirect_dma source(%dma_start3A_925 : memref<500000x128xf32, #tpu.memory_space<hbm>>) target(%arg25 : memref<64x128xf32, #tpu.memory_space<vmem>>) offsets(%dma_start3A_922 : memref<64xi32, #tpu.memory_space<vmem>>) semaphore(%arg33 : memref<!tpu.dma_semaphore, #tpu.memory_space<semaphore_mem>>)
    %dma_start3A_926 = arith.constant 448 : i32
    %dma_start3A_927 = tpu.memref_slice %arg13[%dma_start3A_926] : memref<512xi32, #tpu.memory_space<vmem>> -> memref<64xi32, #tpu.memory_space<vmem>>
    %dma_start3A_928 = arith.constant 0 : i32
    %dma_start3A_929 = arith.constant 0 : i32
    %dma_start3A_930 = tpu.memref_slice %arg6[%dma_start3A_928, %dma_start3A_929] : memref<500000x128xf32, #tpu.memory_space<hbm>> -> memref<500000x128xf32, #tpu.memory_space<hbm>>
    tpu.enqueue_indirect_dma source(%dma_start3A_930 : memref<500000x128xf32, #tpu.memory_space<hbm>>) target(%arg26 : memref<64x128xf32, #tpu.memory_space<vmem>>) offsets(%dma_start3A_927 : memref<64xi32, #tpu.memory_space<vmem>>) semaphore(%arg33 : memref<!tpu.dma_semaphore, #tpu.memory_space<semaphore_mem>>)
    %dma_start3A_931 = arith.constant 448 : i32
    %dma_start3A_932 = tpu.memref_slice %arg14[%dma_start3A_931] : memref<512xi32, #tpu.memory_space<vmem>> -> memref<64xi32, #tpu.memory_space<vmem>>
    %dma_start3A_933 = arith.constant 0 : i32
    %dma_start3A_934 = arith.constant 0 : i32
    %dma_start3A_935 = tpu.memref_slice %arg5[%dma_start3A_933, %dma_start3A_934] : memref<500000x128xf32, #tpu.memory_space<hbm>> -> memref<500000x128xf32, #tpu.memory_space<hbm>>
    tpu.enqueue_indirect_dma source(%dma_start3A_935 : memref<500000x128xf32, #tpu.memory_space<hbm>>) target(%arg27 : memref<64x128xf32, #tpu.memory_space<vmem>>) offsets(%dma_start3A_932 : memref<64xi32, #tpu.memory_space<vmem>>) semaphore(%arg33 : memref<!tpu.dma_semaphore, #tpu.memory_space<semaphore_mem>>)
    %dma_start3A_936 = arith.constant 448 : i32
    %dma_start3A_937 = tpu.memref_slice %arg14[%dma_start3A_936] : memref<512xi32, #tpu.memory_space<vmem>> -> memref<64xi32, #tpu.memory_space<vmem>>
    %dma_start3A_938 = arith.constant 0 : i32
    %dma_start3A_939 = arith.constant 0 : i32
    %dma_start3A_940 = tpu.memref_slice %arg6[%dma_start3A_938, %dma_start3A_939] : memref<500000x128xf32, #tpu.memory_space<hbm>> -> memref<500000x128xf32, #tpu.memory_space<hbm>>
    tpu.enqueue_indirect_dma source(%dma_start3A_940 : memref<500000x128xf32, #tpu.memory_space<hbm>>) target(%arg28 : memref<64x128xf32, #tpu.memory_space<vmem>>) offsets(%dma_start3A_937 : memref<64xi32, #tpu.memory_space<vmem>>) semaphore(%arg33 : memref<!tpu.dma_semaphore, #tpu.memory_space<semaphore_mem>>)
    %dma_start3A_941 = arith.constant 448 : i32
    %dma_start3A_942 = tpu.memref_slice %arg15[%dma_start3A_941] : memref<512xi32, #tpu.memory_space<vmem>> -> memref<64xi32, #tpu.memory_space<vmem>>
    %dma_start3A_943 = arith.constant 0 : i32
    %dma_start3A_944 = arith.constant 0 : i32
    %dma_start3A_945 = tpu.memref_slice %arg7[%dma_start3A_943, %dma_start3A_944] : memref<500000x128xf32, #tpu.memory_space<hbm>> -> memref<500000x128xf32, #tpu.memory_space<hbm>>
    tpu.enqueue_indirect_dma source(%dma_start3A_945 : memref<500000x128xf32, #tpu.memory_space<hbm>>) target(%arg29 : memref<64x128xf32, #tpu.memory_space<vmem>>) offsets(%dma_start3A_942 : memref<64xi32, #tpu.memory_space<vmem>>) semaphore(%arg33 : memref<!tpu.dma_semaphore, #tpu.memory_space<semaphore_mem>>)
    %dma_start3A_946 = arith.constant 448 : i32
    %dma_start3A_947 = tpu.memref_slice %arg15[%dma_start3A_946] : memref<512xi32, #tpu.memory_space<vmem>> -> memref<64xi32, #tpu.memory_space<vmem>>
    %dma_start3A_948 = arith.constant 0 : i32
    %dma_start3A_949 = arith.constant 0 : i32
    %dma_start3A_950 = tpu.memref_slice %arg8[%dma_start3A_948, %dma_start3A_949] : memref<500000x128xf32, #tpu.memory_space<hbm>> -> memref<500000x128xf32, #tpu.memory_space<hbm>>
    tpu.enqueue_indirect_dma source(%dma_start3A_950 : memref<500000x128xf32, #tpu.memory_space<hbm>>) target(%arg30 : memref<64x128xf32, #tpu.memory_space<vmem>>) offsets(%dma_start3A_947 : memref<64xi32, #tpu.memory_space<vmem>>) semaphore(%arg33 : memref<!tpu.dma_semaphore, #tpu.memory_space<semaphore_mem>>)
    %dma_wait3A_951 = arith.constant 384 : i32
    %dma_wait3A_952 = tpu.memref_slice %arg13[%dma_wait3A_951] : memref<512xi32, #tpu.memory_space<vmem>> -> memref<64xi32, #tpu.memory_space<vmem>>
    %dma_wait3A_953 = arith.constant 0 : i32
    %dma_wait3A_954 = arith.constant 0 : i32
    %dma_wait3A_955 = tpu.memref_slice %arg5[%dma_wait3A_953, %dma_wait3A_954] : memref<500000x128xf32, #tpu.memory_space<hbm>> -> memref<500000x128xf32, #tpu.memory_space<hbm>>
    tpu.wait_indirect_dma semaphore(%arg32 : memref<!tpu.dma_semaphore, #tpu.memory_space<semaphore_mem>>) src(%dma_wait3A_955 : memref<500000x128xf32, #tpu.memory_space<hbm>>) dst(%arg19 : memref<64x128xf32, #tpu.memory_space<vmem>>)
    %dma_wait3A_956 = arith.constant 384 : i32
    %dma_wait3A_957 = tpu.memref_slice %arg13[%dma_wait3A_956] : memref<512xi32, #tpu.memory_space<vmem>> -> memref<64xi32, #tpu.memory_space<vmem>>
    %dma_wait3A_958 = arith.constant 0 : i32
    %dma_wait3A_959 = arith.constant 0 : i32
    %dma_wait3A_960 = tpu.memref_slice %arg6[%dma_wait3A_958, %dma_wait3A_959] : memref<500000x128xf32, #tpu.memory_space<hbm>> -> memref<500000x128xf32, #tpu.memory_space<hbm>>
    tpu.wait_indirect_dma semaphore(%arg32 : memref<!tpu.dma_semaphore, #tpu.memory_space<semaphore_mem>>) src(%dma_wait3A_960 : memref<500000x128xf32, #tpu.memory_space<hbm>>) dst(%arg20 : memref<64x128xf32, #tpu.memory_space<vmem>>)
    %dma_wait3A_961 = arith.constant 384 : i32
    %dma_wait3A_962 = tpu.memref_slice %arg14[%dma_wait3A_961] : memref<512xi32, #tpu.memory_space<vmem>> -> memref<64xi32, #tpu.memory_space<vmem>>
    %dma_wait3A_963 = arith.constant 0 : i32
    %dma_wait3A_964 = arith.constant 0 : i32
    %dma_wait3A_965 = tpu.memref_slice %arg5[%dma_wait3A_963, %dma_wait3A_964] : memref<500000x128xf32, #tpu.memory_space<hbm>> -> memref<500000x128xf32, #tpu.memory_space<hbm>>
    tpu.wait_indirect_dma semaphore(%arg32 : memref<!tpu.dma_semaphore, #tpu.memory_space<semaphore_mem>>) src(%dma_wait3A_965 : memref<500000x128xf32, #tpu.memory_space<hbm>>) dst(%arg21 : memref<64x128xf32, #tpu.memory_space<vmem>>)
    %dma_wait3A_966 = arith.constant 384 : i32
    %dma_wait3A_967 = tpu.memref_slice %arg14[%dma_wait3A_966] : memref<512xi32, #tpu.memory_space<vmem>> -> memref<64xi32, #tpu.memory_space<vmem>>
    %dma_wait3A_968 = arith.constant 0 : i32
    %dma_wait3A_969 = arith.constant 0 : i32
    %dma_wait3A_970 = tpu.memref_slice %arg6[%dma_wait3A_968, %dma_wait3A_969] : memref<500000x128xf32, #tpu.memory_space<hbm>> -> memref<500000x128xf32, #tpu.memory_space<hbm>>
    tpu.wait_indirect_dma semaphore(%arg32 : memref<!tpu.dma_semaphore, #tpu.memory_space<semaphore_mem>>) src(%dma_wait3A_970 : memref<500000x128xf32, #tpu.memory_space<hbm>>) dst(%arg22 : memref<64x128xf32, #tpu.memory_space<vmem>>)
    %dma_wait3A_971 = arith.constant 384 : i32
    %dma_wait3A_972 = tpu.memref_slice %arg15[%dma_wait3A_971] : memref<512xi32, #tpu.memory_space<vmem>> -> memref<64xi32, #tpu.memory_space<vmem>>
    %dma_wait3A_973 = arith.constant 0 : i32
    %dma_wait3A_974 = arith.constant 0 : i32
    %dma_wait3A_975 = tpu.memref_slice %arg7[%dma_wait3A_973, %dma_wait3A_974] : memref<500000x128xf32, #tpu.memory_space<hbm>> -> memref<500000x128xf32, #tpu.memory_space<hbm>>
    tpu.wait_indirect_dma semaphore(%arg32 : memref<!tpu.dma_semaphore, #tpu.memory_space<semaphore_mem>>) src(%dma_wait3A_975 : memref<500000x128xf32, #tpu.memory_space<hbm>>) dst(%arg23 : memref<64x128xf32, #tpu.memory_space<vmem>>)
    %dma_wait3A_976 = arith.constant 384 : i32
    %dma_wait3A_977 = tpu.memref_slice %arg15[%dma_wait3A_976] : memref<512xi32, #tpu.memory_space<vmem>> -> memref<64xi32, #tpu.memory_space<vmem>>
    %dma_wait3A_978 = arith.constant 0 : i32
    %dma_wait3A_979 = arith.constant 0 : i32
    %dma_wait3A_980 = tpu.memref_slice %arg8[%dma_wait3A_978, %dma_wait3A_979] : memref<500000x128xf32, #tpu.memory_space<hbm>> -> memref<500000x128xf32, #tpu.memory_space<hbm>>
    tpu.wait_indirect_dma semaphore(%arg32 : memref<!tpu.dma_semaphore, #tpu.memory_space<semaphore_mem>>) src(%dma_wait3A_980 : memref<500000x128xf32, #tpu.memory_space<hbm>>) dst(%arg24 : memref<64x128xf32, #tpu.memory_space<vmem>>)
    %add3A_981 = arith.constant 0 : i32
    %add3A_982 = vector.broadcast %add3A_981 : i32 to vector<16xi32>
    %add3A_983 = arith.addi %iota3A, %add3A_982 : vector<16xi32>
    %get3A_984 = arith.constant 384 : index
    %get3A_985 = tpu.vector_load %arg16[%get3A_984] {strides = array<i32>} : memref<512xi32, #tpu.memory_space<vmem>>, vector<16xi32>,
    %get3A_986 = arith.constant 384 : index
    %get3A_987 = tpu.vector_load %arg17[%get3A_986] {strides = array<i32>} : memref<512xi32, #tpu.memory_space<vmem>>, vector<16xi32>,
    %get3A_988 = arith.constant 384 : index
    %get3A_989 = tpu.vector_load %arg18[%get3A_988] {strides = array<i32>} : memref<512xi32, #tpu.memory_space<vmem>>, vector<16xi32>,
    %broadcast_in_dim3A_990 = arith.constant 0.000000e+00 : f32
    %broadcast_in_dim3A_991 = vector.broadcast %broadcast_in_dim3A_990 : f32 to vector<16xf32>
    %scan3A_992 = arith.constant 0 : i32
    %scan3A_993 = arith.constant 64 : i32
    %scan3A_994 = arith.addi %scan3A_992, %scan3A_993 : i32
    %scan3A_995 = arith.constant 1 : i32
    %scan3A_996 = scf.for %scan3A_1187 = %scan3A_992 to %scan3A_994 step %scan3A_995 iter_args(%scan3A_1188 = %broadcast_in_dim3A_991) -> (vector<16xf32>)  : i32 {
      %add3A_1189 = vector.broadcast %scan3A_1187 : i32 to vector<16xi32>
      %add3A_1190 = arith.addi %get3A_985, %add3A_1189 : vector<16xi32>
      %add3A_1191 = vector.broadcast %scan3A_1187 : i32 to vector<16xi32>
      %add3A_1192 = arith.addi %get3A_987, %add3A_1191 : vector<16xi32>
      %add3A_1193 = vector.broadcast %scan3A_1187 : i32 to vector<16xi32>
      %add3A_1194 = arith.addi %get3A_989, %add3A_1193 : vector<16xi32>
      %gather3A = tpu.vector_load_idx %arg19[%add3A_983, %add3A_1190] : memref<64x128xf32, #tpu.memory_space<vmem>>[vector<16xi32>, vector<16xi32>], vector<16xf32>,
      %gather3A_1195 = tpu.vector_load_idx %arg20[%add3A_983, %add3A_1190] : memref<64x128xf32, #tpu.memory_space<vmem>>[vector<16xi32>, vector<16xi32>], vector<16xf32>,
      %gather3A_1196 = tpu.vector_load_idx %arg21[%add3A_983, %add3A_1192] : memref<64x128xf32, #tpu.memory_space<vmem>>[vector<16xi32>, vector<16xi32>], vector<16xf32>,
      %gather3A_1197 = tpu.vector_load_idx %arg22[%add3A_983, %add3A_1192] : memref<64x128xf32, #tpu.memory_space<vmem>>[vector<16xi32>, vector<16xi32>], vector<16xf32>,
      %gather3A_1198 = tpu.vector_load_idx %arg23[%add3A_983, %add3A_1194] : memref<64x128xf32, #tpu.memory_space<vmem>>[vector<16xi32>, vector<16xi32>], vector<16xf32>,
      %gather3A_1199 = tpu.vector_load_idx %arg24[%add3A_983, %add3A_1194] : memref<64x128xf32, #tpu.memory_space<vmem>>[vector<16xi32>, vector<16xi32>], vector<16xf32>,
      %mul3A_1200 = arith.mulf %gather3A, %gather3A_1196 : vector<16xf32>
      %mul3A_1201 = arith.mulf %gather3A_1195, %gather3A_1197 : vector<16xf32>
      %add3A_1202 = arith.addf %mul3A_1200, %mul3A_1201 : vector<16xf32>
      %mul3A_1203 = arith.mulf %gather3A, %gather3A_1197 : vector<16xf32>
      %mul3A_1204 = arith.mulf %gather3A_1195, %gather3A_1196 : vector<16xf32>
      %sub3A = arith.subf %mul3A_1203, %mul3A_1204 : vector<16xf32>
      %mul3A_1205 = arith.mulf %gather3A_1198, %add3A_1202 : vector<16xf32>
      %mul3A_1206 = arith.mulf %gather3A_1199, %sub3A : vector<16xf32>
      %add3A_1207 = arith.addf %mul3A_1205, %mul3A_1206 : vector<16xf32>
      %add3A_1208 = arith.addf %scan3A_1188, %add3A_1207 : vector<16xf32>
      scf.yield %add3A_1208 : vector<16xf32>
    }
    %scan3A_997 = arith.constant 64 : i32
    %neg3A_998 = arith.constant 0.000000e+00 : f32
    %neg3A_999 = vector.broadcast %neg3A_998 : f32 to vector<16xf32>
    %neg3A_1000 = arith.subf %neg3A_999, %scan3A_996 : vector<16xf32>
    %swap3A_1001 = arith.constant 384 : index
    %swap3A_1002 = tpu.vector_load %arg31[%swap3A_1001] {strides = array<i32>} : memref<512xf32, #tpu.memory_space<vmem>>, vector<16xf32>,
    tpu.vector_store %arg31[%swap3A_1001], %neg3A_1000 {strides = array<i32>} : memref<512xf32, #tpu.memory_space<vmem>>, vector<16xf32>,
    %add3A_1003 = arith.constant 16 : i32
    %add3A_1004 = vector.broadcast %add3A_1003 : i32 to vector<16xi32>
    %add3A_1005 = arith.addi %iota3A, %add3A_1004 : vector<16xi32>
    %get3A_1006 = arith.constant 400 : index
    %get3A_1007 = tpu.vector_load %arg16[%get3A_1006] {strides = array<i32>} : memref<512xi32, #tpu.memory_space<vmem>>, vector<16xi32>,
    %get3A_1008 = arith.constant 400 : index
    %get3A_1009 = tpu.vector_load %arg17[%get3A_1008] {strides = array<i32>} : memref<512xi32, #tpu.memory_space<vmem>>, vector<16xi32>,
    %get3A_1010 = arith.constant 400 : index
    %get3A_1011 = tpu.vector_load %arg18[%get3A_1010] {strides = array<i32>} : memref<512xi32, #tpu.memory_space<vmem>>, vector<16xi32>,
    %broadcast_in_dim3A_1012 = arith.constant 0.000000e+00 : f32
    %broadcast_in_dim3A_1013 = vector.broadcast %broadcast_in_dim3A_1012 : f32 to vector<16xf32>
    %scan3A_1014 = arith.constant 0 : i32
    %scan3A_1015 = arith.constant 64 : i32
    %scan3A_1016 = arith.addi %scan3A_1014, %scan3A_1015 : i32
    %scan3A_1017 = arith.constant 1 : i32
    %scan3A_1018 = scf.for %scan3A_1187 = %scan3A_1014 to %scan3A_1016 step %scan3A_1017 iter_args(%scan3A_1188 = %broadcast_in_dim3A_1013) -> (vector<16xf32>)  : i32 {
      %add3A_1189 = vector.broadcast %scan3A_1187 : i32 to vector<16xi32>
      %add3A_1190 = arith.addi %get3A_1007, %add3A_1189 : vector<16xi32>
      %add3A_1191 = vector.broadcast %scan3A_1187 : i32 to vector<16xi32>
      %add3A_1192 = arith.addi %get3A_1009, %add3A_1191 : vector<16xi32>
      %add3A_1193 = vector.broadcast %scan3A_1187 : i32 to vector<16xi32>
      %add3A_1194 = arith.addi %get3A_1011, %add3A_1193 : vector<16xi32>
      %gather3A = tpu.vector_load_idx %arg19[%add3A_1005, %add3A_1190] : memref<64x128xf32, #tpu.memory_space<vmem>>[vector<16xi32>, vector<16xi32>], vector<16xf32>,
      %gather3A_1195 = tpu.vector_load_idx %arg20[%add3A_1005, %add3A_1190] : memref<64x128xf32, #tpu.memory_space<vmem>>[vector<16xi32>, vector<16xi32>], vector<16xf32>,
      %gather3A_1196 = tpu.vector_load_idx %arg21[%add3A_1005, %add3A_1192] : memref<64x128xf32, #tpu.memory_space<vmem>>[vector<16xi32>, vector<16xi32>], vector<16xf32>,
      %gather3A_1197 = tpu.vector_load_idx %arg22[%add3A_1005, %add3A_1192] : memref<64x128xf32, #tpu.memory_space<vmem>>[vector<16xi32>, vector<16xi32>], vector<16xf32>,
      %gather3A_1198 = tpu.vector_load_idx %arg23[%add3A_1005, %add3A_1194] : memref<64x128xf32, #tpu.memory_space<vmem>>[vector<16xi32>, vector<16xi32>], vector<16xf32>,
      %gather3A_1199 = tpu.vector_load_idx %arg24[%add3A_1005, %add3A_1194] : memref<64x128xf32, #tpu.memory_space<vmem>>[vector<16xi32>, vector<16xi32>], vector<16xf32>,
      %mul3A_1200 = arith.mulf %gather3A, %gather3A_1196 : vector<16xf32>
      %mul3A_1201 = arith.mulf %gather3A_1195, %gather3A_1197 : vector<16xf32>
      %add3A_1202 = arith.addf %mul3A_1200, %mul3A_1201 : vector<16xf32>
      %mul3A_1203 = arith.mulf %gather3A, %gather3A_1197 : vector<16xf32>
      %mul3A_1204 = arith.mulf %gather3A_1195, %gather3A_1196 : vector<16xf32>
      %sub3A = arith.subf %mul3A_1203, %mul3A_1204 : vector<16xf32>
      %mul3A_1205 = arith.mulf %gather3A_1198, %add3A_1202 : vector<16xf32>
      %mul3A_1206 = arith.mulf %gather3A_1199, %sub3A : vector<16xf32>
      %add3A_1207 = arith.addf %mul3A_1205, %mul3A_1206 : vector<16xf32>
      %add3A_1208 = arith.addf %scan3A_1188, %add3A_1207 : vector<16xf32>
      scf.yield %add3A_1208 : vector<16xf32>
    }
    %scan3A_1019 = arith.constant 64 : i32
    %neg3A_1020 = arith.constant 0.000000e+00 : f32
    %neg3A_1021 = vector.broadcast %neg3A_1020 : f32 to vector<16xf32>
    %neg3A_1022 = arith.subf %neg3A_1021, %scan3A_1018 : vector<16xf32>
    %swap3A_1023 = arith.constant 400 : index
    %swap3A_1024 = tpu.vector_load %arg31[%swap3A_1023] {strides = array<i32>} : memref<512xf32, #tpu.memory_space<vmem>>, vector<16xf32>,
    tpu.vector_store %arg31[%swap3A_1023], %neg3A_1022 {strides = array<i32>} : memref<512xf32, #tpu.memory_space<vmem>>, vector<16xf32>,
    %add3A_1025 = arith.constant 32 : i32
    %add3A_1026 = vector.broadcast %add3A_1025 : i32 to vector<16xi32>
    %add3A_1027 = arith.addi %iota3A, %add3A_1026 : vector<16xi32>
    %get3A_1028 = arith.constant 416 : index
    %get3A_1029 = tpu.vector_load %arg16[%get3A_1028] {strides = array<i32>} : memref<512xi32, #tpu.memory_space<vmem>>, vector<16xi32>,
    %get3A_1030 = arith.constant 416 : index
    %get3A_1031 = tpu.vector_load %arg17[%get3A_1030] {strides = array<i32>} : memref<512xi32, #tpu.memory_space<vmem>>, vector<16xi32>,
    %get3A_1032 = arith.constant 416 : index
    %get3A_1033 = tpu.vector_load %arg18[%get3A_1032] {strides = array<i32>} : memref<512xi32, #tpu.memory_space<vmem>>, vector<16xi32>,
    %broadcast_in_dim3A_1034 = arith.constant 0.000000e+00 : f32
    %broadcast_in_dim3A_1035 = vector.broadcast %broadcast_in_dim3A_1034 : f32 to vector<16xf32>
    %scan3A_1036 = arith.constant 0 : i32
    %scan3A_1037 = arith.constant 64 : i32
    %scan3A_1038 = arith.addi %scan3A_1036, %scan3A_1037 : i32
    %scan3A_1039 = arith.constant 1 : i32
    %scan3A_1040 = scf.for %scan3A_1187 = %scan3A_1036 to %scan3A_1038 step %scan3A_1039 iter_args(%scan3A_1188 = %broadcast_in_dim3A_1035) -> (vector<16xf32>)  : i32 {
      %add3A_1189 = vector.broadcast %scan3A_1187 : i32 to vector<16xi32>
      %add3A_1190 = arith.addi %get3A_1029, %add3A_1189 : vector<16xi32>
      %add3A_1191 = vector.broadcast %scan3A_1187 : i32 to vector<16xi32>
      %add3A_1192 = arith.addi %get3A_1031, %add3A_1191 : vector<16xi32>
      %add3A_1193 = vector.broadcast %scan3A_1187 : i32 to vector<16xi32>
      %add3A_1194 = arith.addi %get3A_1033, %add3A_1193 : vector<16xi32>
      %gather3A = tpu.vector_load_idx %arg19[%add3A_1027, %add3A_1190] : memref<64x128xf32, #tpu.memory_space<vmem>>[vector<16xi32>, vector<16xi32>], vector<16xf32>,
      %gather3A_1195 = tpu.vector_load_idx %arg20[%add3A_1027, %add3A_1190] : memref<64x128xf32, #tpu.memory_space<vmem>>[vector<16xi32>, vector<16xi32>], vector<16xf32>,
      %gather3A_1196 = tpu.vector_load_idx %arg21[%add3A_1027, %add3A_1192] : memref<64x128xf32, #tpu.memory_space<vmem>>[vector<16xi32>, vector<16xi32>], vector<16xf32>,
      %gather3A_1197 = tpu.vector_load_idx %arg22[%add3A_1027, %add3A_1192] : memref<64x128xf32, #tpu.memory_space<vmem>>[vector<16xi32>, vector<16xi32>], vector<16xf32>,
      %gather3A_1198 = tpu.vector_load_idx %arg23[%add3A_1027, %add3A_1194] : memref<64x128xf32, #tpu.memory_space<vmem>>[vector<16xi32>, vector<16xi32>], vector<16xf32>,
      %gather3A_1199 = tpu.vector_load_idx %arg24[%add3A_1027, %add3A_1194] : memref<64x128xf32, #tpu.memory_space<vmem>>[vector<16xi32>, vector<16xi32>], vector<16xf32>,
      %mul3A_1200 = arith.mulf %gather3A, %gather3A_1196 : vector<16xf32>
      %mul3A_1201 = arith.mulf %gather3A_1195, %gather3A_1197 : vector<16xf32>
      %add3A_1202 = arith.addf %mul3A_1200, %mul3A_1201 : vector<16xf32>
      %mul3A_1203 = arith.mulf %gather3A, %gather3A_1197 : vector<16xf32>
      %mul3A_1204 = arith.mulf %gather3A_1195, %gather3A_1196 : vector<16xf32>
      %sub3A = arith.subf %mul3A_1203, %mul3A_1204 : vector<16xf32>
      %mul3A_1205 = arith.mulf %gather3A_1198, %add3A_1202 : vector<16xf32>
      %mul3A_1206 = arith.mulf %gather3A_1199, %sub3A : vector<16xf32>
      %add3A_1207 = arith.addf %mul3A_1205, %mul3A_1206 : vector<16xf32>
      %add3A_1208 = arith.addf %scan3A_1188, %add3A_1207 : vector<16xf32>
      scf.yield %add3A_1208 : vector<16xf32>
    }
    %scan3A_1041 = arith.constant 64 : i32
    %neg3A_1042 = arith.constant 0.000000e+00 : f32
    %neg3A_1043 = vector.broadcast %neg3A_1042 : f32 to vector<16xf32>
    %neg3A_1044 = arith.subf %neg3A_1043, %scan3A_1040 : vector<16xf32>
    %swap3A_1045 = arith.constant 416 : index
    %swap3A_1046 = tpu.vector_load %arg31[%swap3A_1045] {strides = array<i32>} : memref<512xf32, #tpu.memory_space<vmem>>, vector<16xf32>,
    tpu.vector_store %arg31[%swap3A_1045], %neg3A_1044 {strides = array<i32>} : memref<512xf32, #tpu.memory_space<vmem>>, vector<16xf32>,
    %add3A_1047 = arith.constant 48 : i32
    %add3A_1048 = vector.broadcast %add3A_1047 : i32 to vector<16xi32>
    %add3A_1049 = arith.addi %iota3A, %add3A_1048 : vector<16xi32>
    %get3A_1050 = arith.constant 432 : index
    %get3A_1051 = tpu.vector_load %arg16[%get3A_1050] {strides = array<i32>} : memref<512xi32, #tpu.memory_space<vmem>>, vector<16xi32>,
    %get3A_1052 = arith.constant 432 : index
    %get3A_1053 = tpu.vector_load %arg17[%get3A_1052] {strides = array<i32>} : memref<512xi32, #tpu.memory_space<vmem>>, vector<16xi32>,
    %get3A_1054 = arith.constant 432 : index
    %get3A_1055 = tpu.vector_load %arg18[%get3A_1054] {strides = array<i32>} : memref<512xi32, #tpu.memory_space<vmem>>, vector<16xi32>,
    %broadcast_in_dim3A_1056 = arith.constant 0.000000e+00 : f32
    %broadcast_in_dim3A_1057 = vector.broadcast %broadcast_in_dim3A_1056 : f32 to vector<16xf32>
    %scan3A_1058 = arith.constant 0 : i32
    %scan3A_1059 = arith.constant 64 : i32
    %scan3A_1060 = arith.addi %scan3A_1058, %scan3A_1059 : i32
    %scan3A_1061 = arith.constant 1 : i32
    %scan3A_1062 = scf.for %scan3A_1187 = %scan3A_1058 to %scan3A_1060 step %scan3A_1061 iter_args(%scan3A_1188 = %broadcast_in_dim3A_1057) -> (vector<16xf32>)  : i32 {
      %add3A_1189 = vector.broadcast %scan3A_1187 : i32 to vector<16xi32>
      %add3A_1190 = arith.addi %get3A_1051, %add3A_1189 : vector<16xi32>
      %add3A_1191 = vector.broadcast %scan3A_1187 : i32 to vector<16xi32>
      %add3A_1192 = arith.addi %get3A_1053, %add3A_1191 : vector<16xi32>
      %add3A_1193 = vector.broadcast %scan3A_1187 : i32 to vector<16xi32>
      %add3A_1194 = arith.addi %get3A_1055, %add3A_1193 : vector<16xi32>
      %gather3A = tpu.vector_load_idx %arg19[%add3A_1049, %add3A_1190] : memref<64x128xf32, #tpu.memory_space<vmem>>[vector<16xi32>, vector<16xi32>], vector<16xf32>,
      %gather3A_1195 = tpu.vector_load_idx %arg20[%add3A_1049, %add3A_1190] : memref<64x128xf32, #tpu.memory_space<vmem>>[vector<16xi32>, vector<16xi32>], vector<16xf32>,
      %gather3A_1196 = tpu.vector_load_idx %arg21[%add3A_1049, %add3A_1192] : memref<64x128xf32, #tpu.memory_space<vmem>>[vector<16xi32>, vector<16xi32>], vector<16xf32>,
      %gather3A_1197 = tpu.vector_load_idx %arg22[%add3A_1049, %add3A_1192] : memref<64x128xf32, #tpu.memory_space<vmem>>[vector<16xi32>, vector<16xi32>], vector<16xf32>,
      %gather3A_1198 = tpu.vector_load_idx %arg23[%add3A_1049, %add3A_1194] : memref<64x128xf32, #tpu.memory_space<vmem>>[vector<16xi32>, vector<16xi32>], vector<16xf32>,
      %gather3A_1199 = tpu.vector_load_idx %arg24[%add3A_1049, %add3A_1194] : memref<64x128xf32, #tpu.memory_space<vmem>>[vector<16xi32>, vector<16xi32>], vector<16xf32>,
      %mul3A_1200 = arith.mulf %gather3A, %gather3A_1196 : vector<16xf32>
      %mul3A_1201 = arith.mulf %gather3A_1195, %gather3A_1197 : vector<16xf32>
      %add3A_1202 = arith.addf %mul3A_1200, %mul3A_1201 : vector<16xf32>
      %mul3A_1203 = arith.mulf %gather3A, %gather3A_1197 : vector<16xf32>
      %mul3A_1204 = arith.mulf %gather3A_1195, %gather3A_1196 : vector<16xf32>
      %sub3A = arith.subf %mul3A_1203, %mul3A_1204 : vector<16xf32>
      %mul3A_1205 = arith.mulf %gather3A_1198, %add3A_1202 : vector<16xf32>
      %mul3A_1206 = arith.mulf %gather3A_1199, %sub3A : vector<16xf32>
      %add3A_1207 = arith.addf %mul3A_1205, %mul3A_1206 : vector<16xf32>
      %add3A_1208 = arith.addf %scan3A_1188, %add3A_1207 : vector<16xf32>
      scf.yield %add3A_1208 : vector<16xf32>
    }
    %scan3A_1063 = arith.constant 64 : i32
    %neg3A_1064 = arith.constant 0.000000e+00 : f32
    %neg3A_1065 = vector.broadcast %neg3A_1064 : f32 to vector<16xf32>
    %neg3A_1066 = arith.subf %neg3A_1065, %scan3A_1062 : vector<16xf32>
    %swap3A_1067 = arith.constant 432 : index
    %swap3A_1068 = tpu.vector_load %arg31[%swap3A_1067] {strides = array<i32>} : memref<512xf32, #tpu.memory_space<vmem>>, vector<16xf32>,
    tpu.vector_store %arg31[%swap3A_1067], %neg3A_1066 {strides = array<i32>} : memref<512xf32, #tpu.memory_space<vmem>>, vector<16xf32>,
    %dma_wait3A_1069 = arith.constant 448 : i32
    %dma_wait3A_1070 = tpu.memref_slice %arg13[%dma_wait3A_1069] : memref<512xi32, #tpu.memory_space<vmem>> -> memref<64xi32, #tpu.memory_space<vmem>>
    %dma_wait3A_1071 = arith.constant 0 : i32
    %dma_wait3A_1072 = arith.constant 0 : i32
    %dma_wait3A_1073 = tpu.memref_slice %arg5[%dma_wait3A_1071, %dma_wait3A_1072] : memref<500000x128xf32, #tpu.memory_space<hbm>> -> memref<500000x128xf32, #tpu.memory_space<hbm>>
    tpu.wait_indirect_dma semaphore(%arg33 : memref<!tpu.dma_semaphore, #tpu.memory_space<semaphore_mem>>) src(%dma_wait3A_1073 : memref<500000x128xf32, #tpu.memory_space<hbm>>) dst(%arg25 : memref<64x128xf32, #tpu.memory_space<vmem>>)
    %dma_wait3A_1074 = arith.constant 448 : i32
    %dma_wait3A_1075 = tpu.memref_slice %arg13[%dma_wait3A_1074] : memref<512xi32, #tpu.memory_space<vmem>> -> memref<64xi32, #tpu.memory_space<vmem>>
    %dma_wait3A_1076 = arith.constant 0 : i32
    %dma_wait3A_1077 = arith.constant 0 : i32
    %dma_wait3A_1078 = tpu.memref_slice %arg6[%dma_wait3A_1076, %dma_wait3A_1077] : memref<500000x128xf32, #tpu.memory_space<hbm>> -> memref<500000x128xf32, #tpu.memory_space<hbm>>
    tpu.wait_indirect_dma semaphore(%arg33 : memref<!tpu.dma_semaphore, #tpu.memory_space<semaphore_mem>>) src(%dma_wait3A_1078 : memref<500000x128xf32, #tpu.memory_space<hbm>>) dst(%arg26 : memref<64x128xf32, #tpu.memory_space<vmem>>)
    %dma_wait3A_1079 = arith.constant 448 : i32
    %dma_wait3A_1080 = tpu.memref_slice %arg14[%dma_wait3A_1079] : memref<512xi32, #tpu.memory_space<vmem>> -> memref<64xi32, #tpu.memory_space<vmem>>
    %dma_wait3A_1081 = arith.constant 0 : i32
    %dma_wait3A_1082 = arith.constant 0 : i32
    %dma_wait3A_1083 = tpu.memref_slice %arg5[%dma_wait3A_1081, %dma_wait3A_1082] : memref<500000x128xf32, #tpu.memory_space<hbm>> -> memref<500000x128xf32, #tpu.memory_space<hbm>>
    tpu.wait_indirect_dma semaphore(%arg33 : memref<!tpu.dma_semaphore, #tpu.memory_space<semaphore_mem>>) src(%dma_wait3A_1083 : memref<500000x128xf32, #tpu.memory_space<hbm>>) dst(%arg27 : memref<64x128xf32, #tpu.memory_space<vmem>>)
    %dma_wait3A_1084 = arith.constant 448 : i32
    %dma_wait3A_1085 = tpu.memref_slice %arg14[%dma_wait3A_1084] : memref<512xi32, #tpu.memory_space<vmem>> -> memref<64xi32, #tpu.memory_space<vmem>>
    %dma_wait3A_1086 = arith.constant 0 : i32
    %dma_wait3A_1087 = arith.constant 0 : i32
    %dma_wait3A_1088 = tpu.memref_slice %arg6[%dma_wait3A_1086, %dma_wait3A_1087] : memref<500000x128xf32, #tpu.memory_space<hbm>> -> memref<500000x128xf32, #tpu.memory_space<hbm>>
    tpu.wait_indirect_dma semaphore(%arg33 : memref<!tpu.dma_semaphore, #tpu.memory_space<semaphore_mem>>) src(%dma_wait3A_1088 : memref<500000x128xf32, #tpu.memory_space<hbm>>) dst(%arg28 : memref<64x128xf32, #tpu.memory_space<vmem>>)
    %dma_wait3A_1089 = arith.constant 448 : i32
    %dma_wait3A_1090 = tpu.memref_slice %arg15[%dma_wait3A_1089] : memref<512xi32, #tpu.memory_space<vmem>> -> memref<64xi32, #tpu.memory_space<vmem>>
    %dma_wait3A_1091 = arith.constant 0 : i32
    %dma_wait3A_1092 = arith.constant 0 : i32
    %dma_wait3A_1093 = tpu.memref_slice %arg7[%dma_wait3A_1091, %dma_wait3A_1092] : memref<500000x128xf32, #tpu.memory_space<hbm>> -> memref<500000x128xf32, #tpu.memory_space<hbm>>
    tpu.wait_indirect_dma semaphore(%arg33 : memref<!tpu.dma_semaphore, #tpu.memory_space<semaphore_mem>>) src(%dma_wait3A_1093 : memref<500000x128xf32, #tpu.memory_space<hbm>>) dst(%arg29 : memref<64x128xf32, #tpu.memory_space<vmem>>)
    %dma_wait3A_1094 = arith.constant 448 : i32
    %dma_wait3A_1095 = tpu.memref_slice %arg15[%dma_wait3A_1094] : memref<512xi32, #tpu.memory_space<vmem>> -> memref<64xi32, #tpu.memory_space<vmem>>
    %dma_wait3A_1096 = arith.constant 0 : i32
    %dma_wait3A_1097 = arith.constant 0 : i32
    %dma_wait3A_1098 = tpu.memref_slice %arg8[%dma_wait3A_1096, %dma_wait3A_1097] : memref<500000x128xf32, #tpu.memory_space<hbm>> -> memref<500000x128xf32, #tpu.memory_space<hbm>>
    tpu.wait_indirect_dma semaphore(%arg33 : memref<!tpu.dma_semaphore, #tpu.memory_space<semaphore_mem>>) src(%dma_wait3A_1098 : memref<500000x128xf32, #tpu.memory_space<hbm>>) dst(%arg30 : memref<64x128xf32, #tpu.memory_space<vmem>>)
    %add3A_1099 = arith.constant 0 : i32
    %add3A_1100 = vector.broadcast %add3A_1099 : i32 to vector<16xi32>
    %add3A_1101 = arith.addi %iota3A, %add3A_1100 : vector<16xi32>
    %get3A_1102 = arith.constant 448 : index
    %get3A_1103 = tpu.vector_load %arg16[%get3A_1102] {strides = array<i32>} : memref<512xi32, #tpu.memory_space<vmem>>, vector<16xi32>,
    %get3A_1104 = arith.constant 448 : index
    %get3A_1105 = tpu.vector_load %arg17[%get3A_1104] {strides = array<i32>} : memref<512xi32, #tpu.memory_space<vmem>>, vector<16xi32>,
    %get3A_1106 = arith.constant 448 : index
    %get3A_1107 = tpu.vector_load %arg18[%get3A_1106] {strides = array<i32>} : memref<512xi32, #tpu.memory_space<vmem>>, vector<16xi32>,
    %broadcast_in_dim3A_1108 = arith.constant 0.000000e+00 : f32
    %broadcast_in_dim3A_1109 = vector.broadcast %broadcast_in_dim3A_1108 : f32 to vector<16xf32>
    %scan3A_1110 = arith.constant 0 : i32
    %scan3A_1111 = arith.constant 64 : i32
    %scan3A_1112 = arith.addi %scan3A_1110, %scan3A_1111 : i32
    %scan3A_1113 = arith.constant 1 : i32
    %scan3A_1114 = scf.for %scan3A_1187 = %scan3A_1110 to %scan3A_1112 step %scan3A_1113 iter_args(%scan3A_1188 = %broadcast_in_dim3A_1109) -> (vector<16xf32>)  : i32 {
      %add3A_1189 = vector.broadcast %scan3A_1187 : i32 to vector<16xi32>
      %add3A_1190 = arith.addi %get3A_1103, %add3A_1189 : vector<16xi32>
      %add3A_1191 = vector.broadcast %scan3A_1187 : i32 to vector<16xi32>
      %add3A_1192 = arith.addi %get3A_1105, %add3A_1191 : vector<16xi32>
      %add3A_1193 = vector.broadcast %scan3A_1187 : i32 to vector<16xi32>
      %add3A_1194 = arith.addi %get3A_1107, %add3A_1193 : vector<16xi32>
      %gather3A = tpu.vector_load_idx %arg25[%add3A_1101, %add3A_1190] : memref<64x128xf32, #tpu.memory_space<vmem>>[vector<16xi32>, vector<16xi32>], vector<16xf32>,
      %gather3A_1195 = tpu.vector_load_idx %arg26[%add3A_1101, %add3A_1190] : memref<64x128xf32, #tpu.memory_space<vmem>>[vector<16xi32>, vector<16xi32>], vector<16xf32>,
      %gather3A_1196 = tpu.vector_load_idx %arg27[%add3A_1101, %add3A_1192] : memref<64x128xf32, #tpu.memory_space<vmem>>[vector<16xi32>, vector<16xi32>], vector<16xf32>,
      %gather3A_1197 = tpu.vector_load_idx %arg28[%add3A_1101, %add3A_1192] : memref<64x128xf32, #tpu.memory_space<vmem>>[vector<16xi32>, vector<16xi32>], vector<16xf32>,
      %gather3A_1198 = tpu.vector_load_idx %arg29[%add3A_1101, %add3A_1194] : memref<64x128xf32, #tpu.memory_space<vmem>>[vector<16xi32>, vector<16xi32>], vector<16xf32>,
      %gather3A_1199 = tpu.vector_load_idx %arg30[%add3A_1101, %add3A_1194] : memref<64x128xf32, #tpu.memory_space<vmem>>[vector<16xi32>, vector<16xi32>], vector<16xf32>,
      %mul3A_1200 = arith.mulf %gather3A, %gather3A_1196 : vector<16xf32>
      %mul3A_1201 = arith.mulf %gather3A_1195, %gather3A_1197 : vector<16xf32>
      %add3A_1202 = arith.addf %mul3A_1200, %mul3A_1201 : vector<16xf32>
      %mul3A_1203 = arith.mulf %gather3A, %gather3A_1197 : vector<16xf32>
      %mul3A_1204 = arith.mulf %gather3A_1195, %gather3A_1196 : vector<16xf32>
      %sub3A = arith.subf %mul3A_1203, %mul3A_1204 : vector<16xf32>
      %mul3A_1205 = arith.mulf %gather3A_1198, %add3A_1202 : vector<16xf32>
      %mul3A_1206 = arith.mulf %gather3A_1199, %sub3A : vector<16xf32>
      %add3A_1207 = arith.addf %mul3A_1205, %mul3A_1206 : vector<16xf32>
      %add3A_1208 = arith.addf %scan3A_1188, %add3A_1207 : vector<16xf32>
      scf.yield %add3A_1208 : vector<16xf32>
    }
    %scan3A_1115 = arith.constant 64 : i32
    %neg3A_1116 = arith.constant 0.000000e+00 : f32
    %neg3A_1117 = vector.broadcast %neg3A_1116 : f32 to vector<16xf32>
    %neg3A_1118 = arith.subf %neg3A_1117, %scan3A_1114 : vector<16xf32>
    %swap3A_1119 = arith.constant 448 : index
    %swap3A_1120 = tpu.vector_load %arg31[%swap3A_1119] {strides = array<i32>} : memref<512xf32, #tpu.memory_space<vmem>>, vector<16xf32>,
    tpu.vector_store %arg31[%swap3A_1119], %neg3A_1118 {strides = array<i32>} : memref<512xf32, #tpu.memory_space<vmem>>, vector<16xf32>,
    %add3A_1121 = arith.constant 16 : i32
    %add3A_1122 = vector.broadcast %add3A_1121 : i32 to vector<16xi32>
    %add3A_1123 = arith.addi %iota3A, %add3A_1122 : vector<16xi32>
    %get3A_1124 = arith.constant 464 : index
    %get3A_1125 = tpu.vector_load %arg16[%get3A_1124] {strides = array<i32>} : memref<512xi32, #tpu.memory_space<vmem>>, vector<16xi32>,
    %get3A_1126 = arith.constant 464 : index
    %get3A_1127 = tpu.vector_load %arg17[%get3A_1126] {strides = array<i32>} : memref<512xi32, #tpu.memory_space<vmem>>, vector<16xi32>,
    %get3A_1128 = arith.constant 464 : index
    %get3A_1129 = tpu.vector_load %arg18[%get3A_1128] {strides = array<i32>} : memref<512xi32, #tpu.memory_space<vmem>>, vector<16xi32>,
    %broadcast_in_dim3A_1130 = arith.constant 0.000000e+00 : f32
    %broadcast_in_dim3A_1131 = vector.broadcast %broadcast_in_dim3A_1130 : f32 to vector<16xf32>
    %scan3A_1132 = arith.constant 0 : i32
    %scan3A_1133 = arith.constant 64 : i32
    %scan3A_1134 = arith.addi %scan3A_1132, %scan3A_1133 : i32
    %scan3A_1135 = arith.constant 1 : i32
    %scan3A_1136 = scf.for %scan3A_1187 = %scan3A_1132 to %scan3A_1134 step %scan3A_1135 iter_args(%scan3A_1188 = %broadcast_in_dim3A_1131) -> (vector<16xf32>)  : i32 {
      %add3A_1189 = vector.broadcast %scan3A_1187 : i32 to vector<16xi32>
      %add3A_1190 = arith.addi %get3A_1125, %add3A_1189 : vector<16xi32>
      %add3A_1191 = vector.broadcast %scan3A_1187 : i32 to vector<16xi32>
      %add3A_1192 = arith.addi %get3A_1127, %add3A_1191 : vector<16xi32>
      %add3A_1193 = vector.broadcast %scan3A_1187 : i32 to vector<16xi32>
      %add3A_1194 = arith.addi %get3A_1129, %add3A_1193 : vector<16xi32>
      %gather3A = tpu.vector_load_idx %arg25[%add3A_1123, %add3A_1190] : memref<64x128xf32, #tpu.memory_space<vmem>>[vector<16xi32>, vector<16xi32>], vector<16xf32>,
      %gather3A_1195 = tpu.vector_load_idx %arg26[%add3A_1123, %add3A_1190] : memref<64x128xf32, #tpu.memory_space<vmem>>[vector<16xi32>, vector<16xi32>], vector<16xf32>,
      %gather3A_1196 = tpu.vector_load_idx %arg27[%add3A_1123, %add3A_1192] : memref<64x128xf32, #tpu.memory_space<vmem>>[vector<16xi32>, vector<16xi32>], vector<16xf32>,
      %gather3A_1197 = tpu.vector_load_idx %arg28[%add3A_1123, %add3A_1192] : memref<64x128xf32, #tpu.memory_space<vmem>>[vector<16xi32>, vector<16xi32>], vector<16xf32>,
      %gather3A_1198 = tpu.vector_load_idx %arg29[%add3A_1123, %add3A_1194] : memref<64x128xf32, #tpu.memory_space<vmem>>[vector<16xi32>, vector<16xi32>], vector<16xf32>,
      %gather3A_1199 = tpu.vector_load_idx %arg30[%add3A_1123, %add3A_1194] : memref<64x128xf32, #tpu.memory_space<vmem>>[vector<16xi32>, vector<16xi32>], vector<16xf32>,
      %mul3A_1200 = arith.mulf %gather3A, %gather3A_1196 : vector<16xf32>
      %mul3A_1201 = arith.mulf %gather3A_1195, %gather3A_1197 : vector<16xf32>
      %add3A_1202 = arith.addf %mul3A_1200, %mul3A_1201 : vector<16xf32>
      %mul3A_1203 = arith.mulf %gather3A, %gather3A_1197 : vector<16xf32>
      %mul3A_1204 = arith.mulf %gather3A_1195, %gather3A_1196 : vector<16xf32>
      %sub3A = arith.subf %mul3A_1203, %mul3A_1204 : vector<16xf32>
      %mul3A_1205 = arith.mulf %gather3A_1198, %add3A_1202 : vector<16xf32>
      %mul3A_1206 = arith.mulf %gather3A_1199, %sub3A : vector<16xf32>
      %add3A_1207 = arith.addf %mul3A_1205, %mul3A_1206 : vector<16xf32>
      %add3A_1208 = arith.addf %scan3A_1188, %add3A_1207 : vector<16xf32>
      scf.yield %add3A_1208 : vector<16xf32>
    }
    %scan3A_1137 = arith.constant 64 : i32
    %neg3A_1138 = arith.constant 0.000000e+00 : f32
    %neg3A_1139 = vector.broadcast %neg3A_1138 : f32 to vector<16xf32>
    %neg3A_1140 = arith.subf %neg3A_1139, %scan3A_1136 : vector<16xf32>
    %swap3A_1141 = arith.constant 464 : index
    %swap3A_1142 = tpu.vector_load %arg31[%swap3A_1141] {strides = array<i32>} : memref<512xf32, #tpu.memory_space<vmem>>, vector<16xf32>,
    tpu.vector_store %arg31[%swap3A_1141], %neg3A_1140 {strides = array<i32>} : memref<512xf32, #tpu.memory_space<vmem>>, vector<16xf32>,
    %add3A_1143 = arith.constant 32 : i32
    %add3A_1144 = vector.broadcast %add3A_1143 : i32 to vector<16xi32>
    %add3A_1145 = arith.addi %iota3A, %add3A_1144 : vector<16xi32>
    %get3A_1146 = arith.constant 480 : index
    %get3A_1147 = tpu.vector_load %arg16[%get3A_1146] {strides = array<i32>} : memref<512xi32, #tpu.memory_space<vmem>>, vector<16xi32>,
    %get3A_1148 = arith.constant 480 : index
    %get3A_1149 = tpu.vector_load %arg17[%get3A_1148] {strides = array<i32>} : memref<512xi32, #tpu.memory_space<vmem>>, vector<16xi32>,
    %get3A_1150 = arith.constant 480 : index
    %get3A_1151 = tpu.vector_load %arg18[%get3A_1150] {strides = array<i32>} : memref<512xi32, #tpu.memory_space<vmem>>, vector<16xi32>,
    %broadcast_in_dim3A_1152 = arith.constant 0.000000e+00 : f32
    %broadcast_in_dim3A_1153 = vector.broadcast %broadcast_in_dim3A_1152 : f32 to vector<16xf32>
    %scan3A_1154 = arith.constant 0 : i32
    %scan3A_1155 = arith.constant 64 : i32
    %scan3A_1156 = arith.addi %scan3A_1154, %scan3A_1155 : i32
    %scan3A_1157 = arith.constant 1 : i32
    %scan3A_1158 = scf.for %scan3A_1187 = %scan3A_1154 to %scan3A_1156 step %scan3A_1157 iter_args(%scan3A_1188 = %broadcast_in_dim3A_1153) -> (vector<16xf32>)  : i32 {
      %add3A_1189 = vector.broadcast %scan3A_1187 : i32 to vector<16xi32>
      %add3A_1190 = arith.addi %get3A_1147, %add3A_1189 : vector<16xi32>
      %add3A_1191 = vector.broadcast %scan3A_1187 : i32 to vector<16xi32>
      %add3A_1192 = arith.addi %get3A_1149, %add3A_1191 : vector<16xi32>
      %add3A_1193 = vector.broadcast %scan3A_1187 : i32 to vector<16xi32>
      %add3A_1194 = arith.addi %get3A_1151, %add3A_1193 : vector<16xi32>
      %gather3A = tpu.vector_load_idx %arg25[%add3A_1145, %add3A_1190] : memref<64x128xf32, #tpu.memory_space<vmem>>[vector<16xi32>, vector<16xi32>], vector<16xf32>,
      %gather3A_1195 = tpu.vector_load_idx %arg26[%add3A_1145, %add3A_1190] : memref<64x128xf32, #tpu.memory_space<vmem>>[vector<16xi32>, vector<16xi32>], vector<16xf32>,
      %gather3A_1196 = tpu.vector_load_idx %arg27[%add3A_1145, %add3A_1192] : memref<64x128xf32, #tpu.memory_space<vmem>>[vector<16xi32>, vector<16xi32>], vector<16xf32>,
      %gather3A_1197 = tpu.vector_load_idx %arg28[%add3A_1145, %add3A_1192] : memref<64x128xf32, #tpu.memory_space<vmem>>[vector<16xi32>, vector<16xi32>], vector<16xf32>,
      %gather3A_1198 = tpu.vector_load_idx %arg29[%add3A_1145, %add3A_1194] : memref<64x128xf32, #tpu.memory_space<vmem>>[vector<16xi32>, vector<16xi32>], vector<16xf32>,
      %gather3A_1199 = tpu.vector_load_idx %arg30[%add3A_1145, %add3A_1194] : memref<64x128xf32, #tpu.memory_space<vmem>>[vector<16xi32>, vector<16xi32>], vector<16xf32>,
      %mul3A_1200 = arith.mulf %gather3A, %gather3A_1196 : vector<16xf32>
      %mul3A_1201 = arith.mulf %gather3A_1195, %gather3A_1197 : vector<16xf32>
      %add3A_1202 = arith.addf %mul3A_1200, %mul3A_1201 : vector<16xf32>
      %mul3A_1203 = arith.mulf %gather3A, %gather3A_1197 : vector<16xf32>
      %mul3A_1204 = arith.mulf %gather3A_1195, %gather3A_1196 : vector<16xf32>
      %sub3A = arith.subf %mul3A_1203, %mul3A_1204 : vector<16xf32>
      %mul3A_1205 = arith.mulf %gather3A_1198, %add3A_1202 : vector<16xf32>
      %mul3A_1206 = arith.mulf %gather3A_1199, %sub3A : vector<16xf32>
      %add3A_1207 = arith.addf %mul3A_1205, %mul3A_1206 : vector<16xf32>
      %add3A_1208 = arith.addf %scan3A_1188, %add3A_1207 : vector<16xf32>
      scf.yield %add3A_1208 : vector<16xf32>
    }
    %scan3A_1159 = arith.constant 64 : i32
    %neg3A_1160 = arith.constant 0.000000e+00 : f32
    %neg3A_1161 = vector.broadcast %neg3A_1160 : f32 to vector<16xf32>
    %neg3A_1162 = arith.subf %neg3A_1161, %scan3A_1158 : vector<16xf32>
    %swap3A_1163 = arith.constant 480 : index
    %swap3A_1164 = tpu.vector_load %arg31[%swap3A_1163] {strides = array<i32>} : memref<512xf32, #tpu.memory_space<vmem>>, vector<16xf32>,
    tpu.vector_store %arg31[%swap3A_1163], %neg3A_1162 {strides = array<i32>} : memref<512xf32, #tpu.memory_space<vmem>>, vector<16xf32>,
    %add3A_1165 = arith.constant 48 : i32
    %add3A_1166 = vector.broadcast %add3A_1165 : i32 to vector<16xi32>
    %add3A_1167 = arith.addi %iota3A, %add3A_1166 : vector<16xi32>
    %get3A_1168 = arith.constant 496 : index
    %get3A_1169 = tpu.vector_load %arg16[%get3A_1168] {strides = array<i32>} : memref<512xi32, #tpu.memory_space<vmem>>, vector<16xi32>,
    %get3A_1170 = arith.constant 496 : index
    %get3A_1171 = tpu.vector_load %arg17[%get3A_1170] {strides = array<i32>} : memref<512xi32, #tpu.memory_space<vmem>>, vector<16xi32>,
    %get3A_1172 = arith.constant 496 : index
    %get3A_1173 = tpu.vector_load %arg18[%get3A_1172] {strides = array<i32>} : memref<512xi32, #tpu.memory_space<vmem>>, vector<16xi32>,
    %broadcast_in_dim3A_1174 = arith.constant 0.000000e+00 : f32
    %broadcast_in_dim3A_1175 = vector.broadcast %broadcast_in_dim3A_1174 : f32 to vector<16xf32>
    %scan3A_1176 = arith.constant 0 : i32
    %scan3A_1177 = arith.constant 64 : i32
    %scan3A_1178 = arith.addi %scan3A_1176, %scan3A_1177 : i32
    %scan3A_1179 = arith.constant 1 : i32
    %scan3A_1180 = scf.for %scan3A_1187 = %scan3A_1176 to %scan3A_1178 step %scan3A_1179 iter_args(%scan3A_1188 = %broadcast_in_dim3A_1175) -> (vector<16xf32>)  : i32 {
      %add3A_1189 = vector.broadcast %scan3A_1187 : i32 to vector<16xi32>
      %add3A_1190 = arith.addi %get3A_1169, %add3A_1189 : vector<16xi32>
      %add3A_1191 = vector.broadcast %scan3A_1187 : i32 to vector<16xi32>
      %add3A_1192 = arith.addi %get3A_1171, %add3A_1191 : vector<16xi32>
      %add3A_1193 = vector.broadcast %scan3A_1187 : i32 to vector<16xi32>
      %add3A_1194 = arith.addi %get3A_1173, %add3A_1193 : vector<16xi32>
      %gather3A = tpu.vector_load_idx %arg25[%add3A_1167, %add3A_1190] : memref<64x128xf32, #tpu.memory_space<vmem>>[vector<16xi32>, vector<16xi32>], vector<16xf32>,
      %gather3A_1195 = tpu.vector_load_idx %arg26[%add3A_1167, %add3A_1190] : memref<64x128xf32, #tpu.memory_space<vmem>>[vector<16xi32>, vector<16xi32>], vector<16xf32>,
      %gather3A_1196 = tpu.vector_load_idx %arg27[%add3A_1167, %add3A_1192] : memref<64x128xf32, #tpu.memory_space<vmem>>[vector<16xi32>, vector<16xi32>], vector<16xf32>,
      %gather3A_1197 = tpu.vector_load_idx %arg28[%add3A_1167, %add3A_1192] : memref<64x128xf32, #tpu.memory_space<vmem>>[vector<16xi32>, vector<16xi32>], vector<16xf32>,
      %gather3A_1198 = tpu.vector_load_idx %arg29[%add3A_1167, %add3A_1194] : memref<64x128xf32, #tpu.memory_space<vmem>>[vector<16xi32>, vector<16xi32>], vector<16xf32>,
      %gather3A_1199 = tpu.vector_load_idx %arg30[%add3A_1167, %add3A_1194] : memref<64x128xf32, #tpu.memory_space<vmem>>[vector<16xi32>, vector<16xi32>], vector<16xf32>,
      %mul3A_1200 = arith.mulf %gather3A, %gather3A_1196 : vector<16xf32>
      %mul3A_1201 = arith.mulf %gather3A_1195, %gather3A_1197 : vector<16xf32>
      %add3A_1202 = arith.addf %mul3A_1200, %mul3A_1201 : vector<16xf32>
      %mul3A_1203 = arith.mulf %gather3A, %gather3A_1197 : vector<16xf32>
      %mul3A_1204 = arith.mulf %gather3A_1195, %gather3A_1196 : vector<16xf32>
      %sub3A = arith.subf %mul3A_1203, %mul3A_1204 : vector<16xf32>
      %mul3A_1205 = arith.mulf %gather3A_1198, %add3A_1202 : vector<16xf32>
      %mul3A_1206 = arith.mulf %gather3A_1199, %sub3A : vector<16xf32>
      %add3A_1207 = arith.addf %mul3A_1205, %mul3A_1206 : vector<16xf32>
      %add3A_1208 = arith.addf %scan3A_1188, %add3A_1207 : vector<16xf32>
      scf.yield %add3A_1208 : vector<16xf32>
    }
    %scan3A_1181 = arith.constant 64 : i32
    %neg3A_1182 = arith.constant 0.000000e+00 : f32
    %neg3A_1183 = vector.broadcast %neg3A_1182 : f32 to vector<16xf32>
    %neg3A_1184 = arith.subf %neg3A_1183, %scan3A_1180 : vector<16xf32>
    %swap3A_1185 = arith.constant 496 : index
    %swap3A_1186 = tpu.vector_load %arg31[%swap3A_1185] {strides = array<i32>} : memref<512xf32, #tpu.memory_space<vmem>>, vector<16xf32>,
    tpu.vector_store %arg31[%swap3A_1185], %neg3A_1184 {strides = array<i32>} : memref<512xf32, #tpu.memory_space<vmem>>, vector<16xf32>,
    "tpu.region"() ({
      %run_scoped3A = tpu.sem_alloc : memref<!tpu.dma_semaphore, #tpu.memory_space<semaphore_mem>>
      %dma_start3A_1187 = tpu.memref_slice %arg9[%mul3A_2] : memref<16384xf32, #tpu.memory_space<hbm>> -> memref<512xf32, #tpu.memory_space<hbm>>
      %dma_start3A_1188 = tpu.memref_slice %arg9[%mul3A_2] : memref<16384xf32, #tpu.memory_space<hbm>> -> memref<512xf32, #tpu.memory_space<hbm>>
      tpu.enqueue_dma source(%arg31 : memref<512xf32, #tpu.memory_space<vmem>>) target(%dma_start3A_1188 : memref<512xf32, #tpu.memory_space<hbm>>) target_semaphore(%run_scoped3A : memref<!tpu.dma_semaphore, #tpu.memory_space<semaphore_mem>>)
      %dma_wait3A_1189 = tpu.memref_slice %arg9[%mul3A_2] : memref<16384xf32, #tpu.memory_space<hbm>> -> memref<512xf32, #tpu.memory_space<hbm>>
      %dma_wait3A_1190 = tpu.memref_slice %arg9[%mul3A_2] : memref<16384xf32, #tpu.memory_space<hbm>> -> memref<512xf32, #tpu.memory_space<hbm>>
      tpu.wait_dma2 semaphore(%run_scoped3A : memref<!tpu.dma_semaphore, #tpu.memory_space<semaphore_mem>>) src(%arg31 : memref<512xf32, #tpu.memory_space<vmem>>) dst(%dma_wait3A_1190 : memref<512xf32, #tpu.memory_space<hbm>>)
      tpu.yield
    }) : () -> ()
    return
  }
}

module attributes {stable_mosaic.version = 14 : i64} {
  func.func @_loss_body(%arg0: memref<128x128xf32, #tpu.memory_space<vmem>>, %arg1: memref<1x1xf32, #tpu.memory_space<smem>>) attributes {dimension_semantics = [], scalar_prefetch = 0 : i64, scratch_operands = 0 : i64, tpu.core_type = #tpu.core_type<tc>} {
    %get3A = arith.constant 0 : index
    %get3A_0 = arith.constant 0 : index
    %get3A_1 = vector.load %arg0[%get3A, %get3A_0] : memref<128x128xf32, #tpu.memory_space<vmem>>, vector<128x128xf32>
    %slice3A = vector.extract_strided_slice %get3A_1 {offsets = [0, 0], sizes = [64, 128], strides = [1, 1]} : vector<128x128xf32> to vector<64x128xf32>
    %slice3A_2 = vector.extract_strided_slice %get3A_1 {offsets = [64, 0], sizes = [64, 128], strides = [1, 1]} : vector<128x128xf32> to vector<64x128xf32>
    %sub3A = arith.subf %slice3A, %slice3A_2 : vector<64x128xf32>
    %add3A = arith.constant 1.000000e+00 : f32
    %add3A_3 = vector.broadcast %add3A : f32 to vector<64x128xf32>
    %add3A_4 = arith.addf %sub3A, %add3A_3 : vector<64x128xf32>
    %max3A = arith.constant 0.000000e+00 : f32
    %max3A_5 = vector.broadcast %max3A : f32 to vector<64x128xf32>
    %max3A_6 = arith.maximumf %add3A_4, %max3A_5 : vector<64x128xf32>
    %reduce_sum3A = vector.shape_cast %max3A_6 : vector<64x128xf32> to vector<1x64x128xf32>
    %reduce_sum3A_7 = arith.constant dense<0.000000e+00> : vector<1xf32>
    %reduce_sum3A_8 = vector.multi_reduction <add>, %reduce_sum3A, %reduce_sum3A_7 [1, 2] : vector<1x64x128xf32> to vector<1xf32>
    %reduce_sum3A_9 = vector.shape_cast %reduce_sum3A_8 : vector<1xf32> to vector<1x1x1xf32>
    %reduce_sum3A_10 = vector.extract %reduce_sum3A_9[0, 0, 0] : f32 from vector<1x1x1xf32>
    %swap3A = arith.constant 0 : index
    %swap3A_11 = arith.constant 0 : index
    %swap3A_12 = memref.load %arg1[%swap3A, %swap3A_11] : memref<1x1xf32, #tpu.memory_space<smem>>
    memref.store %reduce_sum3A_10, %arg1[%swap3A, %swap3A_11] : memref<1x1xf32, #tpu.memory_space<smem>>
    return
  }
}

</mosaic_0001>

<sc_bundles>
// kernel: kernel.4.cloned.1.call-start
scs
__scs_entry_jumppad:
0x0: {  	(pc) =	sbr.rel $0x88, $3  }
0x1: {  	(tag) =	ssettag $0x0;
	lr =	simm.s32 $0x1  }
0x2: {  	[smem:$0x3F9A] =	sst lr;
	_ =	strace $0xD0000000  }
0x3: {  	_ = 	snop  }
0x4: {  	_ = 	snop  }
0x5: {  	_ = 	snop  }
0x6: {  	_ = 	snop  }
0x7: {  	_ = 	snop  }
__scs_overlays_trampoline_lowered:
0x8: {  	[smem:$0x3FA9] =	sst s0  }
0x9: {  	[smem:$0x3FAA] =	sst s1  }
0xa: {  	[smem:$0x3FAB] =	sst s2  }
0xb: {  	[smem:$0x3FAC] =	sst s3  }
0xc: {  	[smem:$0x3FAD] =	sst s4  }
0xd: {  	[smem:$0x3FAE] =	sst s5  }
0xe: {  	[smem:$0x3FAF] =	sst s6  }
0xf: {  	[smem:$0x3FB0] =	sst s7  }
0x10: {  	[smem:$0x3FB1] =	sst s8  }
0x11: {  	[smem:$0x3FB2] =	sst s9;
	s0 =	simm.s32 @!p0 $0x0  }
0x12: {  	s1 =	sld [smem:$0x3F98];
	s0 =	simm.s32 @p0 $0x1  }
0x13: {  	[smem:$0x3FB3] =	sst s0;
	s0 =	simm.s32 @!p1 $0x0  }
0x14: {  	s2 =	sld [smem:$0x3F97];
	s0 =	simm.s32 @p1 $0x1  }
0x15: {  	[smem:$0x3FB4] =	sst s0;
	s0 =	simm.s32 @!p2 $0x0  }
0x16: {  	s3 =	sld [smem:$0x3FDB];
	s0 =	simm.s32 @p2 $0x1  }
0x17: {  	s4 =	simm.s32 $0x1BF5;
	[smem:$0x3FB6] =	sst s0  }
0x18: {  	s0 =	sld [smem:$0x3F99];
	_ =	swait.ge [sflag:s4], $0x0  }
0x19: {  	s7 =	sld [smem:$0x3F9A]  }
0x1a: {  	s8 =	sadd.s32 $0xFFFFE003, lr  }
0x1b: {  	s9 =	sadd.s32 $0xFFFFFEF7, lr;
	s5 =	simm.s32 $0xFFFFFFFF;
	p2 =	slt.u32 s8, $0xFFFFF086  }
0x1c: {  	p1 =	slt.u32 s9, $0xF7A;
	s5 =	simm.s32 @!p2 $0x0  }
0x1d: {  	s5 =	simm.s32 @p1 $0x1;
	p0 =	seq.s32 s7, s2  }
0x1e: {  	s7 =	smul.u32 @!p0 $0xF7A, s2;
	p2 =	seq.s32 @!p0 s5, $0x0  }
0x1f: {  	s9 =	smul.u32 $0xF7A, s1;
	s8 =	simm.s32 @!p0 $0x1BF5;
	p2 =	por !p2, p0  }
0x20: {  	[sflag:s8] =	ssyncset.s32 @!p0 $0xFFFFF086;
	s6 =	sadd.s32 @!p0 s3, s7;
	s7 =	simm.s32 @!p0 $0x108  }
0x21: {  	s3 =	sadd.s32 s3, s9;
	s6 =	sadd.s32 @!p0 $0x88, s6;
	s7 =	simm.s32 @p2 $0x1082  }
0x22: {  	[simem:s7], [sflag:s8] =	dma.local @!p0 [hbm:s6], $0xF7A  }
0x23: {  	s9 =	sor.u32 $0xD0000000, s2;
	s6 =	simm.s32 $0x108;
	_ =	swait.ge @!p0 [sflag:s8], $0x0  }
0x24: {  	s3 =	sadd.s32 $0x88, s3;
	s6 =	simm.s32 @!p1 $0x1082;
	[sflag:s4] =	ssyncset.s32 $0xFFFFF086  }
0x25: {  	[simem:s6], [sflag:s4] =	dma.local [hbm:s3], $0xF7A  }
0x26: {  	[smem:$0x3F9A] =	sst s1;
	(tag) =	ssettag s2;
	_ =	strace s9  }
0x27: {  	s1 =	sld [smem:$0x3FAA]  }
0x28: {  	s2 =	sld [smem:$0x3FAB]  }
0x29: {  	s4 =	sld [smem:$0x3FAD]  }
0x2a: {  	p0 =	seq.s32 s5, $0x0;
	s5 =	sld [smem:$0x3FAE]  }
0x2b: {  	s6 =	sld [smem:$0x3FAF]  }
0x2c: {  	s7 =	sld [smem:$0x3FB0]  }
0x2d: {  	s3 =	simm.s32 $0x108;
	s8 =	sld [smem:$0x3FB1]  }
0x2e: {  	s3 =	simm.s32 @!p0 $0x1082;
	s9 =	sld [smem:$0x3FB2]  }
0x2f: {  	lr =	sadd.s32 s0, s3;
	s0 =	sld [smem:$0x3FA9]  }
0x30: {  	s3 =	sld [smem:$0x3FAC]  }
0x31: {  	[smem:$0x3FB5] =	sst s10  }
0x32: {  	s10 =	sld [smem:$0x3FB3];
	_ =	sdelay $0x3  }
0x33: {  	p0 =	seq.s32 s10, $0x1;
	s10 =	sld [smem:$0x3FB5];
	_ =	sdelay $0x3  }
0x34: {  	[smem:$0x3FB5] =	sst s10  }
0x35: {  	s10 =	sld [smem:$0x3FB4];
	_ =	sdelay $0x3  }
0x36: {  	p1 =	seq.s32 s10, $0x1;
	s10 =	sld [smem:$0x3FB5];
	_ =	sdelay $0x3  }
0x37: {  	[smem:$0x3FB5] =	sst s10  }
0x38: {  	s10 =	sld [smem:$0x3FB6]  }
0x39: {  	_ = 	snop;
	(pc) =	sbr.ind lr, $3  }
0x3a: {  	_ = 	snop  }
0x3b: {  	_ = 	snop  }
0x3c: {  	p2 =	seq.s32 s10, $0x1;
	s10 =	sld [smem:$0x3FB5]  }
0x3d: {  	_ =	shalt  }
0x3e: {  	_ =	shalt  }
0x3f: {  	_ =	shalt  }
0x40: {  	_ =	shalt  }
0x41: {  	_ =	shalt  }
0x42: {  	_ =	shalt  }
0x43: {  	_ =	shalt  }
0x44: {  	_ =	shalt  }
0x45: {  	_ =	shalt  }
0x46: {  	_ =	shalt  }
0x47: {  	_ =	shalt  }
0x48: {  	_ =	shalt  }
0x49: {  	_ =	shalt  }
0x4a: {  	_ =	shalt  }
0x4b: {  	_ =	shalt  }
0x4c: {  	_ =	shalt  }
0x4d: {  	_ =	shalt  }
0x4e: {  	_ =	shalt  }
0x4f: {  	_ =	shalt  }
0x50: {  	_ =	shalt  }
0x51: {  	_ =	shalt  }
0x52: {  	_ =	shalt  }
0x53: {  	_ =	shalt  }
0x54: {  	_ =	shalt  }
0x55: {  	_ =	shalt  }
0x56: {  	_ =	shalt  }
0x57: {  	_ =	shalt  }
0x58: {  	_ =	shalt  }
0x59: {  	_ =	shalt  }
0x5a: {  	_ =	shalt  }
0x5b: {  	_ =	shalt  }
0x5c: {  	_ =	shalt  }
0x5d: {  	_ =	shalt  }
0x5e: {  	_ =	shalt  }
0x5f: {  	_ =	shalt  }
0x60: {  	_ =	shalt  }
0x61: {  	_ =	shalt  }
0x62: {  	_ =	shalt  }
0x63: {  	_ =	shalt  }
0x64: {  	_ =	shalt  }
0x65: {  	_ =	shalt  }
0x66: {  	_ =	shalt  }
0x67: {  	_ =	shalt  }
0x68: {  	_ =	shalt  }
0x69: {  	_ =	shalt  }
0x6a: {  	_ =	shalt  }
0x6b: {  	_ =	shalt  }
0x6c: {  	_ =	shalt  }
0x6d: {  	_ =	shalt  }
0x6e: {  	_ =	shalt  }
0x6f: {  	_ =	shalt  }
0x70: {  	_ =	shalt  }
0x71: {  	_ =	shalt  }
0x72: {  	_ =	shalt  }
0x73: {  	_ =	shalt  }
0x74: {  	_ =	shalt  }
0x75: {  	_ =	shalt  }
0x76: {  	_ =	shalt  }
0x77: {  	_ =	shalt  }
0x78: {  	_ =	shalt  }
0x79: {  	_ =	shalt  }
0x7a: {  	_ =	shalt  }
0x7b: {  	_ =	shalt  }
0x7c: {  	_ =	shalt  }
0x7d: {  	_ =	shalt  }
0x7e: {  	_ =	shalt  }
0x7f: {  	_ =	shalt  }
0x80: {  	_ =	shalt  }
0x81: {  	_ =	shalt  }
0x82: {  	_ =	shalt  }
0x83: {  	_ =	shalt  }
0x84: {  	_ =	shalt  }
0x85: {  	_ =	shalt  }
0x86: {  	_ =	shalt  }
0x87: {  	_ =	shalt  }
.Lfunc_end0:
.L_simem_size_0:
called_computation_lowered:
.L_overlay_start_0:
0x88: {  	s2 =	sld [smem:$0x3FD9]  }
0x89: {  	s3 =	sld [smem:$0x3FFE];
	_ =	sdelay $0x1  }
0x8a: {  	s1 =	srdreg.scid  }
0x8b: {  	s0 =	sand.u32 $0x1, s1  }
0x8c: {  	s17 =	sshll.u32 s0, $0xA;
	s2 =	sadd.s32 s3, s2  }
0x8d: {  	s2 =	sadd.s32 s2, s17  }
0x8e: {  	[smem:$0x3FC1] =	sst s2  }
0x8f: {  	_ = 	snop  }
0x90: {  	s2 =	sld [smem:$0x3FC9]  }
0x91: {  	s18 =	sld [smem:$0x3FC8]  }
0x92: {  	s4 =	sld [smem:$0x3FC7];
	(tm) =	ssettm $0x1  }
0x93: {  	s5 =	sld [smem:$0x3FFB];
	_ =	sdelay $0x3  }
0x94: {  	_ =	strace s5  }
0x95: {  	s5 =	sld [smem:$0x3FFC];
	_ =	sdelay $0x3  }
0x96: {  	_ =	strace s5  }
0x97: {  	s5 =	sld [smem:$0x3FFD];
	_ =	sdelay $0x3  }
0x98: {  	_ =	strace s5  }
0x99: {  	_ =	strace $0x8FFFFFFF  }
0x9a: {  	s19 =	sld [smem:$0x3FDB];
	_ =	sdelay $0x1  }
0x9b: {  	s6 =	simm.s32 $_scs_section_size  }
0x9c: {  	s7 =	simm.s32 $_size__tile_overlayer_lowered;
	s8 =	simm.s32 $_tile_overlayer_lowered  }
0x9d: {  	s22 =	simm.s32 $0x1BFF;
	s21 =	sshll.u32 s8, $0x1;
	s5 =	sadd.s32 s6, s19  }
0x9e: {  	s9 =	simm.s32 $0x0;
	s20 =	sshll.u32 s7, $0x1;
	s7 =	sadd.s32 s21, s5  }
0x9f: {  	[timem:s9], [sflag:s22] =	dma.local [hbm:s7], s20  }
0xa0: {  	_ =	swait.ge [sflag:s22], s20  }
0xa1: {  	s6 =	ssub.s32 $0x0, s20;
	[sflag:s22] =	ssyncset.done $0x0  }
0xa2: {  	[sflag:s22] =	ssyncadd.s32 s6;
	_ =	sdelay $0x1  }
0xa3: {  	s23 =	simm.s32 $0x1B8B  }
0xa4: {  	_ =	swait.ge [sflag:s23], $0x1  }
0xa5: {  	[sflag:s23] =	ssyncset.done $0x0  }
0xa6: {  	s25 =	simm.s32 $0x1B8E;
	s24 =	sld [smem:$0x3FFE];
	[sflag:s23] =	ssyncadd.s32 $0xFFFFFFFF  }
0xa7: {  	s26 =	simm.s32 $execute0_lowered;
	[smem:$0x3FD2] =	sst s25  }
0xa8: {  	s7 =	sshll.u32 s26, $0x1;
	_ =	strace $0x80000046;
	[dreg:$0x1] =	wrdreg $0xFFFFFFFF  }
0xa9: {  	s28 =	simm.s32 $_size_execute0_lowered;
	s5 =	sadd.s32 s5, s7;
	[dreg:$0x0] =	wrdreg $0x0  }
0xaa: {  	s7 =	sshll.u32 s28, $0x1;
	[dreg:$0x2] =	wrdreg s5  }
0xab: {  	[dreg:$0x3] =	wrdreg s7  }
0xac: {  	[dreg:$0x4] =	wrdreg $0xC0  }
0xad: {  	_ =	task [dreg:s9], $0x5FFFF  }
0xae: {  	[dreg:$0x1] =	wrdreg $0xFFFFFFFF  }
0xaf: {  	[dreg:$0x0] =	wrdreg $0x60  }
0xb0: {  	[dreg:$0x2] =	wrdreg s2  }
0xb1: {  	[dreg:$0x3] =	wrdreg s18  }
0xb2: {  	[dreg:$0x4] =	wrdreg s4  }
0xb3: {  	[dreg:$0x5] =	wrdreg s24  }
0xb4: {  	[dreg:$0x6] =	wrdreg $0x9  }
0xb5: {  	_ =	task.clear_ibuf [dreg:s9], $0x7FFFF;
	_ =	strace $0x90000046  }
0xb6: {  	s29 =	simm.s32 $0x9;
	_ =	strace $0x80000048  }
0xb7: {  	_ =	swait.ge [sflag:s29], $0x1  }
0xb8: {  	[sflag:s29] =	ssyncadd.s32 $0xFFFFFFFF  }
0xb9: {  	_ =	strace $0x90000048  }
0xba: {  	_ =	sfence  }
0xbb: {  	s30 =	sld [smem:$0x0];
	_ =	sdelay $0x2  }
0xbc: {  	s31 =	sshll.u32 s1, $0xD;
	s1 =	sshrl.u32 s1, $0x2  }
0xbd: {  	s3 =	sand.u32 $0x4000, s31;
	s1 =	sadd.s32 s1, s30  }
0xbe: {  	s0 =	sor.u32 s3, s0;
	s1 =	sshll.u32 s1, $0x11  }
0xbf: {  	s0 =	sor.u32 s1, s0  }
0xc0: {  	s0 =	sadd.s32 $0x8F2B, s0  }
0xc1: {  	[sflag:s0] =	ssyncadd.remote.s32 $0x1  }
0xc2: {  	_ =	sfence.sel $0xFFFF  }
0xc3: {  	[dreg:$0x0] =	wrdreg $0xFFFFFFFF;
	(pc) =	sbr.abs _section_cstart, $3  }
0xc4: {  	[dreg:$0x1] =	wrdreg $0xFFFFFFFF  }
0xc5: {  	_ =	task.clear_ibuf [dreg:s9], $0x2FFFF;
	_ =	strace $0x9FFFFFFF  }
0xc6: {  	(tm) =	ssettm $0x7FFFFFFF  }
0xc7: {  	_ =	shalt  }
tec
execute0_lowered:
.L_overlay_start_1:
0x0: {  	(tag) =	ssettag $0x1  }
0x1: {  	s0 =	rddreg [dreg:$0x0]  }
0x2: {  	s2 =	rddreg [dreg:$0x1]  }
0x3: {  	s9 =	rddreg [dreg:$0x2]  }
0x4: {  	s7 =	rddreg [dreg:$0x3]  }
0x5: {  	s1 =	simm.s32 $0x0;
	s6 =	srdreg.scid;
	s8 =	stileid.u32  }
0x6: {  	s15 =	simm.s32 $0x40;
	s17 =	simm.s32 $0x1200;
	s18 =	simm.s32 $0x3200  }
0x7: {  	s20 =	simm.s32 $0x5200;
	s21 =	simm.s32 $0x7200;
	s23 =	simm.s32 $0x9200  }
0x8: {  	s24 =	simm.s32 $0xB200;
	s28 =	simm.s32 $0xF200;
	s30 =	simm.s32 $0x11200  }
0x9: {  	s31 =	simm.s32 $0x13200;
	s13 =	simm.s32 $0x17200;
	s14 =	simm.s32 $0x1  }
0xa: {  	s25 =	simm.s32 $0x2;
	s29 =	simm.s32 $0x0;
	[smem:$0x7FF] =	sst s1  }
0xb: {  	s3 =	sadd.s32 $0xF42C00, s7;
	s4 =	sadd.s32 $0x16E3E00, s7;
	s6 =	sand.u32 $0x1, s6  }
0xc: {  	s5 =	sadd.s32 $0x1E85000, s7;
	s8 =	sshll.u32 s8, $0x7;
	s10 =	sshll.u32 s6, $0x6  }
0xd: {  	_ =	strace $0x80000047;
	s11 =	ssub.s32 $0x2, s6;
	s10 =	sor.u32 s10, s8  }
0xe: {  	v0 =	vlaneseq.u32;
	s6 =	sadd.s32 $0x2626200, s7;
	s26 =	sshrl.u32 s11, $0x1;
	s12 =	sadd.s32 s10, s7  }
0xf: {  	v0 =	vmul.u32 $0x80, v0;
	s11 =	ssub.s32 s11, s26;
	s7 =	sadd.s32 s0, s10;
	s8 =	sadd.s32 s2, s10  }
0x10: {  	s9 =	sadd.s32 s9, s10;
	s26 =	simm.s32 $0xD200;
	s2 =	simm.s32 $0x15200  }
0x11: {  	v1 =	vor.u32 $0x800, v0;
	v2 =	vor.u32 $0x1000, v0;
	v3 =	vor.u32 $0x1800, v0;
	s10 =	sadd.s32 $0x800, s12;
	s11 =	smax.u32 s11, $0x1;
	s12 =	simm.s32 $0x3  }
.LBB2_1:
0x12: {  	[tilespmem:s1], [sflag:$0x3] =	stream.linear.gather [hbm4b:s7+s1], $0x200, $0x38;
	[tilespmem:$0x19400] =	vst v63  }
0x13: {  	_ =	swait.ge [sflag:s12], $0x200  }
0x14: {  	[sflag:s12] =	ssyncset.done $0x0  }
0x15: {  	s0 =	simm.s32 $0x200;
	[sflag:s12] =	ssyncadd.s32 $0xFFFFFE00  }
0x16: {  	[tilespmem:s0], [sflag:$0x3] =	stream.linear.gather [hbm4b:s8+s1], $0x200, $0x38;
	[tilespmem:$0x19400] =	vst v63  }
0x17: {  	_ =	swait.ge [sflag:s12], $0x200  }
0x18: {  	[sflag:s12] =	ssyncset.done $0x0  }
0x19: {  	s22 =	simm.s32 $0x400;
	[sflag:s12] =	ssyncadd.s32 $0xFFFFFE00  }
0x1a: {  	[tilespmem:s22], [sflag:$0x3] =	stream.linear.gather [hbm4b:s9+s1], $0x200, $0x38;
	[tilespmem:$0x19400] =	vst v63  }
0x1b: {  	_ =	swait.ge [sflag:s12], $0x200  }
0x1c: {  	[sflag:s12] =	ssyncset.done $0x0  }
0x1d: {  	s16 =	simm.s32 $0x0;
	[sflag:s12] =	ssyncadd.s32 $0xFFFFFE00  }
0x1e: {  	v4 =	vld [tilespmem:s16+$0x400]  }
0x1f: {  	v7 =	vld [tilespmem:s16+$0x0]  }
0x20: {  	v8 =	vld [tilespmem:s16+$0x200];
	_ =	sdelay $0x2  }
0x21: {  	s0 =	simm.s32 $0x10;
	v5 =	vshrl.u32 v4, $0x1;
	v4 =	vshll.u32 v4, $0x6  }
0x22: {  	v6 =	vld [tilespmem:s0+$0x400];
	v9 =	vshll.u32 v7, $0x6;
	[tilespmem:s16+$0xA00] =	vst v5;
	v5 =	vand.u32 $0x40, v4  }
0x23: {  	v10 =	vshll.u32 v8, $0x6;
	v9 =	vand.u32 $0x40, v9;
	v4 =	vld [tilespmem:s0+$0x0];
	[tilespmem:s16+$0x1000] =	vst v5  }
0x24: {  	v62 =	vand.u32 $0x40, v10;
	v5 =	vld [tilespmem:s0+$0x200];
	[tilespmem:s16+$0xC00] =	vst v9  }
0x25: {  	v63 =	vshrl.u32 v7, $0x1;
	[tilespmem:s16+$0xE00] =	vst v62  }
0x26: {  	s19 =	simm.s32 $0x80;
	v7 =	vshrl.u32 v8, $0x1;
	[tilespmem:s16+$0x600] =	vst v63  }
.LBB2_2:
0x27: {  	s22 =	sshra.s32 s19, $0x2;
	p0 =	sne.s32 s19, $0x7C0;
	s19 =	sadd.s32 $0x40, s19;
	v8 =	vshrl.u32 v6, $0x1;
	v9 =	vshll.u32 v6, $0x6;
	[tilespmem:s16+$0x800] =	vst v7  }
.Ltmp0:
0x28: {  	s16 =	smov.u32 s0;
	v6 =	vld [tilespmem:s22+$0x400];
	v10 =	vshrl.u32 v4, $0x1;
	v7 =	vshll.u32 v4, $0x6;
	[tilespmem:s0+$0xA00] =	vst v8;
	v8 =	vand.u32 $0x40, v9;
	s0 =	smov.u32 s22;
	(pc) =	sbr.rel @p0 .LBB2_2-.Ltmp0, $4  }
0x29: {  	v4 =	vld [tilespmem:s0+$0x0];
	v9 =	vand.u32 $0x40, v7;
	v7 =	vshrl.u32 v5, $0x1;
	v11 =	vshll.u32 v5, $0x6;
	[tilespmem:s16+$0x1000] =	vst v8  }
0x2a: {  	v5 =	vld [tilespmem:s0+$0x200];
	[tilespmem:s16+$0xC00] =	vst v9;
	v8 =	vand.u32 $0x40, v11  }
0x2b: {  	[tilespmem:s16+$0xE00] =	vst v8  }
0x2c: {  	[tilespmem:s16+$0x600] =	vst v10  }
0x2d: {  	v8 =	vshrl.u32 v6, $0x1;
	v6 =	vshll.u32 v6, $0x6;
	[tilespmem:s16+$0x800] =	vst v7  }
0x2e: {  	[tilespmem:s0+$0xA00] =	vst v8;
	v6 =	vand.u32 $0x40, v6  }
0x2f: {  	v7 =	vshll.u32 v4, $0x6;
	v4 =	vshrl.u32 v4, $0x1;
	[tilespmem:s0+$0x1000] =	vst v6  }
0x30: {  	v7 =	vand.u32 $0x40, v7;
	[tilespmem:s0+$0x600] =	vst v4  }
0x31: {  	v8 =	vshll.u32 v5, $0x6;
	v5 =	vshrl.u32 v5, $0x1;
	[tilespmem:s0+$0xC00] =	vst v7  }
0x32: {  	v6 =	vand.u32 $0x40, v8;
	[tilespmem:s0+$0x800] =	vst v5  }
0x33: {  	s19 =	simm.s32 $0x600;
	[tilespmem:s0+$0xE00] =	vst v6  }
0x34: {  	[tilespmem:s17], [sflag:$0x1] =	stream.indirect.gather [hbm4b:s3+s15], $0x80, s19, s15, $0xb8;
	[tilespmem:$0x19400] =	vst v63  }
0x35: {  	_ = 	snop  }
0x36: {  	[tilespmem:s18], [sflag:$0x1] =	stream.indirect.gather [hbm4b:s4+s15], $0x80, s19, s15, $0xb8;
	[tilespmem:$0x19400] =	vst v63  }
0x37: {  	s22 =	simm.s32 $0x800  }
0x38: {  	[tilespmem:s20], [sflag:$0x1] =	stream.indirect.gather [hbm4b:s3+s15], $0x80, s22, s15, $0xb8;
	[tilespmem:$0x19400] =	vst v63  }
0x39: {  	_ = 	snop  }
0x3a: {  	[tilespmem:s21], [sflag:$0x1] =	stream.indirect.gather [hbm4b:s4+s15], $0x80, s22, s15, $0xb8;
	[tilespmem:$0x19400] =	vst v63  }
0x3b: {  	s16 =	simm.s32 $0xA00  }
0x3c: {  	[tilespmem:s23], [sflag:$0x1] =	stream.indirect.gather [hbm4b:s5+s15], $0x80, s16, s15, $0xb8;
	[tilespmem:$0x19400] =	vst v63  }
0x3d: {  	_ = 	snop  }
0x3e: {  	[tilespmem:s24], [sflag:$0x1] =	stream.indirect.gather [hbm4b:s6+s15], $0x80, s16, s15, $0xb8;
	[tilespmem:$0x19400] =	vst v63  }
0x3f: {  	s19 =	simm.s32 $0x640  }
0x40: {  	[tilespmem:s26], [sflag:$0x2] =	stream.indirect.gather [hbm4b:s3+s15], $0x80, s19, s15, $0xb8;
	[tilespmem:$0x19400] =	vst v63  }
0x41: {  	_ = 	snop  }
0x42: {  	[tilespmem:s28], [sflag:$0x2] =	stream.indirect.gather [hbm4b:s4+s15], $0x80, s19, s15, $0xb8;
	[tilespmem:$0x19400] =	vst v63  }
0x43: {  	s22 =	simm.s32 $0x840  }
0x44: {  	[tilespmem:s30], [sflag:$0x2] =	stream.indirect.gather [hbm4b:s3+s15], $0x80, s22, s15, $0xb8;
	[tilespmem:$0x19400] =	vst v63  }
0x45: {  	_ = 	snop  }
0x46: {  	[tilespmem:s31], [sflag:$0x2] =	stream.indirect.gather [hbm4b:s4+s15], $0x80, s22, s15, $0xb8;
	[tilespmem:$0x19400] =	vst v63  }
0x47: {  	s16 =	simm.s32 $0xA40  }
0x48: {  	[tilespmem:s2], [sflag:$0x2] =	stream.indirect.gather [hbm4b:s5+s15], $0x80, s16, s15, $0xb8;
	[tilespmem:$0x19400] =	vst v63  }
0x49: {  	_ = 	snop  }
0x4a: {  	[tilespmem:s13], [sflag:$0x2] =	stream.indirect.gather [hbm4b:s6+s15], $0x80, s16, s15, $0xb8;
	[tilespmem:$0x19400] =	vst v63  }
0x4b: {  	_ =	swait.ge [sflag:s14], $0x2000  }
0x4c: {  	[sflag:s14] =	ssyncset.done $0x0  }
0x4d: {  	[sflag:s14] =	ssyncadd.s32 $0xFFFFE000  }
0x4e: {  	_ =	swait.ge [sflag:s14], $0x2000  }
0x4f: {  	[sflag:s14] =	ssyncset.done $0x0  }
0x50: {  	[sflag:s14] =	ssyncadd.s32 $0xFFFFE000  }
0x51: {  	_ =	swait.ge [sflag:s14], $0x2000  }
0x52: {  	[sflag:s14] =	ssyncset.done $0x0  }
0x53: {  	[sflag:s14] =	ssyncadd.s32 $0xFFFFE000  }
0x54: {  	_ =	swait.ge [sflag:s14], $0x2000  }
0x55: {  	[sflag:s14] =	ssyncset.done $0x0  }
0x56: {  	[sflag:s14] =	ssyncadd.s32 $0xFFFFE000  }
0x57: {  	_ =	swait.ge [sflag:s14], $0x2000  }
0x58: {  	[sflag:s14] =	ssyncset.done $0x0  }
0x59: {  	[sflag:s14] =	ssyncadd.s32 $0xFFFFE000  }
0x5a: {  	_ =	swait.ge [sflag:s14], $0x2000  }
0x5b: {  	[sflag:s14] =	ssyncset.done $0x0  }
0x5c: {  	[sflag:s14] =	ssyncadd.s32 $0xFFFFE000  }
0x5d: {  	v4 =	vld [tilespmem:$0xC00];
	_ =	sdelay $0x1  }
0x5e: {  	v6 =	vld [tilespmem:$0xE00];
	_ =	sdelay $0x1  }
0x5f: {  	s19 =	simm.s32 $0x0;
	v5 =	vld [tilespmem:$0x1000]  }
0x60: {  	v7 =	vadd.s32 s19, v4  }
0x61: {  	v7 =	vadd.s32 v0, v7  }
0x62: {  	v8 =	vadd.s32 s19, v6  }
0x63: {  	v8 =	vadd.s32 v0, v8  }
0x64: {  	v9 =	vadd.s32 s19, v5  }
0x65: {  	s22 =	simm.s32 $0x1;
	v9 =	vadd.s32 v0, v9  }
0x66: {  	v10 =	vadd.s32 s22, v4;
	v12 =	vld.idx.msk [tilespmem:v7+s17+$0x0], $0xffff  }
0x67: {  	v11 =	vadd.s32 v0, v10;
	v7 =	vld.idx.msk [tilespmem:v7+s18+$0x0], $0xffff  }
0x68: {  	v10 =	vadd.s32 s22, v6;
	v14 =	vld.idx.msk [tilespmem:v8+s21+$0x0], $0xffff  }
0x69: {  	v16 =	vadd.s32 v0, v10;
	v13 =	vld.idx.msk [tilespmem:v8+s20+$0x0], $0xffff  }
0x6a: {  	v15 =	vld.idx.msk [tilespmem:v9+s23+$0x0], $0xffff;
	v8 =	vadd.s32 s22, v5  }
0x6b: {  	s0 =	simm.s32 $0x2;
	v17 =	vld.idx.msk [tilespmem:v9+s24+$0x0], $0xffff;
	v10 =	vadd.s32 v0, v8  }
0x6c: {  	v20 =	vadd.s32 s0, v4;
	v9 =	vld.idx.msk [tilespmem:v11+s17+$0x0], $0xffff  }
0x6d: {  	v8 =	vld.idx.msk [tilespmem:v11+s18+$0x0], $0xffff;
	v19 =	vmul.f32 v14, v7;
	v21 =	vmul.f32 v14, v12;
	v14 =	vadd.s32 v0, v20  }
0x6e: {  	v11 =	vld.idx.msk [tilespmem:v16+s20+$0x0], $0xffff;
	v18 =	vmul.f32 v13, v12;
	v22 =	vmul.f32 v13, v7;
	v12 =	vadd.s32 s0, v6  }
0x6f: {  	v13 =	vld.idx.msk [tilespmem:v16+s21+$0x0], $0xffff;
	v16 =	vadd.s32 v0, v12  }
0x70: {  	s16 =	simm.s32 $0x3;
	v7 =	vimm.f32 $0.0e+00;
	v12 =	vld.idx.msk [tilespmem:v10+s23+$0x0], $0xffff;
	v18 =	vadd.f32 v19, v18;
	v19 =	vsub.f32 v21, v22  }
.LBB2_4:
0x71: {  	v20 =	vadd.s32 s16, v4;
	p0 =	sne.s32 s16, $0x3F;
	v21 =	vadd.s32 s0, v5;
	v22 =	vld.idx.msk [tilespmem:v10+s24+$0x0], $0xffff;
	v23 =	vmov v9;
	s0 =	smov.u32 s16  }
0x72: {  	v9 =	vld.idx.msk [tilespmem:v14+s17+$0x0], $0xffff;
	v10 =	vadd.s32 v0, v21;
	v15 =	vmul.f32 v18, v15;
	v17 =	vmul.f32 v19, v17  }
.Ltmp1:
0x73: {  	v18 =	vmov v8;
	v19 =	vmov v11;
	v8 =	vld.idx.msk [tilespmem:v14+s18+$0x0], $0xffff;
	v14 =	vadd.s32 v0, v20;
	(pc) =	sbr.rel @p0 .LBB2_4-.Ltmp1, $4  }
0x74: {  	v20 =	vmul.f32 v19, v23;
	v21 =	vmul.f32 v13, v18;
	v11 =	vld.idx.msk [tilespmem:v16+s20+$0x0], $0xffff;
	v24 =	vadd.f32 v17, v15  }
0x75: {  	v25 =	vadd.s32 s16, v6;
	v23 =	vmul.f32 v13, v23;
	v19 =	vmul.f32 v19, v18;
	v13 =	vld.idx.msk [tilespmem:v16+s21+$0x0], $0xffff  }
0x76: {  	v16 =	vadd.s32 v0, v25;
	v7 =	vadd.f32 v24, v7;
	v15 =	vmov v12  }
0x77: {  	s16 =	sadd.s32 $0x1, s16;
	v18 =	vadd.f32 v21, v20;
	v19 =	vsub.f32 v23, v19;
	v17 =	vmov v22;
	v12 =	vld.idx.msk [tilespmem:v10+s23+$0x0], $0xffff  }
0x78: {  	_ =	sdelay $0x3  }
0x79: {  	v4 =	vld.idx.msk [tilespmem:v14+s17+$0x0], $0xffff  }
0x7a: {  	v5 =	vadd.s32 s0, v5;
	v6 =	vld.idx.msk [tilespmem:v14+s18+$0x0], $0xffff  }
0x7b: {  	v14 =	vld.idx.msk [tilespmem:v16+s20+$0x0], $0xffff;
	v5 =	vadd.s32 v0, v5  }
0x7c: {  	v16 =	vld.idx.msk [tilespmem:v16+s21+$0x0], $0xffff;
	_ =	sdelay $0x1  }
0x7d: {  	v15 =	vmul.f32 v18, v15;
	v17 =	vmul.f32 v19, v17  }
0x7e: {  	v10 =	vld.idx.msk [tilespmem:v10+s24+$0x0], $0xffff;
	v18 =	vmul.f32 v11, v9;
	v19 =	vmul.f32 v13, v8  }
0x7f: {  	v9 =	vmul.f32 v13, v9;
	v8 =	vmul.f32 v11, v8;
	v11 =	vld.idx.msk [tilespmem:v5+s23+$0x0], $0xffff  }
0x80: {  	v13 =	vadd.f32 v19, v18;
	v18 =	vmul.f32 v14, v4;
	v19 =	vmul.f32 v16, v6;
	v5 =	vld.idx.msk [tilespmem:v5+s24+$0x0], $0xffff  }
0x81: {  	v8 =	vsub.f32 v9, v8;
	v4 =	vmul.f32 v16, v4;
	v6 =	vmul.f32 v14, v6  }
0x82: {  	v9 =	vadd.f32 v17, v15;
	v12 =	vmul.f32 v13, v12  }
0x83: {  	v8 =	vmul.f32 v8, v10;
	v10 =	vadd.f32 v19, v18;
	v6 =	vsub.f32 v4, v6  }
0x84: {  	v7 =	vadd.f32 v9, v7;
	v4 =	vld [tilespmem:$0xC10]  }
0x85: {  	v8 =	vadd.f32 v8, v12;
	v9 =	vmul.f32 v10, v11;
	v6 =	vmul.f32 v6, v5  }
0x86: {  	v5 =	vld [tilespmem:$0xE10]  }
0x87: {  	v7 =	vadd.f32 v8, v7;
	v8 =	vadd.f32 v6, v9  }
0x88: {  	s19 =	simm.s32 $0x0;
	v6 =	vld [tilespmem:$0x1010]  }
0x89: {  	v9 =	vadd.s32 s19, v4;
	v7 =	vadd.f32 v8, v7  }
0x8a: {  	v8 =	vadd.s32 v1, v9  }
0x8b: {  	v9 =	vadd.s32 s19, v5;
	v7 =	vsub.f32 $0.0e+00, v7  }
0x8c: {  	v9 =	vadd.s32 v1, v9  }
0x8d: {  	[tilespmem:$0x19200] =	vst v7;
	v7 =	vadd.s32 s19, v6  }
0x8e: {  	s22 =	simm.s32 $0x1;
	v7 =	vadd.s32 v1, v7  }
0x8f: {  	v10 =	vadd.s32 s22, v4;
	v12 =	vld.idx.msk [tilespmem:v8+s17+$0x0], $0xffff  }
0x90: {  	v13 =	vld.idx.msk [tilespmem:v8+s18+$0x0], $0xffff;
	v8 =	vadd.s32 v1, v10  }
0x91: {  	v10 =	vadd.s32 s22, v5;
	v14 =	vld.idx.msk [tilespmem:v9+s20+$0x0], $0xffff  }
0x92: {  	v18 =	vadd.s32 v1, v10;
	v16 =	vld.idx.msk [tilespmem:v9+s21+$0x0], $0xffff  }
0x93: {  	v9 =	vadd.s32 s22, v6;
	v15 =	vld.idx.msk [tilespmem:v7+s23+$0x0], $0xffff  }
0x94: {  	s0 =	simm.s32 $0x2;
	v10 =	vadd.s32 v1, v9;
	v17 =	vld.idx.msk [tilespmem:v7+s24+$0x0], $0xffff  }
0x95: {  	v21 =	vadd.s32 s0, v4;
	v9 =	vld.idx.msk [tilespmem:v8+s17+$0x0], $0xffff  }
0x96: {  	v8 =	vld.idx.msk [tilespmem:v8+s18+$0x0], $0xffff;
	v19 =	vmul.f32 v14, v12;
	v23 =	vmul.f32 v14, v13;
	v14 =	vadd.s32 v1, v21  }
0x97: {  	v11 =	vld.idx.msk [tilespmem:v18+s20+$0x0], $0xffff;
	v20 =	vmul.f32 v16, v13;
	v22 =	vmul.f32 v16, v12;
	v12 =	vadd.s32 s0, v5  }
0x98: {  	v13 =	vld.idx.msk [tilespmem:v18+s21+$0x0], $0xffff;
	v16 =	vadd.s32 v1, v12  }
0x99: {  	s16 =	simm.s32 $0x3;
	v7 =	vimm.f32 $0.0e+00;
	v12 =	vld.idx.msk [tilespmem:v10+s23+$0x0], $0xffff;
	v18 =	vadd.f32 v20, v19;
	v19 =	vsub.f32 v22, v23  }
.LBB2_6:
0x9a: {  	v20 =	vadd.s32 s16, v4;
	p0 =	sne.s32 s16, $0x3F;
	v21 =	vadd.s32 s0, v6;
	v22 =	vld.idx.msk [tilespmem:v10+s24+$0x0], $0xffff;
	v23 =	vmov v9;
	s0 =	smov.u32 s16  }
0x9b: {  	v9 =	vld.idx.msk [tilespmem:v14+s17+$0x0], $0xffff;
	v10 =	vadd.s32 v1, v21;
	v15 =	vmul.f32 v18, v15;
	v17 =	vmul.f32 v19, v17  }
.Ltmp2:
0x9c: {  	v18 =	vmov v8;
	v19 =	vmov v11;
	v8 =	vld.idx.msk [tilespmem:v14+s18+$0x0], $0xffff;
	v14 =	vadd.s32 v1, v20;
	(pc) =	sbr.rel @p0 .LBB2_6-.Ltmp2, $4  }
0x9d: {  	v20 =	vmul.f32 v19, v23;
	v21 =	vmul.f32 v13, v18;
	v11 =	vld.idx.msk [tilespmem:v16+s20+$0x0], $0xffff;
	v24 =	vadd.f32 v17, v15  }
0x9e: {  	v25 =	vadd.s32 s16, v5;
	v23 =	vmul.f32 v13, v23;
	v19 =	vmul.f32 v19, v18;
	v13 =	vld.idx.msk [tilespmem:v16+s21+$0x0], $0xffff  }
0x9f: {  	v16 =	vadd.s32 v1, v25;
	v7 =	vadd.f32 v24, v7;
	v15 =	vmov v12  }
0xa0: {  	s16 =	sadd.s32 $0x1, s16;
	v18 =	vadd.f32 v21, v20;
	v19 =	vsub.f32 v23, v19;
	v17 =	vmov v22;
	v12 =	vld.idx.msk [tilespmem:v10+s23+$0x0], $0xffff  }
0xa1: {  	_ =	sdelay $0x3  }
0xa2: {  	v4 =	vld.idx.msk [tilespmem:v14+s17+$0x0], $0xffff  }
0xa3: {  	v5 =	vadd.s32 s0, v6;
	v6 =	vld.idx.msk [tilespmem:v14+s18+$0x0], $0xffff  }
0xa4: {  	v14 =	vld.idx.msk [tilespmem:v16+s20+$0x0], $0xffff;
	v5 =	vadd.s32 v1, v5  }
0xa5: {  	v16 =	vld.idx.msk [tilespmem:v16+s21+$0x0], $0xffff;
	_ =	sdelay $0x1  }
0xa6: {  	v15 =	vmul.f32 v18, v15;
	v17 =	vmul.f32 v19, v17  }
0xa7: {  	v10 =	vld.idx.msk [tilespmem:v10+s24+$0x0], $0xffff;
	v18 =	vmul.f32 v11, v9;
	v19 =	vmul.f32 v13, v8  }
0xa8: {  	v9 =	vmul.f32 v13, v9;
	v8 =	vmul.f32 v11, v8;
	v11 =	vld.idx.msk [tilespmem:v5+s23+$0x0], $0xffff  }
0xa9: {  	v13 =	vadd.f32 v19, v18;
	v18 =	vmul.f32 v14, v4;
	v19 =	vmul.f32 v16, v6;
	v5 =	vld.idx.msk [tilespmem:v5+s24+$0x0], $0xffff  }
0xaa: {  	v8 =	vsub.f32 v9, v8;
	v4 =	vmul.f32 v16, v4;
	v6 =	vmul.f32 v14, v6  }
0xab: {  	v9 =	vadd.f32 v17, v15;
	v12 =	vmul.f32 v13, v12  }
0xac: {  	v8 =	vmul.f32 v8, v10;
	v10 =	vadd.f32 v19, v18;
	v6 =	vsub.f32 v4, v6  }
0xad: {  	v7 =	vadd.f32 v9, v7;
	v4 =	vld [tilespmem:$0xC20]  }
0xae: {  	v8 =	vadd.f32 v8, v12;
	v9 =	vmul.f32 v10, v11;
	v6 =	vmul.f32 v6, v5  }
0xaf: {  	v5 =	vld [tilespmem:$0xE20]  }
0xb0: {  	v7 =	vadd.f32 v8, v7;
	v8 =	vadd.f32 v6, v9  }
0xb1: {  	s19 =	simm.s32 $0x0;
	v6 =	vld [tilespmem:$0x1020]  }
0xb2: {  	v9 =	vadd.s32 s19, v4;
	v7 =	vadd.f32 v8, v7  }
0xb3: {  	v8 =	vadd.s32 v2, v9  }
0xb4: {  	v9 =	vadd.s32 s19, v5;
	v7 =	vsub.f32 $0.0e+00, v7  }
0xb5: {  	v9 =	vadd.s32 v2, v9  }
0xb6: {  	[tilespmem:$0x19210] =	vst v7;
	v7 =	vadd.s32 s19, v6  }
0xb7: {  	s22 =	simm.s32 $0x1;
	v7 =	vadd.s32 v2, v7  }
0xb8: {  	v10 =	vadd.s32 s22, v4;
	v12 =	vld.idx.msk [tilespmem:v8+s17+$0x0], $0xffff  }
0xb9: {  	v13 =	vld.idx.msk [tilespmem:v8+s18+$0x0], $0xffff;
	v8 =	vadd.s32 v2, v10  }
0xba: {  	v10 =	vadd.s32 s22, v5;
	v14 =	vld.idx.msk [tilespmem:v9+s20+$0x0], $0xffff  }
0xbb: {  	v18 =	vadd.s32 v2, v10;
	v16 =	vld.idx.msk [tilespmem:v9+s21+$0x0], $0xffff  }
0xbc: {  	v9 =	vadd.s32 s22, v6;
	v15 =	vld.idx.msk [tilespmem:v7+s23+$0x0], $0xffff  }
0xbd: {  	s0 =	simm.s32 $0x2;
	v10 =	vadd.s32 v2, v9;
	v17 =	vld.idx.msk [tilespmem:v7+s24+$0x0], $0xffff  }
0xbe: {  	v21 =	vadd.s32 s0, v4;
	v9 =	vld.idx.msk [tilespmem:v8+s17+$0x0], $0xffff  }
0xbf: {  	v8 =	vld.idx.msk [tilespmem:v8+s18+$0x0], $0xffff;
	v19 =	vmul.f32 v14, v12;
	v23 =	vmul.f32 v14, v13;
	v14 =	vadd.s32 v2, v21  }
0xc0: {  	v11 =	vld.idx.msk [tilespmem:v18+s20+$0x0], $0xffff;
	v20 =	vmul.f32 v16, v13;
	v22 =	vmul.f32 v16, v12;
	v12 =	vadd.s32 s0, v5  }
0xc1: {  	v13 =	vld.idx.msk [tilespmem:v18+s21+$0x0], $0xffff;
	v16 =	vadd.s32 v2, v12  }
0xc2: {  	s16 =	simm.s32 $0x3;
	v7 =	vimm.f32 $0.0e+00;
	v12 =	vld.idx.msk [tilespmem:v10+s23+$0x0], $0xffff;
	v18 =	vadd.f32 v20, v19;
	v19 =	vsub.f32 v22, v23  }
.LBB2_8:
0xc3: {  	v20 =	vadd.s32 s16, v4;
	p0 =	sne.s32 s16, $0x3F;
	v21 =	vadd.s32 s0, v6;
	v22 =	vld.idx.msk [tilespmem:v10+s24+$0x0], $0xffff;
	v23 =	vmov v9;
	s0 =	smov.u32 s16  }
0xc4: {  	v9 =	vld.idx.msk [tilespmem:v14+s17+$0x0], $0xffff;
	v10 =	vadd.s32 v2, v21;
	v15 =	vmul.f32 v18, v15;
	v17 =	vmul.f32 v19, v17  }
.Ltmp3:
0xc5: {  	v18 =	vmov v8;
	v19 =	vmov v11;
	v8 =	vld.idx.msk [tilespmem:v14+s18+$0x0], $0xffff;
	v14 =	vadd.s32 v2, v20;
	(pc) =	sbr.rel @p0 .LBB2_8-.Ltmp3, $4  }
0xc6: {  	v20 =	vmul.f32 v19, v23;
	v21 =	vmul.f32 v13, v18;
	v11 =	vld.idx.msk [tilespmem:v16+s20+$0x0], $0xffff;
	v24 =	vadd.f32 v17, v15  }
0xc7: {  	v25 =	vadd.s32 s16, v5;
	v23 =	vmul.f32 v13, v23;
	v19 =	vmul.f32 v19, v18;
	v13 =	vld.idx.msk [tilespmem:v16+s21+$0x0], $0xffff  }
0xc8: {  	v16 =	vadd.s32 v2, v25;
	v7 =	vadd.f32 v24, v7;
	v15 =	vmov v12  }
0xc9: {  	s16 =	sadd.s32 $0x1, s16;
	v18 =	vadd.f32 v21, v20;
	v19 =	vsub.f32 v23, v19;
	v17 =	vmov v22;
	v12 =	vld.idx.msk [tilespmem:v10+s23+$0x0], $0xffff  }
0xca: {  	_ =	sdelay $0x3  }
0xcb: {  	v4 =	vld.idx.msk [tilespmem:v14+s17+$0x0], $0xffff  }
0xcc: {  	v5 =	vadd.s32 s0, v6;
	v6 =	vld.idx.msk [tilespmem:v14+s18+$0x0], $0xffff  }
0xcd: {  	v14 =	vld.idx.msk [tilespmem:v16+s20+$0x0], $0xffff;
	v5 =	vadd.s32 v2, v5  }
0xce: {  	v16 =	vld.idx.msk [tilespmem:v16+s21+$0x0], $0xffff;
	_ =	sdelay $0x1  }
0xcf: {  	v15 =	vmul.f32 v18, v15;
	v17 =	vmul.f32 v19, v17  }
0xd0: {  	v10 =	vld.idx.msk [tilespmem:v10+s24+$0x0], $0xffff;
	v18 =	vmul.f32 v11, v9;
	v19 =	vmul.f32 v13, v8  }
0xd1: {  	v9 =	vmul.f32 v13, v9;
	v8 =	vmul.f32 v11, v8;
	v11 =	vld.idx.msk [tilespmem:v5+s23+$0x0], $0xffff  }
0xd2: {  	v13 =	vadd.f32 v19, v18;
	v18 =	vmul.f32 v14, v4;
	v19 =	vmul.f32 v16, v6;
	v5 =	vld.idx.msk [tilespmem:v5+s24+$0x0], $0xffff  }
0xd3: {  	v8 =	vsub.f32 v9, v8;
	v4 =	vmul.f32 v16, v4;
	v6 =	vmul.f32 v14, v6  }
0xd4: {  	v9 =	vadd.f32 v17, v15;
	v12 =	vmul.f32 v13, v12  }
0xd5: {  	v8 =	vmul.f32 v8, v10;
	v10 =	vadd.f32 v19, v18;
	v6 =	vsub.f32 v4, v6  }
0xd6: {  	v7 =	vadd.f32 v9, v7;
	v4 =	vld [tilespmem:$0xC30]  }
0xd7: {  	v8 =	vadd.f32 v8, v12;
	v9 =	vmul.f32 v10, v11;
	v6 =	vmul.f32 v6, v5  }
0xd8: {  	v5 =	vld [tilespmem:$0xE30]  }
0xd9: {  	v7 =	vadd.f32 v8, v7;
	v8 =	vadd.f32 v6, v9  }
0xda: {  	s19 =	simm.s32 $0x0;
	v6 =	vld [tilespmem:$0x1030]  }
0xdb: {  	v9 =	vadd.s32 s19, v4;
	v7 =	vadd.f32 v8, v7  }
0xdc: {  	v8 =	vadd.s32 v3, v9  }
0xdd: {  	v9 =	vadd.s32 s19, v5;
	v7 =	vsub.f32 $0.0e+00, v7  }
0xde: {  	v9 =	vadd.s32 v3, v9  }
0xdf: {  	[tilespmem:$0x19220] =	vst v7;
	v7 =	vadd.s32 s19, v6  }
0xe0: {  	s22 =	simm.s32 $0x1;
	v7 =	vadd.s32 v3, v7  }
0xe1: {  	v10 =	vadd.s32 s22, v4;
	v12 =	vld.idx.msk [tilespmem:v8+s17+$0x0], $0xffff  }
0xe2: {  	v13 =	vld.idx.msk [tilespmem:v8+s18+$0x0], $0xffff;
	v8 =	vadd.s32 v3, v10  }
0xe3: {  	v10 =	vadd.s32 s22, v5;
	v14 =	vld.idx.msk [tilespmem:v9+s20+$0x0], $0xffff  }
0xe4: {  	v18 =	vadd.s32 v3, v10;
	v16 =	vld.idx.msk [tilespmem:v9+s21+$0x0], $0xffff  }
0xe5: {  	v9 =	vadd.s32 s22, v6;
	v15 =	vld.idx.msk [tilespmem:v7+s23+$0x0], $0xffff  }
0xe6: {  	s0 =	simm.s32 $0x2;
	v10 =	vadd.s32 v3, v9;
	v17 =	vld.idx.msk [tilespmem:v7+s24+$0x0], $0xffff  }
0xe7: {  	v21 =	vadd.s32 s0, v4;
	v9 =	vld.idx.msk [tilespmem:v8+s17+$0x0], $0xffff  }
0xe8: {  	v8 =	vld.idx.msk [tilespmem:v8+s18+$0x0], $0xffff;
	v19 =	vmul.f32 v14, v12;
	v23 =	vmul.f32 v14, v13;
	v14 =	vadd.s32 v3, v21  }
0xe9: {  	v11 =	vld.idx.msk [tilespmem:v18+s20+$0x0], $0xffff;
	v20 =	vmul.f32 v16, v13;
	v22 =	vmul.f32 v16, v12;
	v12 =	vadd.s32 s0, v5  }
0xea: {  	v13 =	vld.idx.msk [tilespmem:v18+s21+$0x0], $0xffff;
	v16 =	vadd.s32 v3, v12  }
0xeb: {  	s16 =	simm.s32 $0x3;
	v7 =	vimm.f32 $0.0e+00;
	v12 =	vld.idx.msk [tilespmem:v10+s23+$0x0], $0xffff;
	v18 =	vadd.f32 v20, v19;
	v19 =	vsub.f32 v22, v23  }
.LBB2_10:
0xec: {  	v20 =	vadd.s32 s16, v4;
	p0 =	sne.s32 s16, $0x3F;
	v21 =	vadd.s32 s0, v6;
	v22 =	vld.idx.msk [tilespmem:v10+s24+$0x0], $0xffff;
	v23 =	vmov v9;
	s0 =	smov.u32 s16  }
0xed: {  	v9 =	vld.idx.msk [tilespmem:v14+s17+$0x0], $0xffff;
	v10 =	vadd.s32 v3, v21;
	v15 =	vmul.f32 v18, v15;
	v17 =	vmul.f32 v19, v17  }
.Ltmp4:
0xee: {  	v18 =	vmov v8;
	v19 =	vmov v11;
	v8 =	vld.idx.msk [tilespmem:v14+s18+$0x0], $0xffff;
	v14 =	vadd.s32 v3, v20;
	(pc) =	sbr.rel @p0 .LBB2_10-.Ltmp4, $4  }
0xef: {  	v20 =	vmul.f32 v19, v23;
	v21 =	vmul.f32 v13, v18;
	v11 =	vld.idx.msk [tilespmem:v16+s20+$0x0], $0xffff;
	v24 =	vadd.f32 v17, v15  }
0xf0: {  	v25 =	vadd.s32 s16, v5;
	v23 =	vmul.f32 v13, v23;
	v19 =	vmul.f32 v19, v18;
	v13 =	vld.idx.msk [tilespmem:v16+s21+$0x0], $0xffff  }
0xf1: {  	v16 =	vadd.s32 v3, v25;
	v7 =	vadd.f32 v24, v7;
	v15 =	vmov v12  }
0xf2: {  	s16 =	sadd.s32 $0x1, s16;
	v18 =	vadd.f32 v21, v20;
	v19 =	vsub.f32 v23, v19;
	v17 =	vmov v22;
	v12 =	vld.idx.msk [tilespmem:v10+s23+$0x0], $0xffff  }
0xf3: {  	_ =	sdelay $0x3  }
0xf4: {  	v4 =	vld.idx.msk [tilespmem:v14+s17+$0x0], $0xffff  }
0xf5: {  	v5 =	vadd.s32 s0, v6;
	v6 =	vld.idx.msk [tilespmem:v14+s18+$0x0], $0xffff  }
0xf6: {  	v14 =	vld.idx.msk [tilespmem:v16+s20+$0x0], $0xffff;
	v5 =	vadd.s32 v3, v5  }
0xf7: {  	v16 =	vld.idx.msk [tilespmem:v16+s21+$0x0], $0xffff;
	_ =	sdelay $0x1  }
0xf8: {  	v15 =	vmul.f32 v18, v15;
	v17 =	vmul.f32 v19, v17  }
0xf9: {  	v10 =	vld.idx.msk [tilespmem:v10+s24+$0x0], $0xffff;
	v18 =	vmul.f32 v11, v9;
	v19 =	vmul.f32 v13, v8  }
0xfa: {  	v9 =	vmul.f32 v13, v9;
	v8 =	vmul.f32 v11, v8;
	v11 =	vld.idx.msk [tilespmem:v5+s23+$0x0], $0xffff  }
0xfb: {  	v13 =	vadd.f32 v19, v18;
	v18 =	vmul.f32 v14, v4;
	v19 =	vmul.f32 v16, v6;
	v5 =	vld.idx.msk [tilespmem:v5+s24+$0x0], $0xffff  }
0xfc: {  	v8 =	vsub.f32 v9, v8;
	v4 =	vmul.f32 v16, v4;
	v6 =	vmul.f32 v14, v6  }
0xfd: {  	v9 =	vadd.f32 v17, v15;
	v12 =	vmul.f32 v13, v12  }
0xfe: {  	v8 =	vmul.f32 v8, v10;
	v10 =	vadd.f32 v19, v18;
	v4 =	vsub.f32 v4, v6  }
0xff: {  	v6 =	vadd.f32 v9, v7  }
0x100: {  	v7 =	vadd.f32 v8, v12;
	v8 =	vmul.f32 v10, v11;
	v4 =	vmul.f32 v4, v5;
	_ =	sdelay $0x1  }
0x101: {  	v5 =	vadd.f32 v7, v6;
	v4 =	vadd.f32 v4, v8;
	_ =	sdelay $0x1  }
0x102: {  	v4 =	vadd.f32 v4, v5;
	_ =	sdelay $0x1  }
0x103: {  	v4 =	vsub.f32 $0.0e+00, v4;
	_ =	sdelay $0x1  }
0x104: {  	s19 =	simm.s32 $0x680;
	[tilespmem:$0x19230] =	vst v4  }
0x105: {  	[tilespmem:s17], [sflag:$0x1] =	stream.indirect.gather [hbm4b:s3+s15], $0x80, s19, s15, $0xb8;
	[tilespmem:$0x19400] =	vst v63  }
0x106: {  	_ = 	snop  }
0x107: {  	[tilespmem:s18], [sflag:$0x1] =	stream.indirect.gather [hbm4b:s4+s15], $0x80, s19, s15, $0xb8;
	[tilespmem:$0x19400] =	vst v63  }
0x108: {  	s22 =	simm.s32 $0x880  }
0x109: {  	[tilespmem:s20], [sflag:$0x1] =	stream.indirect.gather [hbm4b:s3+s15], $0x80, s22, s15, $0xb8;
	[tilespmem:$0x19400] =	vst v63  }
0x10a: {  	_ = 	snop  }
0x10b: {  	[tilespmem:s21], [sflag:$0x1] =	stream.indirect.gather [hbm4b:s4+s15], $0x80, s22, s15, $0xb8;
	[tilespmem:$0x19400] =	vst v63  }
0x10c: {  	s16 =	simm.s32 $0xA80  }
0x10d: {  	[tilespmem:s23], [sflag:$0x1] =	stream.indirect.gather [hbm4b:s5+s15], $0x80, s16, s15, $0xb8;
	[tilespmem:$0x19400] =	vst v63  }
0x10e: {  	_ = 	snop  }
0x10f: {  	[tilespmem:s24], [sflag:$0x1] =	stream.indirect.gather [hbm4b:s6+s15], $0x80, s16, s15, $0xb8;
	[tilespmem:$0x19400] =	vst v63  }
0x110: {  	_ =	swait.ge [sflag:s25], $0x2000  }
0x111: {  	[sflag:s25] =	ssyncset.done $0x0  }
0x112: {  	[sflag:s25] =	ssyncadd.s32 $0xFFFFE000  }
0x113: {  	_ =	swait.ge [sflag:s25], $0x2000  }
0x114: {  	[sflag:s25] =	ssyncset.done $0x0  }
0x115: {  	[sflag:s25] =	ssyncadd.s32 $0xFFFFE000  }
0x116: {  	_ =	swait.ge [sflag:s25], $0x2000  }
0x117: {  	[sflag:s25] =	ssyncset.done $0x0  }
0x118: {  	[sflag:s25] =	ssyncadd.s32 $0xFFFFE000  }
0x119: {  	_ =	swait.ge [sflag:s25], $0x2000  }
0x11a: {  	[sflag:s25] =	ssyncset.done $0x0  }
0x11b: {  	[sflag:s25] =	ssyncadd.s32 $0xFFFFE000  }
0x11c: {  	_ =	swait.ge [sflag:s25], $0x2000  }
0x11d: {  	[sflag:s25] =	ssyncset.done $0x0  }
0x11e: {  	[sflag:s25] =	ssyncadd.s32 $0xFFFFE000  }
0x11f: {  	_ =	swait.ge [sflag:s25], $0x2000  }
0x120: {  	[sflag:s25] =	ssyncset.done $0x0  }
0x121: {  	[sflag:s25] =	ssyncadd.s32 $0xFFFFE000  }
0x122: {  	v4 =	vld [tilespmem:$0xC40];
	_ =	sdelay $0x1  }
0x123: {  	v6 =	vld [tilespmem:$0xE40];
	_ =	sdelay $0x1  }
0x124: {  	s19 =	simm.s32 $0x0;
	v5 =	vld [tilespmem:$0x1040]  }
0x125: {  	v7 =	vadd.s32 s19, v4  }
0x126: {  	v7 =	vadd.s32 v0, v7  }
0x127: {  	v8 =	vadd.s32 s19, v6  }
0x128: {  	v8 =	vadd.s32 v0, v8  }
0x129: {  	v9 =	vadd.s32 s19, v5  }
0x12a: {  	s22 =	simm.s32 $0x1;
	v9 =	vadd.s32 v0, v9  }
0x12b: {  	v10 =	vadd.s32 s22, v4;
	v12 =	vld.idx.msk [tilespmem:v7+s26+$0x0], $0xffff  }
0x12c: {  	v11 =	vadd.s32 v0, v10;
	v7 =	vld.idx.msk [tilespmem:v7+s28+$0x0], $0xffff  }
0x12d: {  	v10 =	vadd.s32 s22, v6;
	v14 =	vld.idx.msk [tilespmem:v8+s31+$0x0], $0xffff  }
0x12e: {  	v16 =	vadd.s32 v0, v10;
	v13 =	vld.idx.msk [tilespmem:v8+s30+$0x0], $0xffff  }
0x12f: {  	v15 =	vld.idx.msk [tilespmem:v9+s2+$0x0], $0xffff;
	v8 =	vadd.s32 s22, v5  }
0x130: {  	s0 =	simm.s32 $0x2;
	v17 =	vld.idx.msk [tilespmem:v9+s13+$0x0], $0xffff;
	v10 =	vadd.s32 v0, v8  }
0x131: {  	v20 =	vadd.s32 s0, v4;
	v9 =	vld.idx.msk [tilespmem:v11+s26+$0x0], $0xffff  }
0x132: {  	v8 =	vld.idx.msk [tilespmem:v11+s28+$0x0], $0xffff;
	v19 =	vmul.f32 v14, v7;
	v21 =	vmul.f32 v14, v12;
	v14 =	vadd.s32 v0, v20  }
0x133: {  	v11 =	vld.idx.msk [tilespmem:v16+s30+$0x0], $0xffff;
	v18 =	vmul.f32 v13, v12;
	v22 =	vmul.f32 v13, v7;
	v12 =	vadd.s32 s0, v6  }
0x134: {  	v13 =	vld.idx.msk [tilespmem:v16+s31+$0x0], $0xffff;
	v16 =	vadd.s32 v0, v12  }
0x135: {  	s16 =	simm.s32 $0x3;
	v7 =	vimm.f32 $0.0e+00;
	v12 =	vld.idx.msk [tilespmem:v10+s2+$0x0], $0xffff;
	v18 =	vadd.f32 v19, v18;
	v19 =	vsub.f32 v21, v22  }
.LBB2_12:
0x136: {  	v20 =	vadd.s32 s16, v4;
	p0 =	sne.s32 s16, $0x3F;
	v21 =	vadd.s32 s0, v5;
	v22 =	vld.idx.msk [tilespmem:v10+s13+$0x0], $0xffff;
	v23 =	vmov v9;
	s0 =	smov.u32 s16  }
0x137: {  	v9 =	vld.idx.msk [tilespmem:v14+s26+$0x0], $0xffff;
	v10 =	vadd.s32 v0, v21;
	v15 =	vmul.f32 v18, v15;
	v17 =	vmul.f32 v19, v17  }
.Ltmp5:
0x138: {  	v18 =	vmov v8;
	v19 =	vmov v11;
	v8 =	vld.idx.msk [tilespmem:v14+s28+$0x0], $0xffff;
	v14 =	vadd.s32 v0, v20;
	(pc) =	sbr.rel @p0 .LBB2_12-.Ltmp5, $4  }
0x139: {  	v20 =	vmul.f32 v19, v23;
	v21 =	vmul.f32 v13, v18;
	v11 =	vld.idx.msk [tilespmem:v16+s30+$0x0], $0xffff;
	v24 =	vadd.f32 v17, v15  }
0x13a: {  	v25 =	vadd.s32 s16, v6;
	v23 =	vmul.f32 v13, v23;
	v19 =	vmul.f32 v19, v18;
	v13 =	vld.idx.msk [tilespmem:v16+s31+$0x0], $0xffff  }
0x13b: {  	v16 =	vadd.s32 v0, v25;
	v7 =	vadd.f32 v24, v7;
	v15 =	vmov v12  }
0x13c: {  	s16 =	sadd.s32 $0x1, s16;
	v18 =	vadd.f32 v21, v20;
	v19 =	vsub.f32 v23, v19;
	v17 =	vmov v22;
	v12 =	vld.idx.msk [tilespmem:v10+s2+$0x0], $0xffff  }
0x13d: {  	_ =	sdelay $0x3  }
0x13e: {  	v4 =	vld.idx.msk [tilespmem:v14+s26+$0x0], $0xffff  }
0x13f: {  	v5 =	vadd.s32 s0, v5;
	v6 =	vld.idx.msk [tilespmem:v14+s28+$0x0], $0xffff  }
0x140: {  	v14 =	vld.idx.msk [tilespmem:v16+s30+$0x0], $0xffff;
	v5 =	vadd.s32 v0, v5  }
0x141: {  	v16 =	vld.idx.msk [tilespmem:v16+s31+$0x0], $0xffff;
	_ =	sdelay $0x1  }
0x142: {  	v15 =	vmul.f32 v18, v15;
	v17 =	vmul.f32 v19, v17  }
0x143: {  	v10 =	vld.idx.msk [tilespmem:v10+s13+$0x0], $0xffff;
	v18 =	vmul.f32 v11, v9;
	v19 =	vmul.f32 v13, v8  }
0x144: {  	v9 =	vmul.f32 v13, v9;
	v8 =	vmul.f32 v11, v8;
	v11 =	vld.idx.msk [tilespmem:v5+s2+$0x0], $0xffff  }
0x145: {  	v13 =	vadd.f32 v19, v18;
	v18 =	vmul.f32 v14, v4;
	v19 =	vmul.f32 v16, v6;
	v5 =	vld.idx.msk [tilespmem:v5+s13+$0x0], $0xffff  }
0x146: {  	v8 =	vsub.f32 v9, v8;
	v4 =	vmul.f32 v16, v4;
	v6 =	vmul.f32 v14, v6  }
0x147: {  	v9 =	vadd.f32 v17, v15;
	v12 =	vmul.f32 v13, v12  }
0x148: {  	v8 =	vmul.f32 v8, v10;
	v10 =	vadd.f32 v19, v18;
	v6 =	vsub.f32 v4, v6  }
0x149: {  	v7 =	vadd.f32 v9, v7;
	v4 =	vld [tilespmem:$0xC50]  }
0x14a: {  	v8 =	vadd.f32 v8, v12;
	v9 =	vmul.f32 v10, v11;
	v6 =	vmul.f32 v6, v5  }
0x14b: {  	v5 =	vld [tilespmem:$0xE50]  }
0x14c: {  	v7 =	vadd.f32 v8, v7;
	v8 =	vadd.f32 v6, v9  }
0x14d: {  	s19 =	simm.s32 $0x0;
	v6 =	vld [tilespmem:$0x1050]  }
0x14e: {  	v9 =	vadd.s32 s19, v4;
	v7 =	vadd.f32 v8, v7  }
0x14f: {  	v8 =	vadd.s32 v1, v9  }
0x150: {  	v9 =	vadd.s32 s19, v5;
	v7 =	vsub.f32 $0.0e+00, v7  }
0x151: {  	v9 =	vadd.s32 v1, v9  }
0x152: {  	[tilespmem:$0x19240] =	vst v7;
	v7 =	vadd.s32 s19, v6  }
0x153: {  	s22 =	simm.s32 $0x1;
	v7 =	vadd.s32 v1, v7  }
0x154: {  	v10 =	vadd.s32 s22, v4;
	v12 =	vld.idx.msk [tilespmem:v8+s26+$0x0], $0xffff  }
0x155: {  	v13 =	vld.idx.msk [tilespmem:v8+s28+$0x0], $0xffff;
	v8 =	vadd.s32 v1, v10  }
0x156: {  	v10 =	vadd.s32 s22, v5;
	v14 =	vld.idx.msk [tilespmem:v9+s30+$0x0], $0xffff  }
0x157: {  	v18 =	vadd.s32 v1, v10;
	v16 =	vld.idx.msk [tilespmem:v9+s31+$0x0], $0xffff  }
0x158: {  	v9 =	vadd.s32 s22, v6;
	v15 =	vld.idx.msk [tilespmem:v7+s2+$0x0], $0xffff  }
0x159: {  	s0 =	simm.s32 $0x2;
	v10 =	vadd.s32 v1, v9;
	v17 =	vld.idx.msk [tilespmem:v7+s13+$0x0], $0xffff  }
0x15a: {  	v21 =	vadd.s32 s0, v4;
	v9 =	vld.idx.msk [tilespmem:v8+s26+$0x0], $0xffff  }
0x15b: {  	v8 =	vld.idx.msk [tilespmem:v8+s28+$0x0], $0xffff;
	v19 =	vmul.f32 v14, v12;
	v23 =	vmul.f32 v14, v13;
	v14 =	vadd.s32 v1, v21  }
0x15c: {  	v11 =	vld.idx.msk [tilespmem:v18+s30+$0x0], $0xffff;
	v20 =	vmul.f32 v16, v13;
	v22 =	vmul.f32 v16, v12;
	v12 =	vadd.s32 s0, v5  }
0x15d: {  	v13 =	vld.idx.msk [tilespmem:v18+s31+$0x0], $0xffff;
	v16 =	vadd.s32 v1, v12  }
0x15e: {  	s16 =	simm.s32 $0x3;
	v7 =	vimm.f32 $0.0e+00;
	v12 =	vld.idx.msk [tilespmem:v10+s2+$0x0], $0xffff;
	v18 =	vadd.f32 v20, v19;
	v19 =	vsub.f32 v22, v23  }
.LBB2_14:
0x15f: {  	v20 =	vadd.s32 s16, v4;
	p0 =	sne.s32 s16, $0x3F;
	v21 =	vadd.s32 s0, v6;
	v22 =	vld.idx.msk [tilespmem:v10+s13+$0x0], $0xffff;
	v23 =	vmov v9;
	s0 =	smov.u32 s16  }
0x160: {  	v9 =	vld.idx.msk [tilespmem:v14+s26+$0x0], $0xffff;
	v10 =	vadd.s32 v1, v21;
	v15 =	vmul.f32 v18, v15;
	v17 =	vmul.f32 v19, v17  }
.Ltmp6:
0x161: {  	v18 =	vmov v8;
	v19 =	vmov v11;
	v8 =	vld.idx.msk [tilespmem:v14+s28+$0x0], $0xffff;
	v14 =	vadd.s32 v1, v20;
	(pc) =	sbr.rel @p0 .LBB2_14-.Ltmp6, $4  }
0x162: {  	v20 =	vmul.f32 v19, v23;
	v21 =	vmul.f32 v13, v18;
	v11 =	vld.idx.msk [tilespmem:v16+s30+$0x0], $0xffff;
	v24 =	vadd.f32 v17, v15  }
0x163: {  	v25 =	vadd.s32 s16, v5;
	v23 =	vmul.f32 v13, v23;
	v19 =	vmul.f32 v19, v18;
	v13 =	vld.idx.msk [tilespmem:v16+s31+$0x0], $0xffff  }
0x164: {  	v16 =	vadd.s32 v1, v25;
	v7 =	vadd.f32 v24, v7;
	v15 =	vmov v12  }
0x165: {  	s16 =	sadd.s32 $0x1, s16;
	v18 =	vadd.f32 v21, v20;
	v19 =	vsub.f32 v23, v19;
	v17 =	vmov v22;
	v12 =	vld.idx.msk [tilespmem:v10+s2+$0x0], $0xffff  }
0x166: {  	_ =	sdelay $0x3  }
0x167: {  	v4 =	vld.idx.msk [tilespmem:v14+s26+$0x0], $0xffff  }
0x168: {  	v5 =	vadd.s32 s0, v6;
	v6 =	vld.idx.msk [tilespmem:v14+s28+$0x0], $0xffff  }
0x169: {  	v14 =	vld.idx.msk [tilespmem:v16+s30+$0x0], $0xffff;
	v5 =	vadd.s32 v1, v5  }
0x16a: {  	v16 =	vld.idx.msk [tilespmem:v16+s31+$0x0], $0xffff;
	_ =	sdelay $0x1  }
0x16b: {  	v15 =	vmul.f32 v18, v15;
	v17 =	vmul.f32 v19, v17  }
0x16c: {  	v10 =	vld.idx.msk [tilespmem:v10+s13+$0x0], $0xffff;
	v18 =	vmul.f32 v11, v9;
	v19 =	vmul.f32 v13, v8  }
0x16d: {  	v9 =	vmul.f32 v13, v9;
	v8 =	vmul.f32 v11, v8;
	v11 =	vld.idx.msk [tilespmem:v5+s2+$0x0], $0xffff  }
0x16e: {  	v13 =	vadd.f32 v19, v18;
	v18 =	vmul.f32 v14, v4;
	v19 =	vmul.f32 v16, v6;
	v5 =	vld.idx.msk [tilespmem:v5+s13+$0x0], $0xffff  }
0x16f: {  	v8 =	vsub.f32 v9, v8;
	v4 =	vmul.f32 v16, v4;
	v6 =	vmul.f32 v14, v6  }
0x170: {  	v9 =	vadd.f32 v17, v15;
	v12 =	vmul.f32 v13, v12  }
0x171: {  	v8 =	vmul.f32 v8, v10;
	v10 =	vadd.f32 v19, v18;
	v6 =	vsub.f32 v4, v6  }
0x172: {  	v7 =	vadd.f32 v9, v7;
	v4 =	vld [tilespmem:$0xC60]  }
0x173: {  	v8 =	vadd.f32 v8, v12;
	v9 =	vmul.f32 v10, v11;
	v6 =	vmul.f32 v6, v5  }
0x174: {  	v5 =	vld [tilespmem:$0xE60]  }
0x175: {  	v7 =	vadd.f32 v8, v7;
	v8 =	vadd.f32 v6, v9  }
0x176: {  	s19 =	simm.s32 $0x0;
	v6 =	vld [tilespmem:$0x1060]  }
0x177: {  	v9 =	vadd.s32 s19, v4;
	v7 =	vadd.f32 v8, v7  }
0x178: {  	v8 =	vadd.s32 v2, v9  }
0x179: {  	v9 =	vadd.s32 s19, v5;
	v7 =	vsub.f32 $0.0e+00, v7  }
0x17a: {  	v9 =	vadd.s32 v2, v9  }
0x17b: {  	[tilespmem:$0x19250] =	vst v7;
	v7 =	vadd.s32 s19, v6  }
0x17c: {  	s22 =	simm.s32 $0x1;
	v7 =	vadd.s32 v2, v7  }
0x17d: {  	v10 =	vadd.s32 s22, v4;
	v12 =	vld.idx.msk [tilespmem:v8+s26+$0x0], $0xffff  }
0x17e: {  	v13 =	vld.idx.msk [tilespmem:v8+s28+$0x0], $0xffff;
	v8 =	vadd.s32 v2, v10  }
0x17f: {  	v10 =	vadd.s32 s22, v5;
	v14 =	vld.idx.msk [tilespmem:v9+s30+$0x0], $0xffff  }
0x180: {  	v18 =	vadd.s32 v2, v10;
	v16 =	vld.idx.msk [tilespmem:v9+s31+$0x0], $0xffff  }
0x181: {  	v9 =	vadd.s32 s22, v6;
	v15 =	vld.idx.msk [tilespmem:v7+s2+$0x0], $0xffff  }
0x182: {  	s0 =	simm.s32 $0x2;
	v10 =	vadd.s32 v2, v9;
	v17 =	vld.idx.msk [tilespmem:v7+s13+$0x0], $0xffff  }
0x183: {  	v21 =	vadd.s32 s0, v4;
	v9 =	vld.idx.msk [tilespmem:v8+s26+$0x0], $0xffff  }
0x184: {  	v8 =	vld.idx.msk [tilespmem:v8+s28+$0x0], $0xffff;
	v19 =	vmul.f32 v14, v12;
	v23 =	vmul.f32 v14, v13;
	v14 =	vadd.s32 v2, v21  }
0x185: {  	v11 =	vld.idx.msk [tilespmem:v18+s30+$0x0], $0xffff;
	v20 =	vmul.f32 v16, v13;
	v22 =	vmul.f32 v16, v12;
	v12 =	vadd.s32 s0, v5  }
0x186: {  	v13 =	vld.idx.msk [tilespmem:v18+s31+$0x0], $0xffff;
	v16 =	vadd.s32 v2, v12  }
0x187: {  	s16 =	simm.s32 $0x3;
	v7 =	vimm.f32 $0.0e+00;
	v12 =	vld.idx.msk [tilespmem:v10+s2+$0x0], $0xffff;
	v18 =	vadd.f32 v20, v19;
	v19 =	vsub.f32 v22, v23  }
.LBB2_16:
0x188: {  	v20 =	vadd.s32 s16, v4;
	p0 =	sne.s32 s16, $0x3F;
	v21 =	vadd.s32 s0, v6;
	v22 =	vld.idx.msk [tilespmem:v10+s13+$0x0], $0xffff;
	v23 =	vmov v9;
	s0 =	smov.u32 s16  }
0x189: {  	v9 =	vld.idx.msk [tilespmem:v14+s26+$0x0], $0xffff;
	v10 =	vadd.s32 v2, v21;
	v15 =	vmul.f32 v18, v15;
	v17 =	vmul.f32 v19, v17  }
.Ltmp7:
0x18a: {  	v18 =	vmov v8;
	v19 =	vmov v11;
	v8 =	vld.idx.msk [tilespmem:v14+s28+$0x0], $0xffff;
	v14 =	vadd.s32 v2, v20;
	(pc) =	sbr.rel @p0 .LBB2_16-.Ltmp7, $4  }
0x18b: {  	v20 =	vmul.f32 v19, v23;
	v21 =	vmul.f32 v13, v18;
	v11 =	vld.idx.msk [tilespmem:v16+s30+$0x0], $0xffff;
	v24 =	vadd.f32 v17, v15  }
0x18c: {  	v25 =	vadd.s32 s16, v5;
	v23 =	vmul.f32 v13, v23;
	v19 =	vmul.f32 v19, v18;
	v13 =	vld.idx.msk [tilespmem:v16+s31+$0x0], $0xffff  }
0x18d: {  	v16 =	vadd.s32 v2, v25;
	v7 =	vadd.f32 v24, v7;
	v15 =	vmov v12  }
0x18e: {  	s16 =	sadd.s32 $0x1, s16;
	v18 =	vadd.f32 v21, v20;
	v19 =	vsub.f32 v23, v19;
	v17 =	vmov v22;
	v12 =	vld.idx.msk [tilespmem:v10+s2+$0x0], $0xffff  }
0x18f: {  	_ =	sdelay $0x3  }
0x190: {  	v4 =	vld.idx.msk [tilespmem:v14+s26+$0x0], $0xffff  }
0x191: {  	v5 =	vadd.s32 s0, v6;
	v6 =	vld.idx.msk [tilespmem:v14+s28+$0x0], $0xffff  }
0x192: {  	v14 =	vld.idx.msk [tilespmem:v16+s30+$0x0], $0xffff;
	v5 =	vadd.s32 v2, v5  }
0x193: {  	v16 =	vld.idx.msk [tilespmem:v16+s31+$0x0], $0xffff;
	_ =	sdelay $0x1  }
0x194: {  	v15 =	vmul.f32 v18, v15;
	v17 =	vmul.f32 v19, v17  }
0x195: {  	v10 =	vld.idx.msk [tilespmem:v10+s13+$0x0], $0xffff;
	v18 =	vmul.f32 v11, v9;
	v19 =	vmul.f32 v13, v8  }
0x196: {  	v9 =	vmul.f32 v13, v9;
	v8 =	vmul.f32 v11, v8;
	v11 =	vld.idx.msk [tilespmem:v5+s2+$0x0], $0xffff  }
0x197: {  	v13 =	vadd.f32 v19, v18;
	v18 =	vmul.f32 v14, v4;
	v19 =	vmul.f32 v16, v6;
	v5 =	vld.idx.msk [tilespmem:v5+s13+$0x0], $0xffff  }
0x198: {  	v8 =	vsub.f32 v9, v8;
	v4 =	vmul.f32 v16, v4;
	v6 =	vmul.f32 v14, v6  }
0x199: {  	v9 =	vadd.f32 v17, v15;
	v12 =	vmul.f32 v13, v12  }
0x19a: {  	v8 =	vmul.f32 v8, v10;
	v10 =	vadd.f32 v19, v18;
	v6 =	vsub.f32 v4, v6  }
0x19b: {  	v7 =	vadd.f32 v9, v7;
	v4 =	vld [tilespmem:$0xC70]  }
0x19c: {  	v8 =	vadd.f32 v8, v12;
	v9 =	vmul.f32 v10, v11;
	v6 =	vmul.f32 v6, v5  }
0x19d: {  	v5 =	vld [tilespmem:$0xE70]  }
0x19e: {  	v7 =	vadd.f32 v8, v7;
	v8 =	vadd.f32 v6, v9  }
0x19f: {  	s19 =	simm.s32 $0x0;
	v6 =	vld [tilespmem:$0x1070]  }
0x1a0: {  	v9 =	vadd.s32 s19, v4;
	v7 =	vadd.f32 v8, v7  }
0x1a1: {  	v8 =	vadd.s32 v3, v9  }
0x1a2: {  	v9 =	vadd.s32 s19, v5;
	v7 =	vsub.f32 $0.0e+00, v7  }
0x1a3: {  	v9 =	vadd.s32 v3, v9  }
0x1a4: {  	[tilespmem:$0x19260] =	vst v7;
	v7 =	vadd.s32 s19, v6  }
0x1a5: {  	s22 =	simm.s32 $0x1;
	v7 =	vadd.s32 v3, v7  }
0x1a6: {  	v10 =	vadd.s32 s22, v4;
	v12 =	vld.idx.msk [tilespmem:v8+s26+$0x0], $0xffff  }
0x1a7: {  	v13 =	vld.idx.msk [tilespmem:v8+s28+$0x0], $0xffff;
	v8 =	vadd.s32 v3, v10  }
0x1a8: {  	v10 =	vadd.s32 s22, v5;
	v14 =	vld.idx.msk [tilespmem:v9+s30+$0x0], $0xffff  }
0x1a9: {  	v18 =	vadd.s32 v3, v10;
	v16 =	vld.idx.msk [tilespmem:v9+s31+$0x0], $0xffff  }
0x1aa: {  	v9 =	vadd.s32 s22, v6;
	v15 =	vld.idx.msk [tilespmem:v7+s2+$0x0], $0xffff  }
0x1ab: {  	s0 =	simm.s32 $0x2;
	v10 =	vadd.s32 v3, v9;
	v17 =	vld.idx.msk [tilespmem:v7+s13+$0x0], $0xffff  }
0x1ac: {  	v21 =	vadd.s32 s0, v4;
	v9 =	vld.idx.msk [tilespmem:v8+s26+$0x0], $0xffff  }
0x1ad: {  	v8 =	vld.idx.msk [tilespmem:v8+s28+$0x0], $0xffff;
	v19 =	vmul.f32 v14, v12;
	v23 =	vmul.f32 v14, v13;
	v14 =	vadd.s32 v3, v21  }
0x1ae: {  	v11 =	vld.idx.msk [tilespmem:v18+s30+$0x0], $0xffff;
	v20 =	vmul.f32 v16, v13;
	v22 =	vmul.f32 v16, v12;
	v12 =	vadd.s32 s0, v5  }
0x1af: {  	v13 =	vld.idx.msk [tilespmem:v18+s31+$0x0], $0xffff;
	v16 =	vadd.s32 v3, v12  }
0x1b0: {  	s16 =	simm.s32 $0x3;
	v7 =	vimm.f32 $0.0e+00;
	v12 =	vld.idx.msk [tilespmem:v10+s2+$0x0], $0xffff;
	v18 =	vadd.f32 v20, v19;
	v19 =	vsub.f32 v22, v23  }
.LBB2_18:
0x1b1: {  	v20 =	vadd.s32 s16, v4;
	p0 =	sne.s32 s16, $0x3F;
	v21 =	vadd.s32 s0, v6;
	v22 =	vld.idx.msk [tilespmem:v10+s13+$0x0], $0xffff;
	v23 =	vmov v9;
	s0 =	smov.u32 s16  }
0x1b2: {  	v9 =	vld.idx.msk [tilespmem:v14+s26+$0x0], $0xffff;
	v10 =	vadd.s32 v3, v21;
	v15 =	vmul.f32 v18, v15;
	v17 =	vmul.f32 v19, v17  }
.Ltmp8:
0x1b3: {  	v18 =	vmov v8;
	v19 =	vmov v11;
	v8 =	vld.idx.msk [tilespmem:v14+s28+$0x0], $0xffff;
	v14 =	vadd.s32 v3, v20;
	(pc) =	sbr.rel @p0 .LBB2_18-.Ltmp8, $4  }
0x1b4: {  	v20 =	vmul.f32 v19, v23;
	v21 =	vmul.f32 v13, v18;
	v11 =	vld.idx.msk [tilespmem:v16+s30+$0x0], $0xffff;
	v24 =	vadd.f32 v17, v15  }
0x1b5: {  	v25 =	vadd.s32 s16, v5;
	v23 =	vmul.f32 v13, v23;
	v19 =	vmul.f32 v19, v18;
	v13 =	vld.idx.msk [tilespmem:v16+s31+$0x0], $0xffff  }
0x1b6: {  	v16 =	vadd.s32 v3, v25;
	v7 =	vadd.f32 v24, v7;
	v15 =	vmov v12  }
0x1b7: {  	s16 =	sadd.s32 $0x1, s16;
	v18 =	vadd.f32 v21, v20;
	v19 =	vsub.f32 v23, v19;
	v17 =	vmov v22;
	v12 =	vld.idx.msk [tilespmem:v10+s2+$0x0], $0xffff  }
0x1b8: {  	_ =	sdelay $0x3  }
0x1b9: {  	v4 =	vld.idx.msk [tilespmem:v14+s26+$0x0], $0xffff  }
0x1ba: {  	v5 =	vadd.s32 s0, v6;
	v6 =	vld.idx.msk [tilespmem:v14+s28+$0x0], $0xffff  }
0x1bb: {  	v14 =	vld.idx.msk [tilespmem:v16+s30+$0x0], $0xffff;
	v5 =	vadd.s32 v3, v5  }
0x1bc: {  	v16 =	vld.idx.msk [tilespmem:v16+s31+$0x0], $0xffff;
	_ =	sdelay $0x1  }
0x1bd: {  	v15 =	vmul.f32 v18, v15;
	v17 =	vmul.f32 v19, v17  }
0x1be: {  	v10 =	vld.idx.msk [tilespmem:v10+s13+$0x0], $0xffff;
	v18 =	vmul.f32 v11, v9;
	v19 =	vmul.f32 v13, v8  }
0x1bf: {  	v9 =	vmul.f32 v13, v9;
	v8 =	vmul.f32 v11, v8;
	v11 =	vld.idx.msk [tilespmem:v5+s2+$0x0], $0xffff  }
0x1c0: {  	v13 =	vadd.f32 v19, v18;
	v18 =	vmul.f32 v14, v4;
	v19 =	vmul.f32 v16, v6;
	v5 =	vld.idx.msk [tilespmem:v5+s13+$0x0], $0xffff  }
0x1c1: {  	v8 =	vsub.f32 v9, v8;
	v4 =	vmul.f32 v16, v4;
	v6 =	vmul.f32 v14, v6  }
0x1c2: {  	v9 =	vadd.f32 v17, v15;
	v12 =	vmul.f32 v13, v12  }
0x1c3: {  	v8 =	vmul.f32 v8, v10;
	v10 =	vadd.f32 v19, v18;
	v4 =	vsub.f32 v4, v6  }
0x1c4: {  	v6 =	vadd.f32 v9, v7  }
0x1c5: {  	v7 =	vadd.f32 v8, v12;
	v8 =	vmul.f32 v10, v11;
	v4 =	vmul.f32 v4, v5;
	_ =	sdelay $0x1  }
0x1c6: {  	v5 =	vadd.f32 v7, v6;
	v4 =	vadd.f32 v4, v8;
	_ =	sdelay $0x1  }
0x1c7: {  	v4 =	vadd.f32 v4, v5;
	_ =	sdelay $0x1  }
0x1c8: {  	v4 =	vsub.f32 $0.0e+00, v4;
	_ =	sdelay $0x1  }
0x1c9: {  	s19 =	simm.s32 $0x6C0;
	[tilespmem:$0x19270] =	vst v4  }
0x1ca: {  	[tilespmem:s26], [sflag:$0x2] =	stream.indirect.gather [hbm4b:s3+s15], $0x80, s19, s15, $0xb8;
	[tilespmem:$0x19400] =	vst v63  }
0x1cb: {  	_ = 	snop  }
0x1cc: {  	[tilespmem:s28], [sflag:$0x2] =	stream.indirect.gather [hbm4b:s4+s15], $0x80, s19, s15, $0xb8;
	[tilespmem:$0x19400] =	vst v63  }
0x1cd: {  	s22 =	simm.s32 $0x8C0  }
0x1ce: {  	[tilespmem:s30], [sflag:$0x2] =	stream.indirect.gather [hbm4b:s3+s15], $0x80, s22, s15, $0xb8;
	[tilespmem:$0x19400] =	vst v63  }
0x1cf: {  	_ = 	snop  }
0x1d0: {  	[tilespmem:s31], [sflag:$0x2] =	stream.indirect.gather [hbm4b:s4+s15], $0x80, s22, s15, $0xb8;
	[tilespmem:$0x19400] =	vst v63  }
0x1d1: {  	s16 =	simm.s32 $0xAC0  }
0x1d2: {  	[tilespmem:s2], [sflag:$0x2] =	stream.indirect.gather [hbm4b:s5+s15], $0x80, s16, s15, $0xb8;
	[tilespmem:$0x19400] =	vst v63  }
0x1d3: {  	_ = 	snop  }
0x1d4: {  	[tilespmem:s13], [sflag:$0x2] =	stream.indirect.gather [hbm4b:s6+s15], $0x80, s16, s15, $0xb8;
	[tilespmem:$0x19400] =	vst v63  }
0x1d5: {  	_ =	swait.ge [sflag:s14], $0x2000  }
0x1d6: {  	[sflag:s14] =	ssyncset.done $0x0  }
0x1d7: {  	[sflag:s14] =	ssyncadd.s32 $0xFFFFE000  }
0x1d8: {  	_ =	swait.ge [sflag:s14], $0x2000  }
0x1d9: {  	[sflag:s14] =	ssyncset.done $0x0  }
0x1da: {  	[sflag:s14] =	ssyncadd.s32 $0xFFFFE000  }
0x1db: {  	_ =	swait.ge [sflag:s14], $0x2000  }
0x1dc: {  	[sflag:s14] =	ssyncset.done $0x0  }
0x1dd: {  	[sflag:s14] =	ssyncadd.s32 $0xFFFFE000  }
0x1de: {  	_ =	swait.ge [sflag:s14], $0x2000  }
0x1df: {  	[sflag:s14] =	ssyncset.done $0x0  }
0x1e0: {  	[sflag:s14] =	ssyncadd.s32 $0xFFFFE000  }
0x1e1: {  	_ =	swait.ge [sflag:s14], $0x2000  }
0x1e2: {  	[sflag:s14] =	ssyncset.done $0x0  }
0x1e3: {  	[sflag:s14] =	ssyncadd.s32 $0xFFFFE000  }
0x1e4: {  	_ =	swait.ge [sflag:s14], $0x2000  }
0x1e5: {  	[sflag:s14] =	ssyncset.done $0x0  }
0x1e6: {  	[sflag:s14] =	ssyncadd.s32 $0xFFFFE000  }
0x1e7: {  	v4 =	vld [tilespmem:$0xC80];
	_ =	sdelay $0x1  }
0x1e8: {  	v6 =	vld [tilespmem:$0xE80];
	_ =	sdelay $0x1  }
0x1e9: {  	s19 =	simm.s32 $0x0;
	v5 =	vld [tilespmem:$0x1080]  }
0x1ea: {  	v7 =	vadd.s32 s19, v4  }
0x1eb: {  	v7 =	vadd.s32 v0, v7  }
0x1ec: {  	v8 =	vadd.s32 s19, v6  }
0x1ed: {  	v8 =	vadd.s32 v0, v8  }
0x1ee: {  	v9 =	vadd.s32 s19, v5  }
0x1ef: {  	s22 =	simm.s32 $0x1;
	v9 =	vadd.s32 v0, v9  }
0x1f0: {  	v10 =	vadd.s32 s22, v4;
	v12 =	vld.idx.msk [tilespmem:v7+s17+$0x0], $0xffff  }
0x1f1: {  	v11 =	vadd.s32 v0, v10;
	v7 =	vld.idx.msk [tilespmem:v7+s18+$0x0], $0xffff  }
0x1f2: {  	v10 =	vadd.s32 s22, v6;
	v14 =	vld.idx.msk [tilespmem:v8+s21+$0x0], $0xffff  }
0x1f3: {  	v16 =	vadd.s32 v0, v10;
	v13 =	vld.idx.msk [tilespmem:v8+s20+$0x0], $0xffff  }
0x1f4: {  	v15 =	vld.idx.msk [tilespmem:v9+s23+$0x0], $0xffff;
	v8 =	vadd.s32 s22, v5  }
0x1f5: {  	s0 =	simm.s32 $0x2;
	v17 =	vld.idx.msk [tilespmem:v9+s24+$0x0], $0xffff;
	v10 =	vadd.s32 v0, v8  }
0x1f6: {  	v20 =	vadd.s32 s0, v4;
	v9 =	vld.idx.msk [tilespmem:v11+s17+$0x0], $0xffff  }
0x1f7: {  	v8 =	vld.idx.msk [tilespmem:v11+s18+$0x0], $0xffff;
	v19 =	vmul.f32 v14, v7;
	v21 =	vmul.f32 v14, v12;
	v14 =	vadd.s32 v0, v20  }
0x1f8: {  	v11 =	vld.idx.msk [tilespmem:v16+s20+$0x0], $0xffff;
	v18 =	vmul.f32 v13, v12;
	v22 =	vmul.f32 v13, v7;
	v12 =	vadd.s32 s0, v6  }
0x1f9: {  	v13 =	vld.idx.msk [tilespmem:v16+s21+$0x0], $0xffff;
	v16 =	vadd.s32 v0, v12  }
0x1fa: {  	s16 =	simm.s32 $0x3;
	v7 =	vimm.f32 $0.0e+00;
	v12 =	vld.idx.msk [tilespmem:v10+s23+$0x0], $0xffff;
	v18 =	vadd.f32 v19, v18;
	v19 =	vsub.f32 v21, v22  }
.LBB2_20:
0x1fb: {  	v20 =	vadd.s32 s16, v4;
	p0 =	sne.s32 s16, $0x3F;
	v21 =	vadd.s32 s0, v5;
	v22 =	vld.idx.msk [tilespmem:v10+s24+$0x0], $0xffff;
	v23 =	vmov v9;
	s0 =	smov.u32 s16  }
0x1fc: {  	v9 =	vld.idx.msk [tilespmem:v14+s17+$0x0], $0xffff;
	v10 =	vadd.s32 v0, v21;
	v15 =	vmul.f32 v18, v15;
	v17 =	vmul.f32 v19, v17  }
.Ltmp9:
0x1fd: {  	v18 =	vmov v8;
	v19 =	vmov v11;
	v8 =	vld.idx.msk [tilespmem:v14+s18+$0x0], $0xffff;
	v14 =	vadd.s32 v0, v20;
	(pc) =	sbr.rel @p0 .LBB2_20-.Ltmp9, $4  }
0x1fe: {  	v20 =	vmul.f32 v19, v23;
	v21 =	vmul.f32 v13, v18;
	v11 =	vld.idx.msk [tilespmem:v16+s20+$0x0], $0xffff;
	v24 =	vadd.f32 v17, v15  }
0x1ff: {  	v25 =	vadd.s32 s16, v6;
	v23 =	vmul.f32 v13, v23;
	v19 =	vmul.f32 v19, v18;
	v13 =	vld.idx.msk [tilespmem:v16+s21+$0x0], $0xffff  }
0x200: {  	v16 =	vadd.s32 v0, v25;
	v7 =	vadd.f32 v24, v7;
	v15 =	vmov v12  }
0x201: {  	s16 =	sadd.s32 $0x1, s16;
	v18 =	vadd.f32 v21, v20;
	v19 =	vsub.f32 v23, v19;
	v17 =	vmov v22;
	v12 =	vld.idx.msk [tilespmem:v10+s23+$0x0], $0xffff  }
0x202: {  	_ =	sdelay $0x3  }
0x203: {  	v4 =	vld.idx.msk [tilespmem:v14+s17+$0x0], $0xffff  }
0x204: {  	v5 =	vadd.s32 s0, v5;
	v6 =	vld.idx.msk [tilespmem:v14+s18+$0x0], $0xffff  }
0x205: {  	v14 =	vld.idx.msk [tilespmem:v16+s20+$0x0], $0xffff;
	v5 =	vadd.s32 v0, v5  }
0x206: {  	v16 =	vld.idx.msk [tilespmem:v16+s21+$0x0], $0xffff;
	_ =	sdelay $0x1  }
0x207: {  	v15 =	vmul.f32 v18, v15;
	v17 =	vmul.f32 v19, v17  }
0x208: {  	v10 =	vld.idx.msk [tilespmem:v10+s24+$0x0], $0xffff;
	v18 =	vmul.f32 v11, v9;
	v19 =	vmul.f32 v13, v8  }
0x209: {  	v9 =	vmul.f32 v13, v9;
	v8 =	vmul.f32 v11, v8;
	v11 =	vld.idx.msk [tilespmem:v5+s23+$0x0], $0xffff  }
0x20a: {  	v13 =	vadd.f32 v19, v18;
	v18 =	vmul.f32 v14, v4;
	v19 =	vmul.f32 v16, v6;
	v5 =	vld.idx.msk [tilespmem:v5+s24+$0x0], $0xffff  }
0x20b: {  	v8 =	vsub.f32 v9, v8;
	v4 =	vmul.f32 v16, v4;
	v6 =	vmul.f32 v14, v6  }
0x20c: {  	v9 =	vadd.f32 v17, v15;
	v12 =	vmul.f32 v13, v12  }
0x20d: {  	v8 =	vmul.f32 v8, v10;
	v10 =	vadd.f32 v19, v18;
	v6 =	vsub.f32 v4, v6  }
0x20e: {  	v7 =	vadd.f32 v9, v7;
	v4 =	vld [tilespmem:$0xC90]  }
0x20f: {  	v8 =	vadd.f32 v8, v12;
	v9 =	vmul.f32 v10, v11;
	v6 =	vmul.f32 v6, v5  }
0x210: {  	v5 =	vld [tilespmem:$0xE90]  }
0x211: {  	v7 =	vadd.f32 v8, v7;
	v8 =	vadd.f32 v6, v9  }
0x212: {  	s19 =	simm.s32 $0x0;
	v6 =	vld [tilespmem:$0x1090]  }
0x213: {  	v9 =	vadd.s32 s19, v4;
	v7 =	vadd.f32 v8, v7  }
0x214: {  	v8 =	vadd.s32 v1, v9  }
0x215: {  	v9 =	vadd.s32 s19, v5;
	v7 =	vsub.f32 $0.0e+00, v7  }
0x216: {  	v9 =	vadd.s32 v1, v9  }
0x217: {  	[tilespmem:$0x19280] =	vst v7;
	v7 =	vadd.s32 s19, v6  }
0x218: {  	s22 =	simm.s32 $0x1;
	v7 =	vadd.s32 v1, v7  }
0x219: {  	v10 =	vadd.s32 s22, v4;
	v12 =	vld.idx.msk [tilespmem:v8+s17+$0x0], $0xffff  }
0x21a: {  	v13 =	vld.idx.msk [tilespmem:v8+s18+$0x0], $0xffff;
	v8 =	vadd.s32 v1, v10  }
0x21b: {  	v10 =	vadd.s32 s22, v5;
	v14 =	vld.idx.msk [tilespmem:v9+s20+$0x0], $0xffff  }
0x21c: {  	v18 =	vadd.s32 v1, v10;
	v16 =	vld.idx.msk [tilespmem:v9+s21+$0x0], $0xffff  }
0x21d: {  	v9 =	vadd.s32 s22, v6;
	v15 =	vld.idx.msk [tilespmem:v7+s23+$0x0], $0xffff  }
0x21e: {  	s0 =	simm.s32 $0x2;
	v10 =	vadd.s32 v1, v9;
	v17 =	vld.idx.msk [tilespmem:v7+s24+$0x0], $0xffff  }
0x21f: {  	v21 =	vadd.s32 s0, v4;
	v9 =	vld.idx.msk [tilespmem:v8+s17+$0x0], $0xffff  }
0x220: {  	v8 =	vld.idx.msk [tilespmem:v8+s18+$0x0], $0xffff;
	v19 =	vmul.f32 v14, v12;
	v23 =	vmul.f32 v14, v13;
	v14 =	vadd.s32 v1, v21  }
0x221: {  	v11 =	vld.idx.msk [tilespmem:v18+s20+$0x0], $0xffff;
	v20 =	vmul.f32 v16, v13;
	v22 =	vmul.f32 v16, v12;
	v12 =	vadd.s32 s0, v5  }
0x222: {  	v13 =	vld.idx.msk [tilespmem:v18+s21+$0x0], $0xffff;
	v16 =	vadd.s32 v1, v12  }
0x223: {  	s16 =	simm.s32 $0x3;
	v7 =	vimm.f32 $0.0e+00;
	v12 =	vld.idx.msk [tilespmem:v10+s23+$0x0], $0xffff;
	v18 =	vadd.f32 v20, v19;
	v19 =	vsub.f32 v22, v23  }
.LBB2_22:
0x224: {  	v20 =	vadd.s32 s16, v4;
	p0 =	sne.s32 s16, $0x3F;
	v21 =	vadd.s32 s0, v6;
	v22 =	vld.idx.msk [tilespmem:v10+s24+$0x0], $0xffff;
	v23 =	vmov v9;
	s0 =	smov.u32 s16  }
0x225: {  	v9 =	vld.idx.msk [tilespmem:v14+s17+$0x0], $0xffff;
	v10 =	vadd.s32 v1, v21;
	v15 =	vmul.f32 v18, v15;
	v17 =	vmul.f32 v19, v17  }
.Ltmp10:
0x226: {  	v18 =	vmov v8;
	v19 =	vmov v11;
	v8 =	vld.idx.msk [tilespmem:v14+s18+$0x0], $0xffff;
	v14 =	vadd.s32 v1, v20;
	(pc) =	sbr.rel @p0 .LBB2_22-.Ltmp10, $4  }
0x227: {  	v20 =	vmul.f32 v19, v23;
	v21 =	vmul.f32 v13, v18;
	v11 =	vld.idx.msk [tilespmem:v16+s20+$0x0], $0xffff;
	v24 =	vadd.f32 v17, v15  }
0x228: {  	v25 =	vadd.s32 s16, v5;
	v23 =	vmul.f32 v13, v23;
	v19 =	vmul.f32 v19, v18;
	v13 =	vld.idx.msk [tilespmem:v16+s21+$0x0], $0xffff  }
0x229: {  	v16 =	vadd.s32 v1, v25;
	v7 =	vadd.f32 v24, v7;
	v15 =	vmov v12  }
0x22a: {  	s16 =	sadd.s32 $0x1, s16;
	v18 =	vadd.f32 v21, v20;
	v19 =	vsub.f32 v23, v19;
	v17 =	vmov v22;
	v12 =	vld.idx.msk [tilespmem:v10+s23+$0x0], $0xffff  }
0x22b: {  	_ =	sdelay $0x3  }
0x22c: {  	v4 =	vld.idx.msk [tilespmem:v14+s17+$0x0], $0xffff  }
0x22d: {  	v5 =	vadd.s32 s0, v6;
	v6 =	vld.idx.msk [tilespmem:v14+s18+$0x0], $0xffff  }
0x22e: {  	v14 =	vld.idx.msk [tilespmem:v16+s20+$0x0], $0xffff;
	v5 =	vadd.s32 v1, v5  }
0x22f: {  	v16 =	vld.idx.msk [tilespmem:v16+s21+$0x0], $0xffff;
	_ =	sdelay $0x1  }
0x230: {  	v15 =	vmul.f32 v18, v15;
	v17 =	vmul.f32 v19, v17  }
0x231: {  	v10 =	vld.idx.msk [tilespmem:v10+s24+$0x0], $0xffff;
	v18 =	vmul.f32 v11, v9;
	v19 =	vmul.f32 v13, v8  }
0x232: {  	v9 =	vmul.f32 v13, v9;
	v8 =	vmul.f32 v11, v8;
	v11 =	vld.idx.msk [tilespmem:v5+s23+$0x0], $0xffff  }
0x233: {  	v13 =	vadd.f32 v19, v18;
	v18 =	vmul.f32 v14, v4;
	v19 =	vmul.f32 v16, v6;
	v5 =	vld.idx.msk [tilespmem:v5+s24+$0x0], $0xffff  }
0x234: {  	v8 =	vsub.f32 v9, v8;
	v4 =	vmul.f32 v16, v4;
	v6 =	vmul.f32 v14, v6  }
0x235: {  	v9 =	vadd.f32 v17, v15;
	v12 =	vmul.f32 v13, v12  }
0x236: {  	v8 =	vmul.f32 v8, v10;
	v10 =	vadd.f32 v19, v18;
	v6 =	vsub.f32 v4, v6  }
0x237: {  	v7 =	vadd.f32 v9, v7;
	v4 =	vld [tilespmem:$0xCA0]  }
0x238: {  	v8 =	vadd.f32 v8, v12;
	v9 =	vmul.f32 v10, v11;
	v6 =	vmul.f32 v6, v5  }
0x239: {  	v5 =	vld [tilespmem:$0xEA0]  }
0x23a: {  	v7 =	vadd.f32 v8, v7;
	v8 =	vadd.f32 v6, v9  }
0x23b: {  	s19 =	simm.s32 $0x0;
	v6 =	vld [tilespmem:$0x10A0]  }
0x23c: {  	v9 =	vadd.s32 s19, v4;
	v7 =	vadd.f32 v8, v7  }
0x23d: {  	v8 =	vadd.s32 v2, v9  }
0x23e: {  	v9 =	vadd.s32 s19, v5;
	v7 =	vsub.f32 $0.0e+00, v7  }
0x23f: {  	v9 =	vadd.s32 v2, v9  }
0x240: {  	[tilespmem:$0x19290] =	vst v7;
	v7 =	vadd.s32 s19, v6  }
0x241: {  	s22 =	simm.s32 $0x1;
	v7 =	vadd.s32 v2, v7  }
0x242: {  	v10 =	vadd.s32 s22, v4;
	v12 =	vld.idx.msk [tilespmem:v8+s17+$0x0], $0xffff  }
0x243: {  	v13 =	vld.idx.msk [tilespmem:v8+s18+$0x0], $0xffff;
	v8 =	vadd.s32 v2, v10  }
0x244: {  	v10 =	vadd.s32 s22, v5;
	v14 =	vld.idx.msk [tilespmem:v9+s20+$0x0], $0xffff  }
0x245: {  	v18 =	vadd.s32 v2, v10;
	v16 =	vld.idx.msk [tilespmem:v9+s21+$0x0], $0xffff  }
0x246: {  	v9 =	vadd.s32 s22, v6;
	v15 =	vld.idx.msk [tilespmem:v7+s23+$0x0], $0xffff  }
0x247: {  	s0 =	simm.s32 $0x2;
	v10 =	vadd.s32 v2, v9;
	v17 =	vld.idx.msk [tilespmem:v7+s24+$0x0], $0xffff  }
0x248: {  	v21 =	vadd.s32 s0, v4;
	v9 =	vld.idx.msk [tilespmem:v8+s17+$0x0], $0xffff  }
0x249: {  	v8 =	vld.idx.msk [tilespmem:v8+s18+$0x0], $0xffff;
	v19 =	vmul.f32 v14, v12;
	v23 =	vmul.f32 v14, v13;
	v14 =	vadd.s32 v2, v21  }
0x24a: {  	v11 =	vld.idx.msk [tilespmem:v18+s20+$0x0], $0xffff;
	v20 =	vmul.f32 v16, v13;
	v22 =	vmul.f32 v16, v12;
	v12 =	vadd.s32 s0, v5  }
0x24b: {  	v13 =	vld.idx.msk [tilespmem:v18+s21+$0x0], $0xffff;
	v16 =	vadd.s32 v2, v12  }
0x24c: {  	s16 =	simm.s32 $0x3;
	v7 =	vimm.f32 $0.0e+00;
	v12 =	vld.idx.msk [tilespmem:v10+s23+$0x0], $0xffff;
	v18 =	vadd.f32 v20, v19;
	v19 =	vsub.f32 v22, v23  }
.LBB2_24:
0x24d: {  	v20 =	vadd.s32 s16, v4;
	p0 =	sne.s32 s16, $0x3F;
	v21 =	vadd.s32 s0, v6;
	v22 =	vld.idx.msk [tilespmem:v10+s24+$0x0], $0xffff;
	v23 =	vmov v9;
	s0 =	smov.u32 s16  }
0x24e: {  	v9 =	vld.idx.msk [tilespmem:v14+s17+$0x0], $0xffff;
	v10 =	vadd.s32 v2, v21;
	v15 =	vmul.f32 v18, v15;
	v17 =	vmul.f32 v19, v17  }
.Ltmp11:
0x24f: {  	v18 =	vmov v8;
	v19 =	vmov v11;
	v8 =	vld.idx.msk [tilespmem:v14+s18+$0x0], $0xffff;
	v14 =	vadd.s32 v2, v20;
	(pc) =	sbr.rel @p0 .LBB2_24-.Ltmp11, $4  }
0x250: {  	v20 =	vmul.f32 v19, v23;
	v21 =	vmul.f32 v13, v18;
	v11 =	vld.idx.msk [tilespmem:v16+s20+$0x0], $0xffff;
	v24 =	vadd.f32 v17, v15  }
0x251: {  	v25 =	vadd.s32 s16, v5;
	v23 =	vmul.f32 v13, v23;
	v19 =	vmul.f32 v19, v18;
	v13 =	vld.idx.msk [tilespmem:v16+s21+$0x0], $0xffff  }
0x252: {  	v16 =	vadd.s32 v2, v25;
	v7 =	vadd.f32 v24, v7;
	v15 =	vmov v12  }
0x253: {  	s16 =	sadd.s32 $0x1, s16;
	v18 =	vadd.f32 v21, v20;
	v19 =	vsub.f32 v23, v19;
	v17 =	vmov v22;
	v12 =	vld.idx.msk [tilespmem:v10+s23+$0x0], $0xffff  }
0x254: {  	_ =	sdelay $0x3  }
0x255: {  	v4 =	vld.idx.msk [tilespmem:v14+s17+$0x0], $0xffff  }
0x256: {  	v5 =	vadd.s32 s0, v6;
	v6 =	vld.idx.msk [tilespmem:v14+s18+$0x0], $0xffff  }
0x257: {  	v14 =	vld.idx.msk [tilespmem:v16+s20+$0x0], $0xffff;
	v5 =	vadd.s32 v2, v5  }
0x258: {  	v16 =	vld.idx.msk [tilespmem:v16+s21+$0x0], $0xffff;
	_ =	sdelay $0x1  }
0x259: {  	v15 =	vmul.f32 v18, v15;
	v17 =	vmul.f32 v19, v17  }
0x25a: {  	v10 =	vld.idx.msk [tilespmem:v10+s24+$0x0], $0xffff;
	v18 =	vmul.f32 v11, v9;
	v19 =	vmul.f32 v13, v8  }
0x25b: {  	v9 =	vmul.f32 v13, v9;
	v8 =	vmul.f32 v11, v8;
	v11 =	vld.idx.msk [tilespmem:v5+s23+$0x0], $0xffff  }
0x25c: {  	v13 =	vadd.f32 v19, v18;
	v18 =	vmul.f32 v14, v4;
	v19 =	vmul.f32 v16, v6;
	v5 =	vld.idx.msk [tilespmem:v5+s24+$0x0], $0xffff  }
0x25d: {  	v8 =	vsub.f32 v9, v8;
	v4 =	vmul.f32 v16, v4;
	v6 =	vmul.f32 v14, v6  }
0x25e: {  	v9 =	vadd.f32 v17, v15;
	v12 =	vmul.f32 v13, v12  }
0x25f: {  	v8 =	vmul.f32 v8, v10;
	v10 =	vadd.f32 v19, v18;
	v6 =	vsub.f32 v4, v6  }
0x260: {  	v7 =	vadd.f32 v9, v7;
	v4 =	vld [tilespmem:$0xCB0]  }
0x261: {  	v8 =	vadd.f32 v8, v12;
	v9 =	vmul.f32 v10, v11;
	v6 =	vmul.f32 v6, v5  }
0x262: {  	v5 =	vld [tilespmem:$0xEB0]  }
0x263: {  	v7 =	vadd.f32 v8, v7;
	v8 =	vadd.f32 v6, v9  }
0x264: {  	s19 =	simm.s32 $0x0;
	v6 =	vld [tilespmem:$0x10B0]  }
0x265: {  	v9 =	vadd.s32 s19, v4;
	v7 =	vadd.f32 v8, v7  }
0x266: {  	v8 =	vadd.s32 v3, v9  }
0x267: {  	v9 =	vadd.s32 s19, v5;
	v7 =	vsub.f32 $0.0e+00, v7  }
0x268: {  	v9 =	vadd.s32 v3, v9  }
0x269: {  	[tilespmem:$0x192A0] =	vst v7;
	v7 =	vadd.s32 s19, v6  }
0x26a: {  	s22 =	simm.s32 $0x1;
	v7 =	vadd.s32 v3, v7  }
0x26b: {  	v10 =	vadd.s32 s22, v4;
	v12 =	vld.idx.msk [tilespmem:v8+s17+$0x0], $0xffff  }
0x26c: {  	v13 =	vld.idx.msk [tilespmem:v8+s18+$0x0], $0xffff;
	v8 =	vadd.s32 v3, v10  }
0x26d: {  	v10 =	vadd.s32 s22, v5;
	v14 =	vld.idx.msk [tilespmem:v9+s20+$0x0], $0xffff  }
0x26e: {  	v18 =	vadd.s32 v3, v10;
	v16 =	vld.idx.msk [tilespmem:v9+s21+$0x0], $0xffff  }
0x26f: {  	v9 =	vadd.s32 s22, v6;
	v15 =	vld.idx.msk [tilespmem:v7+s23+$0x0], $0xffff  }
0x270: {  	s0 =	simm.s32 $0x2;
	v10 =	vadd.s32 v3, v9;
	v17 =	vld.idx.msk [tilespmem:v7+s24+$0x0], $0xffff  }
0x271: {  	v21 =	vadd.s32 s0, v4;
	v9 =	vld.idx.msk [tilespmem:v8+s17+$0x0], $0xffff  }
0x272: {  	v8 =	vld.idx.msk [tilespmem:v8+s18+$0x0], $0xffff;
	v19 =	vmul.f32 v14, v12;
	v23 =	vmul.f32 v14, v13;
	v14 =	vadd.s32 v3, v21  }
0x273: {  	v11 =	vld.idx.msk [tilespmem:v18+s20+$0x0], $0xffff;
	v20 =	vmul.f32 v16, v13;
	v22 =	vmul.f32 v16, v12;
	v12 =	vadd.s32 s0, v5  }
0x274: {  	v13 =	vld.idx.msk [tilespmem:v18+s21+$0x0], $0xffff;
	v16 =	vadd.s32 v3, v12  }
0x275: {  	s16 =	simm.s32 $0x3;
	v7 =	vimm.f32 $0.0e+00;
	v12 =	vld.idx.msk [tilespmem:v10+s23+$0x0], $0xffff;
	v18 =	vadd.f32 v20, v19;
	v19 =	vsub.f32 v22, v23  }
.LBB2_26:
0x276: {  	v20 =	vadd.s32 s16, v4;
	p0 =	sne.s32 s16, $0x3F;
	v21 =	vadd.s32 s0, v6;
	v22 =	vld.idx.msk [tilespmem:v10+s24+$0x0], $0xffff;
	v23 =	vmov v9;
	s0 =	smov.u32 s16  }
0x277: {  	v9 =	vld.idx.msk [tilespmem:v14+s17+$0x0], $0xffff;
	v10 =	vadd.s32 v3, v21;
	v15 =	vmul.f32 v18, v15;
	v17 =	vmul.f32 v19, v17  }
.Ltmp12:
0x278: {  	v18 =	vmov v8;
	v19 =	vmov v11;
	v8 =	vld.idx.msk [tilespmem:v14+s18+$0x0], $0xffff;
	v14 =	vadd.s32 v3, v20;
	(pc) =	sbr.rel @p0 .LBB2_26-.Ltmp12, $4  }
0x279: {  	v20 =	vmul.f32 v19, v23;
	v21 =	vmul.f32 v13, v18;
	v11 =	vld.idx.msk [tilespmem:v16+s20+$0x0], $0xffff;
	v24 =	vadd.f32 v17, v15  }
0x27a: {  	v25 =	vadd.s32 s16, v5;
	v23 =	vmul.f32 v13, v23;
	v19 =	vmul.f32 v19, v18;
	v13 =	vld.idx.msk [tilespmem:v16+s21+$0x0], $0xffff  }
0x27b: {  	v16 =	vadd.s32 v3, v25;
	v7 =	vadd.f32 v24, v7;
	v15 =	vmov v12  }
0x27c: {  	s16 =	sadd.s32 $0x1, s16;
	v18 =	vadd.f32 v21, v20;
	v19 =	vsub.f32 v23, v19;
	v17 =	vmov v22;
	v12 =	vld.idx.msk [tilespmem:v10+s23+$0x0], $0xffff  }
0x27d: {  	_ =	sdelay $0x3  }
0x27e: {  	v4 =	vld.idx.msk [tilespmem:v14+s17+$0x0], $0xffff  }
0x27f: {  	v5 =	vadd.s32 s0, v6;
	v6 =	vld.idx.msk [tilespmem:v14+s18+$0x0], $0xffff  }
0x280: {  	v14 =	vld.idx.msk [tilespmem:v16+s20+$0x0], $0xffff;
	v5 =	vadd.s32 v3, v5  }
0x281: {  	v16 =	vld.idx.msk [tilespmem:v16+s21+$0x0], $0xffff;
	_ =	sdelay $0x1  }
0x282: {  	v15 =	vmul.f32 v18, v15;
	v17 =	vmul.f32 v19, v17  }
0x283: {  	v10 =	vld.idx.msk [tilespmem:v10+s24+$0x0], $0xffff;
	v18 =	vmul.f32 v11, v9;
	v19 =	vmul.f32 v13, v8  }
0x284: {  	v9 =	vmul.f32 v13, v9;
	v8 =	vmul.f32 v11, v8;
	v11 =	vld.idx.msk [tilespmem:v5+s23+$0x0], $0xffff  }
0x285: {  	v13 =	vadd.f32 v19, v18;
	v18 =	vmul.f32 v14, v4;
	v19 =	vmul.f32 v16, v6;
	v5 =	vld.idx.msk [tilespmem:v5+s24+$0x0], $0xffff  }
0x286: {  	v8 =	vsub.f32 v9, v8;
	v4 =	vmul.f32 v16, v4;
	v6 =	vmul.f32 v14, v6  }
0x287: {  	v9 =	vadd.f32 v17, v15;
	v12 =	vmul.f32 v13, v12  }
0x288: {  	v8 =	vmul.f32 v8, v10;
	v10 =	vadd.f32 v19, v18;
	v4 =	vsub.f32 v4, v6  }
0x289: {  	v6 =	vadd.f32 v9, v7  }
0x28a: {  	v7 =	vadd.f32 v8, v12;
	v8 =	vmul.f32 v10, v11;
	v4 =	vmul.f32 v4, v5;
	_ =	sdelay $0x1  }
0x28b: {  	v5 =	vadd.f32 v7, v6;
	v4 =	vadd.f32 v4, v8;
	_ =	sdelay $0x1  }
0x28c: {  	v4 =	vadd.f32 v4, v5;
	_ =	sdelay $0x1  }
0x28d: {  	v4 =	vsub.f32 $0.0e+00, v4;
	_ =	sdelay $0x1  }
0x28e: {  	s19 =	simm.s32 $0x700;
	[tilespmem:$0x192B0] =	vst v4  }
0x28f: {  	[tilespmem:s17], [sflag:$0x1] =	stream.indirect.gather [hbm4b:s3+s15], $0x80, s19, s15, $0xb8;
	[tilespmem:$0x19400] =	vst v63  }
0x290: {  	_ = 	snop  }
0x291: {  	[tilespmem:s18], [sflag:$0x1] =	stream.indirect.gather [hbm4b:s4+s15], $0x80, s19, s15, $0xb8;
	[tilespmem:$0x19400] =	vst v63  }
0x292: {  	s22 =	simm.s32 $0x900  }
0x293: {  	[tilespmem:s20], [sflag:$0x1] =	stream.indirect.gather [hbm4b:s3+s15], $0x80, s22, s15, $0xb8;
	[tilespmem:$0x19400] =	vst v63  }
0x294: {  	_ = 	snop  }
0x295: {  	[tilespmem:s21], [sflag:$0x1] =	stream.indirect.gather [hbm4b:s4+s15], $0x80, s22, s15, $0xb8;
	[tilespmem:$0x19400] =	vst v63  }
0x296: {  	s16 =	simm.s32 $0xB00  }
0x297: {  	[tilespmem:s23], [sflag:$0x1] =	stream.indirect.gather [hbm4b:s5+s15], $0x80, s16, s15, $0xb8;
	[tilespmem:$0x19400] =	vst v63  }
0x298: {  	_ = 	snop  }
0x299: {  	[tilespmem:s24], [sflag:$0x1] =	stream.indirect.gather [hbm4b:s6+s15], $0x80, s16, s15, $0xb8;
	[tilespmem:$0x19400] =	vst v63  }
0x29a: {  	_ =	swait.ge [sflag:s25], $0x2000  }
0x29b: {  	[sflag:s25] =	ssyncset.done $0x0  }
0x29c: {  	[sflag:s25] =	ssyncadd.s32 $0xFFFFE000  }
0x29d: {  	_ =	swait.ge [sflag:s25], $0x2000  }
0x29e: {  	[sflag:s25] =	ssyncset.done $0x0  }
0x29f: {  	[sflag:s25] =	ssyncadd.s32 $0xFFFFE000  }
0x2a0: {  	_ =	swait.ge [sflag:s25], $0x2000  }
0x2a1: {  	[sflag:s25] =	ssyncset.done $0x0  }
0x2a2: {  	[sflag:s25] =	ssyncadd.s32 $0xFFFFE000  }
0x2a3: {  	_ =	swait.ge [sflag:s25], $0x2000  }
0x2a4: {  	[sflag:s25] =	ssyncset.done $0x0  }
0x2a5: {  	[sflag:s25] =	ssyncadd.s32 $0xFFFFE000  }
0x2a6: {  	_ =	swait.ge [sflag:s25], $0x2000  }
0x2a7: {  	[sflag:s25] =	ssyncset.done $0x0  }
0x2a8: {  	[sflag:s25] =	ssyncadd.s32 $0xFFFFE000  }
0x2a9: {  	_ =	swait.ge [sflag:s25], $0x2000  }
0x2aa: {  	[sflag:s25] =	ssyncset.done $0x0  }
0x2ab: {  	[sflag:s25] =	ssyncadd.s32 $0xFFFFE000  }
0x2ac: {  	v4 =	vld [tilespmem:$0xCC0];
	_ =	sdelay $0x1  }
0x2ad: {  	v6 =	vld [tilespmem:$0xEC0];
	_ =	sdelay $0x1  }
0x2ae: {  	s19 =	simm.s32 $0x0;
	v5 =	vld [tilespmem:$0x10C0]  }
0x2af: {  	v7 =	vadd.s32 s19, v4  }
0x2b0: {  	v7 =	vadd.s32 v0, v7  }
0x2b1: {  	v8 =	vadd.s32 s19, v6  }
0x2b2: {  	v8 =	vadd.s32 v0, v8  }
0x2b3: {  	v9 =	vadd.s32 s19, v5  }
0x2b4: {  	s22 =	simm.s32 $0x1;
	v9 =	vadd.s32 v0, v9  }
0x2b5: {  	v10 =	vadd.s32 s22, v4;
	v12 =	vld.idx.msk [tilespmem:v7+s26+$0x0], $0xffff  }
0x2b6: {  	v11 =	vadd.s32 v0, v10;
	v7 =	vld.idx.msk [tilespmem:v7+s28+$0x0], $0xffff  }
0x2b7: {  	v10 =	vadd.s32 s22, v6;
	v14 =	vld.idx.msk [tilespmem:v8+s31+$0x0], $0xffff  }
0x2b8: {  	v16 =	vadd.s32 v0, v10;
	v13 =	vld.idx.msk [tilespmem:v8+s30+$0x0], $0xffff  }
0x2b9: {  	v15 =	vld.idx.msk [tilespmem:v9+s2+$0x0], $0xffff;
	v8 =	vadd.s32 s22, v5  }
0x2ba: {  	s0 =	simm.s32 $0x2;
	v17 =	vld.idx.msk [tilespmem:v9+s13+$0x0], $0xffff;
	v10 =	vadd.s32 v0, v8  }
0x2bb: {  	v20 =	vadd.s32 s0, v4;
	v9 =	vld.idx.msk [tilespmem:v11+s26+$0x0], $0xffff  }
0x2bc: {  	v8 =	vld.idx.msk [tilespmem:v11+s28+$0x0], $0xffff;
	v19 =	vmul.f32 v14, v7;
	v21 =	vmul.f32 v14, v12;
	v14 =	vadd.s32 v0, v20  }
0x2bd: {  	v11 =	vld.idx.msk [tilespmem:v16+s30+$0x0], $0xffff;
	v18 =	vmul.f32 v13, v12;
	v22 =	vmul.f32 v13, v7;
	v12 =	vadd.s32 s0, v6  }
0x2be: {  	v13 =	vld.idx.msk [tilespmem:v16+s31+$0x0], $0xffff;
	v16 =	vadd.s32 v0, v12  }
0x2bf: {  	s16 =	simm.s32 $0x3;
	v7 =	vimm.f32 $0.0e+00;
	v12 =	vld.idx.msk [tilespmem:v10+s2+$0x0], $0xffff;
	v18 =	vadd.f32 v19, v18;
	v19 =	vsub.f32 v21, v22  }
.LBB2_28:
0x2c0: {  	v20 =	vadd.s32 s16, v4;
	p0 =	sne.s32 s16, $0x3F;
	v21 =	vadd.s32 s0, v5;
	v22 =	vld.idx.msk [tilespmem:v10+s13+$0x0], $0xffff;
	v23 =	vmov v9;
	s0 =	smov.u32 s16  }
0x2c1: {  	v9 =	vld.idx.msk [tilespmem:v14+s26+$0x0], $0xffff;
	v10 =	vadd.s32 v0, v21;
	v15 =	vmul.f32 v18, v15;
	v17 =	vmul.f32 v19, v17  }
.Ltmp13:
0x2c2: {  	v18 =	vmov v8;
	v19 =	vmov v11;
	v8 =	vld.idx.msk [tilespmem:v14+s28+$0x0], $0xffff;
	v14 =	vadd.s32 v0, v20;
	(pc) =	sbr.rel @p0 .LBB2_28-.Ltmp13, $4  }
0x2c3: {  	v20 =	vmul.f32 v19, v23;
	v21 =	vmul.f32 v13, v18;
	v11 =	vld.idx.msk [tilespmem:v16+s30+$0x0], $0xffff;
	v24 =	vadd.f32 v17, v15  }
0x2c4: {  	v25 =	vadd.s32 s16, v6;
	v23 =	vmul.f32 v13, v23;
	v19 =	vmul.f32 v19, v18;
	v13 =	vld.idx.msk [tilespmem:v16+s31+$0x0], $0xffff  }
0x2c5: {  	v16 =	vadd.s32 v0, v25;
	v7 =	vadd.f32 v24, v7;
	v15 =	vmov v12  }
0x2c6: {  	s16 =	sadd.s32 $0x1, s16;
	v18 =	vadd.f32 v21, v20;
	v19 =	vsub.f32 v23, v19;
	v17 =	vmov v22;
	v12 =	vld.idx.msk [tilespmem:v10+s2+$0x0], $0xffff  }
0x2c7: {  	_ =	sdelay $0x3  }
0x2c8: {  	v4 =	vld.idx.msk [tilespmem:v14+s26+$0x0], $0xffff  }
0x2c9: {  	v5 =	vadd.s32 s0, v5;
	v6 =	vld.idx.msk [tilespmem:v14+s28+$0x0], $0xffff  }
0x2ca: {  	v14 =	vld.idx.msk [tilespmem:v16+s30+$0x0], $0xffff;
	v5 =	vadd.s32 v0, v5  }
0x2cb: {  	v16 =	vld.idx.msk [tilespmem:v16+s31+$0x0], $0xffff;
	_ =	sdelay $0x1  }
0x2cc: {  	v15 =	vmul.f32 v18, v15;
	v17 =	vmul.f32 v19, v17  }
0x2cd: {  	v10 =	vld.idx.msk [tilespmem:v10+s13+$0x0], $0xffff;
	v18 =	vmul.f32 v11, v9;
	v19 =	vmul.f32 v13, v8  }
0x2ce: {  	v9 =	vmul.f32 v13, v9;
	v8 =	vmul.f32 v11, v8;
	v11 =	vld.idx.msk [tilespmem:v5+s2+$0x0], $0xffff  }
0x2cf: {  	v13 =	vadd.f32 v19, v18;
	v18 =	vmul.f32 v14, v4;
	v19 =	vmul.f32 v16, v6;
	v5 =	vld.idx.msk [tilespmem:v5+s13+$0x0], $0xffff  }
0x2d0: {  	v8 =	vsub.f32 v9, v8;
	v4 =	vmul.f32 v16, v4;
	v6 =	vmul.f32 v14, v6  }
0x2d1: {  	v9 =	vadd.f32 v17, v15;
	v12 =	vmul.f32 v13, v12  }
0x2d2: {  	v8 =	vmul.f32 v8, v10;
	v10 =	vadd.f32 v19, v18;
	v6 =	vsub.f32 v4, v6  }
0x2d3: {  	v7 =	vadd.f32 v9, v7;
	v4 =	vld [tilespmem:$0xCD0]  }
0x2d4: {  	v8 =	vadd.f32 v8, v12;
	v9 =	vmul.f32 v10, v11;
	v6 =	vmul.f32 v6, v5  }
0x2d5: {  	v5 =	vld [tilespmem:$0xED0]  }
0x2d6: {  	v7 =	vadd.f32 v8, v7;
	v8 =	vadd.f32 v6, v9  }
0x2d7: {  	s19 =	simm.s32 $0x0;
	v6 =	vld [tilespmem:$0x10D0]  }
0x2d8: {  	v9 =	vadd.s32 s19, v4;
	v7 =	vadd.f32 v8, v7  }
0x2d9: {  	v8 =	vadd.s32 v1, v9  }
0x2da: {  	v9 =	vadd.s32 s19, v5;
	v7 =	vsub.f32 $0.0e+00, v7  }
0x2db: {  	v9 =	vadd.s32 v1, v9  }
0x2dc: {  	[tilespmem:$0x192C0] =	vst v7;
	v7 =	vadd.s32 s19, v6  }
0x2dd: {  	s22 =	simm.s32 $0x1;
	v7 =	vadd.s32 v1, v7  }
0x2de: {  	v10 =	vadd.s32 s22, v4;
	v12 =	vld.idx.msk [tilespmem:v8+s26+$0x0], $0xffff  }
0x2df: {  	v13 =	vld.idx.msk [tilespmem:v8+s28+$0x0], $0xffff;
	v8 =	vadd.s32 v1, v10  }
0x2e0: {  	v10 =	vadd.s32 s22, v5;
	v14 =	vld.idx.msk [tilespmem:v9+s30+$0x0], $0xffff  }
0x2e1: {  	v18 =	vadd.s32 v1, v10;
	v16 =	vld.idx.msk [tilespmem:v9+s31+$0x0], $0xffff  }
0x2e2: {  	v9 =	vadd.s32 s22, v6;
	v15 =	vld.idx.msk [tilespmem:v7+s2+$0x0], $0xffff  }
0x2e3: {  	s0 =	simm.s32 $0x2;
	v10 =	vadd.s32 v1, v9;
	v17 =	vld.idx.msk [tilespmem:v7+s13+$0x0], $0xffff  }
0x2e4: {  	v21 =	vadd.s32 s0, v4;
	v9 =	vld.idx.msk [tilespmem:v8+s26+$0x0], $0xffff  }
0x2e5: {  	v8 =	vld.idx.msk [tilespmem:v8+s28+$0x0], $0xffff;
	v19 =	vmul.f32 v14, v12;
	v23 =	vmul.f32 v14, v13;
	v14 =	vadd.s32 v1, v21  }
0x2e6: {  	v11 =	vld.idx.msk [tilespmem:v18+s30+$0x0], $0xffff;
	v20 =	vmul.f32 v16, v13;
	v22 =	vmul.f32 v16, v12;
	v12 =	vadd.s32 s0, v5  }
0x2e7: {  	v13 =	vld.idx.msk [tilespmem:v18+s31+$0x0], $0xffff;
	v16 =	vadd.s32 v1, v12  }
0x2e8: {  	s16 =	simm.s32 $0x3;
	v7 =	vimm.f32 $0.0e+00;
	v12 =	vld.idx.msk [tilespmem:v10+s2+$0x0], $0xffff;
	v18 =	vadd.f32 v20, v19;
	v19 =	vsub.f32 v22, v23  }
.LBB2_30:
0x2e9: {  	v20 =	vadd.s32 s16, v4;
	p0 =	sne.s32 s16, $0x3F;
	v21 =	vadd.s32 s0, v6;
	v22 =	vld.idx.msk [tilespmem:v10+s13+$0x0], $0xffff;
	v23 =	vmov v9;
	s0 =	smov.u32 s16  }
0x2ea: {  	v9 =	vld.idx.msk [tilespmem:v14+s26+$0x0], $0xffff;
	v10 =	vadd.s32 v1, v21;
	v15 =	vmul.f32 v18, v15;
	v17 =	vmul.f32 v19, v17  }
.Ltmp14:
0x2eb: {  	v18 =	vmov v8;
	v19 =	vmov v11;
	v8 =	vld.idx.msk [tilespmem:v14+s28+$0x0], $0xffff;
	v14 =	vadd.s32 v1, v20;
	(pc) =	sbr.rel @p0 .LBB2_30-.Ltmp14, $4  }
0x2ec: {  	v20 =	vmul.f32 v19, v23;
	v21 =	vmul.f32 v13, v18;
	v11 =	vld.idx.msk [tilespmem:v16+s30+$0x0], $0xffff;
	v24 =	vadd.f32 v17, v15  }
0x2ed: {  	v25 =	vadd.s32 s16, v5;
	v23 =	vmul.f32 v13, v23;
	v19 =	vmul.f32 v19, v18;
	v13 =	vld.idx.msk [tilespmem:v16+s31+$0x0], $0xffff  }
0x2ee: {  	v16 =	vadd.s32 v1, v25;
	v7 =	vadd.f32 v24, v7;
	v15 =	vmov v12  }
0x2ef: {  	s16 =	sadd.s32 $0x1, s16;
	v18 =	vadd.f32 v21, v20;
	v19 =	vsub.f32 v23, v19;
	v17 =	vmov v22;
	v12 =	vld.idx.msk [tilespmem:v10+s2+$0x0], $0xffff  }
0x2f0: {  	_ =	sdelay $0x3  }
0x2f1: {  	v4 =	vld.idx.msk [tilespmem:v14+s26+$0x0], $0xffff  }
0x2f2: {  	v5 =	vadd.s32 s0, v6;
	v6 =	vld.idx.msk [tilespmem:v14+s28+$0x0], $0xffff  }
0x2f3: {  	v14 =	vld.idx.msk [tilespmem:v16+s30+$0x0], $0xffff;
	v5 =	vadd.s32 v1, v5  }
0x2f4: {  	v16 =	vld.idx.msk [tilespmem:v16+s31+$0x0], $0xffff;
	_ =	sdelay $0x1  }
0x2f5: {  	v15 =	vmul.f32 v18, v15;
	v17 =	vmul.f32 v19, v17  }
0x2f6: {  	v10 =	vld.idx.msk [tilespmem:v10+s13+$0x0], $0xffff;
	v18 =	vmul.f32 v11, v9;
	v19 =	vmul.f32 v13, v8  }
0x2f7: {  	v9 =	vmul.f32 v13, v9;
	v8 =	vmul.f32 v11, v8;
	v11 =	vld.idx.msk [tilespmem:v5+s2+$0x0], $0xffff  }
0x2f8: {  	v13 =	vadd.f32 v19, v18;
	v18 =	vmul.f32 v14, v4;
	v19 =	vmul.f32 v16, v6;
	v5 =	vld.idx.msk [tilespmem:v5+s13+$0x0], $0xffff  }
0x2f9: {  	v8 =	vsub.f32 v9, v8;
	v4 =	vmul.f32 v16, v4;
	v6 =	vmul.f32 v14, v6  }
0x2fa: {  	v9 =	vadd.f32 v17, v15;
	v12 =	vmul.f32 v13, v12  }
0x2fb: {  	v8 =	vmul.f32 v8, v10;
	v10 =	vadd.f32 v19, v18;
	v6 =	vsub.f32 v4, v6  }
0x2fc: {  	v7 =	vadd.f32 v9, v7;
	v4 =	vld [tilespmem:$0xCE0]  }
0x2fd: {  	v8 =	vadd.f32 v8, v12;
	v9 =	vmul.f32 v10, v11;
	v6 =	vmul.f32 v6, v5  }
0x2fe: {  	v5 =	vld [tilespmem:$0xEE0]  }
0x2ff: {  	v7 =	vadd.f32 v8, v7;
	v8 =	vadd.f32 v6, v9  }
0x300: {  	s19 =	simm.s32 $0x0;
	v6 =	vld [tilespmem:$0x10E0]  }
0x301: {  	v9 =	vadd.s32 s19, v4;
	v7 =	vadd.f32 v8, v7  }
0x302: {  	v8 =	vadd.s32 v2, v9  }
0x303: {  	v9 =	vadd.s32 s19, v5;
	v7 =	vsub.f32 $0.0e+00, v7  }
0x304: {  	v9 =	vadd.s32 v2, v9  }
0x305: {  	[tilespmem:$0x192D0] =	vst v7;
	v7 =	vadd.s32 s19, v6  }
0x306: {  	s22 =	simm.s32 $0x1;
	v7 =	vadd.s32 v2, v7  }
0x307: {  	v10 =	vadd.s32 s22, v4;
	v12 =	vld.idx.msk [tilespmem:v8+s26+$0x0], $0xffff  }
0x308: {  	v13 =	vld.idx.msk [tilespmem:v8+s28+$0x0], $0xffff;
	v8 =	vadd.s32 v2, v10  }
0x309: {  	v10 =	vadd.s32 s22, v5;
	v14 =	vld.idx.msk [tilespmem:v9+s30+$0x0], $0xffff  }
0x30a: {  	v18 =	vadd.s32 v2, v10;
	v16 =	vld.idx.msk [tilespmem:v9+s31+$0x0], $0xffff  }
0x30b: {  	v9 =	vadd.s32 s22, v6;
	v15 =	vld.idx.msk [tilespmem:v7+s2+$0x0], $0xffff  }
0x30c: {  	s0 =	simm.s32 $0x2;
	v10 =	vadd.s32 v2, v9;
	v17 =	vld.idx.msk [tilespmem:v7+s13+$0x0], $0xffff  }
0x30d: {  	v21 =	vadd.s32 s0, v4;
	v9 =	vld.idx.msk [tilespmem:v8+s26+$0x0], $0xffff  }
0x30e: {  	v8 =	vld.idx.msk [tilespmem:v8+s28+$0x0], $0xffff;
	v19 =	vmul.f32 v14, v12;
	v23 =	vmul.f32 v14, v13;
	v14 =	vadd.s32 v2, v21  }
0x30f: {  	v11 =	vld.idx.msk [tilespmem:v18+s30+$0x0], $0xffff;
	v20 =	vmul.f32 v16, v13;
	v22 =	vmul.f32 v16, v12;
	v12 =	vadd.s32 s0, v5  }
0x310: {  	v13 =	vld.idx.msk [tilespmem:v18+s31+$0x0], $0xffff;
	v16 =	vadd.s32 v2, v12  }
0x311: {  	s16 =	simm.s32 $0x3;
	v7 =	vimm.f32 $0.0e+00;
	v12 =	vld.idx.msk [tilespmem:v10+s2+$0x0], $0xffff;
	v18 =	vadd.f32 v20, v19;
	v19 =	vsub.f32 v22, v23  }
.LBB2_32:
0x312: {  	v20 =	vadd.s32 s16, v4;
	p0 =	sne.s32 s16, $0x3F;
	v21 =	vadd.s32 s0, v6;
	v22 =	vld.idx.msk [tilespmem:v10+s13+$0x0], $0xffff;
	v23 =	vmov v9;
	s0 =	smov.u32 s16  }
0x313: {  	v9 =	vld.idx.msk [tilespmem:v14+s26+$0x0], $0xffff;
	v10 =	vadd.s32 v2, v21;
	v15 =	vmul.f32 v18, v15;
	v17 =	vmul.f32 v19, v17  }
.Ltmp15:
0x314: {  	v18 =	vmov v8;
	v19 =	vmov v11;
	v8 =	vld.idx.msk [tilespmem:v14+s28+$0x0], $0xffff;
	v14 =	vadd.s32 v2, v20;
	(pc) =	sbr.rel @p0 .LBB2_32-.Ltmp15, $4  }
0x315: {  	v20 =	vmul.f32 v19, v23;
	v21 =	vmul.f32 v13, v18;
	v11 =	vld.idx.msk [tilespmem:v16+s30+$0x0], $0xffff;
	v24 =	vadd.f32 v17, v15  }
0x316: {  	v25 =	vadd.s32 s16, v5;
	v23 =	vmul.f32 v13, v23;
	v19 =	vmul.f32 v19, v18;
	v13 =	vld.idx.msk [tilespmem:v16+s31+$0x0], $0xffff  }
0x317: {  	v16 =	vadd.s32 v2, v25;
	v7 =	vadd.f32 v24, v7;
	v15 =	vmov v12  }
0x318: {  	s16 =	sadd.s32 $0x1, s16;
	v18 =	vadd.f32 v21, v20;
	v19 =	vsub.f32 v23, v19;
	v17 =	vmov v22;
	v12 =	vld.idx.msk [tilespmem:v10+s2+$0x0], $0xffff  }
0x319: {  	_ =	sdelay $0x3  }
0x31a: {  	v4 =	vld.idx.msk [tilespmem:v14+s26+$0x0], $0xffff  }
0x31b: {  	v5 =	vadd.s32 s0, v6;
	v6 =	vld.idx.msk [tilespmem:v14+s28+$0x0], $0xffff  }
0x31c: {  	v14 =	vld.idx.msk [tilespmem:v16+s30+$0x0], $0xffff;
	v5 =	vadd.s32 v2, v5  }
0x31d: {  	v16 =	vld.idx.msk [tilespmem:v16+s31+$0x0], $0xffff;
	_ =	sdelay $0x1  }
0x31e: {  	v15 =	vmul.f32 v18, v15;
	v17 =	vmul.f32 v19, v17  }
0x31f: {  	v10 =	vld.idx.msk [tilespmem:v10+s13+$0x0], $0xffff;
	v18 =	vmul.f32 v11, v9;
	v19 =	vmul.f32 v13, v8  }
0x320: {  	v9 =	vmul.f32 v13, v9;
	v8 =	vmul.f32 v11, v8;
	v11 =	vld.idx.msk [tilespmem:v5+s2+$0x0], $0xffff  }
0x321: {  	v13 =	vadd.f32 v19, v18;
	v18 =	vmul.f32 v14, v4;
	v19 =	vmul.f32 v16, v6;
	v5 =	vld.idx.msk [tilespmem:v5+s13+$0x0], $0xffff  }
0x322: {  	v8 =	vsub.f32 v9, v8;
	v4 =	vmul.f32 v16, v4;
	v6 =	vmul.f32 v14, v6  }
0x323: {  	v9 =	vadd.f32 v17, v15;
	v12 =	vmul.f32 v13, v12  }
0x324: {  	v8 =	vmul.f32 v8, v10;
	v10 =	vadd.f32 v19, v18;
	v6 =	vsub.f32 v4, v6  }
0x325: {  	v7 =	vadd.f32 v9, v7;
	v4 =	vld [tilespmem:$0xCF0]  }
0x326: {  	v8 =	vadd.f32 v8, v12;
	v9 =	vmul.f32 v10, v11;
	v6 =	vmul.f32 v6, v5  }
0x327: {  	v5 =	vld [tilespmem:$0xEF0]  }
0x328: {  	v7 =	vadd.f32 v8, v7;
	v8 =	vadd.f32 v6, v9  }
0x329: {  	s19 =	simm.s32 $0x0;
	v6 =	vld [tilespmem:$0x10F0]  }
0x32a: {  	v9 =	vadd.s32 s19, v4;
	v7 =	vadd.f32 v8, v7  }
0x32b: {  	v8 =	vadd.s32 v3, v9  }
0x32c: {  	v9 =	vadd.s32 s19, v5;
	v7 =	vsub.f32 $0.0e+00, v7  }
0x32d: {  	v9 =	vadd.s32 v3, v9  }
0x32e: {  	[tilespmem:$0x192E0] =	vst v7;
	v7 =	vadd.s32 s19, v6  }
0x32f: {  	s22 =	simm.s32 $0x1;
	v7 =	vadd.s32 v3, v7  }
0x330: {  	v10 =	vadd.s32 s22, v4;
	v12 =	vld.idx.msk [tilespmem:v8+s26+$0x0], $0xffff  }
0x331: {  	v13 =	vld.idx.msk [tilespmem:v8+s28+$0x0], $0xffff;
	v8 =	vadd.s32 v3, v10  }
0x332: {  	v10 =	vadd.s32 s22, v5;
	v14 =	vld.idx.msk [tilespmem:v9+s30+$0x0], $0xffff  }
0x333: {  	v18 =	vadd.s32 v3, v10;
	v16 =	vld.idx.msk [tilespmem:v9+s31+$0x0], $0xffff  }
0x334: {  	v9 =	vadd.s32 s22, v6;
	v15 =	vld.idx.msk [tilespmem:v7+s2+$0x0], $0xffff  }
0x335: {  	s0 =	simm.s32 $0x2;
	v10 =	vadd.s32 v3, v9;
	v17 =	vld.idx.msk [tilespmem:v7+s13+$0x0], $0xffff  }
0x336: {  	v21 =	vadd.s32 s0, v4;
	v9 =	vld.idx.msk [tilespmem:v8+s26+$0x0], $0xffff  }
0x337: {  	v8 =	vld.idx.msk [tilespmem:v8+s28+$0x0], $0xffff;
	v19 =	vmul.f32 v14, v12;
	v23 =	vmul.f32 v14, v13;
	v14 =	vadd.s32 v3, v21  }
0x338: {  	v11 =	vld.idx.msk [tilespmem:v18+s30+$0x0], $0xffff;
	v20 =	vmul.f32 v16, v13;
	v22 =	vmul.f32 v16, v12;
	v12 =	vadd.s32 s0, v5  }
0x339: {  	v13 =	vld.idx.msk [tilespmem:v18+s31+$0x0], $0xffff;
	v16 =	vadd.s32 v3, v12  }
0x33a: {  	s16 =	simm.s32 $0x3;
	v7 =	vimm.f32 $0.0e+00;
	v12 =	vld.idx.msk [tilespmem:v10+s2+$0x0], $0xffff;
	v18 =	vadd.f32 v20, v19;
	v19 =	vsub.f32 v22, v23  }
.LBB2_34:
0x33b: {  	v20 =	vadd.s32 s16, v4;
	p0 =	sne.s32 s16, $0x3F;
	v21 =	vadd.s32 s0, v6;
	v22 =	vld.idx.msk [tilespmem:v10+s13+$0x0], $0xffff;
	v23 =	vmov v9;
	s0 =	smov.u32 s16  }
0x33c: {  	v9 =	vld.idx.msk [tilespmem:v14+s26+$0x0], $0xffff;
	v10 =	vadd.s32 v3, v21;
	v15 =	vmul.f32 v18, v15;
	v17 =	vmul.f32 v19, v17  }
.Ltmp16:
0x33d: {  	v18 =	vmov v8;
	v19 =	vmov v11;
	v8 =	vld.idx.msk [tilespmem:v14+s28+$0x0], $0xffff;
	v14 =	vadd.s32 v3, v20;
	(pc) =	sbr.rel @p0 .LBB2_34-.Ltmp16, $4  }
0x33e: {  	v20 =	vmul.f32 v19, v23;
	v21 =	vmul.f32 v13, v18;
	v11 =	vld.idx.msk [tilespmem:v16+s30+$0x0], $0xffff;
	v24 =	vadd.f32 v17, v15  }
0x33f: {  	v25 =	vadd.s32 s16, v5;
	v23 =	vmul.f32 v13, v23;
	v19 =	vmul.f32 v19, v18;
	v13 =	vld.idx.msk [tilespmem:v16+s31+$0x0], $0xffff  }
0x340: {  	v16 =	vadd.s32 v3, v25;
	v7 =	vadd.f32 v24, v7;
	v15 =	vmov v12  }
0x341: {  	s16 =	sadd.s32 $0x1, s16;
	v18 =	vadd.f32 v21, v20;
	v19 =	vsub.f32 v23, v19;
	v17 =	vmov v22;
	v12 =	vld.idx.msk [tilespmem:v10+s2+$0x0], $0xffff  }
0x342: {  	_ =	sdelay $0x3  }
0x343: {  	v4 =	vld.idx.msk [tilespmem:v14+s26+$0x0], $0xffff  }
0x344: {  	v5 =	vadd.s32 s0, v6;
	v6 =	vld.idx.msk [tilespmem:v14+s28+$0x0], $0xffff  }
0x345: {  	v14 =	vld.idx.msk [tilespmem:v16+s30+$0x0], $0xffff;
	v5 =	vadd.s32 v3, v5  }
0x346: {  	v16 =	vld.idx.msk [tilespmem:v16+s31+$0x0], $0xffff;
	_ =	sdelay $0x1  }
0x347: {  	v15 =	vmul.f32 v18, v15;
	v17 =	vmul.f32 v19, v17  }
0x348: {  	v10 =	vld.idx.msk [tilespmem:v10+s13+$0x0], $0xffff;
	v18 =	vmul.f32 v11, v9;
	v19 =	vmul.f32 v13, v8  }
0x349: {  	v9 =	vmul.f32 v13, v9;
	v8 =	vmul.f32 v11, v8;
	v11 =	vld.idx.msk [tilespmem:v5+s2+$0x0], $0xffff  }
0x34a: {  	v13 =	vadd.f32 v19, v18;
	v18 =	vmul.f32 v14, v4;
	v19 =	vmul.f32 v16, v6;
	v5 =	vld.idx.msk [tilespmem:v5+s13+$0x0], $0xffff  }
0x34b: {  	v8 =	vsub.f32 v9, v8;
	v4 =	vmul.f32 v16, v4;
	v6 =	vmul.f32 v14, v6  }
0x34c: {  	v9 =	vadd.f32 v17, v15;
	v12 =	vmul.f32 v13, v12  }
0x34d: {  	v8 =	vmul.f32 v8, v10;
	v10 =	vadd.f32 v19, v18;
	v4 =	vsub.f32 v4, v6  }
0x34e: {  	v6 =	vadd.f32 v9, v7  }
0x34f: {  	v7 =	vadd.f32 v8, v12;
	v8 =	vmul.f32 v10, v11;
	v4 =	vmul.f32 v4, v5;
	_ =	sdelay $0x1  }
0x350: {  	v5 =	vadd.f32 v7, v6;
	v4 =	vadd.f32 v4, v8;
	_ =	sdelay $0x1  }
0x351: {  	v4 =	vadd.f32 v4, v5;
	_ =	sdelay $0x1  }
0x352: {  	v4 =	vsub.f32 $0.0e+00, v4;
	_ =	sdelay $0x1  }
0x353: {  	s19 =	simm.s32 $0x740;
	[tilespmem:$0x192F0] =	vst v4  }
0x354: {  	[tilespmem:s26], [sflag:$0x2] =	stream.indirect.gather [hbm4b:s3+s15], $0x80, s19, s15, $0xb8;
	[tilespmem:$0x19400] =	vst v63  }
0x355: {  	_ = 	snop  }
0x356: {  	[tilespmem:s28], [sflag:$0x2] =	stream.indirect.gather [hbm4b:s4+s15], $0x80, s19, s15, $0xb8;
	[tilespmem:$0x19400] =	vst v63  }
0x357: {  	s22 =	simm.s32 $0x940  }
0x358: {  	[tilespmem:s30], [sflag:$0x2] =	stream.indirect.gather [hbm4b:s3+s15], $0x80, s22, s15, $0xb8;
	[tilespmem:$0x19400] =	vst v63  }
0x359: {  	_ = 	snop  }
0x35a: {  	[tilespmem:s31], [sflag:$0x2] =	stream.indirect.gather [hbm4b:s4+s15], $0x80, s22, s15, $0xb8;
	[tilespmem:$0x19400] =	vst v63  }
0x35b: {  	s16 =	simm.s32 $0xB40  }
0x35c: {  	[tilespmem:s2], [sflag:$0x2] =	stream.indirect.gather [hbm4b:s5+s15], $0x80, s16, s15, $0xb8;
	[tilespmem:$0x19400] =	vst v63  }
0x35d: {  	_ = 	snop  }
0x35e: {  	[tilespmem:s13], [sflag:$0x2] =	stream.indirect.gather [hbm4b:s6+s15], $0x80, s16, s15, $0xb8;
	[tilespmem:$0x19400] =	vst v63  }
0x35f: {  	_ =	swait.ge [sflag:s14], $0x2000  }
0x360: {  	[sflag:s14] =	ssyncset.done $0x0  }
0x361: {  	[sflag:s14] =	ssyncadd.s32 $0xFFFFE000  }
0x362: {  	_ =	swait.ge [sflag:s14], $0x2000  }
0x363: {  	[sflag:s14] =	ssyncset.done $0x0  }
0x364: {  	[sflag:s14] =	ssyncadd.s32 $0xFFFFE000  }
0x365: {  	_ =	swait.ge [sflag:s14], $0x2000  }
0x366: {  	[sflag:s14] =	ssyncset.done $0x0  }
0x367: {  	[sflag:s14] =	ssyncadd.s32 $0xFFFFE000  }
0x368: {  	_ =	swait.ge [sflag:s14], $0x2000  }
0x369: {  	[sflag:s14] =	ssyncset.done $0x0  }
0x36a: {  	[sflag:s14] =	ssyncadd.s32 $0xFFFFE000  }
0x36b: {  	_ =	swait.ge [sflag:s14], $0x2000  }
0x36c: {  	[sflag:s14] =	ssyncset.done $0x0  }
0x36d: {  	[sflag:s14] =	ssyncadd.s32 $0xFFFFE000  }
0x36e: {  	_ =	swait.ge [sflag:s14], $0x2000  }
0x36f: {  	[sflag:s14] =	ssyncset.done $0x0  }
0x370: {  	[sflag:s14] =	ssyncadd.s32 $0xFFFFE000  }
0x371: {  	v4 =	vld [tilespmem:$0xD00];
	_ =	sdelay $0x1  }
0x372: {  	v6 =	vld [tilespmem:$0xF00];
	_ =	sdelay $0x1  }
0x373: {  	s19 =	simm.s32 $0x0;
	v5 =	vld [tilespmem:$0x1100]  }
0x374: {  	v7 =	vadd.s32 s19, v4  }
0x375: {  	v7 =	vadd.s32 v0, v7  }
0x376: {  	v8 =	vadd.s32 s19, v6  }
0x377: {  	v8 =	vadd.s32 v0, v8  }
0x378: {  	v9 =	vadd.s32 s19, v5  }
0x379: {  	s22 =	simm.s32 $0x1;
	v9 =	vadd.s32 v0, v9  }
0x37a: {  	v10 =	vadd.s32 s22, v4;
	v12 =	vld.idx.msk [tilespmem:v7+s17+$0x0], $0xffff  }
0x37b: {  	v11 =	vadd.s32 v0, v10;
	v7 =	vld.idx.msk [tilespmem:v7+s18+$0x0], $0xffff  }
0x37c: {  	v10 =	vadd.s32 s22, v6;
	v14 =	vld.idx.msk [tilespmem:v8+s21+$0x0], $0xffff  }
0x37d: {  	v16 =	vadd.s32 v0, v10;
	v13 =	vld.idx.msk [tilespmem:v8+s20+$0x0], $0xffff  }
0x37e: {  	v15 =	vld.idx.msk [tilespmem:v9+s23+$0x0], $0xffff;
	v8 =	vadd.s32 s22, v5  }
0x37f: {  	s0 =	simm.s32 $0x2;
	v17 =	vld.idx.msk [tilespmem:v9+s24+$0x0], $0xffff;
	v10 =	vadd.s32 v0, v8  }
0x380: {  	v20 =	vadd.s32 s0, v4;
	v9 =	vld.idx.msk [tilespmem:v11+s17+$0x0], $0xffff  }
0x381: {  	v8 =	vld.idx.msk [tilespmem:v11+s18+$0x0], $0xffff;
	v19 =	vmul.f32 v14, v7;
	v21 =	vmul.f32 v14, v12;
	v14 =	vadd.s32 v0, v20  }
0x382: {  	v11 =	vld.idx.msk [tilespmem:v16+s20+$0x0], $0xffff;
	v18 =	vmul.f32 v13, v12;
	v22 =	vmul.f32 v13, v7;
	v12 =	vadd.s32 s0, v6  }
0x383: {  	v13 =	vld.idx.msk [tilespmem:v16+s21+$0x0], $0xffff;
	v16 =	vadd.s32 v0, v12  }
0x384: {  	s16 =	simm.s32 $0x3;
	v7 =	vimm.f32 $0.0e+00;
	v12 =	vld.idx.msk [tilespmem:v10+s23+$0x0], $0xffff;
	v18 =	vadd.f32 v19, v18;
	v19 =	vsub.f32 v21, v22  }
.LBB2_36:
0x385: {  	v20 =	vadd.s32 s16, v4;
	p0 =	sne.s32 s16, $0x3F;
	v21 =	vadd.s32 s0, v5;
	v22 =	vld.idx.msk [tilespmem:v10+s24+$0x0], $0xffff;
	v23 =	vmov v9;
	s0 =	smov.u32 s16  }
0x386: {  	v9 =	vld.idx.msk [tilespmem:v14+s17+$0x0], $0xffff;
	v10 =	vadd.s32 v0, v21;
	v15 =	vmul.f32 v18, v15;
	v17 =	vmul.f32 v19, v17  }
.Ltmp17:
0x387: {  	v18 =	vmov v8;
	v19 =	vmov v11;
	v8 =	vld.idx.msk [tilespmem:v14+s18+$0x0], $0xffff;
	v14 =	vadd.s32 v0, v20;
	(pc) =	sbr.rel @p0 .LBB2_36-.Ltmp17, $4  }
0x388: {  	v20 =	vmul.f32 v19, v23;
	v21 =	vmul.f32 v13, v18;
	v11 =	vld.idx.msk [tilespmem:v16+s20+$0x0], $0xffff;
	v24 =	vadd.f32 v17, v15  }
0x389: {  	v25 =	vadd.s32 s16, v6;
	v23 =	vmul.f32 v13, v23;
	v19 =	vmul.f32 v19, v18;
	v13 =	vld.idx.msk [tilespmem:v16+s21+$0x0], $0xffff  }
0x38a: {  	v16 =	vadd.s32 v0, v25;
	v7 =	vadd.f32 v24, v7;
	v15 =	vmov v12  }
0x38b: {  	s16 =	sadd.s32 $0x1, s16;
	v18 =	vadd.f32 v21, v20;
	v19 =	vsub.f32 v23, v19;
	v17 =	vmov v22;
	v12 =	vld.idx.msk [tilespmem:v10+s23+$0x0], $0xffff  }
0x38c: {  	_ =	sdelay $0x3  }
0x38d: {  	v4 =	vld.idx.msk [tilespmem:v14+s17+$0x0], $0xffff  }
0x38e: {  	v5 =	vadd.s32 s0, v5;
	v6 =	vld.idx.msk [tilespmem:v14+s18+$0x0], $0xffff  }
0x38f: {  	v14 =	vld.idx.msk [tilespmem:v16+s20+$0x0], $0xffff;
	v5 =	vadd.s32 v0, v5  }
0x390: {  	v16 =	vld.idx.msk [tilespmem:v16+s21+$0x0], $0xffff;
	_ =	sdelay $0x1  }
0x391: {  	v15 =	vmul.f32 v18, v15;
	v17 =	vmul.f32 v19, v17  }
0x392: {  	v10 =	vld.idx.msk [tilespmem:v10+s24+$0x0], $0xffff;
	v18 =	vmul.f32 v11, v9;
	v19 =	vmul.f32 v13, v8  }
0x393: {  	v9 =	vmul.f32 v13, v9;
	v8 =	vmul.f32 v11, v8;
	v11 =	vld.idx.msk [tilespmem:v5+s23+$0x0], $0xffff  }
0x394: {  	v13 =	vadd.f32 v19, v18;
	v18 =	vmul.f32 v14, v4;
	v19 =	vmul.f32 v16, v6;
	v5 =	vld.idx.msk [tilespmem:v5+s24+$0x0], $0xffff  }
0x395: {  	v8 =	vsub.f32 v9, v8;
	v4 =	vmul.f32 v16, v4;
	v6 =	vmul.f32 v14, v6  }
0x396: {  	v9 =	vadd.f32 v17, v15;
	v12 =	vmul.f32 v13, v12  }
0x397: {  	v8 =	vmul.f32 v8, v10;
	v10 =	vadd.f32 v19, v18;
	v6 =	vsub.f32 v4, v6  }
0x398: {  	v7 =	vadd.f32 v9, v7;
	v4 =	vld [tilespmem:$0xD10]  }
0x399: {  	v8 =	vadd.f32 v8, v12;
	v9 =	vmul.f32 v10, v11;
	v6 =	vmul.f32 v6, v5  }
0x39a: {  	v5 =	vld [tilespmem:$0xF10]  }
0x39b: {  	v7 =	vadd.f32 v8, v7;
	v8 =	vadd.f32 v6, v9  }
0x39c: {  	s19 =	simm.s32 $0x0;
	v6 =	vld [tilespmem:$0x1110]  }
0x39d: {  	v9 =	vadd.s32 s19, v4;
	v7 =	vadd.f32 v8, v7  }
0x39e: {  	v8 =	vadd.s32 v1, v9  }
0x39f: {  	v9 =	vadd.s32 s19, v5;
	v7 =	vsub.f32 $0.0e+00, v7  }
0x3a0: {  	v9 =	vadd.s32 v1, v9  }
0x3a1: {  	[tilespmem:$0x19300] =	vst v7;
	v7 =	vadd.s32 s19, v6  }
0x3a2: {  	s22 =	simm.s32 $0x1;
	v7 =	vadd.s32 v1, v7  }
0x3a3: {  	v10 =	vadd.s32 s22, v4;
	v12 =	vld.idx.msk [tilespmem:v8+s17+$0x0], $0xffff  }
0x3a4: {  	v13 =	vld.idx.msk [tilespmem:v8+s18+$0x0], $0xffff;
	v8 =	vadd.s32 v1, v10  }
0x3a5: {  	v10 =	vadd.s32 s22, v5;
	v14 =	vld.idx.msk [tilespmem:v9+s20+$0x0], $0xffff  }
0x3a6: {  	v18 =	vadd.s32 v1, v10;
	v16 =	vld.idx.msk [tilespmem:v9+s21+$0x0], $0xffff  }
0x3a7: {  	v9 =	vadd.s32 s22, v6;
	v15 =	vld.idx.msk [tilespmem:v7+s23+$0x0], $0xffff  }
0x3a8: {  	s0 =	simm.s32 $0x2;
	v10 =	vadd.s32 v1, v9;
	v17 =	vld.idx.msk [tilespmem:v7+s24+$0x0], $0xffff  }
0x3a9: {  	v21 =	vadd.s32 s0, v4;
	v9 =	vld.idx.msk [tilespmem:v8+s17+$0x0], $0xffff  }
0x3aa: {  	v8 =	vld.idx.msk [tilespmem:v8+s18+$0x0], $0xffff;
	v19 =	vmul.f32 v14, v12;
	v23 =	vmul.f32 v14, v13;
	v14 =	vadd.s32 v1, v21  }
0x3ab: {  	v11 =	vld.idx.msk [tilespmem:v18+s20+$0x0], $0xffff;
	v20 =	vmul.f32 v16, v13;
	v22 =	vmul.f32 v16, v12;
	v12 =	vadd.s32 s0, v5  }
0x3ac: {  	v13 =	vld.idx.msk [tilespmem:v18+s21+$0x0], $0xffff;
	v16 =	vadd.s32 v1, v12  }
0x3ad: {  	s16 =	simm.s32 $0x3;
	v7 =	vimm.f32 $0.0e+00;
	v12 =	vld.idx.msk [tilespmem:v10+s23+$0x0], $0xffff;
	v18 =	vadd.f32 v20, v19;
	v19 =	vsub.f32 v22, v23  }
.LBB2_38:
0x3ae: {  	v20 =	vadd.s32 s16, v4;
	p0 =	sne.s32 s16, $0x3F;
	v21 =	vadd.s32 s0, v6;
	v22 =	vld.idx.msk [tilespmem:v10+s24+$0x0], $0xffff;
	v23 =	vmov v9;
	s0 =	smov.u32 s16  }
0x3af: {  	v9 =	vld.idx.msk [tilespmem:v14+s17+$0x0], $0xffff;
	v10 =	vadd.s32 v1, v21;
	v15 =	vmul.f32 v18, v15;
	v17 =	vmul.f32 v19, v17  }
.Ltmp18:
0x3b0: {  	v18 =	vmov v8;
	v19 =	vmov v11;
	v8 =	vld.idx.msk [tilespmem:v14+s18+$0x0], $0xffff;
	v14 =	vadd.s32 v1, v20;
	(pc) =	sbr.rel @p0 .LBB2_38-.Ltmp18, $4  }
0x3b1: {  	v20 =	vmul.f32 v19, v23;
	v21 =	vmul.f32 v13, v18;
	v11 =	vld.idx.msk [tilespmem:v16+s20+$0x0], $0xffff;
	v24 =	vadd.f32 v17, v15  }
0x3b2: {  	v25 =	vadd.s32 s16, v5;
	v23 =	vmul.f32 v13, v23;
	v19 =	vmul.f32 v19, v18;
	v13 =	vld.idx.msk [tilespmem:v16+s21+$0x0], $0xffff  }
0x3b3: {  	v16 =	vadd.s32 v1, v25;
	v7 =	vadd.f32 v24, v7;
	v15 =	vmov v12  }
0x3b4: {  	s16 =	sadd.s32 $0x1, s16;
	v18 =	vadd.f32 v21, v20;
	v19 =	vsub.f32 v23, v19;
	v17 =	vmov v22;
	v12 =	vld.idx.msk [tilespmem:v10+s23+$0x0], $0xffff  }
0x3b5: {  	_ =	sdelay $0x3  }
0x3b6: {  	v4 =	vld.idx.msk [tilespmem:v14+s17+$0x0], $0xffff  }
0x3b7: {  	v5 =	vadd.s32 s0, v6;
	v6 =	vld.idx.msk [tilespmem:v14+s18+$0x0], $0xffff  }
0x3b8: {  	v14 =	vld.idx.msk [tilespmem:v16+s20+$0x0], $0xffff;
	v5 =	vadd.s32 v1, v5  }
0x3b9: {  	v16 =	vld.idx.msk [tilespmem:v16+s21+$0x0], $0xffff;
	_ =	sdelay $0x1  }
0x3ba: {  	v15 =	vmul.f32 v18, v15;
	v17 =	vmul.f32 v19, v17  }
0x3bb: {  	v10 =	vld.idx.msk [tilespmem:v10+s24+$0x0], $0xffff;
	v18 =	vmul.f32 v11, v9;
	v19 =	vmul.f32 v13, v8  }
0x3bc: {  	v9 =	vmul.f32 v13, v9;
	v8 =	vmul.f32 v11, v8;
	v11 =	vld.idx.msk [tilespmem:v5+s23+$0x0], $0xffff  }
0x3bd: {  	v13 =	vadd.f32 v19, v18;
	v18 =	vmul.f32 v14, v4;
	v19 =	vmul.f32 v16, v6;
	v5 =	vld.idx.msk [tilespmem:v5+s24+$0x0], $0xffff  }
0x3be: {  	v8 =	vsub.f32 v9, v8;
	v4 =	vmul.f32 v16, v4;
	v6 =	vmul.f32 v14, v6  }
0x3bf: {  	v9 =	vadd.f32 v17, v15;
	v12 =	vmul.f32 v13, v12  }
0x3c0: {  	v8 =	vmul.f32 v8, v10;
	v10 =	vadd.f32 v19, v18;
	v6 =	vsub.f32 v4, v6  }
0x3c1: {  	v7 =	vadd.f32 v9, v7;
	v4 =	vld [tilespmem:$0xD20]  }
0x3c2: {  	v8 =	vadd.f32 v8, v12;
	v9 =	vmul.f32 v10, v11;
	v6 =	vmul.f32 v6, v5  }
0x3c3: {  	v5 =	vld [tilespmem:$0xF20]  }
0x3c4: {  	v7 =	vadd.f32 v8, v7;
	v8 =	vadd.f32 v6, v9  }
0x3c5: {  	s19 =	simm.s32 $0x0;
	v6 =	vld [tilespmem:$0x1120]  }
0x3c6: {  	v9 =	vadd.s32 s19, v4;
	v7 =	vadd.f32 v8, v7  }
0x3c7: {  	v8 =	vadd.s32 v2, v9  }
0x3c8: {  	v9 =	vadd.s32 s19, v5;
	v7 =	vsub.f32 $0.0e+00, v7  }
0x3c9: {  	v9 =	vadd.s32 v2, v9  }
0x3ca: {  	[tilespmem:$0x19310] =	vst v7;
	v7 =	vadd.s32 s19, v6  }
0x3cb: {  	s22 =	simm.s32 $0x1;
	v7 =	vadd.s32 v2, v7  }
0x3cc: {  	v10 =	vadd.s32 s22, v4;
	v12 =	vld.idx.msk [tilespmem:v8+s17+$0x0], $0xffff  }
0x3cd: {  	v13 =	vld.idx.msk [tilespmem:v8+s18+$0x0], $0xffff;
	v8 =	vadd.s32 v2, v10  }
0x3ce: {  	v10 =	vadd.s32 s22, v5;
	v14 =	vld.idx.msk [tilespmem:v9+s20+$0x0], $0xffff  }
0x3cf: {  	v18 =	vadd.s32 v2, v10;
	v16 =	vld.idx.msk [tilespmem:v9+s21+$0x0], $0xffff  }
0x3d0: {  	v9 =	vadd.s32 s22, v6;
	v15 =	vld.idx.msk [tilespmem:v7+s23+$0x0], $0xffff  }
0x3d1: {  	s0 =	simm.s32 $0x2;
	v10 =	vadd.s32 v2, v9;
	v17 =	vld.idx.msk [tilespmem:v7+s24+$0x0], $0xffff  }
0x3d2: {  	v21 =	vadd.s32 s0, v4;
	v9 =	vld.idx.msk [tilespmem:v8+s17+$0x0], $0xffff  }
0x3d3: {  	v8 =	vld.idx.msk [tilespmem:v8+s18+$0x0], $0xffff;
	v19 =	vmul.f32 v14, v12;
	v23 =	vmul.f32 v14, v13;
	v14 =	vadd.s32 v2, v21  }
0x3d4: {  	v11 =	vld.idx.msk [tilespmem:v18+s20+$0x0], $0xffff;
	v20 =	vmul.f32 v16, v13;
	v22 =	vmul.f32 v16, v12;
	v12 =	vadd.s32 s0, v5  }
0x3d5: {  	v13 =	vld.idx.msk [tilespmem:v18+s21+$0x0], $0xffff;
	v16 =	vadd.s32 v2, v12  }
0x3d6: {  	s16 =	simm.s32 $0x3;
	v7 =	vimm.f32 $0.0e+00;
	v12 =	vld.idx.msk [tilespmem:v10+s23+$0x0], $0xffff;
	v18 =	vadd.f32 v20, v19;
	v19 =	vsub.f32 v22, v23  }
.LBB2_40:
0x3d7: {  	v20 =	vadd.s32 s16, v4;
	p0 =	sne.s32 s16, $0x3F;
	v21 =	vadd.s32 s0, v6;
	v22 =	vld.idx.msk [tilespmem:v10+s24+$0x0], $0xffff;
	v23 =	vmov v9;
	s0 =	smov.u32 s16  }
0x3d8: {  	v9 =	vld.idx.msk [tilespmem:v14+s17+$0x0], $0xffff;
	v10 =	vadd.s32 v2, v21;
	v15 =	vmul.f32 v18, v15;
	v17 =	vmul.f32 v19, v17  }
.Ltmp19:
0x3d9: {  	v18 =	vmov v8;
	v19 =	vmov v11;
	v8 =	vld.idx.msk [tilespmem:v14+s18+$0x0], $0xffff;
	v14 =	vadd.s32 v2, v20;
	(pc) =	sbr.rel @p0 .LBB2_40-.Ltmp19, $4  }
0x3da: {  	v20 =	vmul.f32 v19, v23;
	v21 =	vmul.f32 v13, v18;
	v11 =	vld.idx.msk [tilespmem:v16+s20+$0x0], $0xffff;
	v24 =	vadd.f32 v17, v15  }
0x3db: {  	v25 =	vadd.s32 s16, v5;
	v23 =	vmul.f32 v13, v23;
	v19 =	vmul.f32 v19, v18;
	v13 =	vld.idx.msk [tilespmem:v16+s21+$0x0], $0xffff  }
0x3dc: {  	v16 =	vadd.s32 v2, v25;
	v7 =	vadd.f32 v24, v7;
	v15 =	vmov v12  }
0x3dd: {  	s16 =	sadd.s32 $0x1, s16;
	v18 =	vadd.f32 v21, v20;
	v19 =	vsub.f32 v23, v19;
	v17 =	vmov v22;
	v12 =	vld.idx.msk [tilespmem:v10+s23+$0x0], $0xffff  }
0x3de: {  	_ =	sdelay $0x3  }
0x3df: {  	v4 =	vld.idx.msk [tilespmem:v14+s17+$0x0], $0xffff  }
0x3e0: {  	v5 =	vadd.s32 s0, v6;
	v6 =	vld.idx.msk [tilespmem:v14+s18+$0x0], $0xffff  }
0x3e1: {  	v14 =	vld.idx.msk [tilespmem:v16+s20+$0x0], $0xffff;
	v5 =	vadd.s32 v2, v5  }
0x3e2: {  	v16 =	vld.idx.msk [tilespmem:v16+s21+$0x0], $0xffff;
	_ =	sdelay $0x1  }
0x3e3: {  	v15 =	vmul.f32 v18, v15;
	v17 =	vmul.f32 v19, v17  }
0x3e4: {  	v10 =	vld.idx.msk [tilespmem:v10+s24+$0x0], $0xffff;
	v18 =	vmul.f32 v11, v9;
	v19 =	vmul.f32 v13, v8  }
0x3e5: {  	v9 =	vmul.f32 v13, v9;
	v8 =	vmul.f32 v11, v8;
	v11 =	vld.idx.msk [tilespmem:v5+s23+$0x0], $0xffff  }
0x3e6: {  	v13 =	vadd.f32 v19, v18;
	v18 =	vmul.f32 v14, v4;
	v19 =	vmul.f32 v16, v6;
	v5 =	vld.idx.msk [tilespmem:v5+s24+$0x0], $0xffff  }
0x3e7: {  	v8 =	vsub.f32 v9, v8;
	v4 =	vmul.f32 v16, v4;
	v6 =	vmul.f32 v14, v6  }
0x3e8: {  	v9 =	vadd.f32 v17, v15;
	v12 =	vmul.f32 v13, v12  }
0x3e9: {  	v8 =	vmul.f32 v8, v10;
	v10 =	vadd.f32 v19, v18;
	v6 =	vsub.f32 v4, v6  }
0x3ea: {  	v7 =	vadd.f32 v9, v7;
	v4 =	vld [tilespmem:$0xD30]  }
0x3eb: {  	v8 =	vadd.f32 v8, v12;
	v9 =	vmul.f32 v10, v11;
	v6 =	vmul.f32 v6, v5  }
0x3ec: {  	v5 =	vld [tilespmem:$0xF30]  }
0x3ed: {  	v7 =	vadd.f32 v8, v7;
	v8 =	vadd.f32 v6, v9  }
0x3ee: {  	s19 =	simm.s32 $0x0;
	v6 =	vld [tilespmem:$0x1130]  }
0x3ef: {  	v9 =	vadd.s32 s19, v4;
	v7 =	vadd.f32 v8, v7  }
0x3f0: {  	v8 =	vadd.s32 v3, v9  }
0x3f1: {  	v9 =	vadd.s32 s19, v5;
	v7 =	vsub.f32 $0.0e+00, v7  }
0x3f2: {  	v9 =	vadd.s32 v3, v9  }
0x3f3: {  	[tilespmem:$0x19320] =	vst v7;
	v7 =	vadd.s32 s19, v6  }
0x3f4: {  	s22 =	simm.s32 $0x1;
	v7 =	vadd.s32 v3, v7  }
0x3f5: {  	v10 =	vadd.s32 s22, v4;
	v12 =	vld.idx.msk [tilespmem:v8+s17+$0x0], $0xffff  }
0x3f6: {  	v13 =	vld.idx.msk [tilespmem:v8+s18+$0x0], $0xffff;
	v8 =	vadd.s32 v3, v10  }
0x3f7: {  	v10 =	vadd.s32 s22, v5;
	v14 =	vld.idx.msk [tilespmem:v9+s20+$0x0], $0xffff  }
0x3f8: {  	v18 =	vadd.s32 v3, v10;
	v16 =	vld.idx.msk [tilespmem:v9+s21+$0x0], $0xffff  }
0x3f9: {  	v9 =	vadd.s32 s22, v6;
	v15 =	vld.idx.msk [tilespmem:v7+s23+$0x0], $0xffff  }
0x3fa: {  	s0 =	simm.s32 $0x2;
	v10 =	vadd.s32 v3, v9;
	v17 =	vld.idx.msk [tilespmem:v7+s24+$0x0], $0xffff  }
0x3fb: {  	v21 =	vadd.s32 s0, v4;
	v9 =	vld.idx.msk [tilespmem:v8+s17+$0x0], $0xffff  }
0x3fc: {  	v8 =	vld.idx.msk [tilespmem:v8+s18+$0x0], $0xffff;
	v19 =	vmul.f32 v14, v12;
	v23 =	vmul.f32 v14, v13;
	v14 =	vadd.s32 v3, v21  }
0x3fd: {  	v11 =	vld.idx.msk [tilespmem:v18+s20+$0x0], $0xffff;
	v20 =	vmul.f32 v16, v13;
	v22 =	vmul.f32 v16, v12;
	v12 =	vadd.s32 s0, v5  }
0x3fe: {  	v13 =	vld.idx.msk [tilespmem:v18+s21+$0x0], $0xffff;
	v16 =	vadd.s32 v3, v12  }
0x3ff: {  	s16 =	simm.s32 $0x3;
	v7 =	vimm.f32 $0.0e+00;
	v12 =	vld.idx.msk [tilespmem:v10+s23+$0x0], $0xffff;
	v18 =	vadd.f32 v20, v19;
	v19 =	vsub.f32 v22, v23  }
.LBB2_42:
0x400: {  	v20 =	vadd.s32 s16, v4;
	p0 =	sne.s32 s16, $0x3F;
	v21 =	vadd.s32 s0, v6;
	v22 =	vld.idx.msk [tilespmem:v10+s24+$0x0], $0xffff;
	v23 =	vmov v9;
	s0 =	smov.u32 s16  }
0x401: {  	v9 =	vld.idx.msk [tilespmem:v14+s17+$0x0], $0xffff;
	v10 =	vadd.s32 v3, v21;
	v15 =	vmul.f32 v18, v15;
	v17 =	vmul.f32 v19, v17  }
.Ltmp20:
0x402: {  	v18 =	vmov v8;
	v19 =	vmov v11;
	v8 =	vld.idx.msk [tilespmem:v14+s18+$0x0], $0xffff;
	v14 =	vadd.s32 v3, v20;
	(pc) =	sbr.rel @p0 .LBB2_42-.Ltmp20, $4  }
0x403: {  	v20 =	vmul.f32 v19, v23;
	v21 =	vmul.f32 v13, v18;
	v11 =	vld.idx.msk [tilespmem:v16+s20+$0x0], $0xffff;
	v24 =	vadd.f32 v17, v15  }
0x404: {  	v25 =	vadd.s32 s16, v5;
	v23 =	vmul.f32 v13, v23;
	v19 =	vmul.f32 v19, v18;
	v13 =	vld.idx.msk [tilespmem:v16+s21+$0x0], $0xffff  }
0x405: {  	v16 =	vadd.s32 v3, v25;
	v7 =	vadd.f32 v24, v7;
	v15 =	vmov v12  }
0x406: {  	s16 =	sadd.s32 $0x1, s16;
	v18 =	vadd.f32 v21, v20;
	v19 =	vsub.f32 v23, v19;
	v17 =	vmov v22;
	v12 =	vld.idx.msk [tilespmem:v10+s23+$0x0], $0xffff  }
0x407: {  	_ =	sdelay $0x3  }
0x408: {  	v4 =	vld.idx.msk [tilespmem:v14+s17+$0x0], $0xffff  }
0x409: {  	v5 =	vadd.s32 s0, v6;
	v6 =	vld.idx.msk [tilespmem:v14+s18+$0x0], $0xffff  }
0x40a: {  	v14 =	vld.idx.msk [tilespmem:v16+s20+$0x0], $0xffff;
	v5 =	vadd.s32 v3, v5  }
0x40b: {  	v16 =	vld.idx.msk [tilespmem:v16+s21+$0x0], $0xffff;
	_ =	sdelay $0x1  }
0x40c: {  	v15 =	vmul.f32 v18, v15;
	v17 =	vmul.f32 v19, v17  }
0x40d: {  	v10 =	vld.idx.msk [tilespmem:v10+s24+$0x0], $0xffff;
	v18 =	vmul.f32 v11, v9;
	v19 =	vmul.f32 v13, v8  }
0x40e: {  	v9 =	vmul.f32 v13, v9;
	v8 =	vmul.f32 v11, v8;
	v11 =	vld.idx.msk [tilespmem:v5+s23+$0x0], $0xffff  }
0x40f: {  	v13 =	vadd.f32 v19, v18;
	v18 =	vmul.f32 v14, v4;
	v19 =	vmul.f32 v16, v6;
	v5 =	vld.idx.msk [tilespmem:v5+s24+$0x0], $0xffff  }
0x410: {  	v8 =	vsub.f32 v9, v8;
	v4 =	vmul.f32 v16, v4;
	v6 =	vmul.f32 v14, v6  }
0x411: {  	v9 =	vadd.f32 v17, v15;
	v12 =	vmul.f32 v13, v12  }
0x412: {  	v8 =	vmul.f32 v8, v10;
	v10 =	vadd.f32 v19, v18;
	v4 =	vsub.f32 v4, v6  }
0x413: {  	v6 =	vadd.f32 v9, v7  }
0x414: {  	v7 =	vadd.f32 v8, v12;
	v8 =	vmul.f32 v10, v11;
	v4 =	vmul.f32 v4, v5;
	_ =	sdelay $0x1  }
0x415: {  	v5 =	vadd.f32 v7, v6;
	v4 =	vadd.f32 v4, v8;
	_ =	sdelay $0x1  }
0x416: {  	v4 =	vadd.f32 v4, v5;
	_ =	sdelay $0x1  }
0x417: {  	v4 =	vsub.f32 $0.0e+00, v4;
	_ =	sdelay $0x1  }
0x418: {  	s19 =	simm.s32 $0x780;
	[tilespmem:$0x19330] =	vst v4  }
0x419: {  	[tilespmem:s17], [sflag:$0x1] =	stream.indirect.gather [hbm4b:s3+s15], $0x80, s19, s15, $0xb8;
	[tilespmem:$0x19400] =	vst v63  }
0x41a: {  	_ = 	snop  }
0x41b: {  	[tilespmem:s18], [sflag:$0x1] =	stream.indirect.gather [hbm4b:s4+s15], $0x80, s19, s15, $0xb8;
	[tilespmem:$0x19400] =	vst v63  }
0x41c: {  	s22 =	simm.s32 $0x980  }
0x41d: {  	[tilespmem:s20], [sflag:$0x1] =	stream.indirect.gather [hbm4b:s3+s15], $0x80, s22, s15, $0xb8;
	[tilespmem:$0x19400] =	vst v63  }
0x41e: {  	_ = 	snop  }
0x41f: {  	[tilespmem:s21], [sflag:$0x1] =	stream.indirect.gather [hbm4b:s4+s15], $0x80, s22, s15, $0xb8;
	[tilespmem:$0x19400] =	vst v63  }
0x420: {  	s16 =	simm.s32 $0xB80  }
0x421: {  	[tilespmem:s23], [sflag:$0x1] =	stream.indirect.gather [hbm4b:s5+s15], $0x80, s16, s15, $0xb8;
	[tilespmem:$0x19400] =	vst v63  }
0x422: {  	_ = 	snop  }
0x423: {  	[tilespmem:s24], [sflag:$0x1] =	stream.indirect.gather [hbm4b:s6+s15], $0x80, s16, s15, $0xb8;
	[tilespmem:$0x19400] =	vst v63  }
0x424: {  	_ =	swait.ge [sflag:s25], $0x2000  }
0x425: {  	[sflag:s25] =	ssyncset.done $0x0  }
0x426: {  	[sflag:s25] =	ssyncadd.s32 $0xFFFFE000  }
0x427: {  	_ =	swait.ge [sflag:s25], $0x2000  }
0x428: {  	[sflag:s25] =	ssyncset.done $0x0  }
0x429: {  	[sflag:s25] =	ssyncadd.s32 $0xFFFFE000  }
0x42a: {  	_ =	swait.ge [sflag:s25], $0x2000  }
0x42b: {  	[sflag:s25] =	ssyncset.done $0x0  }
0x42c: {  	[sflag:s25] =	ssyncadd.s32 $0xFFFFE000  }
0x42d: {  	_ =	swait.ge [sflag:s25], $0x2000  }
0x42e: {  	[sflag:s25] =	ssyncset.done $0x0  }
0x42f: {  	[sflag:s25] =	ssyncadd.s32 $0xFFFFE000  }
0x430: {  	_ =	swait.ge [sflag:s25], $0x2000  }
0x431: {  	[sflag:s25] =	ssyncset.done $0x0  }
0x432: {  	[sflag:s25] =	ssyncadd.s32 $0xFFFFE000  }
0x433: {  	_ =	swait.ge [sflag:s25], $0x2000  }
0x434: {  	[sflag:s25] =	ssyncset.done $0x0  }
0x435: {  	[sflag:s25] =	ssyncadd.s32 $0xFFFFE000  }
0x436: {  	v4 =	vld [tilespmem:$0xD40];
	_ =	sdelay $0x1  }
0x437: {  	v6 =	vld [tilespmem:$0xF40];
	_ =	sdelay $0x1  }
0x438: {  	s19 =	simm.s32 $0x0;
	v5 =	vld [tilespmem:$0x1140]  }
0x439: {  	v7 =	vadd.s32 s19, v4  }
0x43a: {  	v7 =	vadd.s32 v0, v7  }
0x43b: {  	v8 =	vadd.s32 s19, v6  }
0x43c: {  	v8 =	vadd.s32 v0, v8  }
0x43d: {  	v9 =	vadd.s32 s19, v5  }
0x43e: {  	s22 =	simm.s32 $0x1;
	v9 =	vadd.s32 v0, v9  }
0x43f: {  	v10 =	vadd.s32 s22, v4;
	v12 =	vld.idx.msk [tilespmem:v7+s26+$0x0], $0xffff  }
0x440: {  	v11 =	vadd.s32 v0, v10;
	v7 =	vld.idx.msk [tilespmem:v7+s28+$0x0], $0xffff  }
0x441: {  	v10 =	vadd.s32 s22, v6;
	v14 =	vld.idx.msk [tilespmem:v8+s31+$0x0], $0xffff  }
0x442: {  	v16 =	vadd.s32 v0, v10;
	v13 =	vld.idx.msk [tilespmem:v8+s30+$0x0], $0xffff  }
0x443: {  	v15 =	vld.idx.msk [tilespmem:v9+s2+$0x0], $0xffff;
	v8 =	vadd.s32 s22, v5  }
0x444: {  	s0 =	simm.s32 $0x2;
	v17 =	vld.idx.msk [tilespmem:v9+s13+$0x0], $0xffff;
	v10 =	vadd.s32 v0, v8  }
0x445: {  	v20 =	vadd.s32 s0, v4;
	v9 =	vld.idx.msk [tilespmem:v11+s26+$0x0], $0xffff  }
0x446: {  	v8 =	vld.idx.msk [tilespmem:v11+s28+$0x0], $0xffff;
	v19 =	vmul.f32 v14, v7;
	v21 =	vmul.f32 v14, v12;
	v14 =	vadd.s32 v0, v20  }
0x447: {  	v11 =	vld.idx.msk [tilespmem:v16+s30+$0x0], $0xffff;
	v18 =	vmul.f32 v13, v12;
	v22 =	vmul.f32 v13, v7;
	v12 =	vadd.s32 s0, v6  }
0x448: {  	v13 =	vld.idx.msk [tilespmem:v16+s31+$0x0], $0xffff;
	v16 =	vadd.s32 v0, v12  }
0x449: {  	s16 =	simm.s32 $0x3;
	v7 =	vimm.f32 $0.0e+00;
	v12 =	vld.idx.msk [tilespmem:v10+s2+$0x0], $0xffff;
	v18 =	vadd.f32 v19, v18;
	v19 =	vsub.f32 v21, v22  }
.LBB2_44:
0x44a: {  	v20 =	vadd.s32 s16, v4;
	p0 =	sne.s32 s16, $0x3F;
	v21 =	vadd.s32 s0, v5;
	v22 =	vld.idx.msk [tilespmem:v10+s13+$0x0], $0xffff;
	v23 =	vmov v9;
	s0 =	smov.u32 s16  }
0x44b: {  	v9 =	vld.idx.msk [tilespmem:v14+s26+$0x0], $0xffff;
	v10 =	vadd.s32 v0, v21;
	v15 =	vmul.f32 v18, v15;
	v17 =	vmul.f32 v19, v17  }
.Ltmp21:
0x44c: {  	v18 =	vmov v8;
	v19 =	vmov v11;
	v8 =	vld.idx.msk [tilespmem:v14+s28+$0x0], $0xffff;
	v14 =	vadd.s32 v0, v20;
	(pc) =	sbr.rel @p0 .LBB2_44-.Ltmp21, $4  }
0x44d: {  	v20 =	vmul.f32 v19, v23;
	v21 =	vmul.f32 v13, v18;
	v11 =	vld.idx.msk [tilespmem:v16+s30+$0x0], $0xffff;
	v24 =	vadd.f32 v17, v15  }
0x44e: {  	v25 =	vadd.s32 s16, v6;
	v23 =	vmul.f32 v13, v23;
	v19 =	vmul.f32 v19, v18;
	v13 =	vld.idx.msk [tilespmem:v16+s31+$0x0], $0xffff  }
0x44f: {  	v16 =	vadd.s32 v0, v25;
	v7 =	vadd.f32 v24, v7;
	v15 =	vmov v12  }
0x450: {  	s16 =	sadd.s32 $0x1, s16;
	v18 =	vadd.f32 v21, v20;
	v19 =	vsub.f32 v23, v19;
	v17 =	vmov v22;
	v12 =	vld.idx.msk [tilespmem:v10+s2+$0x0], $0xffff  }
0x451: {  	_ =	sdelay $0x3  }
0x452: {  	v4 =	vld.idx.msk [tilespmem:v14+s26+$0x0], $0xffff  }
0x453: {  	v5 =	vadd.s32 s0, v5;
	v6 =	vld.idx.msk [tilespmem:v14+s28+$0x0], $0xffff  }
0x454: {  	v14 =	vld.idx.msk [tilespmem:v16+s30+$0x0], $0xffff;
	v5 =	vadd.s32 v0, v5  }
0x455: {  	v16 =	vld.idx.msk [tilespmem:v16+s31+$0x0], $0xffff;
	_ =	sdelay $0x1  }
0x456: {  	v15 =	vmul.f32 v18, v15;
	v17 =	vmul.f32 v19, v17  }
0x457: {  	v10 =	vld.idx.msk [tilespmem:v10+s13+$0x0], $0xffff;
	v18 =	vmul.f32 v11, v9;
	v19 =	vmul.f32 v13, v8  }
0x458: {  	v9 =	vmul.f32 v13, v9;
	v8 =	vmul.f32 v11, v8;
	v11 =	vld.idx.msk [tilespmem:v5+s2+$0x0], $0xffff  }
0x459: {  	v13 =	vadd.f32 v19, v18;
	v18 =	vmul.f32 v14, v4;
	v19 =	vmul.f32 v16, v6;
	v5 =	vld.idx.msk [tilespmem:v5+s13+$0x0], $0xffff  }
0x45a: {  	v8 =	vsub.f32 v9, v8;
	v4 =	vmul.f32 v16, v4;
	v6 =	vmul.f32 v14, v6  }
0x45b: {  	v9 =	vadd.f32 v17, v15;
	v12 =	vmul.f32 v13, v12  }
0x45c: {  	v8 =	vmul.f32 v8, v10;
	v10 =	vadd.f32 v19, v18;
	v6 =	vsub.f32 v4, v6  }
0x45d: {  	v7 =	vadd.f32 v9, v7;
	v4 =	vld [tilespmem:$0xD50]  }
0x45e: {  	v8 =	vadd.f32 v8, v12;
	v9 =	vmul.f32 v10, v11;
	v6 =	vmul.f32 v6, v5  }
0x45f: {  	v5 =	vld [tilespmem:$0xF50]  }
0x460: {  	v7 =	vadd.f32 v8, v7;
	v8 =	vadd.f32 v6, v9  }
0x461: {  	s19 =	simm.s32 $0x0;
	v6 =	vld [tilespmem:$0x1150]  }
0x462: {  	v9 =	vadd.s32 s19, v4;
	v7 =	vadd.f32 v8, v7  }
0x463: {  	v8 =	vadd.s32 v1, v9  }
0x464: {  	v9 =	vadd.s32 s19, v5;
	v7 =	vsub.f32 $0.0e+00, v7  }
0x465: {  	v9 =	vadd.s32 v1, v9  }
0x466: {  	[tilespmem:$0x19340] =	vst v7;
	v7 =	vadd.s32 s19, v6  }
0x467: {  	s22 =	simm.s32 $0x1;
	v7 =	vadd.s32 v1, v7  }
0x468: {  	v10 =	vadd.s32 s22, v4;
	v12 =	vld.idx.msk [tilespmem:v8+s26+$0x0], $0xffff  }
0x469: {  	v13 =	vld.idx.msk [tilespmem:v8+s28+$0x0], $0xffff;
	v8 =	vadd.s32 v1, v10  }
0x46a: {  	v10 =	vadd.s32 s22, v5;
	v14 =	vld.idx.msk [tilespmem:v9+s30+$0x0], $0xffff  }
0x46b: {  	v18 =	vadd.s32 v1, v10;
	v16 =	vld.idx.msk [tilespmem:v9+s31+$0x0], $0xffff  }
0x46c: {  	v9 =	vadd.s32 s22, v6;
	v15 =	vld.idx.msk [tilespmem:v7+s2+$0x0], $0xffff  }
0x46d: {  	s0 =	simm.s32 $0x2;
	v10 =	vadd.s32 v1, v9;
	v17 =	vld.idx.msk [tilespmem:v7+s13+$0x0], $0xffff  }
0x46e: {  	v21 =	vadd.s32 s0, v4;
	v9 =	vld.idx.msk [tilespmem:v8+s26+$0x0], $0xffff  }
0x46f: {  	v8 =	vld.idx.msk [tilespmem:v8+s28+$0x0], $0xffff;
	v19 =	vmul.f32 v14, v12;
	v23 =	vmul.f32 v14, v13;
	v14 =	vadd.s32 v1, v21  }
0x470: {  	v11 =	vld.idx.msk [tilespmem:v18+s30+$0x0], $0xffff;
	v20 =	vmul.f32 v16, v13;
	v22 =	vmul.f32 v16, v12;
	v12 =	vadd.s32 s0, v5  }
0x471: {  	v13 =	vld.idx.msk [tilespmem:v18+s31+$0x0], $0xffff;
	v16 =	vadd.s32 v1, v12  }
0x472: {  	s16 =	simm.s32 $0x3;
	v7 =	vimm.f32 $0.0e+00;
	v12 =	vld.idx.msk [tilespmem:v10+s2+$0x0], $0xffff;
	v18 =	vadd.f32 v20, v19;
	v19 =	vsub.f32 v22, v23  }
.LBB2_46:
0x473: {  	v20 =	vadd.s32 s16, v4;
	p0 =	sne.s32 s16, $0x3F;
	v21 =	vadd.s32 s0, v6;
	v22 =	vld.idx.msk [tilespmem:v10+s13+$0x0], $0xffff;
	v23 =	vmov v9;
	s0 =	smov.u32 s16  }
0x474: {  	v9 =	vld.idx.msk [tilespmem:v14+s26+$0x0], $0xffff;
	v10 =	vadd.s32 v1, v21;
	v15 =	vmul.f32 v18, v15;
	v17 =	vmul.f32 v19, v17  }
.Ltmp22:
0x475: {  	v18 =	vmov v8;
	v19 =	vmov v11;
	v8 =	vld.idx.msk [tilespmem:v14+s28+$0x0], $0xffff;
	v14 =	vadd.s32 v1, v20;
	(pc) =	sbr.rel @p0 .LBB2_46-.Ltmp22, $4  }
0x476: {  	v20 =	vmul.f32 v19, v23;
	v21 =	vmul.f32 v13, v18;
	v11 =	vld.idx.msk [tilespmem:v16+s30+$0x0], $0xffff;
	v24 =	vadd.f32 v17, v15  }
0x477: {  	v25 =	vadd.s32 s16, v5;
	v23 =	vmul.f32 v13, v23;
	v19 =	vmul.f32 v19, v18;
	v13 =	vld.idx.msk [tilespmem:v16+s31+$0x0], $0xffff  }
0x478: {  	v16 =	vadd.s32 v1, v25;
	v7 =	vadd.f32 v24, v7;
	v15 =	vmov v12  }
0x479: {  	s16 =	sadd.s32 $0x1, s16;
	v18 =	vadd.f32 v21, v20;
	v19 =	vsub.f32 v23, v19;
	v17 =	vmov v22;
	v12 =	vld.idx.msk [tilespmem:v10+s2+$0x0], $0xffff  }
0x47a: {  	_ =	sdelay $0x3  }
0x47b: {  	v4 =	vld.idx.msk [tilespmem:v14+s26+$0x0], $0xffff  }
0x47c: {  	v5 =	vadd.s32 s0, v6;
	v6 =	vld.idx.msk [tilespmem:v14+s28+$0x0], $0xffff  }
0x47d: {  	v14 =	vld.idx.msk [tilespmem:v16+s30+$0x0], $0xffff;
	v5 =	vadd.s32 v1, v5  }
0x47e: {  	v16 =	vld.idx.msk [tilespmem:v16+s31+$0x0], $0xffff;
	_ =	sdelay $0x1  }
0x47f: {  	v15 =	vmul.f32 v18, v15;
	v17 =	vmul.f32 v19, v17  }
0x480: {  	v10 =	vld.idx.msk [tilespmem:v10+s13+$0x0], $0xffff;
	v18 =	vmul.f32 v11, v9;
	v19 =	vmul.f32 v13, v8  }
0x481: {  	v9 =	vmul.f32 v13, v9;
	v8 =	vmul.f32 v11, v8;
	v11 =	vld.idx.msk [tilespmem:v5+s2+$0x0], $0xffff  }
0x482: {  	v13 =	vadd.f32 v19, v18;
	v18 =	vmul.f32 v14, v4;
	v19 =	vmul.f32 v16, v6;
	v5 =	vld.idx.msk [tilespmem:v5+s13+$0x0], $0xffff  }
0x483: {  	v8 =	vsub.f32 v9, v8;
	v4 =	vmul.f32 v16, v4;
	v6 =	vmul.f32 v14, v6  }
0x484: {  	v9 =	vadd.f32 v17, v15;
	v12 =	vmul.f32 v13, v12  }
0x485: {  	v8 =	vmul.f32 v8, v10;
	v10 =	vadd.f32 v19, v18;
	v6 =	vsub.f32 v4, v6  }
0x486: {  	v7 =	vadd.f32 v9, v7;
	v4 =	vld [tilespmem:$0xD60]  }
0x487: {  	v8 =	vadd.f32 v8, v12;
	v9 =	vmul.f32 v10, v11;
	v6 =	vmul.f32 v6, v5  }
0x488: {  	v5 =	vld [tilespmem:$0xF60]  }
0x489: {  	v7 =	vadd.f32 v8, v7;
	v8 =	vadd.f32 v6, v9  }
0x48a: {  	s19 =	simm.s32 $0x0;
	v6 =	vld [tilespmem:$0x1160]  }
0x48b: {  	v9 =	vadd.s32 s19, v4;
	v7 =	vadd.f32 v8, v7  }
0x48c: {  	v8 =	vadd.s32 v2, v9  }
0x48d: {  	v9 =	vadd.s32 s19, v5;
	v7 =	vsub.f32 $0.0e+00, v7  }
0x48e: {  	v9 =	vadd.s32 v2, v9  }
0x48f: {  	[tilespmem:$0x19350] =	vst v7;
	v7 =	vadd.s32 s19, v6  }
0x490: {  	s22 =	simm.s32 $0x1;
	v7 =	vadd.s32 v2, v7  }
0x491: {  	v10 =	vadd.s32 s22, v4;
	v12 =	vld.idx.msk [tilespmem:v8+s26+$0x0], $0xffff  }
0x492: {  	v13 =	vld.idx.msk [tilespmem:v8+s28+$0x0], $0xffff;
	v8 =	vadd.s32 v2, v10  }
0x493: {  	v10 =	vadd.s32 s22, v5;
	v14 =	vld.idx.msk [tilespmem:v9+s30+$0x0], $0xffff  }
0x494: {  	v18 =	vadd.s32 v2, v10;
	v16 =	vld.idx.msk [tilespmem:v9+s31+$0x0], $0xffff  }
0x495: {  	v9 =	vadd.s32 s22, v6;
	v15 =	vld.idx.msk [tilespmem:v7+s2+$0x0], $0xffff  }
0x496: {  	s0 =	simm.s32 $0x2;
	v10 =	vadd.s32 v2, v9;
	v17 =	vld.idx.msk [tilespmem:v7+s13+$0x0], $0xffff  }
0x497: {  	v21 =	vadd.s32 s0, v4;
	v9 =	vld.idx.msk [tilespmem:v8+s26+$0x0], $0xffff  }
0x498: {  	v8 =	vld.idx.msk [tilespmem:v8+s28+$0x0], $0xffff;
	v19 =	vmul.f32 v14, v12;
	v23 =	vmul.f32 v14, v13;
	v14 =	vadd.s32 v2, v21  }
0x499: {  	v11 =	vld.idx.msk [tilespmem:v18+s30+$0x0], $0xffff;
	v20 =	vmul.f32 v16, v13;
	v22 =	vmul.f32 v16, v12;
	v12 =	vadd.s32 s0, v5  }
0x49a: {  	v13 =	vld.idx.msk [tilespmem:v18+s31+$0x0], $0xffff;
	v16 =	vadd.s32 v2, v12  }
0x49b: {  	s16 =	simm.s32 $0x3;
	v7 =	vimm.f32 $0.0e+00;
	v12 =	vld.idx.msk [tilespmem:v10+s2+$0x0], $0xffff;
	v18 =	vadd.f32 v20, v19;
	v19 =	vsub.f32 v22, v23  }
.LBB2_48:
0x49c: {  	v20 =	vadd.s32 s16, v4;
	p0 =	sne.s32 s16, $0x3F;
	v21 =	vadd.s32 s0, v6;
	v22 =	vld.idx.msk [tilespmem:v10+s13+$0x0], $0xffff;
	v23 =	vmov v9;
	s0 =	smov.u32 s16  }
0x49d: {  	v9 =	vld.idx.msk [tilespmem:v14+s26+$0x0], $0xffff;
	v10 =	vadd.s32 v2, v21;
	v15 =	vmul.f32 v18, v15;
	v17 =	vmul.f32 v19, v17  }
.Ltmp23:
0x49e: {  	v18 =	vmov v8;
	v19 =	vmov v11;
	v8 =	vld.idx.msk [tilespmem:v14+s28+$0x0], $0xffff;
	v14 =	vadd.s32 v2, v20;
	(pc) =	sbr.rel @p0 .LBB2_48-.Ltmp23, $4  }
0x49f: {  	v20 =	vmul.f32 v19, v23;
	v21 =	vmul.f32 v13, v18;
	v11 =	vld.idx.msk [tilespmem:v16+s30+$0x0], $0xffff;
	v24 =	vadd.f32 v17, v15  }
0x4a0: {  	v25 =	vadd.s32 s16, v5;
	v23 =	vmul.f32 v13, v23;
	v19 =	vmul.f32 v19, v18;
	v13 =	vld.idx.msk [tilespmem:v16+s31+$0x0], $0xffff  }
0x4a1: {  	v16 =	vadd.s32 v2, v25;
	v7 =	vadd.f32 v24, v7;
	v15 =	vmov v12  }
0x4a2: {  	s16 =	sadd.s32 $0x1, s16;
	v18 =	vadd.f32 v21, v20;
	v19 =	vsub.f32 v23, v19;
	v17 =	vmov v22;
	v12 =	vld.idx.msk [tilespmem:v10+s2+$0x0], $0xffff  }
0x4a3: {  	_ =	sdelay $0x3  }
0x4a4: {  	v4 =	vld.idx.msk [tilespmem:v14+s26+$0x0], $0xffff  }
0x4a5: {  	v5 =	vadd.s32 s0, v6;
	v6 =	vld.idx.msk [tilespmem:v14+s28+$0x0], $0xffff  }
0x4a6: {  	v14 =	vld.idx.msk [tilespmem:v16+s30+$0x0], $0xffff;
	v5 =	vadd.s32 v2, v5  }
0x4a7: {  	v16 =	vld.idx.msk [tilespmem:v16+s31+$0x0], $0xffff;
	_ =	sdelay $0x1  }
0x4a8: {  	v15 =	vmul.f32 v18, v15;
	v17 =	vmul.f32 v19, v17  }
0x4a9: {  	v10 =	vld.idx.msk [tilespmem:v10+s13+$0x0], $0xffff;
	v18 =	vmul.f32 v11, v9;
	v19 =	vmul.f32 v13, v8  }
0x4aa: {  	v9 =	vmul.f32 v13, v9;
	v8 =	vmul.f32 v11, v8;
	v11 =	vld.idx.msk [tilespmem:v5+s2+$0x0], $0xffff  }
0x4ab: {  	v13 =	vadd.f32 v19, v18;
	v18 =	vmul.f32 v14, v4;
	v19 =	vmul.f32 v16, v6;
	v5 =	vld.idx.msk [tilespmem:v5+s13+$0x0], $0xffff  }
0x4ac: {  	v8 =	vsub.f32 v9, v8;
	v4 =	vmul.f32 v16, v4;
	v6 =	vmul.f32 v14, v6  }
0x4ad: {  	v9 =	vadd.f32 v17, v15;
	v12 =	vmul.f32 v13, v12  }
0x4ae: {  	v8 =	vmul.f32 v8, v10;
	v10 =	vadd.f32 v19, v18;
	v6 =	vsub.f32 v4, v6  }
0x4af: {  	v7 =	vadd.f32 v9, v7;
	v4 =	vld [tilespmem:$0xD70]  }
0x4b0: {  	v8 =	vadd.f32 v8, v12;
	v9 =	vmul.f32 v10, v11;
	v6 =	vmul.f32 v6, v5  }
0x4b1: {  	v5 =	vld [tilespmem:$0xF70]  }
0x4b2: {  	v7 =	vadd.f32 v8, v7;
	v8 =	vadd.f32 v6, v9  }
0x4b3: {  	s19 =	simm.s32 $0x0;
	v6 =	vld [tilespmem:$0x1170]  }
0x4b4: {  	v9 =	vadd.s32 s19, v4;
	v7 =	vadd.f32 v8, v7  }
0x4b5: {  	v8 =	vadd.s32 v3, v9  }
0x4b6: {  	v9 =	vadd.s32 s19, v5;
	v7 =	vsub.f32 $0.0e+00, v7  }
0x4b7: {  	v9 =	vadd.s32 v3, v9  }
0x4b8: {  	[tilespmem:$0x19360] =	vst v7;
	v7 =	vadd.s32 s19, v6  }
0x4b9: {  	s22 =	simm.s32 $0x1;
	v7 =	vadd.s32 v3, v7  }
0x4ba: {  	v10 =	vadd.s32 s22, v4;
	v12 =	vld.idx.msk [tilespmem:v8+s26+$0x0], $0xffff  }
0x4bb: {  	v13 =	vld.idx.msk [tilespmem:v8+s28+$0x0], $0xffff;
	v8 =	vadd.s32 v3, v10  }
0x4bc: {  	v10 =	vadd.s32 s22, v5;
	v14 =	vld.idx.msk [tilespmem:v9+s30+$0x0], $0xffff  }
0x4bd: {  	v18 =	vadd.s32 v3, v10;
	v16 =	vld.idx.msk [tilespmem:v9+s31+$0x0], $0xffff  }
0x4be: {  	v9 =	vadd.s32 s22, v6;
	v15 =	vld.idx.msk [tilespmem:v7+s2+$0x0], $0xffff  }
0x4bf: {  	s0 =	simm.s32 $0x2;
	v10 =	vadd.s32 v3, v9;
	v17 =	vld.idx.msk [tilespmem:v7+s13+$0x0], $0xffff  }
0x4c0: {  	v21 =	vadd.s32 s0, v4;
	v9 =	vld.idx.msk [tilespmem:v8+s26+$0x0], $0xffff  }
0x4c1: {  	v8 =	vld.idx.msk [tilespmem:v8+s28+$0x0], $0xffff;
	v19 =	vmul.f32 v14, v12;
	v23 =	vmul.f32 v14, v13;
	v14 =	vadd.s32 v3, v21  }
0x4c2: {  	v11 =	vld.idx.msk [tilespmem:v18+s30+$0x0], $0xffff;
	v20 =	vmul.f32 v16, v13;
	v22 =	vmul.f32 v16, v12;
	v12 =	vadd.s32 s0, v5  }
0x4c3: {  	v13 =	vld.idx.msk [tilespmem:v18+s31+$0x0], $0xffff;
	v16 =	vadd.s32 v3, v12  }
0x4c4: {  	s16 =	simm.s32 $0x3;
	v7 =	vimm.f32 $0.0e+00;
	v12 =	vld.idx.msk [tilespmem:v10+s2+$0x0], $0xffff;
	v18 =	vadd.f32 v20, v19;
	v19 =	vsub.f32 v22, v23  }
.LBB2_50:
0x4c5: {  	v20 =	vadd.s32 s16, v4;
	p0 =	sne.s32 s16, $0x3F;
	v21 =	vadd.s32 s0, v6;
	v22 =	vld.idx.msk [tilespmem:v10+s13+$0x0], $0xffff;
	v23 =	vmov v9;
	s0 =	smov.u32 s16  }
0x4c6: {  	v9 =	vld.idx.msk [tilespmem:v14+s26+$0x0], $0xffff;
	v10 =	vadd.s32 v3, v21;
	v15 =	vmul.f32 v18, v15;
	v17 =	vmul.f32 v19, v17  }
.Ltmp24:
0x4c7: {  	v18 =	vmov v8;
	v19 =	vmov v11;
	v8 =	vld.idx.msk [tilespmem:v14+s28+$0x0], $0xffff;
	v14 =	vadd.s32 v3, v20;
	(pc) =	sbr.rel @p0 .LBB2_50-.Ltmp24, $4  }
0x4c8: {  	v20 =	vmul.f32 v19, v23;
	v21 =	vmul.f32 v13, v18;
	v11 =	vld.idx.msk [tilespmem:v16+s30+$0x0], $0xffff;
	v24 =	vadd.f32 v17, v15  }
0x4c9: {  	v25 =	vadd.s32 s16, v5;
	v23 =	vmul.f32 v13, v23;
	v19 =	vmul.f32 v19, v18;
	v13 =	vld.idx.msk [tilespmem:v16+s31+$0x0], $0xffff  }
0x4ca: {  	v16 =	vadd.s32 v3, v25;
	v7 =	vadd.f32 v24, v7;
	v15 =	vmov v12  }
0x4cb: {  	s16 =	sadd.s32 $0x1, s16;
	v18 =	vadd.f32 v21, v20;
	v19 =	vsub.f32 v23, v19;
	v17 =	vmov v22;
	v12 =	vld.idx.msk [tilespmem:v10+s2+$0x0], $0xffff  }
0x4cc: {  	_ =	sdelay $0x3  }
0x4cd: {  	v4 =	vld.idx.msk [tilespmem:v14+s26+$0x0], $0xffff  }
0x4ce: {  	v5 =	vadd.s32 s0, v6;
	v6 =	vld.idx.msk [tilespmem:v14+s28+$0x0], $0xffff  }
0x4cf: {  	v14 =	vld.idx.msk [tilespmem:v16+s30+$0x0], $0xffff;
	v5 =	vadd.s32 v3, v5  }
0x4d0: {  	v16 =	vld.idx.msk [tilespmem:v16+s31+$0x0], $0xffff;
	_ =	sdelay $0x1  }
0x4d1: {  	v15 =	vmul.f32 v18, v15;
	v17 =	vmul.f32 v19, v17  }
0x4d2: {  	v10 =	vld.idx.msk [tilespmem:v10+s13+$0x0], $0xffff;
	v18 =	vmul.f32 v11, v9;
	v19 =	vmul.f32 v13, v8  }
0x4d3: {  	v9 =	vmul.f32 v13, v9;
	v8 =	vmul.f32 v11, v8;
	v11 =	vld.idx.msk [tilespmem:v5+s2+$0x0], $0xffff  }
0x4d4: {  	v13 =	vadd.f32 v19, v18;
	v18 =	vmul.f32 v14, v4;
	v19 =	vmul.f32 v16, v6;
	v5 =	vld.idx.msk [tilespmem:v5+s13+$0x0], $0xffff  }
0x4d5: {  	v8 =	vsub.f32 v9, v8;
	v4 =	vmul.f32 v16, v4;
	v6 =	vmul.f32 v14, v6  }
0x4d6: {  	v9 =	vadd.f32 v17, v15;
	v12 =	vmul.f32 v13, v12  }
0x4d7: {  	v8 =	vmul.f32 v8, v10;
	v10 =	vadd.f32 v19, v18;
	v4 =	vsub.f32 v4, v6  }
0x4d8: {  	v6 =	vadd.f32 v9, v7  }
0x4d9: {  	v7 =	vadd.f32 v8, v12;
	v8 =	vmul.f32 v10, v11;
	v4 =	vmul.f32 v4, v5;
	_ =	sdelay $0x1  }
0x4da: {  	v5 =	vadd.f32 v7, v6;
	v4 =	vadd.f32 v4, v8;
	_ =	sdelay $0x1  }
0x4db: {  	v4 =	vadd.f32 v4, v5;
	_ =	sdelay $0x1  }
0x4dc: {  	v4 =	vsub.f32 $0.0e+00, v4;
	_ =	sdelay $0x1  }
0x4dd: {  	s19 =	simm.s32 $0x7C0;
	[tilespmem:$0x19370] =	vst v4  }
0x4de: {  	[tilespmem:s26], [sflag:$0x2] =	stream.indirect.gather [hbm4b:s3+s15], $0x80, s19, s15, $0xb8;
	[tilespmem:$0x19400] =	vst v63  }
0x4df: {  	_ = 	snop  }
0x4e0: {  	[tilespmem:s28], [sflag:$0x2] =	stream.indirect.gather [hbm4b:s4+s15], $0x80, s19, s15, $0xb8;
	[tilespmem:$0x19400] =	vst v63  }
0x4e1: {  	s22 =	simm.s32 $0x9C0  }
0x4e2: {  	[tilespmem:s30], [sflag:$0x2] =	stream.indirect.gather [hbm4b:s3+s15], $0x80, s22, s15, $0xb8;
	[tilespmem:$0x19400] =	vst v63  }
0x4e3: {  	_ = 	snop  }
0x4e4: {  	[tilespmem:s31], [sflag:$0x2] =	stream.indirect.gather [hbm4b:s4+s15], $0x80, s22, s15, $0xb8;
	[tilespmem:$0x19400] =	vst v63  }
0x4e5: {  	s16 =	simm.s32 $0xBC0  }
0x4e6: {  	[tilespmem:s2], [sflag:$0x2] =	stream.indirect.gather [hbm4b:s5+s15], $0x80, s16, s15, $0xb8;
	[tilespmem:$0x19400] =	vst v63  }
0x4e7: {  	_ = 	snop  }
0x4e8: {  	[tilespmem:s13], [sflag:$0x2] =	stream.indirect.gather [hbm4b:s6+s15], $0x80, s16, s15, $0xb8;
	[tilespmem:$0x19400] =	vst v63  }
0x4e9: {  	_ =	swait.ge [sflag:s14], $0x2000  }
0x4ea: {  	[sflag:s14] =	ssyncset.done $0x0  }
0x4eb: {  	[sflag:s14] =	ssyncadd.s32 $0xFFFFE000  }
0x4ec: {  	_ =	swait.ge [sflag:s14], $0x2000  }
0x4ed: {  	[sflag:s14] =	ssyncset.done $0x0  }
0x4ee: {  	[sflag:s14] =	ssyncadd.s32 $0xFFFFE000  }
0x4ef: {  	_ =	swait.ge [sflag:s14], $0x2000  }
0x4f0: {  	[sflag:s14] =	ssyncset.done $0x0  }
0x4f1: {  	[sflag:s14] =	ssyncadd.s32 $0xFFFFE000  }
0x4f2: {  	_ =	swait.ge [sflag:s14], $0x2000  }
0x4f3: {  	[sflag:s14] =	ssyncset.done $0x0  }
0x4f4: {  	[sflag:s14] =	ssyncadd.s32 $0xFFFFE000  }
0x4f5: {  	_ =	swait.ge [sflag:s14], $0x2000  }
0x4f6: {  	[sflag:s14] =	ssyncset.done $0x0  }
0x4f7: {  	[sflag:s14] =	ssyncadd.s32 $0xFFFFE000  }
0x4f8: {  	_ =	swait.ge [sflag:s14], $0x2000  }
0x4f9: {  	[sflag:s14] =	ssyncset.done $0x0  }
0x4fa: {  	[sflag:s14] =	ssyncadd.s32 $0xFFFFE000  }
0x4fb: {  	v4 =	vld [tilespmem:$0xD80];
	_ =	sdelay $0x1  }
0x4fc: {  	v6 =	vld [tilespmem:$0xF80];
	_ =	sdelay $0x1  }
0x4fd: {  	s19 =	simm.s32 $0x0;
	v5 =	vld [tilespmem:$0x1180]  }
0x4fe: {  	v7 =	vadd.s32 s19, v4  }
0x4ff: {  	v7 =	vadd.s32 v0, v7  }
0x500: {  	v8 =	vadd.s32 s19, v6  }
0x501: {  	v8 =	vadd.s32 v0, v8  }
0x502: {  	v9 =	vadd.s32 s19, v5  }
0x503: {  	s22 =	simm.s32 $0x1;
	v9 =	vadd.s32 v0, v9  }
0x504: {  	v10 =	vadd.s32 s22, v4;
	v12 =	vld.idx.msk [tilespmem:v7+s17+$0x0], $0xffff  }
0x505: {  	v11 =	vadd.s32 v0, v10;
	v7 =	vld.idx.msk [tilespmem:v7+s18+$0x0], $0xffff  }
0x506: {  	v10 =	vadd.s32 s22, v6;
	v14 =	vld.idx.msk [tilespmem:v8+s21+$0x0], $0xffff  }
0x507: {  	v16 =	vadd.s32 v0, v10;
	v13 =	vld.idx.msk [tilespmem:v8+s20+$0x0], $0xffff  }
0x508: {  	v15 =	vld.idx.msk [tilespmem:v9+s23+$0x0], $0xffff;
	v8 =	vadd.s32 s22, v5  }
0x509: {  	s0 =	simm.s32 $0x2;
	v17 =	vld.idx.msk [tilespmem:v9+s24+$0x0], $0xffff;
	v10 =	vadd.s32 v0, v8  }
0x50a: {  	v20 =	vadd.s32 s0, v4;
	v9 =	vld.idx.msk [tilespmem:v11+s17+$0x0], $0xffff  }
0x50b: {  	v8 =	vld.idx.msk [tilespmem:v11+s18+$0x0], $0xffff;
	v19 =	vmul.f32 v14, v7;
	v21 =	vmul.f32 v14, v12;
	v14 =	vadd.s32 v0, v20  }
0x50c: {  	v11 =	vld.idx.msk [tilespmem:v16+s20+$0x0], $0xffff;
	v18 =	vmul.f32 v13, v12;
	v22 =	vmul.f32 v13, v7;
	v12 =	vadd.s32 s0, v6  }
0x50d: {  	v13 =	vld.idx.msk [tilespmem:v16+s21+$0x0], $0xffff;
	v16 =	vadd.s32 v0, v12  }
0x50e: {  	s16 =	simm.s32 $0x3;
	v7 =	vimm.f32 $0.0e+00;
	v12 =	vld.idx.msk [tilespmem:v10+s23+$0x0], $0xffff;
	v18 =	vadd.f32 v19, v18;
	v19 =	vsub.f32 v21, v22  }
.LBB2_52:
0x50f: {  	v20 =	vadd.s32 s16, v4;
	p0 =	sne.s32 s16, $0x3F;
	v21 =	vadd.s32 s0, v5;
	v22 =	vld.idx.msk [tilespmem:v10+s24+$0x0], $0xffff;
	v23 =	vmov v9;
	s0 =	smov.u32 s16  }
0x510: {  	v9 =	vld.idx.msk [tilespmem:v14+s17+$0x0], $0xffff;
	v10 =	vadd.s32 v0, v21;
	v15 =	vmul.f32 v18, v15;
	v17 =	vmul.f32 v19, v17  }
.Ltmp25:
0x511: {  	v18 =	vmov v8;
	v19 =	vmov v11;
	v8 =	vld.idx.msk [tilespmem:v14+s18+$0x0], $0xffff;
	v14 =	vadd.s32 v0, v20;
	(pc) =	sbr.rel @p0 .LBB2_52-.Ltmp25, $4  }
0x512: {  	v20 =	vmul.f32 v19, v23;
	v21 =	vmul.f32 v13, v18;
	v11 =	vld.idx.msk [tilespmem:v16+s20+$0x0], $0xffff;
	v24 =	vadd.f32 v17, v15  }
0x513: {  	v25 =	vadd.s32 s16, v6;
	v23 =	vmul.f32 v13, v23;
	v19 =	vmul.f32 v19, v18;
	v13 =	vld.idx.msk [tilespmem:v16+s21+$0x0], $0xffff  }
0x514: {  	v16 =	vadd.s32 v0, v25;
	v7 =	vadd.f32 v24, v7;
	v15 =	vmov v12  }
0x515: {  	s16 =	sadd.s32 $0x1, s16;
	v18 =	vadd.f32 v21, v20;
	v19 =	vsub.f32 v23, v19;
	v17 =	vmov v22;
	v12 =	vld.idx.msk [tilespmem:v10+s23+$0x0], $0xffff  }
0x516: {  	_ =	sdelay $0x3  }
0x517: {  	v4 =	vld.idx.msk [tilespmem:v14+s17+$0x0], $0xffff  }
0x518: {  	v5 =	vadd.s32 s0, v5;
	v6 =	vld.idx.msk [tilespmem:v14+s18+$0x0], $0xffff  }
0x519: {  	v14 =	vld.idx.msk [tilespmem:v16+s20+$0x0], $0xffff;
	v5 =	vadd.s32 v0, v5  }
0x51a: {  	v16 =	vld.idx.msk [tilespmem:v16+s21+$0x0], $0xffff;
	_ =	sdelay $0x1  }
0x51b: {  	v15 =	vmul.f32 v18, v15;
	v17 =	vmul.f32 v19, v17  }
0x51c: {  	v10 =	vld.idx.msk [tilespmem:v10+s24+$0x0], $0xffff;
	v18 =	vmul.f32 v11, v9;
	v19 =	vmul.f32 v13, v8  }
0x51d: {  	v9 =	vmul.f32 v13, v9;
	v8 =	vmul.f32 v11, v8;
	v11 =	vld.idx.msk [tilespmem:v5+s23+$0x0], $0xffff  }
0x51e: {  	v13 =	vadd.f32 v19, v18;
	v18 =	vmul.f32 v14, v4;
	v19 =	vmul.f32 v16, v6;
	v5 =	vld.idx.msk [tilespmem:v5+s24+$0x0], $0xffff  }
0x51f: {  	v8 =	vsub.f32 v9, v8;
	v4 =	vmul.f32 v16, v4;
	v6 =	vmul.f32 v14, v6  }
0x520: {  	v9 =	vadd.f32 v17, v15;
	v12 =	vmul.f32 v13, v12  }
0x521: {  	v8 =	vmul.f32 v8, v10;
	v10 =	vadd.f32 v19, v18;
	v6 =	vsub.f32 v4, v6  }
0x522: {  	v7 =	vadd.f32 v9, v7;
	v4 =	vld [tilespmem:$0xD90]  }
0x523: {  	v8 =	vadd.f32 v8, v12;
	v9 =	vmul.f32 v10, v11;
	v6 =	vmul.f32 v6, v5  }
0x524: {  	v5 =	vld [tilespmem:$0xF90]  }
0x525: {  	v7 =	vadd.f32 v8, v7;
	v8 =	vadd.f32 v6, v9  }
0x526: {  	s19 =	simm.s32 $0x0;
	v6 =	vld [tilespmem:$0x1190]  }
0x527: {  	v9 =	vadd.s32 s19, v4;
	v7 =	vadd.f32 v8, v7  }
0x528: {  	v8 =	vadd.s32 v1, v9  }
0x529: {  	v9 =	vadd.s32 s19, v5;
	v7 =	vsub.f32 $0.0e+00, v7  }
0x52a: {  	v9 =	vadd.s32 v1, v9  }
0x52b: {  	[tilespmem:$0x19380] =	vst v7;
	v7 =	vadd.s32 s19, v6  }
0x52c: {  	s22 =	simm.s32 $0x1;
	v7 =	vadd.s32 v1, v7  }
0x52d: {  	v10 =	vadd.s32 s22, v4;
	v12 =	vld.idx.msk [tilespmem:v8+s17+$0x0], $0xffff  }
0x52e: {  	v13 =	vld.idx.msk [tilespmem:v8+s18+$0x0], $0xffff;
	v8 =	vadd.s32 v1, v10  }
0x52f: {  	v10 =	vadd.s32 s22, v5;
	v14 =	vld.idx.msk [tilespmem:v9+s20+$0x0], $0xffff  }
0x530: {  	v18 =	vadd.s32 v1, v10;
	v16 =	vld.idx.msk [tilespmem:v9+s21+$0x0], $0xffff  }
0x531: {  	v9 =	vadd.s32 s22, v6;
	v15 =	vld.idx.msk [tilespmem:v7+s23+$0x0], $0xffff  }
0x532: {  	s0 =	simm.s32 $0x2;
	v10 =	vadd.s32 v1, v9;
	v17 =	vld.idx.msk [tilespmem:v7+s24+$0x0], $0xffff  }
0x533: {  	v21 =	vadd.s32 s0, v4;
	v9 =	vld.idx.msk [tilespmem:v8+s17+$0x0], $0xffff  }
0x534: {  	v8 =	vld.idx.msk [tilespmem:v8+s18+$0x0], $0xffff;
	v19 =	vmul.f32 v14, v12;
	v23 =	vmul.f32 v14, v13;
	v14 =	vadd.s32 v1, v21  }
0x535: {  	v11 =	vld.idx.msk [tilespmem:v18+s20+$0x0], $0xffff;
	v20 =	vmul.f32 v16, v13;
	v22 =	vmul.f32 v16, v12;
	v12 =	vadd.s32 s0, v5  }
0x536: {  	v13 =	vld.idx.msk [tilespmem:v18+s21+$0x0], $0xffff;
	v16 =	vadd.s32 v1, v12  }
0x537: {  	s16 =	simm.s32 $0x3;
	v7 =	vimm.f32 $0.0e+00;
	v12 =	vld.idx.msk [tilespmem:v10+s23+$0x0], $0xffff;
	v18 =	vadd.f32 v20, v19;
	v19 =	vsub.f32 v22, v23  }
.LBB2_54:
0x538: {  	v20 =	vadd.s32 s16, v4;
	p0 =	sne.s32 s16, $0x3F;
	v21 =	vadd.s32 s0, v6;
	v22 =	vld.idx.msk [tilespmem:v10+s24+$0x0], $0xffff;
	v23 =	vmov v9;
	s0 =	smov.u32 s16  }
0x539: {  	v9 =	vld.idx.msk [tilespmem:v14+s17+$0x0], $0xffff;
	v10 =	vadd.s32 v1, v21;
	v15 =	vmul.f32 v18, v15;
	v17 =	vmul.f32 v19, v17  }
.Ltmp26:
0x53a: {  	v18 =	vmov v8;
	v19 =	vmov v11;
	v8 =	vld.idx.msk [tilespmem:v14+s18+$0x0], $0xffff;
	v14 =	vadd.s32 v1, v20;
	(pc) =	sbr.rel @p0 .LBB2_54-.Ltmp26, $4  }
0x53b: {  	v20 =	vmul.f32 v19, v23;
	v21 =	vmul.f32 v13, v18;
	v11 =	vld.idx.msk [tilespmem:v16+s20+$0x0], $0xffff;
	v24 =	vadd.f32 v17, v15  }
0x53c: {  	v25 =	vadd.s32 s16, v5;
	v23 =	vmul.f32 v13, v23;
	v19 =	vmul.f32 v19, v18;
	v13 =	vld.idx.msk [tilespmem:v16+s21+$0x0], $0xffff  }
0x53d: {  	v16 =	vadd.s32 v1, v25;
	v7 =	vadd.f32 v24, v7;
	v15 =	vmov v12  }
0x53e: {  	s16 =	sadd.s32 $0x1, s16;
	v18 =	vadd.f32 v21, v20;
	v19 =	vsub.f32 v23, v19;
	v17 =	vmov v22;
	v12 =	vld.idx.msk [tilespmem:v10+s23+$0x0], $0xffff  }
0x53f: {  	_ =	sdelay $0x3  }
0x540: {  	v4 =	vld.idx.msk [tilespmem:v14+s17+$0x0], $0xffff  }
0x541: {  	v5 =	vadd.s32 s0, v6;
	v6 =	vld.idx.msk [tilespmem:v14+s18+$0x0], $0xffff  }
0x542: {  	v14 =	vld.idx.msk [tilespmem:v16+s20+$0x0], $0xffff;
	v5 =	vadd.s32 v1, v5  }
0x543: {  	v16 =	vld.idx.msk [tilespmem:v16+s21+$0x0], $0xffff;
	_ =	sdelay $0x1  }
0x544: {  	v15 =	vmul.f32 v18, v15;
	v17 =	vmul.f32 v19, v17  }
0x545: {  	v10 =	vld.idx.msk [tilespmem:v10+s24+$0x0], $0xffff;
	v18 =	vmul.f32 v11, v9;
	v19 =	vmul.f32 v13, v8  }
0x546: {  	v9 =	vmul.f32 v13, v9;
	v8 =	vmul.f32 v11, v8;
	v11 =	vld.idx.msk [tilespmem:v5+s23+$0x0], $0xffff  }
0x547: {  	v13 =	vadd.f32 v19, v18;
	v18 =	vmul.f32 v14, v4;
	v19 =	vmul.f32 v16, v6;
	v5 =	vld.idx.msk [tilespmem:v5+s24+$0x0], $0xffff  }
0x548: {  	v8 =	vsub.f32 v9, v8;
	v4 =	vmul.f32 v16, v4;
	v6 =	vmul.f32 v14, v6  }
0x549: {  	v9 =	vadd.f32 v17, v15;
	v12 =	vmul.f32 v13, v12  }
0x54a: {  	v8 =	vmul.f32 v8, v10;
	v10 =	vadd.f32 v19, v18;
	v6 =	vsub.f32 v4, v6  }
0x54b: {  	v7 =	vadd.f32 v9, v7;
	v4 =	vld [tilespmem:$0xDA0]  }
0x54c: {  	v8 =	vadd.f32 v8, v12;
	v9 =	vmul.f32 v10, v11;
	v6 =	vmul.f32 v6, v5  }
0x54d: {  	v5 =	vld [tilespmem:$0xFA0]  }
0x54e: {  	v7 =	vadd.f32 v8, v7;
	v8 =	vadd.f32 v6, v9  }
0x54f: {  	s19 =	simm.s32 $0x0;
	v6 =	vld [tilespmem:$0x11A0]  }
0x550: {  	v9 =	vadd.s32 s19, v4;
	v7 =	vadd.f32 v8, v7  }
0x551: {  	v8 =	vadd.s32 v2, v9  }
0x552: {  	v9 =	vadd.s32 s19, v5;
	v7 =	vsub.f32 $0.0e+00, v7  }
0x553: {  	v9 =	vadd.s32 v2, v9  }
0x554: {  	[tilespmem:$0x19390] =	vst v7;
	v7 =	vadd.s32 s19, v6  }
0x555: {  	s22 =	simm.s32 $0x1;
	v7 =	vadd.s32 v2, v7  }
0x556: {  	v10 =	vadd.s32 s22, v4;
	v12 =	vld.idx.msk [tilespmem:v8+s17+$0x0], $0xffff  }
0x557: {  	v13 =	vld.idx.msk [tilespmem:v8+s18+$0x0], $0xffff;
	v8 =	vadd.s32 v2, v10  }
0x558: {  	v10 =	vadd.s32 s22, v5;
	v14 =	vld.idx.msk [tilespmem:v9+s20+$0x0], $0xffff  }
0x559: {  	v18 =	vadd.s32 v2, v10;
	v16 =	vld.idx.msk [tilespmem:v9+s21+$0x0], $0xffff  }
0x55a: {  	v9 =	vadd.s32 s22, v6;
	v15 =	vld.idx.msk [tilespmem:v7+s23+$0x0], $0xffff  }
0x55b: {  	s0 =	simm.s32 $0x2;
	v10 =	vadd.s32 v2, v9;
	v17 =	vld.idx.msk [tilespmem:v7+s24+$0x0], $0xffff  }
0x55c: {  	v21 =	vadd.s32 s0, v4;
	v9 =	vld.idx.msk [tilespmem:v8+s17+$0x0], $0xffff  }
0x55d: {  	v8 =	vld.idx.msk [tilespmem:v8+s18+$0x0], $0xffff;
	v19 =	vmul.f32 v14, v12;
	v23 =	vmul.f32 v14, v13;
	v14 =	vadd.s32 v2, v21  }
0x55e: {  	v11 =	vld.idx.msk [tilespmem:v18+s20+$0x0], $0xffff;
	v20 =	vmul.f32 v16, v13;
	v22 =	vmul.f32 v16, v12;
	v12 =	vadd.s32 s0, v5  }
0x55f: {  	v13 =	vld.idx.msk [tilespmem:v18+s21+$0x0], $0xffff;
	v16 =	vadd.s32 v2, v12  }
0x560: {  	s16 =	simm.s32 $0x3;
	v7 =	vimm.f32 $0.0e+00;
	v12 =	vld.idx.msk [tilespmem:v10+s23+$0x0], $0xffff;
	v18 =	vadd.f32 v20, v19;
	v19 =	vsub.f32 v22, v23  }
.LBB2_56:
0x561: {  	v20 =	vadd.s32 s16, v4;
	p0 =	sne.s32 s16, $0x3F;
	v21 =	vadd.s32 s0, v6;
	v22 =	vld.idx.msk [tilespmem:v10+s24+$0x0], $0xffff;
	v23 =	vmov v9;
	s0 =	smov.u32 s16  }
0x562: {  	v9 =	vld.idx.msk [tilespmem:v14+s17+$0x0], $0xffff;
	v10 =	vadd.s32 v2, v21;
	v15 =	vmul.f32 v18, v15;
	v17 =	vmul.f32 v19, v17  }
.Ltmp27:
0x563: {  	v18 =	vmov v8;
	v19 =	vmov v11;
	v8 =	vld.idx.msk [tilespmem:v14+s18+$0x0], $0xffff;
	v14 =	vadd.s32 v2, v20;
	(pc) =	sbr.rel @p0 .LBB2_56-.Ltmp27, $4  }
0x564: {  	v20 =	vmul.f32 v19, v23;
	v21 =	vmul.f32 v13, v18;
	v11 =	vld.idx.msk [tilespmem:v16+s20+$0x0], $0xffff;
	v24 =	vadd.f32 v17, v15  }
0x565: {  	v25 =	vadd.s32 s16, v5;
	v23 =	vmul.f32 v13, v23;
	v19 =	vmul.f32 v19, v18;
	v13 =	vld.idx.msk [tilespmem:v16+s21+$0x0], $0xffff  }
0x566: {  	v16 =	vadd.s32 v2, v25;
	v7 =	vadd.f32 v24, v7;
	v15 =	vmov v12  }
0x567: {  	s16 =	sadd.s32 $0x1, s16;
	v18 =	vadd.f32 v21, v20;
	v19 =	vsub.f32 v23, v19;
	v17 =	vmov v22;
	v12 =	vld.idx.msk [tilespmem:v10+s23+$0x0], $0xffff  }
0x568: {  	_ =	sdelay $0x3  }
0x569: {  	v4 =	vld.idx.msk [tilespmem:v14+s17+$0x0], $0xffff  }
0x56a: {  	v5 =	vadd.s32 s0, v6;
	v6 =	vld.idx.msk [tilespmem:v14+s18+$0x0], $0xffff  }
0x56b: {  	v14 =	vld.idx.msk [tilespmem:v16+s20+$0x0], $0xffff;
	v5 =	vadd.s32 v2, v5  }
0x56c: {  	v16 =	vld.idx.msk [tilespmem:v16+s21+$0x0], $0xffff;
	_ =	sdelay $0x1  }
0x56d: {  	v15 =	vmul.f32 v18, v15;
	v17 =	vmul.f32 v19, v17  }
0x56e: {  	v10 =	vld.idx.msk [tilespmem:v10+s24+$0x0], $0xffff;
	v18 =	vmul.f32 v11, v9;
	v19 =	vmul.f32 v13, v8  }
0x56f: {  	v9 =	vmul.f32 v13, v9;
	v8 =	vmul.f32 v11, v8;
	v11 =	vld.idx.msk [tilespmem:v5+s23+$0x0], $0xffff  }
0x570: {  	v13 =	vadd.f32 v19, v18;
	v18 =	vmul.f32 v14, v4;
	v19 =	vmul.f32 v16, v6;
	v5 =	vld.idx.msk [tilespmem:v5+s24+$0x0], $0xffff  }
0x571: {  	v8 =	vsub.f32 v9, v8;
	v4 =	vmul.f32 v16, v4;
	v6 =	vmul.f32 v14, v6  }
0x572: {  	v9 =	vadd.f32 v17, v15;
	v12 =	vmul.f32 v13, v12  }
0x573: {  	v8 =	vmul.f32 v8, v10;
	v10 =	vadd.f32 v19, v18;
	v6 =	vsub.f32 v4, v6  }
0x574: {  	v7 =	vadd.f32 v9, v7;
	v4 =	vld [tilespmem:$0xDB0]  }
0x575: {  	v8 =	vadd.f32 v8, v12;
	v9 =	vmul.f32 v10, v11;
	v6 =	vmul.f32 v6, v5  }
0x576: {  	v5 =	vld [tilespmem:$0xFB0]  }
0x577: {  	v7 =	vadd.f32 v8, v7;
	v8 =	vadd.f32 v6, v9  }
0x578: {  	s19 =	simm.s32 $0x0;
	v6 =	vld [tilespmem:$0x11B0]  }
0x579: {  	v9 =	vadd.s32 s19, v4;
	v7 =	vadd.f32 v8, v7  }
0x57a: {  	v8 =	vadd.s32 v3, v9  }
0x57b: {  	v9 =	vadd.s32 s19, v5;
	v7 =	vsub.f32 $0.0e+00, v7  }
0x57c: {  	v9 =	vadd.s32 v3, v9  }
0x57d: {  	[tilespmem:$0x193A0] =	vst v7;
	v7 =	vadd.s32 s19, v6  }
0x57e: {  	s22 =	simm.s32 $0x1;
	v7 =	vadd.s32 v3, v7  }
0x57f: {  	v10 =	vadd.s32 s22, v4;
	v12 =	vld.idx.msk [tilespmem:v8+s17+$0x0], $0xffff  }
0x580: {  	v13 =	vld.idx.msk [tilespmem:v8+s18+$0x0], $0xffff;
	v8 =	vadd.s32 v3, v10  }
0x581: {  	v10 =	vadd.s32 s22, v5;
	v14 =	vld.idx.msk [tilespmem:v9+s20+$0x0], $0xffff  }
0x582: {  	v18 =	vadd.s32 v3, v10;
	v16 =	vld.idx.msk [tilespmem:v9+s21+$0x0], $0xffff  }
0x583: {  	v9 =	vadd.s32 s22, v6;
	v15 =	vld.idx.msk [tilespmem:v7+s23+$0x0], $0xffff  }
0x584: {  	s0 =	simm.s32 $0x2;
	v10 =	vadd.s32 v3, v9;
	v17 =	vld.idx.msk [tilespmem:v7+s24+$0x0], $0xffff  }
0x585: {  	v21 =	vadd.s32 s0, v4;
	v9 =	vld.idx.msk [tilespmem:v8+s17+$0x0], $0xffff  }
0x586: {  	v8 =	vld.idx.msk [tilespmem:v8+s18+$0x0], $0xffff;
	v19 =	vmul.f32 v14, v12;
	v23 =	vmul.f32 v14, v13;
	v14 =	vadd.s32 v3, v21  }
0x587: {  	v11 =	vld.idx.msk [tilespmem:v18+s20+$0x0], $0xffff;
	v20 =	vmul.f32 v16, v13;
	v22 =	vmul.f32 v16, v12;
	v12 =	vadd.s32 s0, v5  }
0x588: {  	v13 =	vld.idx.msk [tilespmem:v18+s21+$0x0], $0xffff;
	v16 =	vadd.s32 v3, v12  }
0x589: {  	s16 =	simm.s32 $0x3;
	v7 =	vimm.f32 $0.0e+00;
	v12 =	vld.idx.msk [tilespmem:v10+s23+$0x0], $0xffff;
	v18 =	vadd.f32 v20, v19;
	v19 =	vsub.f32 v22, v23  }
.LBB2_58:
0x58a: {  	v20 =	vadd.s32 s16, v4;
	p0 =	sne.s32 s16, $0x3F;
	v21 =	vadd.s32 s0, v6;
	v22 =	vld.idx.msk [tilespmem:v10+s24+$0x0], $0xffff;
	v23 =	vmov v9;
	s0 =	smov.u32 s16  }
0x58b: {  	v9 =	vld.idx.msk [tilespmem:v14+s17+$0x0], $0xffff;
	v10 =	vadd.s32 v3, v21;
	v15 =	vmul.f32 v18, v15;
	v17 =	vmul.f32 v19, v17  }
.Ltmp28:
0x58c: {  	v18 =	vmov v8;
	v19 =	vmov v11;
	v8 =	vld.idx.msk [tilespmem:v14+s18+$0x0], $0xffff;
	v14 =	vadd.s32 v3, v20;
	(pc) =	sbr.rel @p0 .LBB2_58-.Ltmp28, $4  }
0x58d: {  	v20 =	vmul.f32 v19, v23;
	v21 =	vmul.f32 v13, v18;
	v11 =	vld.idx.msk [tilespmem:v16+s20+$0x0], $0xffff;
	v24 =	vadd.f32 v17, v15  }
0x58e: {  	v25 =	vadd.s32 s16, v5;
	v23 =	vmul.f32 v13, v23;
	v19 =	vmul.f32 v19, v18;
	v13 =	vld.idx.msk [tilespmem:v16+s21+$0x0], $0xffff  }
0x58f: {  	v16 =	vadd.s32 v3, v25;
	v7 =	vadd.f32 v24, v7;
	v15 =	vmov v12  }
0x590: {  	s16 =	sadd.s32 $0x1, s16;
	v18 =	vadd.f32 v21, v20;
	v19 =	vsub.f32 v23, v19;
	v17 =	vmov v22;
	v12 =	vld.idx.msk [tilespmem:v10+s23+$0x0], $0xffff  }
0x591: {  	_ =	sdelay $0x3  }
0x592: {  	v4 =	vld.idx.msk [tilespmem:v14+s17+$0x0], $0xffff  }
0x593: {  	v5 =	vadd.s32 s0, v6;
	v6 =	vld.idx.msk [tilespmem:v14+s18+$0x0], $0xffff  }
0x594: {  	v14 =	vld.idx.msk [tilespmem:v16+s20+$0x0], $0xffff;
	v5 =	vadd.s32 v3, v5  }
0x595: {  	v16 =	vld.idx.msk [tilespmem:v16+s21+$0x0], $0xffff;
	_ =	sdelay $0x1  }
0x596: {  	v15 =	vmul.f32 v18, v15;
	v17 =	vmul.f32 v19, v17  }
0x597: {  	v10 =	vld.idx.msk [tilespmem:v10+s24+$0x0], $0xffff;
	v18 =	vmul.f32 v11, v9;
	v19 =	vmul.f32 v13, v8  }
0x598: {  	v9 =	vmul.f32 v13, v9;
	v8 =	vmul.f32 v11, v8;
	v11 =	vld.idx.msk [tilespmem:v5+s23+$0x0], $0xffff  }
0x599: {  	v13 =	vadd.f32 v19, v18;
	v18 =	vmul.f32 v14, v4;
	v19 =	vmul.f32 v16, v6;
	v5 =	vld.idx.msk [tilespmem:v5+s24+$0x0], $0xffff  }
0x59a: {  	v8 =	vsub.f32 v9, v8;
	v4 =	vmul.f32 v16, v4;
	v6 =	vmul.f32 v14, v6  }
0x59b: {  	v9 =	vadd.f32 v17, v15;
	v12 =	vmul.f32 v13, v12  }
0x59c: {  	v8 =	vmul.f32 v8, v10;
	v10 =	vadd.f32 v19, v18;
	v4 =	vsub.f32 v4, v6  }
0x59d: {  	v6 =	vadd.f32 v9, v7  }
0x59e: {  	v7 =	vadd.f32 v8, v12;
	v8 =	vmul.f32 v10, v11;
	v4 =	vmul.f32 v4, v5;
	_ =	sdelay $0x1  }
0x59f: {  	v5 =	vadd.f32 v7, v6;
	v4 =	vadd.f32 v4, v8;
	_ =	sdelay $0x1  }
0x5a0: {  	v4 =	vadd.f32 v4, v5;
	_ =	sdelay $0x1  }
0x5a1: {  	v4 =	vsub.f32 $0.0e+00, v4;
	_ =	sdelay $0x1  }
0x5a2: {  	[tilespmem:$0x193B0] =	vst v4  }
0x5a3: {  	_ =	swait.ge [sflag:s25], $0x2000  }
0x5a4: {  	[sflag:s25] =	ssyncset.done $0x0  }
0x5a5: {  	[sflag:s25] =	ssyncadd.s32 $0xFFFFE000  }
0x5a6: {  	_ =	swait.ge [sflag:s25], $0x2000  }
0x5a7: {  	[sflag:s25] =	ssyncset.done $0x0  }
0x5a8: {  	[sflag:s25] =	ssyncadd.s32 $0xFFFFE000  }
0x5a9: {  	_ =	swait.ge [sflag:s25], $0x2000  }
0x5aa: {  	[sflag:s25] =	ssyncset.done $0x0  }
0x5ab: {  	[sflag:s25] =	ssyncadd.s32 $0xFFFFE000  }
0x5ac: {  	_ =	swait.ge [sflag:s25], $0x2000  }
0x5ad: {  	[sflag:s25] =	ssyncset.done $0x0  }
0x5ae: {  	[sflag:s25] =	ssyncadd.s32 $0xFFFFE000  }
0x5af: {  	_ =	swait.ge [sflag:s25], $0x2000  }
0x5b0: {  	[sflag:s25] =	ssyncset.done $0x0  }
0x5b1: {  	[sflag:s25] =	ssyncadd.s32 $0xFFFFE000  }
0x5b2: {  	_ =	swait.ge [sflag:s25], $0x2000  }
0x5b3: {  	[sflag:s25] =	ssyncset.done $0x0  }
0x5b4: {  	[sflag:s25] =	ssyncadd.s32 $0xFFFFE000  }
0x5b5: {  	v4 =	vld [tilespmem:$0xDC0];
	_ =	sdelay $0x1  }
0x5b6: {  	v6 =	vld [tilespmem:$0xFC0];
	_ =	sdelay $0x1  }
0x5b7: {  	s19 =	simm.s32 $0x0;
	v5 =	vld [tilespmem:$0x11C0]  }
0x5b8: {  	v7 =	vadd.s32 s19, v4  }
0x5b9: {  	v7 =	vadd.s32 v0, v7  }
0x5ba: {  	v8 =	vadd.s32 s19, v6  }
0x5bb: {  	v8 =	vadd.s32 v0, v8  }
0x5bc: {  	v9 =	vadd.s32 s19, v5  }
0x5bd: {  	s22 =	simm.s32 $0x1;
	v9 =	vadd.s32 v0, v9  }
0x5be: {  	v10 =	vadd.s32 s22, v4;
	v12 =	vld.idx.msk [tilespmem:v7+s26+$0x0], $0xffff  }
0x5bf: {  	v11 =	vadd.s32 v0, v10;
	v7 =	vld.idx.msk [tilespmem:v7+s28+$0x0], $0xffff  }
0x5c0: {  	v10 =	vadd.s32 s22, v6;
	v14 =	vld.idx.msk [tilespmem:v8+s31+$0x0], $0xffff  }
0x5c1: {  	v16 =	vadd.s32 v0, v10;
	v13 =	vld.idx.msk [tilespmem:v8+s30+$0x0], $0xffff  }
0x5c2: {  	v15 =	vld.idx.msk [tilespmem:v9+s2+$0x0], $0xffff;
	v8 =	vadd.s32 s22, v5  }
0x5c3: {  	s0 =	simm.s32 $0x2;
	v17 =	vld.idx.msk [tilespmem:v9+s13+$0x0], $0xffff;
	v10 =	vadd.s32 v0, v8  }
0x5c4: {  	v20 =	vadd.s32 s0, v4;
	v9 =	vld.idx.msk [tilespmem:v11+s26+$0x0], $0xffff  }
0x5c5: {  	v8 =	vld.idx.msk [tilespmem:v11+s28+$0x0], $0xffff;
	v19 =	vmul.f32 v14, v7;
	v21 =	vmul.f32 v14, v12;
	v14 =	vadd.s32 v0, v20  }
0x5c6: {  	v11 =	vld.idx.msk [tilespmem:v16+s30+$0x0], $0xffff;
	v18 =	vmul.f32 v13, v12;
	v22 =	vmul.f32 v13, v7;
	v12 =	vadd.s32 s0, v6  }
0x5c7: {  	v13 =	vld.idx.msk [tilespmem:v16+s31+$0x0], $0xffff;
	v16 =	vadd.s32 v0, v12  }
0x5c8: {  	s16 =	simm.s32 $0x3;
	v7 =	vimm.f32 $0.0e+00;
	v12 =	vld.idx.msk [tilespmem:v10+s2+$0x0], $0xffff;
	v18 =	vadd.f32 v19, v18;
	v19 =	vsub.f32 v21, v22  }
.LBB2_60:
0x5c9: {  	v20 =	vadd.s32 s16, v4;
	p0 =	sne.s32 s16, $0x3F;
	v21 =	vadd.s32 s0, v5;
	v22 =	vld.idx.msk [tilespmem:v10+s13+$0x0], $0xffff;
	v23 =	vmov v9;
	s0 =	smov.u32 s16  }
0x5ca: {  	v9 =	vld.idx.msk [tilespmem:v14+s26+$0x0], $0xffff;
	v10 =	vadd.s32 v0, v21;
	v15 =	vmul.f32 v18, v15;
	v17 =	vmul.f32 v19, v17  }
.Ltmp29:
0x5cb: {  	v18 =	vmov v8;
	v19 =	vmov v11;
	v8 =	vld.idx.msk [tilespmem:v14+s28+$0x0], $0xffff;
	v14 =	vadd.s32 v0, v20;
	(pc) =	sbr.rel @p0 .LBB2_60-.Ltmp29, $4  }
0x5cc: {  	v20 =	vmul.f32 v19, v23;
	v21 =	vmul.f32 v13, v18;
	v11 =	vld.idx.msk [tilespmem:v16+s30+$0x0], $0xffff;
	v24 =	vadd.f32 v17, v15  }
0x5cd: {  	v25 =	vadd.s32 s16, v6;
	v23 =	vmul.f32 v13, v23;
	v19 =	vmul.f32 v19, v18;
	v13 =	vld.idx.msk [tilespmem:v16+s31+$0x0], $0xffff  }
0x5ce: {  	v16 =	vadd.s32 v0, v25;
	v7 =	vadd.f32 v24, v7;
	v15 =	vmov v12  }
0x5cf: {  	s16 =	sadd.s32 $0x1, s16;
	v18 =	vadd.f32 v21, v20;
	v19 =	vsub.f32 v23, v19;
	v17 =	vmov v22;
	v12 =	vld.idx.msk [tilespmem:v10+s2+$0x0], $0xffff  }
0x5d0: {  	_ =	sdelay $0x3  }
0x5d1: {  	v4 =	vld.idx.msk [tilespmem:v14+s26+$0x0], $0xffff  }
0x5d2: {  	v5 =	vadd.s32 s0, v5;
	v6 =	vld.idx.msk [tilespmem:v14+s28+$0x0], $0xffff  }
0x5d3: {  	v14 =	vld.idx.msk [tilespmem:v16+s30+$0x0], $0xffff;
	v5 =	vadd.s32 v0, v5  }
0x5d4: {  	v16 =	vld.idx.msk [tilespmem:v16+s31+$0x0], $0xffff;
	_ =	sdelay $0x1  }
0x5d5: {  	v15 =	vmul.f32 v18, v15;
	v17 =	vmul.f32 v19, v17  }
0x5d6: {  	v10 =	vld.idx.msk [tilespmem:v10+s13+$0x0], $0xffff;
	v18 =	vmul.f32 v11, v9;
	v19 =	vmul.f32 v13, v8  }
0x5d7: {  	v9 =	vmul.f32 v13, v9;
	v8 =	vmul.f32 v11, v8;
	v11 =	vld.idx.msk [tilespmem:v5+s2+$0x0], $0xffff  }
0x5d8: {  	v13 =	vadd.f32 v19, v18;
	v18 =	vmul.f32 v14, v4;
	v19 =	vmul.f32 v16, v6;
	v5 =	vld.idx.msk [tilespmem:v5+s13+$0x0], $0xffff  }
0x5d9: {  	v8 =	vsub.f32 v9, v8;
	v4 =	vmul.f32 v16, v4;
	v6 =	vmul.f32 v14, v6  }
0x5da: {  	v9 =	vadd.f32 v17, v15;
	v12 =	vmul.f32 v13, v12  }
0x5db: {  	v8 =	vmul.f32 v8, v10;
	v10 =	vadd.f32 v19, v18;
	v6 =	vsub.f32 v4, v6  }
0x5dc: {  	v7 =	vadd.f32 v9, v7;
	v4 =	vld [tilespmem:$0xDD0]  }
0x5dd: {  	v8 =	vadd.f32 v8, v12;
	v9 =	vmul.f32 v10, v11;
	v6 =	vmul.f32 v6, v5  }
0x5de: {  	v5 =	vld [tilespmem:$0xFD0]  }
0x5df: {  	v7 =	vadd.f32 v8, v7;
	v8 =	vadd.f32 v6, v9  }
0x5e0: {  	s19 =	simm.s32 $0x0;
	v6 =	vld [tilespmem:$0x11D0]  }
0x5e1: {  	v9 =	vadd.s32 s19, v4;
	v7 =	vadd.f32 v8, v7  }
0x5e2: {  	v8 =	vadd.s32 v1, v9  }
0x5e3: {  	v9 =	vadd.s32 s19, v5;
	v7 =	vsub.f32 $0.0e+00, v7  }
0x5e4: {  	v9 =	vadd.s32 v1, v9  }
0x5e5: {  	[tilespmem:$0x193C0] =	vst v7;
	v7 =	vadd.s32 s19, v6  }
0x5e6: {  	s22 =	simm.s32 $0x1;
	v7 =	vadd.s32 v1, v7  }
0x5e7: {  	v10 =	vadd.s32 s22, v4;
	v12 =	vld.idx.msk [tilespmem:v8+s26+$0x0], $0xffff  }
0x5e8: {  	v13 =	vld.idx.msk [tilespmem:v8+s28+$0x0], $0xffff;
	v8 =	vadd.s32 v1, v10  }
0x5e9: {  	v10 =	vadd.s32 s22, v5;
	v14 =	vld.idx.msk [tilespmem:v9+s30+$0x0], $0xffff  }
0x5ea: {  	v18 =	vadd.s32 v1, v10;
	v16 =	vld.idx.msk [tilespmem:v9+s31+$0x0], $0xffff  }
0x5eb: {  	v9 =	vadd.s32 s22, v6;
	v15 =	vld.idx.msk [tilespmem:v7+s2+$0x0], $0xffff  }
0x5ec: {  	s0 =	simm.s32 $0x2;
	v10 =	vadd.s32 v1, v9;
	v17 =	vld.idx.msk [tilespmem:v7+s13+$0x0], $0xffff  }
0x5ed: {  	v21 =	vadd.s32 s0, v4;
	v9 =	vld.idx.msk [tilespmem:v8+s26+$0x0], $0xffff  }
0x5ee: {  	v8 =	vld.idx.msk [tilespmem:v8+s28+$0x0], $0xffff;
	v19 =	vmul.f32 v14, v12;
	v23 =	vmul.f32 v14, v13;
	v14 =	vadd.s32 v1, v21  }
0x5ef: {  	v11 =	vld.idx.msk [tilespmem:v18+s30+$0x0], $0xffff;
	v20 =	vmul.f32 v16, v13;
	v22 =	vmul.f32 v16, v12;
	v12 =	vadd.s32 s0, v5  }
0x5f0: {  	v13 =	vld.idx.msk [tilespmem:v18+s31+$0x0], $0xffff;
	v16 =	vadd.s32 v1, v12  }
0x5f1: {  	s16 =	simm.s32 $0x3;
	v7 =	vimm.f32 $0.0e+00;
	v12 =	vld.idx.msk [tilespmem:v10+s2+$0x0], $0xffff;
	v18 =	vadd.f32 v20, v19;
	v19 =	vsub.f32 v22, v23  }
.LBB2_62:
0x5f2: {  	v20 =	vadd.s32 s16, v4;
	p0 =	sne.s32 s16, $0x3F;
	v21 =	vadd.s32 s0, v6;
	v22 =	vld.idx.msk [tilespmem:v10+s13+$0x0], $0xffff;
	v23 =	vmov v9;
	s0 =	smov.u32 s16  }
0x5f3: {  	v9 =	vld.idx.msk [tilespmem:v14+s26+$0x0], $0xffff;
	v10 =	vadd.s32 v1, v21;
	v15 =	vmul.f32 v18, v15;
	v17 =	vmul.f32 v19, v17  }
.Ltmp30:
0x5f4: {  	v18 =	vmov v8;
	v19 =	vmov v11;
	v8 =	vld.idx.msk [tilespmem:v14+s28+$0x0], $0xffff;
	v14 =	vadd.s32 v1, v20;
	(pc) =	sbr.rel @p0 .LBB2_62-.Ltmp30, $4  }
0x5f5: {  	v20 =	vmul.f32 v19, v23;
	v21 =	vmul.f32 v13, v18;
	v11 =	vld.idx.msk [tilespmem:v16+s30+$0x0], $0xffff;
	v24 =	vadd.f32 v17, v15  }
0x5f6: {  	v25 =	vadd.s32 s16, v5;
	v23 =	vmul.f32 v13, v23;
	v19 =	vmul.f32 v19, v18;
	v13 =	vld.idx.msk [tilespmem:v16+s31+$0x0], $0xffff  }
0x5f7: {  	v16 =	vadd.s32 v1, v25;
	v7 =	vadd.f32 v24, v7;
	v15 =	vmov v12  }
0x5f8: {  	s16 =	sadd.s32 $0x1, s16;
	v18 =	vadd.f32 v21, v20;
	v19 =	vsub.f32 v23, v19;
	v17 =	vmov v22;
	v12 =	vld.idx.msk [tilespmem:v10+s2+$0x0], $0xffff  }
0x5f9: {  	_ =	sdelay $0x3  }
0x5fa: {  	v4 =	vld.idx.msk [tilespmem:v14+s26+$0x0], $0xffff  }
0x5fb: {  	v5 =	vadd.s32 s0, v6;
	v6 =	vld.idx.msk [tilespmem:v14+s28+$0x0], $0xffff  }
0x5fc: {  	v14 =	vld.idx.msk [tilespmem:v16+s30+$0x0], $0xffff;
	v5 =	vadd.s32 v1, v5  }
0x5fd: {  	v16 =	vld.idx.msk [tilespmem:v16+s31+$0x0], $0xffff;
	_ =	sdelay $0x1  }
0x5fe: {  	v15 =	vmul.f32 v18, v15;
	v17 =	vmul.f32 v19, v17  }
0x5ff: {  	v10 =	vld.idx.msk [tilespmem:v10+s13+$0x0], $0xffff;
	v18 =	vmul.f32 v11, v9;
	v19 =	vmul.f32 v13, v8  }
0x600: {  	v9 =	vmul.f32 v13, v9;
	v8 =	vmul.f32 v11, v8;
	v11 =	vld.idx.msk [tilespmem:v5+s2+$0x0], $0xffff  }
0x601: {  	v13 =	vadd.f32 v19, v18;
	v18 =	vmul.f32 v14, v4;
	v19 =	vmul.f32 v16, v6;
	v5 =	vld.idx.msk [tilespmem:v5+s13+$0x0], $0xffff  }
0x602: {  	v8 =	vsub.f32 v9, v8;
	v4 =	vmul.f32 v16, v4;
	v6 =	vmul.f32 v14, v6  }
0x603: {  	v9 =	vadd.f32 v17, v15;
	v12 =	vmul.f32 v13, v12  }
0x604: {  	v8 =	vmul.f32 v8, v10;
	v10 =	vadd.f32 v19, v18;
	v6 =	vsub.f32 v4, v6  }
0x605: {  	v7 =	vadd.f32 v9, v7;
	v4 =	vld [tilespmem:$0xDE0]  }
0x606: {  	v8 =	vadd.f32 v8, v12;
	v9 =	vmul.f32 v10, v11;
	v6 =	vmul.f32 v6, v5  }
0x607: {  	v5 =	vld [tilespmem:$0xFE0]  }
0x608: {  	v7 =	vadd.f32 v8, v7;
	v8 =	vadd.f32 v6, v9  }
0x609: {  	s19 =	simm.s32 $0x0;
	v6 =	vld [tilespmem:$0x11E0]  }
0x60a: {  	v9 =	vadd.s32 s19, v4;
	v7 =	vadd.f32 v8, v7  }
0x60b: {  	v8 =	vadd.s32 v2, v9  }
0x60c: {  	v9 =	vadd.s32 s19, v5;
	v7 =	vsub.f32 $0.0e+00, v7  }
0x60d: {  	v9 =	vadd.s32 v2, v9  }
0x60e: {  	[tilespmem:$0x193D0] =	vst v7;
	v7 =	vadd.s32 s19, v6  }
0x60f: {  	s22 =	simm.s32 $0x1;
	v7 =	vadd.s32 v2, v7  }
0x610: {  	v10 =	vadd.s32 s22, v4;
	v12 =	vld.idx.msk [tilespmem:v8+s26+$0x0], $0xffff  }
0x611: {  	v13 =	vld.idx.msk [tilespmem:v8+s28+$0x0], $0xffff;
	v8 =	vadd.s32 v2, v10  }
0x612: {  	v10 =	vadd.s32 s22, v5;
	v14 =	vld.idx.msk [tilespmem:v9+s30+$0x0], $0xffff  }
0x613: {  	v18 =	vadd.s32 v2, v10;
	v16 =	vld.idx.msk [tilespmem:v9+s31+$0x0], $0xffff  }
0x614: {  	v9 =	vadd.s32 s22, v6;
	v15 =	vld.idx.msk [tilespmem:v7+s2+$0x0], $0xffff  }
0x615: {  	s0 =	simm.s32 $0x2;
	v10 =	vadd.s32 v2, v9;
	v17 =	vld.idx.msk [tilespmem:v7+s13+$0x0], $0xffff  }
0x616: {  	v21 =	vadd.s32 s0, v4;
	v9 =	vld.idx.msk [tilespmem:v8+s26+$0x0], $0xffff  }
0x617: {  	v8 =	vld.idx.msk [tilespmem:v8+s28+$0x0], $0xffff;
	v19 =	vmul.f32 v14, v12;
	v23 =	vmul.f32 v14, v13;
	v14 =	vadd.s32 v2, v21  }
0x618: {  	v11 =	vld.idx.msk [tilespmem:v18+s30+$0x0], $0xffff;
	v20 =	vmul.f32 v16, v13;
	v22 =	vmul.f32 v16, v12;
	v12 =	vadd.s32 s0, v5  }
0x619: {  	v13 =	vld.idx.msk [tilespmem:v18+s31+$0x0], $0xffff;
	v16 =	vadd.s32 v2, v12  }
0x61a: {  	s16 =	simm.s32 $0x3;
	v7 =	vimm.f32 $0.0e+00;
	v12 =	vld.idx.msk [tilespmem:v10+s2+$0x0], $0xffff;
	v18 =	vadd.f32 v20, v19;
	v19 =	vsub.f32 v22, v23  }
.LBB2_64:
0x61b: {  	v20 =	vadd.s32 s16, v4;
	p0 =	sne.s32 s16, $0x3F;
	v21 =	vadd.s32 s0, v6;
	v22 =	vld.idx.msk [tilespmem:v10+s13+$0x0], $0xffff;
	v23 =	vmov v9;
	s0 =	smov.u32 s16  }
0x61c: {  	v9 =	vld.idx.msk [tilespmem:v14+s26+$0x0], $0xffff;
	v10 =	vadd.s32 v2, v21;
	v15 =	vmul.f32 v18, v15;
	v17 =	vmul.f32 v19, v17  }
.Ltmp31:
0x61d: {  	v18 =	vmov v8;
	v19 =	vmov v11;
	v8 =	vld.idx.msk [tilespmem:v14+s28+$0x0], $0xffff;
	v14 =	vadd.s32 v2, v20;
	(pc) =	sbr.rel @p0 .LBB2_64-.Ltmp31, $4  }
0x61e: {  	v20 =	vmul.f32 v19, v23;
	v21 =	vmul.f32 v13, v18;
	v11 =	vld.idx.msk [tilespmem:v16+s30+$0x0], $0xffff;
	v24 =	vadd.f32 v17, v15  }
0x61f: {  	v25 =	vadd.s32 s16, v5;
	v23 =	vmul.f32 v13, v23;
	v19 =	vmul.f32 v19, v18;
	v13 =	vld.idx.msk [tilespmem:v16+s31+$0x0], $0xffff  }
0x620: {  	v16 =	vadd.s32 v2, v25;
	v7 =	vadd.f32 v24, v7;
	v15 =	vmov v12  }
0x621: {  	s16 =	sadd.s32 $0x1, s16;
	v18 =	vadd.f32 v21, v20;
	v19 =	vsub.f32 v23, v19;
	v17 =	vmov v22;
	v12 =	vld.idx.msk [tilespmem:v10+s2+$0x0], $0xffff  }
0x622: {  	_ =	sdelay $0x3  }
0x623: {  	v4 =	vld.idx.msk [tilespmem:v14+s26+$0x0], $0xffff  }
0x624: {  	v5 =	vadd.s32 s0, v6;
	v6 =	vld.idx.msk [tilespmem:v14+s28+$0x0], $0xffff  }
0x625: {  	v14 =	vld.idx.msk [tilespmem:v16+s30+$0x0], $0xffff;
	v5 =	vadd.s32 v2, v5  }
0x626: {  	v16 =	vld.idx.msk [tilespmem:v16+s31+$0x0], $0xffff;
	_ =	sdelay $0x1  }
0x627: {  	v15 =	vmul.f32 v18, v15;
	v17 =	vmul.f32 v19, v17  }
0x628: {  	v10 =	vld.idx.msk [tilespmem:v10+s13+$0x0], $0xffff;
	v18 =	vmul.f32 v11, v9;
	v19 =	vmul.f32 v13, v8  }
0x629: {  	v9 =	vmul.f32 v13, v9;
	v8 =	vmul.f32 v11, v8;
	v11 =	vld.idx.msk [tilespmem:v5+s2+$0x0], $0xffff  }
0x62a: {  	v13 =	vadd.f32 v19, v18;
	v18 =	vmul.f32 v14, v4;
	v19 =	vmul.f32 v16, v6;
	v5 =	vld.idx.msk [tilespmem:v5+s13+$0x0], $0xffff  }
0x62b: {  	v8 =	vsub.f32 v9, v8;
	v4 =	vmul.f32 v16, v4;
	v6 =	vmul.f32 v14, v6  }
0x62c: {  	v9 =	vadd.f32 v17, v15;
	v12 =	vmul.f32 v13, v12  }
0x62d: {  	v8 =	vmul.f32 v8, v10;
	v10 =	vadd.f32 v19, v18;
	v6 =	vsub.f32 v4, v6  }
0x62e: {  	v7 =	vadd.f32 v9, v7;
	v4 =	vld [tilespmem:$0xDF0]  }
0x62f: {  	v8 =	vadd.f32 v8, v12;
	v9 =	vmul.f32 v10, v11;
	v6 =	vmul.f32 v6, v5  }
0x630: {  	v5 =	vld [tilespmem:$0xFF0]  }
0x631: {  	v7 =	vadd.f32 v8, v7;
	v8 =	vadd.f32 v6, v9  }
0x632: {  	s19 =	simm.s32 $0x0;
	v6 =	vld [tilespmem:$0x11F0]  }
0x633: {  	v9 =	vadd.s32 s19, v4;
	v7 =	vadd.f32 v8, v7  }
0x634: {  	v8 =	vadd.s32 v3, v9  }
0x635: {  	v9 =	vadd.s32 s19, v5;
	v7 =	vsub.f32 $0.0e+00, v7  }
0x636: {  	v9 =	vadd.s32 v3, v9  }
0x637: {  	[tilespmem:$0x193E0] =	vst v7;
	v7 =	vadd.s32 s19, v6  }
0x638: {  	s22 =	simm.s32 $0x1;
	v7 =	vadd.s32 v3, v7  }
0x639: {  	v10 =	vadd.s32 s22, v4;
	v12 =	vld.idx.msk [tilespmem:v8+s26+$0x0], $0xffff  }
0x63a: {  	v13 =	vld.idx.msk [tilespmem:v8+s28+$0x0], $0xffff;
	v8 =	vadd.s32 v3, v10  }
0x63b: {  	v10 =	vadd.s32 s22, v5;
	v14 =	vld.idx.msk [tilespmem:v9+s30+$0x0], $0xffff  }
0x63c: {  	v18 =	vadd.s32 v3, v10;
	v16 =	vld.idx.msk [tilespmem:v9+s31+$0x0], $0xffff  }
0x63d: {  	v9 =	vadd.s32 s22, v6;
	v15 =	vld.idx.msk [tilespmem:v7+s2+$0x0], $0xffff  }
0x63e: {  	s0 =	simm.s32 $0x2;
	v10 =	vadd.s32 v3, v9;
	v17 =	vld.idx.msk [tilespmem:v7+s13+$0x0], $0xffff  }
0x63f: {  	v21 =	vadd.s32 s0, v4;
	v9 =	vld.idx.msk [tilespmem:v8+s26+$0x0], $0xffff  }
0x640: {  	v8 =	vld.idx.msk [tilespmem:v8+s28+$0x0], $0xffff;
	v19 =	vmul.f32 v14, v12;
	v23 =	vmul.f32 v14, v13;
	v14 =	vadd.s32 v3, v21  }
0x641: {  	v11 =	vld.idx.msk [tilespmem:v18+s30+$0x0], $0xffff;
	v20 =	vmul.f32 v16, v13;
	v22 =	vmul.f32 v16, v12;
	v12 =	vadd.s32 s0, v5  }
0x642: {  	v13 =	vld.idx.msk [tilespmem:v18+s31+$0x0], $0xffff;
	v16 =	vadd.s32 v3, v12  }
0x643: {  	s16 =	simm.s32 $0x3;
	v7 =	vimm.f32 $0.0e+00;
	v12 =	vld.idx.msk [tilespmem:v10+s2+$0x0], $0xffff;
	v18 =	vadd.f32 v20, v19;
	v19 =	vsub.f32 v22, v23  }
.LBB2_66:
0x644: {  	v20 =	vadd.s32 s16, v4;
	p0 =	sne.s32 s16, $0x3F;
	v21 =	vadd.s32 s0, v6;
	v22 =	vld.idx.msk [tilespmem:v10+s13+$0x0], $0xffff;
	v23 =	vmov v9;
	s0 =	smov.u32 s16  }
0x645: {  	v9 =	vld.idx.msk [tilespmem:v14+s26+$0x0], $0xffff;
	v10 =	vadd.s32 v3, v21;
	v15 =	vmul.f32 v18, v15;
	v17 =	vmul.f32 v19, v17  }
.Ltmp32:
0x646: {  	v18 =	vmov v8;
	v19 =	vmov v11;
	v8 =	vld.idx.msk [tilespmem:v14+s28+$0x0], $0xffff;
	v14 =	vadd.s32 v3, v20;
	(pc) =	sbr.rel @p0 .LBB2_66-.Ltmp32, $4  }
0x647: {  	v20 =	vmul.f32 v19, v23;
	v21 =	vmul.f32 v13, v18;
	v11 =	vld.idx.msk [tilespmem:v16+s30+$0x0], $0xffff;
	v24 =	vadd.f32 v17, v15  }
0x648: {  	v25 =	vadd.s32 s16, v5;
	v23 =	vmul.f32 v13, v23;
	v19 =	vmul.f32 v19, v18;
	v13 =	vld.idx.msk [tilespmem:v16+s31+$0x0], $0xffff  }
0x649: {  	v16 =	vadd.s32 v3, v25;
	v7 =	vadd.f32 v24, v7;
	v15 =	vmov v12  }
0x64a: {  	s16 =	sadd.s32 $0x1, s16;
	v18 =	vadd.f32 v21, v20;
	v19 =	vsub.f32 v23, v19;
	v17 =	vmov v22;
	v12 =	vld.idx.msk [tilespmem:v10+s2+$0x0], $0xffff  }
0x64b: {  	_ =	sdelay $0x3  }
0x64c: {  	v4 =	vld.idx.msk [tilespmem:v14+s26+$0x0], $0xffff  }
0x64d: {  	v5 =	vadd.s32 s0, v6;
	v48 =	vld.idx.msk [tilespmem:v14+s28+$0x0], $0xffff  }
0x64e: {  	v49 =	vld.idx.msk [tilespmem:v16+s30+$0x0], $0xffff;
	v5 =	vadd.s32 v3, v5  }
0x64f: {  	v50 =	vld.idx.msk [tilespmem:v16+s31+$0x0], $0xffff;
	_ =	sdelay $0x1  }
0x650: {  	v15 =	vmul.f32 v18, v15;
	v17 =	vmul.f32 v19, v17  }
0x651: {  	v10 =	vld.idx.msk [tilespmem:v10+s13+$0x0], $0xffff;
	v51 =	vmul.f32 v11, v9;
	v52 =	vmul.f32 v13, v8  }
0x652: {  	v54 =	vmul.f32 v11, v8;
	v53 =	vmul.f32 v13, v9;
	v55 =	vld.idx.msk [tilespmem:v5+s2+$0x0], $0xffff  }
0x653: {  	v56 =	vadd.f32 v52, v51;
	v57 =	vmul.f32 v49, v4;
	v58 =	vmul.f32 v50, v48;
	v5 =	vld.idx.msk [tilespmem:v5+s13+$0x0], $0xffff  }
0x654: {  	v8 =	vsub.f32 v53, v54;
	v4 =	vmul.f32 v50, v4;
	v6 =	vmul.f32 v49, v48  }
0x655: {  	v59 =	vadd.f32 v17, v15;
	v12 =	vmul.f32 v56, v12  }
0x656: {  	v8 =	vmul.f32 v8, v10;
	v60 =	vadd.f32 v58, v57;
	v4 =	vsub.f32 v4, v6  }
0x657: {  	v61 =	vadd.f32 v59, v7  }
0x658: {  	v62 =	vadd.f32 v8, v12;
	v63 =	vmul.f32 v60, v55;
	v4 =	vmul.f32 v4, v5;
	_ =	sdelay $0x1  }
0x659: {  	v5 =	vadd.f32 v62, v61;
	v4 =	vadd.f32 v4, v63;
	_ =	sdelay $0x1  }
0x65a: {  	v4 =	vadd.f32 v4, v5;
	_ =	sdelay $0x1  }
0x65b: {  	s29 =	sadd.s32 $0x1, s29;
	v4 =	vsub.f32 $0.0e+00, v4  }
0x65c: {  	p0 =	sne.s32 s29, s11  }
.Ltmp33:
0x65d: {  	s22 =	simm.s32 $0x19200;
	[tilespmem:$0x193F0] =	vst v4;
	(pc) =	sbr.rel @p0 .LBB2_1-.Ltmp33, $4  }
0x65e: {  	[hbm4b:s10+s1] =	stream.linear.scatter [tilespmem:s22], [sflag:$0x3], $0x200, $0x38;
	[tilespmem:$0x19400] =	vst v63  }
0x65f: {  	_ =	swait.ge [sflag:s12], $0x200  }
0x660: {  	[sflag:s12] =	ssyncset.done $0x0  }
0x661: {  	[sflag:s12] =	ssyncadd.s32 $0xFFFFFE00  }
0x662: {  	_ =	sfence.sel $0x180000  }
0x663: {  	[bflag:$0x0] =	sbarrier.arrive $0xFFFF  }
0x664: {  	_ =	strace $0x90000047  }
0x665: {  	s0 =	stileid.u32;
	[bflag:$0x2] =	sbarrier.arrive $0xFFFF  }
0x666: {  	p0 =	sne.s32 s0, $0x0;
	s0 =	rddreg [dreg:$0x4]  }
0x667: {  	s0 =	sadd.s32 @!p0 $0x100000, s0  }
0x668: {  	[sflag:s0] =	ssyncadd.tile.s32 @!p0 $0x1;
	_ =	shalt  }
.Lfunc_end2:
_tile_overlayer_lowered:
.L_overlay_start_2:
0x669: {  	(tag) =	ssettag $0x2  }
0x66a: {  	s0 =	rddreg [dreg:$0x0];
	s2 =	stileid.u32  }
0x66b: {  	s1 =	rddreg [dreg:$0x1];
	p0 =	sne.s32 s2, $0x0  }
0x66c: {  	s3 =	rddreg [dreg:$0x2];
	[bflag:$0x3] =	sbarrier.arrive $0xFFFF;
	s2 =	simm.s32 @!p0 $0x1C03  }
0x66d: {  	[timem:s3], [sflag:s2] =	dma.local @!p0 [hbm:s0], s1  }
0x66e: {  	s0 =	simm.s32 @!p0 $0x3  }
0x66f: {  	_ =	swait.ge @!p0 [sflag:s0], s1  }
0x670: {  	s1 =	ssub.s32 @!p0 $0x0, s1;
	[sflag:s0] =	ssyncset.done @!p0 $0x0  }
0x671: {  	[sflag:s0] =	ssyncadd.s32 @!p0 s1  }
0x672: {  	[bflag:$0x3] =	sbarrier.arrive $0xFFFF  }
0x673: {  	_ =	shalt  }

</sc_bundles>
